<compile_context>
chip_gen: v7x
topology: tpu7x:2x2x1
jax: 0.10.2.dev20260603
libtpu: 0.0.44.dev20260713+nightly
codegen_flags: <defaults>
</compile_context>

<pallas_src>
import functools

import jax
import jax.numpy as jnp
from jax import lax
from jax.experimental import pallas as pl
from jax.experimental.pallas import tpu as pltpu
from jax.experimental.pallas import tpu_sc as plsc

N = 10000
E = 160000
NFI = 128
NFO = 32
MH = 32
GD = 16
HID = 256
FIN = 128

NC, NS = 2, 16
NW = NC * NS
NT = NS * 640
EP = NW * 5120
EPW = EP // NW
EPC = EP // NS
HALF = NT // 2
TD = 6144

f32 = jnp.float32
i32 = jnp.int32

_mesh = plsc.VectorSubcoreMesh(
    core_axis_name="c", subcore_axis_name="s", num_cores=NC, num_subcores=NS)


def _worker_id():
    return lax.axis_index("s") * NC + lax.axis_index("c")


def _zero_fill(ref, nrows, ncols):
    z = jnp.zeros((16,), f32)

    def row(r, _):
        for h in range(ncols // 16):
            ref[r, pl.ds(h * 16, 16)] = z
        return 0

    lax.fori_loop(0, nrows, row, 0)


@functools.partial(
    pl.kernel,
    out_type=jax.ShapeDtypeStruct((EP, NFI), f32),
    mesh=_mesh,
    scratch_types=[
        pltpu.VMEM((EPW,), i32),
        pltpu.VMEM((64, NFI), f32),
        pltpu.VMEM((64, NFI), f32),
        pltpu.SemaphoreType.DMA,
        pltpu.SemaphoreType.DMA,
    ],
    compiler_params=pltpu.CompilerParams(needs_layout_passes=False),
)
def _sc_gather_rows(x_hbm, src_hbm, out_hbm, idx_v, rows0_v, rows1_v, sem0,
                    sem1):
    wid = _worker_id()
    base = wid * EPW
    pltpu.sync_copy(src_hbm.at[pl.ds(base, EPW)], idx_v)
    NCH = EPW // 64

    def start(j, rowsb, sem):
        pltpu.async_copy(x_hbm.at[idx_v.at[pl.ds(j * 64, 64)]], rowsb, sem)

    def wait(rowsb, sem):
        pltpu.make_async_copy(x_hbm.at[pl.ds(0, 64)], rowsb, sem).wait()

    start(0, rows0_v, sem0)

    def body(j2, _):
        j0 = 2 * j2
        start(j0 + 1, rows1_v, sem1)
        wait(rows0_v, sem0)
        pltpu.sync_copy(rows0_v, out_hbm.at[pl.ds(base + j0 * 64, 64)])

        @pl.when(j0 + 2 < NCH)
        def _():
            start(j0 + 2, rows0_v, sem0)

        wait(rows1_v, sem1)
        pltpu.sync_copy(rows1_v, out_hbm.at[pl.ds(base + (j0 + 1) * 64, 64)])
        return 0

    lax.fori_loop(0, NCH // 2, body, 0)


@functools.partial(
    pl.kernel,
    out_type=jax.ShapeDtypeStruct((NC, TD, 128), f32),
    mesh=_mesh,
    scratch_types=[
        pltpu.VMEM((1, 128), i32),
        pltpu.VMEM((1, 128), i32),
        pltpu.VMEM((128, 128), f32),
        pltpu.VMEM((128, 128), f32),
        pltpu.VMEM((32, 128), f32),
        pltpu.VMEM_SHARED((TD, 128), f32),
        pltpu.SemaphoreType.DMA,
        pltpu.SemaphoreType.DMA,
    ],
    compiler_params=pltpu.CompilerParams(needs_layout_passes=False),
)
def _sc_scatter_rows(rows_hbm, idx2_hbm, out_hbm, idx0_v, idx1_v, rows0_v,
                     rows1_v, zb_v, table, sem0, sem1):
    cid = lax.axis_index("c")
    sid = lax.axis_index("s")
    stripe = TD // NS
    _zero_fill(zb_v, 32, 128)

    def zrow(k, _):
        pltpu.sync_copy(zb_v, table.at[pl.ds(sid * stripe + k * 32, 32)])
        return 0

    lax.fori_loop(0, stripe // 32, zrow, 0)
    plsc.subcore_barrier()
    base = sid * EPC
    NCH = EPC // 128

    def start(c, idxb, rowsb, sem):
        off = base + c * 128
        pltpu.async_copy(idx2_hbm.at[cid, pl.ds(off, 128)], idxb.at[0], sem)
        pltpu.async_copy(rows_hbm.at[pl.ds(off, 128)], rowsb, sem)

    def wait(idxb, rowsb, sem):
        pltpu.make_async_copy(
            idx2_hbm.at[cid, pl.ds(0, 128)], idxb.at[0], sem).wait()
        pltpu.make_async_copy(
            rows_hbm.at[pl.ds(0, 128)], rowsb, sem).wait()

    start(0, idx0_v, rows0_v, sem0)

    def body(j2, _):
        c0 = 2 * j2
        start(c0 + 1, idx1_v, rows1_v, sem1)
        wait(idx0_v, rows0_v, sem0)
        pltpu.sync_copy(rows0_v, table.at[idx0_v.at[0]], add=True)

        @pl.when(c0 + 2 < NCH)
        def _():
            start(c0 + 2, idx0_v, rows0_v, sem0)

        wait(idx1_v, rows1_v, sem1)
        pltpu.sync_copy(rows1_v, table.at[idx1_v.at[0]], add=True)
        return 0

    lax.fori_loop(0, NCH // 2, body, 0)
    plsc.subcore_barrier()

    def wrow(k, _):
        off = sid * stripe + k * 64
        pltpu.sync_copy(table.at[pl.ds(off, 64)], rows0_v.at[pl.ds(0, 64)])
        pltpu.sync_copy(rows0_v.at[pl.ds(0, 64)],
                        out_hbm.at[cid, pl.ds(off, 64)])
        return 0

    lax.fori_loop(0, stripe // 64, wrow, 0)


@functools.partial(
    pl.kernel,
    out_type=jax.ShapeDtypeStruct((EP, 128), f32),
    mesh=_mesh,
    scratch_types=[
        pltpu.VMEM((NT,), f32),
        pltpu.VMEM((16,), f32),
        pltpu.VMEM((EPW,), i32),
        pltpu.VMEM((EPW,), i32),
        pltpu.VMEM((128, 128), f32),
        pltpu.VMEM((128, 128), f32),
        pltpu.SemaphoreType.DMA,
        pltpu.SemaphoreType.DMA,
    ],
    compiler_params=pltpu.CompilerParams(needs_layout_passes=False),
)
def _sc_gat_rows(xwP_hbm, adP_hbm, c_hbm, si_hbm, di_hbm, out_hbm,
                 ad_v, c_v, si_v, di_v, xwr0_v, xwr1_v, sem0, sem1):
    wid = _worker_id()
    base = wid * EPW
    pltpu.sync_copy(adP_hbm, ad_v)
    pltpu.sync_copy(c_hbm, c_v)
    pltpu.sync_copy(si_hbm.at[pl.ds(base, EPW)], si_v)
    pltpu.sync_copy(di_hbm.at[pl.ds(base, EPW)], di_v)
    cvec = c_v[...]
    iota16 = lax.iota(i32, 16)
    NCH = EPW // 128

    def start(j, xwrb, sem):
        pltpu.async_copy(
            xwP_hbm.at[si_v.at[pl.ds(j * 128, 128)]], xwrb, sem)

    def wait(xwrb, sem):
        pltpu.make_async_copy(xwP_hbm.at[pl.ds(0, 128)], xwrb, sem).wait()

    def process(j, xwrb):
        off = j * 128
        for g in range(8):
            e16 = iota16 + g * 16
            d16 = di_v[pl.ds(off + g * 16, 16)]
            asg = plsc.load_gather(xwrb, [e16, jnp.full((16,), GD, i32)])
            adg = plsc.load_gather(ad_v, [d16])
            u = asg + adg
            pe = jnp.exp(jnp.maximum(u, 0.2 * u) - cvec)
            plsc.store_scatter(xwrb, [e16, jnp.full((16,), GD, i32)], pe)
            for f in range(GD):
                fv = jnp.full((16,), f, i32)
                v = plsc.load_gather(xwrb, [e16, fv])
                plsc.store_scatter(xwrb, [e16, fv], v * pe)
        pltpu.sync_copy(xwrb, out_hbm.at[pl.ds(base + off, 128)])

    start(0, xwr0_v, sem0)

    def body(j2, _):
        j0 = 2 * j2
        start(j0 + 1, xwr1_v, sem1)
        wait(xwr0_v, sem0)
        process(j0, xwr0_v)

        @pl.when(j0 + 2 < NCH)
        def _():
            start(j0 + 2, xwr0_v, sem0)

        wait(xwr1_v, sem1)
        process(j0 + 1, xwr1_v)
        return 0

    lax.fori_loop(0, NCH // 2, body, 0)


_BE = 2048
_NBE = EP // _BE


def _tc_edge_msg_body(ea_ref, xs_ref, W1_ref, b1_ref, W2t_ref, b2r_ref, S_ref,
                      msg_ref):
    h = jnp.maximum(
        jnp.dot(ea_ref[...], W1_ref[...], preferred_element_type=f32)
        + b1_ref[...], 0.0)
    t2 = jnp.dot(xs_ref[...], W2t_ref[...], preferred_element_type=f32)
    ht = pltpu.repeat(h, NFO, axis=1)
    msg = jnp.dot(t2 * ht, S_ref[...], preferred_element_type=f32)
    msg = msg + jnp.dot(xs_ref[...], b2r_ref[...], preferred_element_type=f32)
    msg_ref[...] = jnp.concatenate(
        [msg, jnp.zeros((_BE, 128 - NFO), f32)], axis=1)


def _tc_edge_msg(ea, xs, W1, b1, W2t, b2r, S):
    return pl.pallas_call(
        _tc_edge_msg_body,
        grid=(_NBE,),
        in_specs=[
            pl.BlockSpec((_BE, 4), lambda i: (i, 0)),
            pl.BlockSpec((_BE, NFI), lambda i: (i, 0)),
            pl.BlockSpec((4, MH), lambda i: (0, 0)),
            pl.BlockSpec((1, MH), lambda i: (0, 0)),
            pl.BlockSpec((NFI, NFO * MH), lambda i: (0, 0)),
            pl.BlockSpec((NFI, NFO), lambda i: (0, 0)),
            pl.BlockSpec((NFO * MH, NFO), lambda i: (0, 0)),
        ],
        out_specs=pl.BlockSpec((_BE, 128), lambda i: (i, 0)),
        out_shape=jax.ShapeDtypeStruct((EP, 128), f32),
        compiler_params=pltpu.CompilerParams(
            dimension_semantics=("arbitrary",)),
    )(ea, xs, W1, b1, W2t, b2r, S)


def _tc_node_dense_body(x_ref, agg_ref, Wr_ref, bnn_ref, Wg_ref, att_ref,
                        xw_ref, asad_ref):
    x1 = jnp.maximum(
        jnp.dot(x_ref[...], Wr_ref[...], preferred_element_type=f32)
        + agg_ref[...] + bnn_ref[...], 0.0)
    xw = jnp.dot(x1, Wg_ref[...], preferred_element_type=f32)
    asad = jnp.dot(xw, att_ref[...], preferred_element_type=f32)
    c = jnp.max(asad[:, 0]) + jnp.max(asad[:, 1])
    col = lax.broadcasted_iota(i32, (N, 4), 1)
    xw_ref[...] = xw
    asad_ref[...] = asad + jnp.where(col == 2, c, 0.0)


def _tc_node_dense(x, agg, W_root, bnn, W_gat, att2):
    return pl.pallas_call(
        _tc_node_dense_body,
        out_shape=[
            jax.ShapeDtypeStruct((N, GD), f32),
            jax.ShapeDtypeStruct((N, 4), f32),
        ],
    )(x, agg, W_root, bnn, W_gat, att2)


def _tc_gat_combine_body(tab_ref, xw_ref, asad_ref, bg_ref, x2_ref):
    tt = tab_ref[...]
    den_e = tt[:, GD:GD + 1]
    meta = asad_ref[...]
    u = meta[:, 0:1] + meta[:, 1:2]
    p_self = jnp.exp(jnp.maximum(u, 0.2 * u) - meta[:, 2:3])
    xw = xw_ref[...]
    num = tt[:, 0:GD] + p_self * xw
    den = den_e + p_self + 1e-16
    x2_ref[...] = jnp.maximum(num / den + bg_ref[...], 0.0)


def _tc_gat_combine(tab, xw, asadN, bg):
    return pl.pallas_call(
        _tc_gat_combine_body,
        out_shape=jax.ShapeDtypeStruct((N, GD), f32),
    )(tab, xw, asadN, bg)


_KB = 16000
_NKB = (N * GD) // _KB


def _tc_head_body(v_ref, W1_ref, b1_ref, W2_ref, b2_ref, out_ref, acc_ref):
    i = pl.program_id(0)

    @pl.when(i == 0)
    def _():
        acc_ref[...] = jnp.zeros_like(acc_ref)

    acc_ref[...] += jnp.dot(v_ref[0], W1_ref[...], preferred_element_type=f32)

    @pl.when(i == pl.num_programs(0) - 1)
    def _():
        v1 = jnp.maximum(acc_ref[...] + b1_ref[...], 0.0)
        out_ref[...] = jnp.maximum(
            jnp.dot(v1, W2_ref[...], preferred_element_type=f32)
            + b2_ref[...], 0.0)


def _tc_head(v3, W_fc1, b_fc1, W_fc2, b_fc2):
    return pl.pallas_call(
        _tc_head_body,
        grid=(_NKB,),
        in_specs=[
            pl.BlockSpec((1, 1, _KB), lambda i: (i, 0, 0)),
            pl.BlockSpec((_KB, HID), lambda i: (i, 0)),
            pl.BlockSpec((1, HID), lambda i: (0, 0)),
            pl.BlockSpec((HID, FIN), lambda i: (0, 0)),
            pl.BlockSpec((1, FIN), lambda i: (0, 0)),
        ],
        out_specs=pl.BlockSpec((1, FIN), lambda i: (0, 0)),
        out_shape=jax.ShapeDtypeStruct((1, FIN), f32),
        scratch_shapes=[pltpu.VMEM((1, HID), f32)],
        compiler_params=pltpu.CompilerParams(
            dimension_semantics=("arbitrary",)),
    )(v3, W_fc1, b_fc1, W_fc2, b_fc2)


def _split_idx(d):
    a = jnp.where(d < HALF, d, TD - 1)
    b = jnp.where(d >= HALF, d - HALF, TD - 1)
    return jnp.stack([a, b])


def _merge_halves(out, width):
    return jnp.concatenate(
        [out[0, :HALF, :width], out[1, :N - HALF, :width]], axis=0)


def kernel(x, edge_index, edge_attr, W1, b1, W2, b2, W_root, b_nn, W_gat,
           att_src, att_dst, b_gat, W_fc1, b_fc1, W_fc2, b_fc2):
    src = edge_index[0]
    dst = edge_index[1]

    srcP = jnp.pad(src, (0, EP - E))
    x_srcP = _sc_gather_rows(x, srcP)
    eaP = jnp.pad(edge_attr, ((0, EP - E), (0, 0)))
    W2t = W2.reshape(MH, NFI, NFO).transpose(1, 2, 0).reshape(NFI, NFO * MH)
    b2r = b2.reshape(NFI, NFO)
    S = jnp.repeat(jnp.eye(NFO, dtype=f32), MH, axis=0)
    msgP = _tc_edge_msg(eaP, x_srcP, W1, b1.reshape(1, MH), W2t, b2r, S)

    dstP = jnp.pad(dst, (0, EP - E), constant_values=NT - 1)
    aggT = _sc_scatter_rows(msgP, _split_idx(dstP))
    agg = _merge_halves(aggT, NFO)

    att2 = jnp.stack(
        [att_src, att_dst, jnp.zeros_like(att_src), jnp.zeros_like(att_src)],
        axis=1)
    xw, asadN = _tc_node_dense(x, agg, W_root, b_nn.reshape(1, NFO), W_gat,
                               att2)

    neg = jnp.float32(-1e30)
    as_col = jnp.pad(asadN[:, 0], (0, NT - N), constant_values=neg)
    xwP = jnp.concatenate(
        [jnp.pad(xw, ((0, NT - N), (0, 0))), as_col[:, None],
         jnp.zeros((NT, 128 - GD - 1), f32)], axis=1)
    adP = jnp.pad(asadN[:, 1], (0, NT - N), constant_values=neg)
    cP = asadN[:16, 2]
    siE = jnp.pad(src, (0, EP - E), constant_values=N)
    diE = jnp.pad(dst, (0, EP - E), constant_values=N)
    gatRows = _sc_gat_rows(xwP, adP, cP, siE, diE)
    gatT = _sc_scatter_rows(gatRows, _split_idx(diE))
    gat = _merge_halves(gatT, GD + 1)

    x2 = _tc_gat_combine(gat, xw, asadN, b_gat.reshape(1, GD))

    v3 = x2.reshape(_NKB, 1, _KB)
    out = _tc_head(v3, W_fc1, b_fc1.reshape(1, HID), W_fc2,
                   b_fc2.reshape(1, FIN))
    return out.reshape(FIN)

# --- scband reference (transcript-rebuilt; emitter-appended) ---
"""Pipeline reference for scband-gnn-encoder-58196806860862 (READ-ONLY COPY).

The authoritative reference and input builder live on the scoring server;
editing this copy changes nothing except your own understanding.
"""

import jax, jax.numpy as jnp
import numpy as np

N_NODES = 10000
N_EDGES = 160000
NF_IN = 128
NF_OUT = 32
EF_DIM = 4
MLP_HID = 32
GAT_DIM = 16
HIDDEN = 256
FINAL = 128
CHUNKS = 20


def setup_inputs(seed: int = 0) -> dict:
    key = jax.random.key(seed)
    ks = jax.random.split(key, 16)
    s = 0.05
    inp = {}
    inp["x"] = jax.random.normal(ks[0], (N_NODES, NF_IN), dtype=jnp.float32)
    inp["edge_index"] = jax.random.randint(ks[1], (2, N_EDGES), 0, N_NODES, dtype=jnp.int32)
    inp["edge_attr"] = jax.random.normal(ks[2], (N_EDGES, EF_DIM), dtype=jnp.float32)
    inp["W1"] = jax.random.normal(ks[3], (EF_DIM, MLP_HID), dtype=jnp.float32) * s
    inp["b1"] = jnp.zeros((MLP_HID,), dtype=jnp.float32)
    inp["W2"] = jax.random.normal(ks[4], (MLP_HID, NF_IN * NF_OUT), dtype=jnp.float32) * s
    inp["b2"] = jnp.zeros((NF_IN * NF_OUT,), dtype=jnp.float32)
    inp["W_root"] = jax.random.normal(ks[5], (NF_IN, NF_OUT), dtype=jnp.float32) * s
    inp["b_nn"] = jnp.zeros((NF_OUT,), dtype=jnp.float32)
    inp["W_gat"] = jax.random.normal(ks[6], (NF_OUT, GAT_DIM), dtype=jnp.float32) * s
    inp["att_src"] = jax.random.normal(ks[7], (GAT_DIM,), dtype=jnp.float32) * s
    inp["att_dst"] = jax.random.normal(ks[8], (GAT_DIM,), dtype=jnp.float32) * s
    inp["b_gat"] = jnp.zeros((GAT_DIM,), dtype=jnp.float32)
    inp["W_fc1"] = jax.random.normal(ks[9], (N_NODES * GAT_DIM, HIDDEN), dtype=jnp.float32) * 0.002
    inp["b_fc1"] = jnp.zeros((HIDDEN,), dtype=jnp.float32)
    inp["W_fc2"] = jax.random.normal(ks[10], (HIDDEN, FINAL), dtype=jnp.float32) * s
    inp["b_fc2"] = jnp.zeros((FINAL,), dtype=jnp.float32)
    return inp


def _forward(x, edge_attr, W1, b1, W2, b2, W_root, b_nn, W_gat, att_src, att_dst, b_gat, W_fc1, b_fc1, W_fc2, b_fc2, edge_index):
    N = x.shape[0]
    E = edge_attr.shape[0]
    src = edge_index[0]
    dst = edge_index[1]
    # --- NNConv (edge-conditioned conv, aggr='add', root weight + bias) ---
    h = jax.nn.relu(edge_attr @ W1 + b1)
    chunk = E // CHUNKS
    x_src = x[src]

    def body(args):
        xs, hs = args
        w = (hs @ W2 + b2).reshape(xs.shape[0], NF_IN, NF_OUT)
        return jnp.einsum('ei,eio->eo', xs, w)

    msg = jax.lax.map(jax.checkpoint(body), (x_src.reshape(CHUNKS, chunk, NF_IN), h.reshape(CHUNKS, chunk, MLP_HID)))
    msg = msg.reshape(E, NF_OUT)
    agg = jax.ops.segment_sum(msg, dst, num_segments=N)
    x1 = jax.nn.relu(x @ W_root + agg + b_nn)
    # --- GATConv (1 head, add self-loops, softmax over incoming edges) ---
    loop = jnp.arange(N, dtype=src.dtype)
    si = jnp.concatenate([src, loop])
    di = jnp.concatenate([dst, loop])
    xw = x1 @ W_gat
    e = jax.nn.leaky_relu((xw @ att_src)[si] + (xw @ att_dst)[di], negative_slope=0.2)
    emax = jax.ops.segment_max(e, di, num_segments=N)
    ee = jnp.exp(e - emax[di])
    denom = jax.ops.segment_sum(ee, di, num_segments=N)
    alpha = ee / (denom[di] + 1e-16)
    out = jax.ops.segment_sum(alpha[:, None] * xw[si], di, num_segments=N) + b_gat
    x2 = jax.nn.relu(out)
    # --- flatten all nodes + MLP head ---
    v = x2.reshape(-1)
    v = jax.nn.relu(v @ W_fc1 + b_fc1)
    v = jax.nn.relu(v @ W_fc2 + b_fc2)
    return v


def reference(x, edge_index, edge_attr, W1, b1, W2, b2, W_root, b_nn, W_gat, att_src, att_dst, b_gat, W_fc1, b_fc1, W_fc2, b_fc2):
    return _forward(x, edge_attr, W1, b1, W2, b2, W_root, b_nn, W_gat, att_src, att_dst, b_gat, W_fc1, b_fc1, W_fc2, b_fc2, edge_index)

if __name__ == "__main__":
    import jax
    _d = setup_inputs()
    print(jax.jit(kernel)(*tuple(_d.values())))

</pallas_src>

<mosaic_0001>
#map = affine_map<(d0, d1) -> (0, 0)>
#map1 = affine_map<(d0, d1) -> (0, 0, 0)>
module attributes {stable_mosaic.version = 14 : i64} {
  func.func @_sc_scatter_rows(%arg0: i32, %arg1: i32, %arg2: memref<163840x128xf32, #tpu.memory_space<hbm>>, %arg3: memref<2x163840xi32, #tpu.memory_space<hbm>>, %arg4: memref<2x6144x128xf32, #tpu.memory_space<hbm>>, %arg5: memref<1x128xi32, #tpu.memory_space<vmem>>, %arg6: memref<1x128xi32, #tpu.memory_space<vmem>>, %arg7: memref<128x128xf32, #tpu.memory_space<vmem>>, %arg8: memref<128x128xf32, #tpu.memory_space<vmem>>, %arg9: memref<32x128xf32, #tpu.memory_space<vmem>>, %arg10: memref<6144x128xf32, #tpu.memory_space<vmem_shared>>, %arg11: memref<!tpu.dma_semaphore, #tpu.memory_space<semaphore_mem>>, %arg12: memref<!tpu.dma_semaphore, #tpu.memory_space<semaphore_mem>>) attributes {dimension_semantics = [#tpu.dimension_semantics<core_parallel>, #tpu.dimension_semantics<subcore_parallel>], iteration_bounds = array<i64: 2, 16>, scalar_prefetch = 0 : i64, scratch_operands = 8 : i64, tpu.core_type = #tpu.core_type<sc_vector_subcore>, window_params = [{transform_indices = #map}, {transform_indices = #map}, {transform_indices = #map1}]} {
    %broadcast_in_dim3A = arith.constant 0.000000e+00 : f32
    %broadcast_in_dim3A_0 = vector.broadcast %broadcast_in_dim3A : f32 to vector<16xf32>
    %scan3A = arith.constant 0 : i32
    %scan3A_1 = arith.constant 0 : i32
    %scan3A_2 = arith.constant 32 : i32
    %scan3A_3 = arith.addi %scan3A_1, %scan3A_2 : i32
    %scan3A_4 = arith.constant 1 : i32
    %scan3A_5 = scf.for %scan3A_45 = %scan3A_1 to %scan3A_3 step %scan3A_4 iter_args(%scan3A_46 = %scan3A) -> (i32)  : i32 {
      %swap3A = arith.index_cast %scan3A_45 : i32 to index
      %swap3A_47 = arith.constant 0 : index
      %swap3A_48 = tpu.vector_load %arg9[%swap3A, %swap3A_47] {strides = array<i32>} : memref<32x128xf32, #tpu.memory_space<vmem>>, vector<16xf32>,
      tpu.vector_store %arg9[%swap3A, %swap3A_47], %broadcast_in_dim3A_0 {strides = array<i32>} : memref<32x128xf32, #tpu.memory_space<vmem>>, vector<16xf32>,
      %swap3A_49 = arith.index_cast %scan3A_45 : i32 to index
      %swap3A_50 = arith.constant 16 : index
      %swap3A_51 = tpu.vector_load %arg9[%swap3A_49, %swap3A_50] {strides = array<i32>} : memref<32x128xf32, #tpu.memory_space<vmem>>, vector<16xf32>,
      tpu.vector_store %arg9[%swap3A_49, %swap3A_50], %broadcast_in_dim3A_0 {strides = array<i32>} : memref<32x128xf32, #tpu.memory_space<vmem>>, vector<16xf32>,
      %swap3A_52 = arith.index_cast %scan3A_45 : i32 to index
      %swap3A_53 = arith.constant 32 : index
      %swap3A_54 = tpu.vector_load %arg9[%swap3A_52, %swap3A_53] {strides = array<i32>} : memref<32x128xf32, #tpu.memory_space<vmem>>, vector<16xf32>,
      tpu.vector_store %arg9[%swap3A_52, %swap3A_53], %broadcast_in_dim3A_0 {strides = array<i32>} : memref<32x128xf32, #tpu.memory_space<vmem>>, vector<16xf32>,
      %swap3A_55 = arith.index_cast %scan3A_45 : i32 to index
      %swap3A_56 = arith.constant 48 : index
      %swap3A_57 = tpu.vector_load %arg9[%swap3A_55, %swap3A_56] {strides = array<i32>} : memref<32x128xf32, #tpu.memory_space<vmem>>, vector<16xf32>,
      tpu.vector_store %arg9[%swap3A_55, %swap3A_56], %broadcast_in_dim3A_0 {strides = array<i32>} : memref<32x128xf32, #tpu.memory_space<vmem>>, vector<16xf32>,
      %swap3A_58 = arith.index_cast %scan3A_45 : i32 to index
      %swap3A_59 = arith.constant 64 : index
      %swap3A_60 = tpu.vector_load %arg9[%swap3A_58, %swap3A_59] {strides = array<i32>} : memref<32x128xf32, #tpu.memory_space<vmem>>, vector<16xf32>,
      tpu.vector_store %arg9[%swap3A_58, %swap3A_59], %broadcast_in_dim3A_0 {strides = array<i32>} : memref<32x128xf32, #tpu.memory_space<vmem>>, vector<16xf32>,
      %swap3A_61 = arith.index_cast %scan3A_45 : i32 to index
      %swap3A_62 = arith.constant 80 : index
      %swap3A_63 = tpu.vector_load %arg9[%swap3A_61, %swap3A_62] {strides = array<i32>} : memref<32x128xf32, #tpu.memory_space<vmem>>, vector<16xf32>,
      tpu.vector_store %arg9[%swap3A_61, %swap3A_62], %broadcast_in_dim3A_0 {strides = array<i32>} : memref<32x128xf32, #tpu.memory_space<vmem>>, vector<16xf32>,
      %swap3A_64 = arith.index_cast %scan3A_45 : i32 to index
      %swap3A_65 = arith.constant 96 : index
      %swap3A_66 = tpu.vector_load %arg9[%swap3A_64, %swap3A_65] {strides = array<i32>} : memref<32x128xf32, #tpu.memory_space<vmem>>, vector<16xf32>,
      tpu.vector_store %arg9[%swap3A_64, %swap3A_65], %broadcast_in_dim3A_0 {strides = array<i32>} : memref<32x128xf32, #tpu.memory_space<vmem>>, vector<16xf32>,
      %swap3A_67 = arith.index_cast %scan3A_45 : i32 to index
      %swap3A_68 = arith.constant 112 : index
      %swap3A_69 = tpu.vector_load %arg9[%swap3A_67, %swap3A_68] {strides = array<i32>} : memref<32x128xf32, #tpu.memory_space<vmem>>, vector<16xf32>,
      tpu.vector_store %arg9[%swap3A_67, %swap3A_68], %broadcast_in_dim3A_0 {strides = array<i32>} : memref<32x128xf32, #tpu.memory_space<vmem>>, vector<16xf32>,
      %scan3A_70 = arith.constant 0 : i32
      scf.yield %scan3A_70 : i32
    }
    %scan3A_6 = arith.constant 32 : i32
    %scan3A_7 = arith.constant 0 : i32
    %scan3A_8 = arith.constant 0 : i32
    %scan3A_9 = arith.constant 12 : i32
    %scan3A_10 = arith.addi %scan3A_8, %scan3A_9 : i32
    %scan3A_11 = arith.constant 1 : i32
    %scan3A_12 = scf.for %scan3A_45 = %scan3A_8 to %scan3A_10 step %scan3A_11 iter_args(%scan3A_46 = %scan3A_7) -> (i32)  : i32 {
      %mul3A_47 = arith.constant 384 : i32
      %mul3A_48 = arith.muli %arg1, %mul3A_47 : i32
      %mul3A_49 = arith.constant 32 : i32
      %mul3A_50 = arith.muli %scan3A_45, %mul3A_49 : i32
      %add3A_51 = arith.addi %mul3A_48, %mul3A_50 : i32
      "tpu.region"() ({
        %run_scoped3A = tpu.sem_alloc : memref<!tpu.dma_semaphore, #tpu.memory_space<semaphore_mem>>
        %dma_start3A_53 = arith.constant 0 : i32
        %dma_start3A_54 = tpu.memref_slice %arg10[%add3A_51, %dma_start3A_53] : memref<6144x128xf32, #tpu.memory_space<vmem_shared>> -> memref<32x128xf32, #tpu.memory_space<vmem_shared>>
        %dma_start3A_55 = arith.constant 0 : i32
        %dma_start3A_56 = tpu.memref_slice %arg10[%add3A_51, %dma_start3A_55] : memref<6144x128xf32, #tpu.memory_space<vmem_shared>> -> memref<32x128xf32, #tpu.memory_space<vmem_shared>>
        tpu.enqueue_dma source(%arg9 : memref<32x128xf32, #tpu.memory_space<vmem>>) target(%dma_start3A_56 : memref<32x128xf32, #tpu.memory_space<vmem_shared>>) target_semaphore(%run_scoped3A : memref<!tpu.dma_semaphore, #tpu.memory_space<semaphore_mem>>)
        %dma_wait3A = arith.constant 0 : i32
        %dma_wait3A_57 = tpu.memref_slice %arg10[%add3A_51, %dma_wait3A] : memref<6144x128xf32, #tpu.memory_space<vmem_shared>> -> memref<32x128xf32, #tpu.memory_space<vmem_shared>>
        %dma_wait3A_58 = arith.constant 0 : i32
        %dma_wait3A_59 = tpu.memref_slice %arg10[%add3A_51, %dma_wait3A_58] : memref<6144x128xf32, #tpu.memory_space<vmem_shared>> -> memref<32x128xf32, #tpu.memory_space<vmem_shared>>
        tpu.wait_dma2 semaphore(%run_scoped3A : memref<!tpu.dma_semaphore, #tpu.memory_space<semaphore_mem>>) src(%arg9 : memref<32x128xf32, #tpu.memory_space<vmem>>) dst(%dma_wait3A_59 : memref<32x128xf32, #tpu.memory_space<vmem_shared>>)
        tpu.yield
      }) : () -> ()
      %scan3A_52 = arith.constant 0 : i32
      scf.yield %scan3A_52 : i32
    }
    %scan3A_13 = arith.constant 12 : i32
    %barrier3A = arith.constant 0 : index
    tpu.barrier barrier_id(%barrier3A)
    %mul3A = arith.constant 10240 : i32
    %mul3A_14 = arith.muli %arg1, %mul3A : i32
    %add3A = arith.constant 0 : i32
    %add3A_15 = arith.addi %mul3A_14, %add3A : i32
    %dma_start3A = arith.constant 0 : i32
    %dma_start3A_16 = arith.constant 0 : i32
    %dma_start3A_17 = tpu.memref_slice %arg5[%dma_start3A, %dma_start3A_16] : memref<1x128xi32, #tpu.memory_space<vmem>> -> memref<1x128xi32, #tpu.memory_space<vmem>>
    %dma_start3A_18 = tpu.memref_squeeze %dma_start3A_17 : memref<1x128xi32, #tpu.memory_space<vmem>> -> memref<128xi32, #tpu.memory_space<vmem>>
    %dma_start3A_19 = tpu.memref_slice %arg3[%arg0, %add3A_15] : memref<2x163840xi32, #tpu.memory_space<hbm>> -> memref<1x128xi32, #tpu.memory_space<hbm>>
    %dma_start3A_20 = tpu.memref_squeeze %dma_start3A_19 : memref<1x128xi32, #tpu.memory_space<hbm>> -> memref<128xi32, #tpu.memory_space<hbm>>
    %dma_start3A_21 = arith.constant 0 : i32
    %dma_start3A_22 = tpu.memref_slice %arg5[%dma_start3A, %dma_start3A_21] : memref<1x128xi32, #tpu.memory_space<vmem>> -> memref<1x128xi32, #tpu.memory_space<vmem>>
    %dma_start3A_23 = tpu.memref_squeeze %dma_start3A_22 : memref<1x128xi32, #tpu.memory_space<vmem>> -> memref<128xi32, #tpu.memory_space<vmem>>
    %dma_start3A_24 = tpu.memref_slice %arg3[%arg0, %add3A_15] : memref<2x163840xi32, #tpu.memory_space<hbm>> -> memref<1x128xi32, #tpu.memory_space<hbm>>
    %dma_start3A_25 = tpu.memref_squeeze %dma_start3A_24 : memref<1x128xi32, #tpu.memory_space<hbm>> -> memref<128xi32, #tpu.memory_space<hbm>>
    tpu.enqueue_dma source(%dma_start3A_25 : memref<128xi32, #tpu.memory_space<hbm>>) target(%dma_start3A_23 : memref<128xi32, #tpu.memory_space<vmem>>) target_semaphore(%arg11 : memref<!tpu.dma_semaphore, #tpu.memory_space<semaphore_mem>>)
    %dma_start3A_26 = arith.constant 0 : i32
    %dma_start3A_27 = tpu.memref_slice %arg2[%add3A_15, %dma_start3A_26] : memref<163840x128xf32, #tpu.memory_space<hbm>> -> memref<128x128xf32, #tpu.memory_space<hbm>>
    %dma_start3A_28 = arith.constant 0 : i32
    %dma_start3A_29 = tpu.memref_slice %arg2[%add3A_15, %dma_start3A_28] : memref<163840x128xf32, #tpu.memory_space<hbm>> -> memref<128x128xf32, #tpu.memory_space<hbm>>
    tpu.enqueue_dma source(%dma_start3A_29 : memref<128x128xf32, #tpu.memory_space<hbm>>) target(%arg7 : memref<128x128xf32, #tpu.memory_space<vmem>>) target_semaphore(%arg11 : memref<!tpu.dma_semaphore, #tpu.memory_space<semaphore_mem>>)
    %scan3A_30 = arith.constant 0 : i32
    %scan3A_31 = arith.constant 0 : i32
    %scan3A_32 = arith.constant 40 : i32
    %scan3A_33 = arith.addi %scan3A_31, %scan3A_32 : i32
    %scan3A_34 = arith.constant 1 : i32
    %scan3A_35 = scf.for %scan3A_45 = %scan3A_31 to %scan3A_33 step %scan3A_34 iter_args(%scan3A_46 = %scan3A_30) -> (i32)  : i32 {
      %mul3A_47 = arith.constant 2 : i32
      %mul3A_48 = arith.muli %mul3A_47, %scan3A_45 : i32
      %add3A_49 = arith.constant 1 : i32
      %add3A_50 = arith.addi %mul3A_48, %add3A_49 : i32
      %mul3A_51 = arith.constant 128 : i32
      %mul3A_52 = arith.muli %add3A_50, %mul3A_51 : i32
      %add3A_53 = arith.addi %mul3A_14, %mul3A_52 : i32
      %dma_start3A_54 = arith.constant 0 : i32
      %dma_start3A_55 = arith.constant 0 : i32
      %dma_start3A_56 = tpu.memref_slice %arg6[%dma_start3A_54, %dma_start3A_55] : memref<1x128xi32, #tpu.memory_space<vmem>> -> memref<1x128xi32, #tpu.memory_space<vmem>>
      %dma_start3A_57 = tpu.memref_squeeze %dma_start3A_56 : memref<1x128xi32, #tpu.memory_space<vmem>> -> memref<128xi32, #tpu.memory_space<vmem>>
      %dma_start3A_58 = tpu.memref_slice %arg3[%arg0, %add3A_53] : memref<2x163840xi32, #tpu.memory_space<hbm>> -> memref<1x128xi32, #tpu.memory_space<hbm>>
      %dma_start3A_59 = tpu.memref_squeeze %dma_start3A_58 : memref<1x128xi32, #tpu.memory_space<hbm>> -> memref<128xi32, #tpu.memory_space<hbm>>
      %dma_start3A_60 = arith.constant 0 : i32
      %dma_start3A_61 = tpu.memref_slice %arg6[%dma_start3A_54, %dma_start3A_60] : memref<1x128xi32, #tpu.memory_space<vmem>> -> memref<1x128xi32, #tpu.memory_space<vmem>>
      %dma_start3A_62 = tpu.memref_squeeze %dma_start3A_61 : memref<1x128xi32, #tpu.memory_space<vmem>> -> memref<128xi32, #tpu.memory_space<vmem>>
      %dma_start3A_63 = tpu.memref_slice %arg3[%arg0, %add3A_53] : memref<2x163840xi32, #tpu.memory_space<hbm>> -> memref<1x128xi32, #tpu.memory_space<hbm>>
      %dma_start3A_64 = tpu.memref_squeeze %dma_start3A_63 : memref<1x128xi32, #tpu.memory_space<hbm>> -> memref<128xi32, #tpu.memory_space<hbm>>
      tpu.enqueue_dma source(%dma_start3A_64 : memref<128xi32, #tpu.memory_space<hbm>>) target(%dma_start3A_62 : memref<128xi32, #tpu.memory_space<vmem>>) target_semaphore(%arg12 : memref<!tpu.dma_semaphore, #tpu.memory_space<semaphore_mem>>)
      %dma_start3A_65 = arith.constant 0 : i32
      %dma_start3A_66 = tpu.memref_slice %arg2[%add3A_53, %dma_start3A_65] : memref<163840x128xf32, #tpu.memory_space<hbm>> -> memref<128x128xf32, #tpu.memory_space<hbm>>
      %dma_start3A_67 = arith.constant 0 : i32
      %dma_start3A_68 = tpu.memref_slice %arg2[%add3A_53, %dma_start3A_67] : memref<163840x128xf32, #tpu.memory_space<hbm>> -> memref<128x128xf32, #tpu.memory_space<hbm>>
      tpu.enqueue_dma source(%dma_start3A_68 : memref<128x128xf32, #tpu.memory_space<hbm>>) target(%arg8 : memref<128x128xf32, #tpu.memory_space<vmem>>) target_semaphore(%arg12 : memref<!tpu.dma_semaphore, #tpu.memory_space<semaphore_mem>>)
      %dma_wait3A = arith.constant 0 : i32
      %dma_wait3A_69 = arith.constant 0 : i32
      %dma_wait3A_70 = tpu.memref_slice %arg5[%dma_wait3A, %dma_wait3A_69] : memref<1x128xi32, #tpu.memory_space<vmem>> -> memref<1x128xi32, #tpu.memory_space<vmem>>
      %dma_wait3A_71 = tpu.memref_squeeze %dma_wait3A_70 : memref<1x128xi32, #tpu.memory_space<vmem>> -> memref<128xi32, #tpu.memory_space<vmem>>
      %dma_wait3A_72 = arith.constant 0 : i32
      %dma_wait3A_73 = tpu.memref_slice %arg3[%arg0, %dma_wait3A_72] : memref<2x163840xi32, #tpu.memory_space<hbm>> -> memref<1x128xi32, #tpu.memory_space<hbm>>
      %dma_wait3A_74 = tpu.memref_squeeze %dma_wait3A_73 : memref<1x128xi32, #tpu.memory_space<hbm>> -> memref<128xi32, #tpu.memory_space<hbm>>
      %dma_wait3A_75 = arith.constant 0 : i32
      %dma_wait3A_76 = tpu.memref_slice %arg5[%dma_wait3A, %dma_wait3A_75] : memref<1x128xi32, #tpu.memory_space<vmem>> -> memref<1x128xi32, #tpu.memory_space<vmem>>
      %dma_wait3A_77 = tpu.memref_squeeze %dma_wait3A_76 : memref<1x128xi32, #tpu.memory_space<vmem>> -> memref<128xi32, #tpu.memory_space<vmem>>
      %dma_wait3A_78 = arith.constant 0 : i32
      %dma_wait3A_79 = tpu.memref_slice %arg3[%arg0, %dma_wait3A_78] : memref<2x163840xi32, #tpu.memory_space<hbm>> -> memref<1x128xi32, #tpu.memory_space<hbm>>
      %dma_wait3A_80 = tpu.memref_squeeze %dma_wait3A_79 : memref<1x128xi32, #tpu.memory_space<hbm>> -> memref<128xi32, #tpu.memory_space<hbm>>
      tpu.wait_dma2 semaphore(%arg11 : memref<!tpu.dma_semaphore, #tpu.memory_space<semaphore_mem>>) src(%dma_wait3A_80 : memref<128xi32, #tpu.memory_space<hbm>>) dst(%dma_wait3A_77 : memref<128xi32, #tpu.memory_space<vmem>>)
      %dma_wait3A_81 = arith.constant 0 : i32
      %dma_wait3A_82 = arith.constant 0 : i32
      %dma_wait3A_83 = tpu.memref_slice %arg2[%dma_wait3A_81, %dma_wait3A_82] : memref<163840x128xf32, #tpu.memory_space<hbm>> -> memref<128x128xf32, #tpu.memory_space<hbm>>
      %dma_wait3A_84 = arith.constant 0 : i32
      %dma_wait3A_85 = arith.constant 0 : i32
      %dma_wait3A_86 = tpu.memref_slice %arg2[%dma_wait3A_84, %dma_wait3A_85] : memref<163840x128xf32, #tpu.memory_space<hbm>> -> memref<128x128xf32, #tpu.memory_space<hbm>>
      tpu.wait_dma2 semaphore(%arg11 : memref<!tpu.dma_semaphore, #tpu.memory_space<semaphore_mem>>) src(%dma_wait3A_86 : memref<128x128xf32, #tpu.memory_space<hbm>>) dst(%arg7 : memref<128x128xf32, #tpu.memory_space<vmem>>)
      %run_scoped3A = arith.constant 0 : i32
      "tpu.region"() ({
        %run_scoped3A_112 = tpu.sem_alloc : memref<!tpu.dma_semaphore, #tpu.memory_space<semaphore_mem>>
        %dma_start3A_113 = arith.constant 0 : i32
        %dma_start3A_114 = tpu.memref_slice %arg5[%run_scoped3A, %dma_start3A_113] : memref<1x128xi32, #tpu.memory_space<vmem>> -> memref<1x128xi32, #tpu.memory_space<vmem>>
        %dma_start3A_115 = tpu.memref_squeeze %dma_start3A_114 : memref<1x128xi32, #tpu.memory_space<vmem>> -> memref<128xi32, #tpu.memory_space<vmem>>
        %dma_start3A_116 = arith.constant 0 : i32
        %dma_start3A_117 = arith.constant 0 : i32
        %dma_start3A_118 = tpu.memref_slice %arg10[%dma_start3A_116, %dma_start3A_117] : memref<6144x128xf32, #tpu.memory_space<vmem_shared>> -> memref<6144x128xf32, #tpu.memory_space<vmem_shared>>
        tpu.enqueue_indirect_dma source(%arg7 : memref<128x128xf32, #tpu.memory_space<vmem>>) target(%dma_start3A_118 : memref<6144x128xf32, #tpu.memory_space<vmem_shared>>) offsets(%dma_start3A_115 : memref<128xi32, #tpu.memory_space<vmem>>) semaphore(%run_scoped3A_112 : memref<!tpu.dma_semaphore, #tpu.memory_space<semaphore_mem>>) {add = true}
        %dma_wait3A_119 = arith.constant 0 : i32
        %dma_wait3A_120 = tpu.memref_slice %arg5[%run_scoped3A, %dma_wait3A_119] : memref<1x128xi32, #tpu.memory_space<vmem>> -> memref<1x128xi32, #tpu.memory_space<vmem>>
        %dma_wait3A_121 = tpu.memref_squeeze %dma_wait3A_120 : memref<1x128xi32, #tpu.memory_space<vmem>> -> memref<128xi32, #tpu.memory_space<vmem>>
        %dma_wait3A_122 = arith.constant 0 : i32
        %dma_wait3A_123 = arith.constant 0 : i32
        %dma_wait3A_124 = tpu.memref_slice %arg10[%dma_wait3A_122, %dma_wait3A_123] : memref<6144x128xf32, #tpu.memory_space<vmem_shared>> -> memref<6144x128xf32, #tpu.memory_space<vmem_shared>>
        tpu.wait_indirect_dma semaphore(%run_scoped3A_112 : memref<!tpu.dma_semaphore, #tpu.memory_space<semaphore_mem>>) src(%arg7 : memref<128x128xf32, #tpu.memory_space<vmem>>) dst(%dma_wait3A_124 : memref<6144x128xf32, #tpu.memory_space<vmem_shared>>)
        tpu.yield
      }) : () -> ()
      %add3A_87 = arith.constant 2 : i32
      %add3A_88 = arith.addi %mul3A_48, %add3A_87 : i32
      %lt3A = arith.constant 80 : i32
      %lt3A_89 = arith.cmpi slt, %add3A_88, %lt3A : i32
      %convert_element_type3A = arith.extui %lt3A_89 : i1 to i32
      %cond3A = arith.constant 0 : i32
      %cond3A_90 = arith.cmpi ne, %convert_element_type3A, %cond3A : i32
      scf.if %cond3A_90 {
        %add3A_112 = arith.constant 2 : i32
        %add3A_113 = arith.addi %mul3A_48, %add3A_112 : i32
        %mul3A_114 = arith.constant 128 : i32
        %mul3A_115 = arith.muli %add3A_113, %mul3A_114 : i32
        %add3A_116 = arith.addi %mul3A_14, %mul3A_115 : i32
        %dma_start3A_117 = arith.constant 0 : i32
        %dma_start3A_118 = arith.constant 0 : i32
        %dma_start3A_119 = tpu.memref_slice %arg5[%dma_start3A_117, %dma_start3A_118] : memref<1x128xi32, #tpu.memory_space<vmem>> -> memref<1x128xi32, #tpu.memory_space<vmem>>
        %dma_start3A_120 = tpu.memref_squeeze %dma_start3A_119 : memref<1x128xi32, #tpu.memory_space<vmem>> -> memref<128xi32, #tpu.memory_space<vmem>>
        %dma_start3A_121 = tpu.memref_slice %arg3[%arg0, %add3A_116] : memref<2x163840xi32, #tpu.memory_space<hbm>> -> memref<1x128xi32, #tpu.memory_space<hbm>>
        %dma_start3A_122 = tpu.memref_squeeze %dma_start3A_121 : memref<1x128xi32, #tpu.memory_space<hbm>> -> memref<128xi32, #tpu.memory_space<hbm>>
        %dma_start3A_123 = arith.constant 0 : i32
        %dma_start3A_124 = tpu.memref_slice %arg5[%dma_start3A_117, %dma_start3A_123] : memref<1x128xi32, #tpu.memory_space<vmem>> -> memref<1x128xi32, #tpu.memory_space<vmem>>
        %dma_start3A_125 = tpu.memref_squeeze %dma_start3A_124 : memref<1x128xi32, #tpu.memory_space<vmem>> -> memref<128xi32, #tpu.memory_space<vmem>>
        %dma_start3A_126 = tpu.memref_slice %arg3[%arg0, %add3A_116] : memref<2x163840xi32, #tpu.memory_space<hbm>> -> memref<1x128xi32, #tpu.memory_space<hbm>>
        %dma_start3A_127 = tpu.memref_squeeze %dma_start3A_126 : memref<1x128xi32, #tpu.memory_space<hbm>> -> memref<128xi32, #tpu.memory_space<hbm>>
        tpu.enqueue_dma source(%dma_start3A_127 : memref<128xi32, #tpu.memory_space<hbm>>) target(%dma_start3A_125 : memref<128xi32, #tpu.memory_space<vmem>>) target_semaphore(%arg11 : memref<!tpu.dma_semaphore, #tpu.memory_space<semaphore_mem>>)
        %dma_start3A_128 = arith.constant 0 : i32
        %dma_start3A_129 = tpu.memref_slice %arg2[%add3A_116, %dma_start3A_128] : memref<163840x128xf32, #tpu.memory_space<hbm>> -> memref<128x128xf32, #tpu.memory_space<hbm>>
        %dma_start3A_130 = arith.constant 0 : i32
        %dma_start3A_131 = tpu.memref_slice %arg2[%add3A_116, %dma_start3A_130] : memref<163840x128xf32, #tpu.memory_space<hbm>> -> memref<128x128xf32, #tpu.memory_space<hbm>>
        tpu.enqueue_dma source(%dma_start3A_131 : memref<128x128xf32, #tpu.memory_space<hbm>>) target(%arg7 : memref<128x128xf32, #tpu.memory_space<vmem>>) target_semaphore(%arg11 : memref<!tpu.dma_semaphore, #tpu.memory_space<semaphore_mem>>)
      } else {
      }
      %dma_wait3A_91 = arith.constant 0 : i32
      %dma_wait3A_92 = arith.constant 0 : i32
      %dma_wait3A_93 = tpu.memref_slice %arg6[%dma_wait3A_91, %dma_wait3A_92] : memref<1x128xi32, #tpu.memory_space<vmem>> -> memref<1x128xi32, #tpu.memory_space<vmem>>
      %dma_wait3A_94 = tpu.memref_squeeze %dma_wait3A_93 : memref<1x128xi32, #tpu.memory_space<vmem>> -> memref<128xi32, #tpu.memory_space<vmem>>
      %dma_wait3A_95 = arith.constant 0 : i32
      %dma_wait3A_96 = tpu.memref_slice %arg3[%arg0, %dma_wait3A_95] : memref<2x163840xi32, #tpu.memory_space<hbm>> -> memref<1x128xi32, #tpu.memory_space<hbm>>
      %dma_wait3A_97 = tpu.memref_squeeze %dma_wait3A_96 : memref<1x128xi32, #tpu.memory_space<hbm>> -> memref<128xi32, #tpu.memory_space<hbm>>
      %dma_wait3A_98 = arith.constant 0 : i32
      %dma_wait3A_99 = tpu.memref_slice %arg6[%dma_wait3A_91, %dma_wait3A_98] : memref<1x128xi32, #tpu.memory_space<vmem>> -> memref<1x128xi32, #tpu.memory_space<vmem>>
      %dma_wait3A_100 = tpu.memref_squeeze %dma_wait3A_99 : memref<1x128xi32, #tpu.memory_space<vmem>> -> memref<128xi32, #tpu.memory_space<vmem>>
      %dma_wait3A_101 = arith.constant 0 : i32
      %dma_wait3A_102 = tpu.memref_slice %arg3[%arg0, %dma_wait3A_101] : memref<2x163840xi32, #tpu.memory_space<hbm>> -> memref<1x128xi32, #tpu.memory_space<hbm>>
      %dma_wait3A_103 = tpu.memref_squeeze %dma_wait3A_102 : memref<1x128xi32, #tpu.memory_space<hbm>> -> memref<128xi32, #tpu.memory_space<hbm>>
      tpu.wait_dma2 semaphore(%arg12 : memref<!tpu.dma_semaphore, #tpu.memory_space<semaphore_mem>>) src(%dma_wait3A_103 : memref<128xi32, #tpu.memory_space<hbm>>) dst(%dma_wait3A_100 : memref<128xi32, #tpu.memory_space<vmem>>)
      %dma_wait3A_104 = arith.constant 0 : i32
      %dma_wait3A_105 = arith.constant 0 : i32
      %dma_wait3A_106 = tpu.memref_slice %arg2[%dma_wait3A_104, %dma_wait3A_105] : memref<163840x128xf32, #tpu.memory_space<hbm>> -> memref<128x128xf32, #tpu.memory_space<hbm>>
      %dma_wait3A_107 = arith.constant 0 : i32
      %dma_wait3A_108 = arith.constant 0 : i32
      %dma_wait3A_109 = tpu.memref_slice %arg2[%dma_wait3A_107, %dma_wait3A_108] : memref<163840x128xf32, #tpu.memory_space<hbm>> -> memref<128x128xf32, #tpu.memory_space<hbm>>
      tpu.wait_dma2 semaphore(%arg12 : memref<!tpu.dma_semaphore, #tpu.memory_space<semaphore_mem>>) src(%dma_wait3A_109 : memref<128x128xf32, #tpu.memory_space<hbm>>) dst(%arg8 : memref<128x128xf32, #tpu.memory_space<vmem>>)
      %run_scoped3A_110 = arith.constant 0 : i32
      "tpu.region"() ({
        %run_scoped3A_112 = tpu.sem_alloc : memref<!tpu.dma_semaphore, #tpu.memory_space<semaphore_mem>>
        %dma_start3A_113 = arith.constant 0 : i32
        %dma_start3A_114 = tpu.memref_slice %arg6[%run_scoped3A_110, %dma_start3A_113] : memref<1x128xi32, #tpu.memory_space<vmem>> -> memref<1x128xi32, #tpu.memory_space<vmem>>
        %dma_start3A_115 = tpu.memref_squeeze %dma_start3A_114 : memref<1x128xi32, #tpu.memory_space<vmem>> -> memref<128xi32, #tpu.memory_space<vmem>>
        %dma_start3A_116 = arith.constant 0 : i32
        %dma_start3A_117 = arith.constant 0 : i32
        %dma_start3A_118 = tpu.memref_slice %arg10[%dma_start3A_116, %dma_start3A_117] : memref<6144x128xf32, #tpu.memory_space<vmem_shared>> -> memref<6144x128xf32, #tpu.memory_space<vmem_shared>>
        tpu.enqueue_indirect_dma source(%arg8 : memref<128x128xf32, #tpu.memory_space<vmem>>) target(%dma_start3A_118 : memref<6144x128xf32, #tpu.memory_space<vmem_shared>>) offsets(%dma_start3A_115 : memref<128xi32, #tpu.memory_space<vmem>>) semaphore(%run_scoped3A_112 : memref<!tpu.dma_semaphore, #tpu.memory_space<semaphore_mem>>) {add = true}
        %dma_wait3A_119 = arith.constant 0 : i32
        %dma_wait3A_120 = tpu.memref_slice %arg6[%run_scoped3A_110, %dma_wait3A_119] : memref<1x128xi32, #tpu.memory_space<vmem>> -> memref<1x128xi32, #tpu.memory_space<vmem>>
        %dma_wait3A_121 = tpu.memref_squeeze %dma_wait3A_120 : memref<1x128xi32, #tpu.memory_space<vmem>> -> memref<128xi32, #tpu.memory_space<vmem>>
        %dma_wait3A_122 = arith.constant 0 : i32
        %dma_wait3A_123 = arith.constant 0 : i32
        %dma_wait3A_124 = tpu.memref_slice %arg10[%dma_wait3A_122, %dma_wait3A_123] : memref<6144x128xf32, #tpu.memory_space<vmem_shared>> -> memref<6144x128xf32, #tpu.memory_space<vmem_shared>>
        tpu.wait_indirect_dma semaphore(%run_scoped3A_112 : memref<!tpu.dma_semaphore, #tpu.memory_space<semaphore_mem>>) src(%arg8 : memref<128x128xf32, #tpu.memory_space<vmem>>) dst(%dma_wait3A_124 : memref<6144x128xf32, #tpu.memory_space<vmem_shared>>)
        tpu.yield
      }) : () -> ()
      %scan3A_111 = arith.constant 0 : i32
      scf.yield %scan3A_111 : i32
    }
    %scan3A_36 = arith.constant 40 : i32
    %barrier3A_37 = arith.constant 0 : index
    tpu.barrier barrier_id(%barrier3A_37)
    %scan3A_38 = arith.constant 0 : i32
    %scan3A_39 = arith.constant 0 : i32
    %scan3A_40 = arith.constant 6 : i32
    %scan3A_41 = arith.addi %scan3A_39, %scan3A_40 : i32
    %scan3A_42 = arith.constant 1 : i32
    %scan3A_43 = scf.for %scan3A_45 = %scan3A_39 to %scan3A_41 step %scan3A_42 iter_args(%scan3A_46 = %scan3A_38) -> (i32)  : i32 {
      %mul3A_47 = arith.constant 384 : i32
      %mul3A_48 = arith.muli %arg1, %mul3A_47 : i32
      %mul3A_49 = arith.constant 64 : i32
      %mul3A_50 = arith.muli %scan3A_45, %mul3A_49 : i32
      %add3A_51 = arith.addi %mul3A_48, %mul3A_50 : i32
      "tpu.region"() ({
        %run_scoped3A = tpu.sem_alloc : memref<!tpu.dma_semaphore, #tpu.memory_space<semaphore_mem>>
        %dma_start3A_53 = arith.constant 0 : i32
        %dma_start3A_54 = arith.constant 0 : i32
        %dma_start3A_55 = tpu.memref_slice %arg7[%dma_start3A_53, %dma_start3A_54] : memref<128x128xf32, #tpu.memory_space<vmem>> -> memref<64x128xf32, #tpu.memory_space<vmem>>
        %dma_start3A_56 = arith.constant 0 : i32
        %dma_start3A_57 = tpu.memref_slice %arg10[%add3A_51, %dma_start3A_56] : memref<6144x128xf32, #tpu.memory_space<vmem_shared>> -> memref<64x128xf32, #tpu.memory_space<vmem_shared>>
        %dma_start3A_58 = arith.constant 0 : i32
        %dma_start3A_59 = arith.constant 0 : i32
        %dma_start3A_60 = tpu.memref_slice %arg7[%dma_start3A_58, %dma_start3A_59] : memref<128x128xf32, #tpu.memory_space<vmem>> -> memref<64x128xf32, #tpu.memory_space<vmem>>
        %dma_start3A_61 = arith.constant 0 : i32
        %dma_start3A_62 = tpu.memref_slice %arg10[%add3A_51, %dma_start3A_61] : memref<6144x128xf32, #tpu.memory_space<vmem_shared>> -> memref<64x128xf32, #tpu.memory_space<vmem_shared>>
        tpu.enqueue_dma source(%dma_start3A_62 : memref<64x128xf32, #tpu.memory_space<vmem_shared>>) target(%dma_start3A_60 : memref<64x128xf32, #tpu.memory_space<vmem>>) target_semaphore(%run_scoped3A : memref<!tpu.dma_semaphore, #tpu.memory_space<semaphore_mem>>)
        %dma_wait3A = arith.constant 0 : i32
        %dma_wait3A_63 = arith.constant 0 : i32
        %dma_wait3A_64 = tpu.memref_slice %arg7[%dma_wait3A, %dma_wait3A_63] : memref<128x128xf32, #tpu.memory_space<vmem>> -> memref<64x128xf32, #tpu.memory_space<vmem>>
        %dma_wait3A_65 = arith.constant 0 : i32
        %dma_wait3A_66 = tpu.memref_slice %arg10[%add3A_51, %dma_wait3A_65] : memref<6144x128xf32, #tpu.memory_space<vmem_shared>> -> memref<64x128xf32, #tpu.memory_space<vmem_shared>>
        %dma_wait3A_67 = arith.constant 0 : i32
        %dma_wait3A_68 = arith.constant 0 : i32
        %dma_wait3A_69 = tpu.memref_slice %arg7[%dma_wait3A_67, %dma_wait3A_68] : memref<128x128xf32, #tpu.memory_space<vmem>> -> memref<64x128xf32, #tpu.memory_space<vmem>>
        %dma_wait3A_70 = arith.constant 0 : i32
        %dma_wait3A_71 = tpu.memref_slice %arg10[%add3A_51, %dma_wait3A_70] : memref<6144x128xf32, #tpu.memory_space<vmem_shared>> -> memref<64x128xf32, #tpu.memory_space<vmem_shared>>
        tpu.wait_dma2 semaphore(%run_scoped3A : memref<!tpu.dma_semaphore, #tpu.memory_space<semaphore_mem>>) src(%dma_wait3A_71 : memref<64x128xf32, #tpu.memory_space<vmem_shared>>) dst(%dma_wait3A_69 : memref<64x128xf32, #tpu.memory_space<vmem>>)
        tpu.yield
      }) : () -> ()
      "tpu.region"() ({
        %run_scoped3A = tpu.sem_alloc : memref<!tpu.dma_semaphore, #tpu.memory_space<semaphore_mem>>
        %dma_start3A_53 = arith.constant 0 : i32
        %dma_start3A_54 = arith.constant 0 : i32
        %dma_start3A_55 = tpu.memref_slice %arg7[%dma_start3A_53, %dma_start3A_54] : memref<128x128xf32, #tpu.memory_space<vmem>> -> memref<64x128xf32, #tpu.memory_space<vmem>>
        %dma_start3A_56 = arith.constant 0 : i32
        %dma_start3A_57 = tpu.memref_slice %arg4[%arg0, %add3A_51, %dma_start3A_56] : memref<2x6144x128xf32, #tpu.memory_space<hbm>> -> memref<1x64x128xf32, #tpu.memory_space<hbm>>
        %dma_start3A_58 = tpu.memref_squeeze %dma_start3A_57 : memref<1x64x128xf32, #tpu.memory_space<hbm>> -> memref<64x128xf32, #tpu.memory_space<hbm>>
        %dma_start3A_59 = arith.constant 0 : i32
        %dma_start3A_60 = tpu.memref_slice %arg4[%arg0, %add3A_51, %dma_start3A_59] : memref<2x6144x128xf32, #tpu.memory_space<hbm>> -> memref<1x64x128xf32, #tpu.memory_space<hbm>>
        %dma_start3A_61 = tpu.memref_squeeze %dma_start3A_60 : memref<1x64x128xf32, #tpu.memory_space<hbm>> -> memref<64x128xf32, #tpu.memory_space<hbm>>
        %dma_start3A_62 = arith.constant 0 : i32
        %dma_start3A_63 = arith.constant 0 : i32
        %dma_start3A_64 = tpu.memref_slice %arg7[%dma_start3A_62, %dma_start3A_63] : memref<128x128xf32, #tpu.memory_space<vmem>> -> memref<64x128xf32, #tpu.memory_space<vmem>>
        tpu.enqueue_dma source(%dma_start3A_64 : memref<64x128xf32, #tpu.memory_space<vmem>>) target(%dma_start3A_61 : memref<64x128xf32, #tpu.memory_space<hbm>>) target_semaphore(%run_scoped3A : memref<!tpu.dma_semaphore, #tpu.memory_space<semaphore_mem>>)
        %dma_wait3A = arith.constant 0 : i32
        %dma_wait3A_65 = arith.constant 0 : i32
        %dma_wait3A_66 = tpu.memref_slice %arg7[%dma_wait3A, %dma_wait3A_65] : memref<128x128xf32, #tpu.memory_space<vmem>> -> memref<64x128xf32, #tpu.memory_space<vmem>>
        %dma_wait3A_67 = arith.constant 0 : i32
        %dma_wait3A_68 = tpu.memref_slice %arg4[%arg0, %add3A_51, %dma_wait3A_67] : memref<2x6144x128xf32, #tpu.memory_space<hbm>> -> memref<1x64x128xf32, #tpu.memory_space<hbm>>
        %dma_wait3A_69 = tpu.memref_squeeze %dma_wait3A_68 : memref<1x64x128xf32, #tpu.memory_space<hbm>> -> memref<64x128xf32, #tpu.memory_space<hbm>>
        %dma_wait3A_70 = arith.constant 0 : i32
        %dma_wait3A_71 = tpu.memref_slice %arg4[%arg0, %add3A_51, %dma_wait3A_70] : memref<2x6144x128xf32, #tpu.memory_space<hbm>> -> memref<1x64x128xf32, #tpu.memory_space<hbm>>
        %dma_wait3A_72 = tpu.memref_squeeze %dma_wait3A_71 : memref<1x64x128xf32, #tpu.memory_space<hbm>> -> memref<64x128xf32, #tpu.memory_space<hbm>>
        %dma_wait3A_73 = arith.constant 0 : i32
        %dma_wait3A_74 = arith.constant 0 : i32
        %dma_wait3A_75 = tpu.memref_slice %arg7[%dma_wait3A_73, %dma_wait3A_74] : memref<128x128xf32, #tpu.memory_space<vmem>> -> memref<64x128xf32, #tpu.memory_space<vmem>>
        tpu.wait_dma2 semaphore(%run_scoped3A : memref<!tpu.dma_semaphore, #tpu.memory_space<semaphore_mem>>) src(%dma_wait3A_75 : memref<64x128xf32, #tpu.memory_space<vmem>>) dst(%dma_wait3A_72 : memref<64x128xf32, #tpu.memory_space<hbm>>)
        tpu.yield
      }) : () -> ()
      %scan3A_52 = arith.constant 0 : i32
      scf.yield %scan3A_52 : i32
    }
    %scan3A_44 = arith.constant 6 : i32
    return
  }
}

#map = affine_map<(d0, d1) -> (0, 0)>
#map1 = affine_map<(d0, d1) -> (0)>
module attributes {stable_mosaic.version = 14 : i64} {
  func.func @_sc_gat_rows(%arg0: i32, %arg1: i32, %arg2: memref<10240x128xf32, #tpu.memory_space<hbm>>, %arg3: memref<10240xf32, #tpu.memory_space<hbm>>, %arg4: memref<16xf32, #tpu.memory_space<hbm>>, %arg5: memref<163840xi32, #tpu.memory_space<hbm>>, %arg6: memref<163840xi32, #tpu.memory_space<hbm>>, %arg7: memref<163840x128xf32, #tpu.memory_space<hbm>>, %arg8: memref<10240xf32, #tpu.memory_space<vmem>>, %arg9: memref<16xf32, #tpu.memory_space<vmem>>, %arg10: memref<5120xi32, #tpu.memory_space<vmem>>, %arg11: memref<5120xi32, #tpu.memory_space<vmem>>, %arg12: memref<128x128xf32, #tpu.memory_space<vmem>>, %arg13: memref<128x128xf32, #tpu.memory_space<vmem>>, %arg14: memref<!tpu.dma_semaphore, #tpu.memory_space<semaphore_mem>>, %arg15: memref<!tpu.dma_semaphore, #tpu.memory_space<semaphore_mem>>) attributes {dimension_semantics = [#tpu.dimension_semantics<core_parallel>, #tpu.dimension_semantics<subcore_parallel>], iteration_bounds = array<i64: 2, 16>, scalar_prefetch = 0 : i64, scratch_operands = 8 : i64, tpu.core_type = #tpu.core_type<sc_vector_subcore>, window_params = [{transform_indices = #map}, {transform_indices = #map1}, {transform_indices = #map1}, {transform_indices = #map1}, {transform_indices = #map1}, {transform_indices = #map}]} {
    %mul3A = arith.constant 2 : i32
    %mul3A_0 = arith.muli %arg1, %mul3A : i32
    %add3A = arith.addi %mul3A_0, %arg0 : i32
    %mul3A_1 = arith.constant 5120 : i32
    %mul3A_2 = arith.muli %add3A, %mul3A_1 : i32
    "tpu.region"() ({
      %run_scoped3A = tpu.sem_alloc : memref<!tpu.dma_semaphore, #tpu.memory_space<semaphore_mem>>
      tpu.enqueue_dma source(%arg3 : memref<10240xf32, #tpu.memory_space<hbm>>) target(%arg8 : memref<10240xf32, #tpu.memory_space<vmem>>) target_semaphore(%run_scoped3A : memref<!tpu.dma_semaphore, #tpu.memory_space<semaphore_mem>>)
      tpu.wait_dma2 semaphore(%run_scoped3A : memref<!tpu.dma_semaphore, #tpu.memory_space<semaphore_mem>>) src(%arg3 : memref<10240xf32, #tpu.memory_space<hbm>>) dst(%arg8 : memref<10240xf32, #tpu.memory_space<vmem>>)
      tpu.yield
    }) : () -> ()
    "tpu.region"() ({
      %run_scoped3A = tpu.sem_alloc : memref<!tpu.dma_semaphore, #tpu.memory_space<semaphore_mem>>
      tpu.enqueue_dma source(%arg4 : memref<16xf32, #tpu.memory_space<hbm>>) target(%arg9 : memref<16xf32, #tpu.memory_space<vmem>>) target_semaphore(%run_scoped3A : memref<!tpu.dma_semaphore, #tpu.memory_space<semaphore_mem>>)
      tpu.wait_dma2 semaphore(%run_scoped3A : memref<!tpu.dma_semaphore, #tpu.memory_space<semaphore_mem>>) src(%arg4 : memref<16xf32, #tpu.memory_space<hbm>>) dst(%arg9 : memref<16xf32, #tpu.memory_space<vmem>>)
      tpu.yield
    }) : () -> ()
    "tpu.region"() ({
      %run_scoped3A = tpu.sem_alloc : memref<!tpu.dma_semaphore, #tpu.memory_space<semaphore_mem>>
      %dma_start3A_14 = tpu.memref_slice %arg5[%mul3A_2] : memref<163840xi32, #tpu.memory_space<hbm>> -> memref<5120xi32, #tpu.memory_space<hbm>>
      %dma_start3A_15 = tpu.memref_slice %arg5[%mul3A_2] : memref<163840xi32, #tpu.memory_space<hbm>> -> memref<5120xi32, #tpu.memory_space<hbm>>
      tpu.enqueue_dma source(%dma_start3A_15 : memref<5120xi32, #tpu.memory_space<hbm>>) target(%arg10 : memref<5120xi32, #tpu.memory_space<vmem>>) target_semaphore(%run_scoped3A : memref<!tpu.dma_semaphore, #tpu.memory_space<semaphore_mem>>)
      %dma_wait3A = tpu.memref_slice %arg5[%mul3A_2] : memref<163840xi32, #tpu.memory_space<hbm>> -> memref<5120xi32, #tpu.memory_space<hbm>>
      %dma_wait3A_16 = tpu.memref_slice %arg5[%mul3A_2] : memref<163840xi32, #tpu.memory_space<hbm>> -> memref<5120xi32, #tpu.memory_space<hbm>>
      tpu.wait_dma2 semaphore(%run_scoped3A : memref<!tpu.dma_semaphore, #tpu.memory_space<semaphore_mem>>) src(%dma_wait3A_16 : memref<5120xi32, #tpu.memory_space<hbm>>) dst(%arg10 : memref<5120xi32, #tpu.memory_space<vmem>>)
      tpu.yield
    }) : () -> ()
    "tpu.region"() ({
      %run_scoped3A = tpu.sem_alloc : memref<!tpu.dma_semaphore, #tpu.memory_space<semaphore_mem>>
      %dma_start3A_14 = tpu.memref_slice %arg6[%mul3A_2] : memref<163840xi32, #tpu.memory_space<hbm>> -> memref<5120xi32, #tpu.memory_space<hbm>>
      %dma_start3A_15 = tpu.memref_slice %arg6[%mul3A_2] : memref<163840xi32, #tpu.memory_space<hbm>> -> memref<5120xi32, #tpu.memory_space<hbm>>
      tpu.enqueue_dma source(%dma_start3A_15 : memref<5120xi32, #tpu.memory_space<hbm>>) target(%arg11 : memref<5120xi32, #tpu.memory_space<vmem>>) target_semaphore(%run_scoped3A : memref<!tpu.dma_semaphore, #tpu.memory_space<semaphore_mem>>)
      %dma_wait3A = tpu.memref_slice %arg6[%mul3A_2] : memref<163840xi32, #tpu.memory_space<hbm>> -> memref<5120xi32, #tpu.memory_space<hbm>>
      %dma_wait3A_16 = tpu.memref_slice %arg6[%mul3A_2] : memref<163840xi32, #tpu.memory_space<hbm>> -> memref<5120xi32, #tpu.memory_space<hbm>>
      tpu.wait_dma2 semaphore(%run_scoped3A : memref<!tpu.dma_semaphore, #tpu.memory_space<semaphore_mem>>) src(%dma_wait3A_16 : memref<5120xi32, #tpu.memory_space<hbm>>) dst(%arg11 : memref<5120xi32, #tpu.memory_space<vmem>>)
      tpu.yield
    }) : () -> ()
    %get3A = arith.constant 0 : index
    %get3A_3 = tpu.vector_load %arg9[%get3A] {strides = array<i32>} : memref<16xf32, #tpu.memory_space<vmem>>, vector<16xf32>,
    %iota3A = tpu.iota {dimensions = array<i32: 0>} : vector<16xi32>
    %dma_start3A = arith.constant 0 : i32
    %dma_start3A_4 = tpu.memref_slice %arg10[%dma_start3A] : memref<5120xi32, #tpu.memory_space<vmem>> -> memref<128xi32, #tpu.memory_space<vmem>>
    %dma_start3A_5 = arith.constant 0 : i32
    %dma_start3A_6 = arith.constant 0 : i32
    %dma_start3A_7 = tpu.memref_slice %arg2[%dma_start3A_5, %dma_start3A_6] : memref<10240x128xf32, #tpu.memory_space<hbm>> -> memref<10240x128xf32, #tpu.memory_space<hbm>>
    tpu.enqueue_indirect_dma source(%dma_start3A_7 : memref<10240x128xf32, #tpu.memory_space<hbm>>) target(%arg12 : memref<128x128xf32, #tpu.memory_space<vmem>>) offsets(%dma_start3A_4 : memref<128xi32, #tpu.memory_space<vmem>>) semaphore(%arg14 : memref<!tpu.dma_semaphore, #tpu.memory_space<semaphore_mem>>)
    %scan3A = arith.constant 0 : i32
    %scan3A_8 = arith.constant 0 : i32
    %scan3A_9 = arith.constant 20 : i32
    %scan3A_10 = arith.addi %scan3A_8, %scan3A_9 : i32
    %scan3A_11 = arith.constant 1 : i32
    %scan3A_12 = scf.for %scan3A_14 = %scan3A_8 to %scan3A_10 step %scan3A_11 iter_args(%scan3A_15 = %scan3A) -> (i32)  : i32 {
      %mul3A_16 = arith.constant 2 : i32
      %mul3A_17 = arith.muli %mul3A_16, %scan3A_14 : i32
      %add3A_18 = arith.constant 1 : i32
      %add3A_19 = arith.addi %mul3A_17, %add3A_18 : i32
      %mul3A_20 = arith.constant 128 : i32
      %mul3A_21 = arith.muli %add3A_19, %mul3A_20 : i32
      %dma_start3A_22 = tpu.memref_slice %arg10[%mul3A_21] : memref<5120xi32, #tpu.memory_space<vmem>> -> memref<128xi32, #tpu.memory_space<vmem>>
      %dma_start3A_23 = arith.constant 0 : i32
      %dma_start3A_24 = arith.constant 0 : i32
      %dma_start3A_25 = tpu.memref_slice %arg2[%dma_start3A_23, %dma_start3A_24] : memref<10240x128xf32, #tpu.memory_space<hbm>> -> memref<10240x128xf32, #tpu.memory_space<hbm>>
      tpu.enqueue_indirect_dma source(%dma_start3A_25 : memref<10240x128xf32, #tpu.memory_space<hbm>>) target(%arg13 : memref<128x128xf32, #tpu.memory_space<vmem>>) offsets(%dma_start3A_22 : memref<128xi32, #tpu.memory_space<vmem>>) semaphore(%arg15 : memref<!tpu.dma_semaphore, #tpu.memory_space<semaphore_mem>>)
      %dma_wait3A = arith.constant 0 : i32
      %dma_wait3A_26 = arith.constant 0 : i32
      %dma_wait3A_27 = tpu.memref_slice %arg2[%dma_wait3A, %dma_wait3A_26] : memref<10240x128xf32, #tpu.memory_space<hbm>> -> memref<128x128xf32, #tpu.memory_space<hbm>>
      %dma_wait3A_28 = arith.constant 0 : i32
      %dma_wait3A_29 = arith.constant 0 : i32
      %dma_wait3A_30 = tpu.memref_slice %arg2[%dma_wait3A_28, %dma_wait3A_29] : memref<10240x128xf32, #tpu.memory_space<hbm>> -> memref<128x128xf32, #tpu.memory_space<hbm>>
      tpu.wait_dma2 semaphore(%arg14 : memref<!tpu.dma_semaphore, #tpu.memory_space<semaphore_mem>>) src(%dma_wait3A_30 : memref<128x128xf32, #tpu.memory_space<hbm>>) dst(%arg12 : memref<128x128xf32, #tpu.memory_space<vmem>>)
      %mul3A_31 = arith.constant 128 : i32
      %mul3A_32 = arith.muli %mul3A_17, %mul3A_31 : i32
      %add3A_33 = arith.constant 0 : i32
      %add3A_34 = vector.broadcast %add3A_33 : i32 to vector<16xi32>
      %add3A_35 = arith.addi %iota3A, %add3A_34 : vector<16xi32>
      %add3A_36 = arith.constant 0 : i32
      %add3A_37 = arith.addi %mul3A_32, %add3A_36 : i32
      %get3A_38 = arith.index_cast %add3A_37 : i32 to index
      %get3A_39 = tpu.vector_load %arg11[%get3A_38] {strides = array<i32>} : memref<5120xi32, #tpu.memory_space<vmem>>, vector<16xi32>,
      %broadcast_in_dim3A = arith.constant 16 : i32
      %broadcast_in_dim3A_40 = vector.broadcast %broadcast_in_dim3A : i32 to vector<16xi32>
      %gather3A = tpu.vector_load_idx %arg12[%add3A_35, %broadcast_in_dim3A_40] : memref<128x128xf32, #tpu.memory_space<vmem>>[vector<16xi32>, vector<16xi32>], vector<16xf32>,
      %gather3A_41 = tpu.vector_load_idx %arg8[%get3A_39] : memref<10240xf32, #tpu.memory_space<vmem>>[vector<16xi32>], vector<16xf32>,
      %add3A_42 = arith.addf %gather3A, %gather3A_41 : vector<16xf32>
      %mul3A_43 = arith.constant 2.000000e-01 : f32
      %mul3A_44 = vector.broadcast %mul3A_43 : f32 to vector<16xf32>
      %mul3A_45 = arith.mulf %mul3A_44, %add3A_42 : vector<16xf32>
      %max3A = arith.maximumf %add3A_42, %mul3A_45 : vector<16xf32>
      %sub3A = arith.subf %max3A, %get3A_3 : vector<16xf32>
      %exp3A = math.exp %sub3A : vector<16xf32>
      %broadcast_in_dim3A_46 = arith.constant 16 : i32
      %broadcast_in_dim3A_47 = vector.broadcast %broadcast_in_dim3A_46 : i32 to vector<16xi32>
      tpu.vector_store_idx %arg12[%add3A_35, %broadcast_in_dim3A_47], %exp3A : memref<128x128xf32, #tpu.memory_space<vmem>>[vector<16xi32>, vector<16xi32>], vector<16xf32>,
      %broadcast_in_dim3A_48 = arith.constant 0 : i32
      %broadcast_in_dim3A_49 = vector.broadcast %broadcast_in_dim3A_48 : i32 to vector<16xi32>
      %gather3A_50 = tpu.vector_load_idx %arg12[%add3A_35, %broadcast_in_dim3A_49] : memref<128x128xf32, #tpu.memory_space<vmem>>[vector<16xi32>, vector<16xi32>], vector<16xf32>,
      %mul3A_51 = arith.mulf %gather3A_50, %exp3A : vector<16xf32>
      tpu.vector_store_idx %arg12[%add3A_35, %broadcast_in_dim3A_49], %mul3A_51 : memref<128x128xf32, #tpu.memory_space<vmem>>[vector<16xi32>, vector<16xi32>], vector<16xf32>,
      %broadcast_in_dim3A_52 = arith.constant 1 : i32
      %broadcast_in_dim3A_53 = vector.broadcast %broadcast_in_dim3A_52 : i32 to vector<16xi32>
      %gather3A_54 = tpu.vector_load_idx %arg12[%add3A_35, %broadcast_in_dim3A_53] : memref<128x128xf32, #tpu.memory_space<vmem>>[vector<16xi32>, vector<16xi32>], vector<16xf32>,
      %mul3A_55 = arith.mulf %gather3A_54, %exp3A : vector<16xf32>
      tpu.vector_store_idx %arg12[%add3A_35, %broadcast_in_dim3A_53], %mul3A_55 : memref<128x128xf32, #tpu.memory_space<vmem>>[vector<16xi32>, vector<16xi32>], vector<16xf32>,
      %broadcast_in_dim3A_56 = arith.constant 2 : i32
      %broadcast_in_dim3A_57 = vector.broadcast %broadcast_in_dim3A_56 : i32 to vector<16xi32>
      %gather3A_58 = tpu.vector_load_idx %arg12[%add3A_35, %broadcast_in_dim3A_57] : memref<128x128xf32, #tpu.memory_space<vmem>>[vector<16xi32>, vector<16xi32>], vector<16xf32>,
      %mul3A_59 = arith.mulf %gather3A_58, %exp3A : vector<16xf32>
      tpu.vector_store_idx %arg12[%add3A_35, %broadcast_in_dim3A_57], %mul3A_59 : memref<128x128xf32, #tpu.memory_space<vmem>>[vector<16xi32>, vector<16xi32>], vector<16xf32>,
      %broadcast_in_dim3A_60 = arith.constant 3 : i32
      %broadcast_in_dim3A_61 = vector.broadcast %broadcast_in_dim3A_60 : i32 to vector<16xi32>
      %gather3A_62 = tpu.vector_load_idx %arg12[%add3A_35, %broadcast_in_dim3A_61] : memref<128x128xf32, #tpu.memory_space<vmem>>[vector<16xi32>, vector<16xi32>], vector<16xf32>,
      %mul3A_63 = arith.mulf %gather3A_62, %exp3A : vector<16xf32>
      tpu.vector_store_idx %arg12[%add3A_35, %broadcast_in_dim3A_61], %mul3A_63 : memref<128x128xf32, #tpu.memory_space<vmem>>[vector<16xi32>, vector<16xi32>], vector<16xf32>,
      %broadcast_in_dim3A_64 = arith.constant 4 : i32
      %broadcast_in_dim3A_65 = vector.broadcast %broadcast_in_dim3A_64 : i32 to vector<16xi32>
      %gather3A_66 = tpu.vector_load_idx %arg12[%add3A_35, %broadcast_in_dim3A_65] : memref<128x128xf32, #tpu.memory_space<vmem>>[vector<16xi32>, vector<16xi32>], vector<16xf32>,
      %mul3A_67 = arith.mulf %gather3A_66, %exp3A : vector<16xf32>
      tpu.vector_store_idx %arg12[%add3A_35, %broadcast_in_dim3A_65], %mul3A_67 : memref<128x128xf32, #tpu.memory_space<vmem>>[vector<16xi32>, vector<16xi32>], vector<16xf32>,
      %broadcast_in_dim3A_68 = arith.constant 5 : i32
      %broadcast_in_dim3A_69 = vector.broadcast %broadcast_in_dim3A_68 : i32 to vector<16xi32>
      %gather3A_70 = tpu.vector_load_idx %arg12[%add3A_35, %broadcast_in_dim3A_69] : memref<128x128xf32, #tpu.memory_space<vmem>>[vector<16xi32>, vector<16xi32>], vector<16xf32>,
      %mul3A_71 = arith.mulf %gather3A_70, %exp3A : vector<16xf32>
      tpu.vector_store_idx %arg12[%add3A_35, %broadcast_in_dim3A_69], %mul3A_71 : memref<128x128xf32, #tpu.memory_space<vmem>>[vector<16xi32>, vector<16xi32>], vector<16xf32>,
      %broadcast_in_dim3A_72 = arith.constant 6 : i32
      %broadcast_in_dim3A_73 = vector.broadcast %broadcast_in_dim3A_72 : i32 to vector<16xi32>
      %gather3A_74 = tpu.vector_load_idx %arg12[%add3A_35, %broadcast_in_dim3A_73] : memref<128x128xf32, #tpu.memory_space<vmem>>[vector<16xi32>, vector<16xi32>], vector<16xf32>,
      %mul3A_75 = arith.mulf %gather3A_74, %exp3A : vector<16xf32>
      tpu.vector_store_idx %arg12[%add3A_35, %broadcast_in_dim3A_73], %mul3A_75 : memref<128x128xf32, #tpu.memory_space<vmem>>[vector<16xi32>, vector<16xi32>], vector<16xf32>,
      %broadcast_in_dim3A_76 = arith.constant 7 : i32
      %broadcast_in_dim3A_77 = vector.broadcast %broadcast_in_dim3A_76 : i32 to vector<16xi32>
      %gather3A_78 = tpu.vector_load_idx %arg12[%add3A_35, %broadcast_in_dim3A_77] : memref<128x128xf32, #tpu.memory_space<vmem>>[vector<16xi32>, vector<16xi32>], vector<16xf32>,
      %mul3A_79 = arith.mulf %gather3A_78, %exp3A : vector<16xf32>
      tpu.vector_store_idx %arg12[%add3A_35, %broadcast_in_dim3A_77], %mul3A_79 : memref<128x128xf32, #tpu.memory_space<vmem>>[vector<16xi32>, vector<16xi32>], vector<16xf32>,
      %broadcast_in_dim3A_80 = arith.constant 8 : i32
      %broadcast_in_dim3A_81 = vector.broadcast %broadcast_in_dim3A_80 : i32 to vector<16xi32>
      %gather3A_82 = tpu.vector_load_idx %arg12[%add3A_35, %broadcast_in_dim3A_81] : memref<128x128xf32, #tpu.memory_space<vmem>>[vector<16xi32>, vector<16xi32>], vector<16xf32>,
      %mul3A_83 = arith.mulf %gather3A_82, %exp3A : vector<16xf32>
      tpu.vector_store_idx %arg12[%add3A_35, %broadcast_in_dim3A_81], %mul3A_83 : memref<128x128xf32, #tpu.memory_space<vmem>>[vector<16xi32>, vector<16xi32>], vector<16xf32>,
      %broadcast_in_dim3A_84 = arith.constant 9 : i32
      %broadcast_in_dim3A_85 = vector.broadcast %broadcast_in_dim3A_84 : i32 to vector<16xi32>
      %gather3A_86 = tpu.vector_load_idx %arg12[%add3A_35, %broadcast_in_dim3A_85] : memref<128x128xf32, #tpu.memory_space<vmem>>[vector<16xi32>, vector<16xi32>], vector<16xf32>,
      %mul3A_87 = arith.mulf %gather3A_86, %exp3A : vector<16xf32>
      tpu.vector_store_idx %arg12[%add3A_35, %broadcast_in_dim3A_85], %mul3A_87 : memref<128x128xf32, #tpu.memory_space<vmem>>[vector<16xi32>, vector<16xi32>], vector<16xf32>,
      %broadcast_in_dim3A_88 = arith.constant 10 : i32
      %broadcast_in_dim3A_89 = vector.broadcast %broadcast_in_dim3A_88 : i32 to vector<16xi32>
      %gather3A_90 = tpu.vector_load_idx %arg12[%add3A_35, %broadcast_in_dim3A_89] : memref<128x128xf32, #tpu.memory_space<vmem>>[vector<16xi32>, vector<16xi32>], vector<16xf32>,
      %mul3A_91 = arith.mulf %gather3A_90, %exp3A : vector<16xf32>
      tpu.vector_store_idx %arg12[%add3A_35, %broadcast_in_dim3A_89], %mul3A_91 : memref<128x128xf32, #tpu.memory_space<vmem>>[vector<16xi32>, vector<16xi32>], vector<16xf32>,
      %broadcast_in_dim3A_92 = arith.constant 11 : i32
      %broadcast_in_dim3A_93 = vector.broadcast %broadcast_in_dim3A_92 : i32 to vector<16xi32>
      %gather3A_94 = tpu.vector_load_idx %arg12[%add3A_35, %broadcast_in_dim3A_93] : memref<128x128xf32, #tpu.memory_space<vmem>>[vector<16xi32>, vector<16xi32>], vector<16xf32>,
      %mul3A_95 = arith.mulf %gather3A_94, %exp3A : vector<16xf32>
      tpu.vector_store_idx %arg12[%add3A_35, %broadcast_in_dim3A_93], %mul3A_95 : memref<128x128xf32, #tpu.memory_space<vmem>>[vector<16xi32>, vector<16xi32>], vector<16xf32>,
      %broadcast_in_dim3A_96 = arith.constant 12 : i32
      %broadcast_in_dim3A_97 = vector.broadcast %broadcast_in_dim3A_96 : i32 to vector<16xi32>
      %gather3A_98 = tpu.vector_load_idx %arg12[%add3A_35, %broadcast_in_dim3A_97] : memref<128x128xf32, #tpu.memory_space<vmem>>[vector<16xi32>, vector<16xi32>], vector<16xf32>,
      %mul3A_99 = arith.mulf %gather3A_98, %exp3A : vector<16xf32>
      tpu.vector_store_idx %arg12[%add3A_35, %broadcast_in_dim3A_97], %mul3A_99 : memref<128x128xf32, #tpu.memory_space<vmem>>[vector<16xi32>, vector<16xi32>], vector<16xf32>,
      %broadcast_in_dim3A_100 = arith.constant 13 : i32
      %broadcast_in_dim3A_101 = vector.broadcast %broadcast_in_dim3A_100 : i32 to vector<16xi32>
      %gather3A_102 = tpu.vector_load_idx %arg12[%add3A_35, %broadcast_in_dim3A_101] : memref<128x128xf32, #tpu.memory_space<vmem>>[vector<16xi32>, vector<16xi32>], vector<16xf32>,
      %mul3A_103 = arith.mulf %gather3A_102, %exp3A : vector<16xf32>
      tpu.vector_store_idx %arg12[%add3A_35, %broadcast_in_dim3A_101], %mul3A_103 : memref<128x128xf32, #tpu.memory_space<vmem>>[vector<16xi32>, vector<16xi32>], vector<16xf32>,
      %broadcast_in_dim3A_104 = arith.constant 14 : i32
      %broadcast_in_dim3A_105 = vector.broadcast %broadcast_in_dim3A_104 : i32 to vector<16xi32>
      %gather3A_106 = tpu.vector_load_idx %arg12[%add3A_35, %broadcast_in_dim3A_105] : memref<128x128xf32, #tpu.memory_space<vmem>>[vector<16xi32>, vector<16xi32>], vector<16xf32>,
      %mul3A_107 = arith.mulf %gather3A_106, %exp3A : vector<16xf32>
      tpu.vector_store_idx %arg12[%add3A_35, %broadcast_in_dim3A_105], %mul3A_107 : memref<128x128xf32, #tpu.memory_space<vmem>>[vector<16xi32>, vector<16xi32>], vector<16xf32>,
      %broadcast_in_dim3A_108 = arith.constant 15 : i32
      %broadcast_in_dim3A_109 = vector.broadcast %broadcast_in_dim3A_108 : i32 to vector<16xi32>
      %gather3A_110 = tpu.vector_load_idx %arg12[%add3A_35, %broadcast_in_dim3A_109] : memref<128x128xf32, #tpu.memory_space<vmem>>[vector<16xi32>, vector<16xi32>], vector<16xf32>,
      %mul3A_111 = arith.mulf %gather3A_110, %exp3A : vector<16xf32>
      tpu.vector_store_idx %arg12[%add3A_35, %broadcast_in_dim3A_109], %mul3A_111 : memref<128x128xf32, #tpu.memory_space<vmem>>[vector<16xi32>, vector<16xi32>], vector<16xf32>,
      %add3A_112 = arith.constant 16 : i32
      %add3A_113 = vector.broadcast %add3A_112 : i32 to vector<16xi32>
      %add3A_114 = arith.addi %iota3A, %add3A_113 : vector<16xi32>
      %add3A_115 = arith.constant 16 : i32
      %add3A_116 = arith.addi %mul3A_32, %add3A_115 : i32
      %get3A_117 = arith.index_cast %add3A_116 : i32 to index
      %get3A_118 = tpu.vector_load %arg11[%get3A_117] {strides = array<i32>} : memref<5120xi32, #tpu.memory_space<vmem>>, vector<16xi32>,
      %broadcast_in_dim3A_119 = arith.constant 16 : i32
      %broadcast_in_dim3A_120 = vector.broadcast %broadcast_in_dim3A_119 : i32 to vector<16xi32>
      %gather3A_121 = tpu.vector_load_idx %arg12[%add3A_114, %broadcast_in_dim3A_120] : memref<128x128xf32, #tpu.memory_space<vmem>>[vector<16xi32>, vector<16xi32>], vector<16xf32>,
      %gather3A_122 = tpu.vector_load_idx %arg8[%get3A_118] : memref<10240xf32, #tpu.memory_space<vmem>>[vector<16xi32>], vector<16xf32>,
      %add3A_123 = arith.addf %gather3A_121, %gather3A_122 : vector<16xf32>
      %mul3A_124 = arith.constant 2.000000e-01 : f32
      %mul3A_125 = vector.broadcast %mul3A_124 : f32 to vector<16xf32>
      %mul3A_126 = arith.mulf %mul3A_125, %add3A_123 : vector<16xf32>
      %max3A_127 = arith.maximumf %add3A_123, %mul3A_126 : vector<16xf32>
      %sub3A_128 = arith.subf %max3A_127, %get3A_3 : vector<16xf32>
      %exp3A_129 = math.exp %sub3A_128 : vector<16xf32>
      %broadcast_in_dim3A_130 = arith.constant 16 : i32
      %broadcast_in_dim3A_131 = vector.broadcast %broadcast_in_dim3A_130 : i32 to vector<16xi32>
      tpu.vector_store_idx %arg12[%add3A_114, %broadcast_in_dim3A_131], %exp3A_129 : memref<128x128xf32, #tpu.memory_space<vmem>>[vector<16xi32>, vector<16xi32>], vector<16xf32>,
      %broadcast_in_dim3A_132 = arith.constant 0 : i32
      %broadcast_in_dim3A_133 = vector.broadcast %broadcast_in_dim3A_132 : i32 to vector<16xi32>
      %gather3A_134 = tpu.vector_load_idx %arg12[%add3A_114, %broadcast_in_dim3A_133] : memref<128x128xf32, #tpu.memory_space<vmem>>[vector<16xi32>, vector<16xi32>], vector<16xf32>,
      %mul3A_135 = arith.mulf %gather3A_134, %exp3A_129 : vector<16xf32>
      tpu.vector_store_idx %arg12[%add3A_114, %broadcast_in_dim3A_133], %mul3A_135 : memref<128x128xf32, #tpu.memory_space<vmem>>[vector<16xi32>, vector<16xi32>], vector<16xf32>,
      %broadcast_in_dim3A_136 = arith.constant 1 : i32
      %broadcast_in_dim3A_137 = vector.broadcast %broadcast_in_dim3A_136 : i32 to vector<16xi32>
      %gather3A_138 = tpu.vector_load_idx %arg12[%add3A_114, %broadcast_in_dim3A_137] : memref<128x128xf32, #tpu.memory_space<vmem>>[vector<16xi32>, vector<16xi32>], vector<16xf32>,
      %mul3A_139 = arith.mulf %gather3A_138, %exp3A_129 : vector<16xf32>
      tpu.vector_store_idx %arg12[%add3A_114, %broadcast_in_dim3A_137], %mul3A_139 : memref<128x128xf32, #tpu.memory_space<vmem>>[vector<16xi32>, vector<16xi32>], vector<16xf32>,
      %broadcast_in_dim3A_140 = arith.constant 2 : i32
      %broadcast_in_dim3A_141 = vector.broadcast %broadcast_in_dim3A_140 : i32 to vector<16xi32>
      %gather3A_142 = tpu.vector_load_idx %arg12[%add3A_114, %broadcast_in_dim3A_141] : memref<128x128xf32, #tpu.memory_space<vmem>>[vector<16xi32>, vector<16xi32>], vector<16xf32>,
      %mul3A_143 = arith.mulf %gather3A_142, %exp3A_129 : vector<16xf32>
      tpu.vector_store_idx %arg12[%add3A_114, %broadcast_in_dim3A_141], %mul3A_143 : memref<128x128xf32, #tpu.memory_space<vmem>>[vector<16xi32>, vector<16xi32>], vector<16xf32>,
      %broadcast_in_dim3A_144 = arith.constant 3 : i32
      %broadcast_in_dim3A_145 = vector.broadcast %broadcast_in_dim3A_144 : i32 to vector<16xi32>
      %gather3A_146 = tpu.vector_load_idx %arg12[%add3A_114, %broadcast_in_dim3A_145] : memref<128x128xf32, #tpu.memory_space<vmem>>[vector<16xi32>, vector<16xi32>], vector<16xf32>,
      %mul3A_147 = arith.mulf %gather3A_146, %exp3A_129 : vector<16xf32>
      tpu.vector_store_idx %arg12[%add3A_114, %broadcast_in_dim3A_145], %mul3A_147 : memref<128x128xf32, #tpu.memory_space<vmem>>[vector<16xi32>, vector<16xi32>], vector<16xf32>,
      %broadcast_in_dim3A_148 = arith.constant 4 : i32
      %broadcast_in_dim3A_149 = vector.broadcast %broadcast_in_dim3A_148 : i32 to vector<16xi32>
      %gather3A_150 = tpu.vector_load_idx %arg12[%add3A_114, %broadcast_in_dim3A_149] : memref<128x128xf32, #tpu.memory_space<vmem>>[vector<16xi32>, vector<16xi32>], vector<16xf32>,
      %mul3A_151 = arith.mulf %gather3A_150, %exp3A_129 : vector<16xf32>
      tpu.vector_store_idx %arg12[%add3A_114, %broadcast_in_dim3A_149], %mul3A_151 : memref<128x128xf32, #tpu.memory_space<vmem>>[vector<16xi32>, vector<16xi32>], vector<16xf32>,
      %broadcast_in_dim3A_152 = arith.constant 5 : i32
      %broadcast_in_dim3A_153 = vector.broadcast %broadcast_in_dim3A_152 : i32 to vector<16xi32>
      %gather3A_154 = tpu.vector_load_idx %arg12[%add3A_114, %broadcast_in_dim3A_153] : memref<128x128xf32, #tpu.memory_space<vmem>>[vector<16xi32>, vector<16xi32>], vector<16xf32>,
      %mul3A_155 = arith.mulf %gather3A_154, %exp3A_129 : vector<16xf32>
      tpu.vector_store_idx %arg12[%add3A_114, %broadcast_in_dim3A_153], %mul3A_155 : memref<128x128xf32, #tpu.memory_space<vmem>>[vector<16xi32>, vector<16xi32>], vector<16xf32>,
      %broadcast_in_dim3A_156 = arith.constant 6 : i32
      %broadcast_in_dim3A_157 = vector.broadcast %broadcast_in_dim3A_156 : i32 to vector<16xi32>
      %gather3A_158 = tpu.vector_load_idx %arg12[%add3A_114, %broadcast_in_dim3A_157] : memref<128x128xf32, #tpu.memory_space<vmem>>[vector<16xi32>, vector<16xi32>], vector<16xf32>,
      %mul3A_159 = arith.mulf %gather3A_158, %exp3A_129 : vector<16xf32>
      tpu.vector_store_idx %arg12[%add3A_114, %broadcast_in_dim3A_157], %mul3A_159 : memref<128x128xf32, #tpu.memory_space<vmem>>[vector<16xi32>, vector<16xi32>], vector<16xf32>,
      %broadcast_in_dim3A_160 = arith.constant 7 : i32
      %broadcast_in_dim3A_161 = vector.broadcast %broadcast_in_dim3A_160 : i32 to vector<16xi32>
      %gather3A_162 = tpu.vector_load_idx %arg12[%add3A_114, %broadcast_in_dim3A_161] : memref<128x128xf32, #tpu.memory_space<vmem>>[vector<16xi32>, vector<16xi32>], vector<16xf32>,
      %mul3A_163 = arith.mulf %gather3A_162, %exp3A_129 : vector<16xf32>
      tpu.vector_store_idx %arg12[%add3A_114, %broadcast_in_dim3A_161], %mul3A_163 : memref<128x128xf32, #tpu.memory_space<vmem>>[vector<16xi32>, vector<16xi32>], vector<16xf32>,
      %broadcast_in_dim3A_164 = arith.constant 8 : i32
      %broadcast_in_dim3A_165 = vector.broadcast %broadcast_in_dim3A_164 : i32 to vector<16xi32>
      %gather3A_166 = tpu.vector_load_idx %arg12[%add3A_114, %broadcast_in_dim3A_165] : memref<128x128xf32, #tpu.memory_space<vmem>>[vector<16xi32>, vector<16xi32>], vector<16xf32>,
      %mul3A_167 = arith.mulf %gather3A_166, %exp3A_129 : vector<16xf32>
      tpu.vector_store_idx %arg12[%add3A_114, %broadcast_in_dim3A_165], %mul3A_167 : memref<128x128xf32, #tpu.memory_space<vmem>>[vector<16xi32>, vector<16xi32>], vector<16xf32>,
      %broadcast_in_dim3A_168 = arith.constant 9 : i32
      %broadcast_in_dim3A_169 = vector.broadcast %broadcast_in_dim3A_168 : i32 to vector<16xi32>
      %gather3A_170 = tpu.vector_load_idx %arg12[%add3A_114, %broadcast_in_dim3A_169] : memref<128x128xf32, #tpu.memory_space<vmem>>[vector<16xi32>, vector<16xi32>], vector<16xf32>,
      %mul3A_171 = arith.mulf %gather3A_170, %exp3A_129 : vector<16xf32>
      tpu.vector_store_idx %arg12[%add3A_114, %broadcast_in_dim3A_169], %mul3A_171 : memref<128x128xf32, #tpu.memory_space<vmem>>[vector<16xi32>, vector<16xi32>], vector<16xf32>,
      %broadcast_in_dim3A_172 = arith.constant 10 : i32
      %broadcast_in_dim3A_173 = vector.broadcast %broadcast_in_dim3A_172 : i32 to vector<16xi32>
      %gather3A_174 = tpu.vector_load_idx %arg12[%add3A_114, %broadcast_in_dim3A_173] : memref<128x128xf32, #tpu.memory_space<vmem>>[vector<16xi32>, vector<16xi32>], vector<16xf32>,
      %mul3A_175 = arith.mulf %gather3A_174, %exp3A_129 : vector<16xf32>
      tpu.vector_store_idx %arg12[%add3A_114, %broadcast_in_dim3A_173], %mul3A_175 : memref<128x128xf32, #tpu.memory_space<vmem>>[vector<16xi32>, vector<16xi32>], vector<16xf32>,
      %broadcast_in_dim3A_176 = arith.constant 11 : i32
      %broadcast_in_dim3A_177 = vector.broadcast %broadcast_in_dim3A_176 : i32 to vector<16xi32>
      %gather3A_178 = tpu.vector_load_idx %arg12[%add3A_114, %broadcast_in_dim3A_177] : memref<128x128xf32, #tpu.memory_space<vmem>>[vector<16xi32>, vector<16xi32>], vector<16xf32>,
      %mul3A_179 = arith.mulf %gather3A_178, %exp3A_129 : vector<16xf32>
      tpu.vector_store_idx %arg12[%add3A_114, %broadcast_in_dim3A_177], %mul3A_179 : memref<128x128xf32, #tpu.memory_space<vmem>>[vector<16xi32>, vector<16xi32>], vector<16xf32>,
      %broadcast_in_dim3A_180 = arith.constant 12 : i32
      %broadcast_in_dim3A_181 = vector.broadcast %broadcast_in_dim3A_180 : i32 to vector<16xi32>
      %gather3A_182 = tpu.vector_load_idx %arg12[%add3A_114, %broadcast_in_dim3A_181] : memref<128x128xf32, #tpu.memory_space<vmem>>[vector<16xi32>, vector<16xi32>], vector<16xf32>,
      %mul3A_183 = arith.mulf %gather3A_182, %exp3A_129 : vector<16xf32>
      tpu.vector_store_idx %arg12[%add3A_114, %broadcast_in_dim3A_181], %mul3A_183 : memref<128x128xf32, #tpu.memory_space<vmem>>[vector<16xi32>, vector<16xi32>], vector<16xf32>,
      %broadcast_in_dim3A_184 = arith.constant 13 : i32
      %broadcast_in_dim3A_185 = vector.broadcast %broadcast_in_dim3A_184 : i32 to vector<16xi32>
      %gather3A_186 = tpu.vector_load_idx %arg12[%add3A_114, %broadcast_in_dim3A_185] : memref<128x128xf32, #tpu.memory_space<vmem>>[vector<16xi32>, vector<16xi32>], vector<16xf32>,
      %mul3A_187 = arith.mulf %gather3A_186, %exp3A_129 : vector<16xf32>
      tpu.vector_store_idx %arg12[%add3A_114, %broadcast_in_dim3A_185], %mul3A_187 : memref<128x128xf32, #tpu.memory_space<vmem>>[vector<16xi32>, vector<16xi32>], vector<16xf32>,
      %broadcast_in_dim3A_188 = arith.constant 14 : i32
      %broadcast_in_dim3A_189 = vector.broadcast %broadcast_in_dim3A_188 : i32 to vector<16xi32>
      %gather3A_190 = tpu.vector_load_idx %arg12[%add3A_114, %broadcast_in_dim3A_189] : memref<128x128xf32, #tpu.memory_space<vmem>>[vector<16xi32>, vector<16xi32>], vector<16xf32>,
      %mul3A_191 = arith.mulf %gather3A_190, %exp3A_129 : vector<16xf32>
      tpu.vector_store_idx %arg12[%add3A_114, %broadcast_in_dim3A_189], %mul3A_191 : memref<128x128xf32, #tpu.memory_space<vmem>>[vector<16xi32>, vector<16xi32>], vector<16xf32>,
      %broadcast_in_dim3A_192 = arith.constant 15 : i32
      %broadcast_in_dim3A_193 = vector.broadcast %broadcast_in_dim3A_192 : i32 to vector<16xi32>
      %gather3A_194 = tpu.vector_load_idx %arg12[%add3A_114, %broadcast_in_dim3A_193] : memref<128x128xf32, #tpu.memory_space<vmem>>[vector<16xi32>, vector<16xi32>], vector<16xf32>,
      %mul3A_195 = arith.mulf %gather3A_194, %exp3A_129 : vector<16xf32>
      tpu.vector_store_idx %arg12[%add3A_114, %broadcast_in_dim3A_193], %mul3A_195 : memref<128x128xf32, #tpu.memory_space<vmem>>[vector<16xi32>, vector<16xi32>], vector<16xf32>,
      %add3A_196 = arith.constant 32 : i32
      %add3A_197 = vector.broadcast %add3A_196 : i32 to vector<16xi32>
      %add3A_198 = arith.addi %iota3A, %add3A_197 : vector<16xi32>
      %add3A_199 = arith.constant 32 : i32
      %add3A_200 = arith.addi %mul3A_32, %add3A_199 : i32
      %get3A_201 = arith.index_cast %add3A_200 : i32 to index
      %get3A_202 = tpu.vector_load %arg11[%get3A_201] {strides = array<i32>} : memref<5120xi32, #tpu.memory_space<vmem>>, vector<16xi32>,
      %broadcast_in_dim3A_203 = arith.constant 16 : i32
      %broadcast_in_dim3A_204 = vector.broadcast %broadcast_in_dim3A_203 : i32 to vector<16xi32>
      %gather3A_205 = tpu.vector_load_idx %arg12[%add3A_198, %broadcast_in_dim3A_204] : memref<128x128xf32, #tpu.memory_space<vmem>>[vector<16xi32>, vector<16xi32>], vector<16xf32>,
      %gather3A_206 = tpu.vector_load_idx %arg8[%get3A_202] : memref<10240xf32, #tpu.memory_space<vmem>>[vector<16xi32>], vector<16xf32>,
      %add3A_207 = arith.addf %gather3A_205, %gather3A_206 : vector<16xf32>
      %mul3A_208 = arith.constant 2.000000e-01 : f32
      %mul3A_209 = vector.broadcast %mul3A_208 : f32 to vector<16xf32>
      %mul3A_210 = arith.mulf %mul3A_209, %add3A_207 : vector<16xf32>
      %max3A_211 = arith.maximumf %add3A_207, %mul3A_210 : vector<16xf32>
      %sub3A_212 = arith.subf %max3A_211, %get3A_3 : vector<16xf32>
      %exp3A_213 = math.exp %sub3A_212 : vector<16xf32>
      %broadcast_in_dim3A_214 = arith.constant 16 : i32
      %broadcast_in_dim3A_215 = vector.broadcast %broadcast_in_dim3A_214 : i32 to vector<16xi32>
      tpu.vector_store_idx %arg12[%add3A_198, %broadcast_in_dim3A_215], %exp3A_213 : memref<128x128xf32, #tpu.memory_space<vmem>>[vector<16xi32>, vector<16xi32>], vector<16xf32>,
      %broadcast_in_dim3A_216 = arith.constant 0 : i32
      %broadcast_in_dim3A_217 = vector.broadcast %broadcast_in_dim3A_216 : i32 to vector<16xi32>
      %gather3A_218 = tpu.vector_load_idx %arg12[%add3A_198, %broadcast_in_dim3A_217] : memref<128x128xf32, #tpu.memory_space<vmem>>[vector<16xi32>, vector<16xi32>], vector<16xf32>,
      %mul3A_219 = arith.mulf %gather3A_218, %exp3A_213 : vector<16xf32>
      tpu.vector_store_idx %arg12[%add3A_198, %broadcast_in_dim3A_217], %mul3A_219 : memref<128x128xf32, #tpu.memory_space<vmem>>[vector<16xi32>, vector<16xi32>], vector<16xf32>,
      %broadcast_in_dim3A_220 = arith.constant 1 : i32
      %broadcast_in_dim3A_221 = vector.broadcast %broadcast_in_dim3A_220 : i32 to vector<16xi32>
      %gather3A_222 = tpu.vector_load_idx %arg12[%add3A_198, %broadcast_in_dim3A_221] : memref<128x128xf32, #tpu.memory_space<vmem>>[vector<16xi32>, vector<16xi32>], vector<16xf32>,
      %mul3A_223 = arith.mulf %gather3A_222, %exp3A_213 : vector<16xf32>
      tpu.vector_store_idx %arg12[%add3A_198, %broadcast_in_dim3A_221], %mul3A_223 : memref<128x128xf32, #tpu.memory_space<vmem>>[vector<16xi32>, vector<16xi32>], vector<16xf32>,
      %broadcast_in_dim3A_224 = arith.constant 2 : i32
      %broadcast_in_dim3A_225 = vector.broadcast %broadcast_in_dim3A_224 : i32 to vector<16xi32>
      %gather3A_226 = tpu.vector_load_idx %arg12[%add3A_198, %broadcast_in_dim3A_225] : memref<128x128xf32, #tpu.memory_space<vmem>>[vector<16xi32>, vector<16xi32>], vector<16xf32>,
      %mul3A_227 = arith.mulf %gather3A_226, %exp3A_213 : vector<16xf32>
      tpu.vector_store_idx %arg12[%add3A_198, %broadcast_in_dim3A_225], %mul3A_227 : memref<128x128xf32, #tpu.memory_space<vmem>>[vector<16xi32>, vector<16xi32>], vector<16xf32>,
      %broadcast_in_dim3A_228 = arith.constant 3 : i32
      %broadcast_in_dim3A_229 = vector.broadcast %broadcast_in_dim3A_228 : i32 to vector<16xi32>
      %gather3A_230 = tpu.vector_load_idx %arg12[%add3A_198, %broadcast_in_dim3A_229] : memref<128x128xf32, #tpu.memory_space<vmem>>[vector<16xi32>, vector<16xi32>], vector<16xf32>,
      %mul3A_231 = arith.mulf %gather3A_230, %exp3A_213 : vector<16xf32>
      tpu.vector_store_idx %arg12[%add3A_198, %broadcast_in_dim3A_229], %mul3A_231 : memref<128x128xf32, #tpu.memory_space<vmem>>[vector<16xi32>, vector<16xi32>], vector<16xf32>,
      %broadcast_in_dim3A_232 = arith.constant 4 : i32
      %broadcast_in_dim3A_233 = vector.broadcast %broadcast_in_dim3A_232 : i32 to vector<16xi32>
      %gather3A_234 = tpu.vector_load_idx %arg12[%add3A_198, %broadcast_in_dim3A_233] : memref<128x128xf32, #tpu.memory_space<vmem>>[vector<16xi32>, vector<16xi32>], vector<16xf32>,
      %mul3A_235 = arith.mulf %gather3A_234, %exp3A_213 : vector<16xf32>
      tpu.vector_store_idx %arg12[%add3A_198, %broadcast_in_dim3A_233], %mul3A_235 : memref<128x128xf32, #tpu.memory_space<vmem>>[vector<16xi32>, vector<16xi32>], vector<16xf32>,
      %broadcast_in_dim3A_236 = arith.constant 5 : i32
      %broadcast_in_dim3A_237 = vector.broadcast %broadcast_in_dim3A_236 : i32 to vector<16xi32>
      %gather3A_238 = tpu.vector_load_idx %arg12[%add3A_198, %broadcast_in_dim3A_237] : memref<128x128xf32, #tpu.memory_space<vmem>>[vector<16xi32>, vector<16xi32>], vector<16xf32>,
      %mul3A_239 = arith.mulf %gather3A_238, %exp3A_213 : vector<16xf32>
      tpu.vector_store_idx %arg12[%add3A_198, %broadcast_in_dim3A_237], %mul3A_239 : memref<128x128xf32, #tpu.memory_space<vmem>>[vector<16xi32>, vector<16xi32>], vector<16xf32>,
      %broadcast_in_dim3A_240 = arith.constant 6 : i32
      %broadcast_in_dim3A_241 = vector.broadcast %broadcast_in_dim3A_240 : i32 to vector<16xi32>
      %gather3A_242 = tpu.vector_load_idx %arg12[%add3A_198, %broadcast_in_dim3A_241] : memref<128x128xf32, #tpu.memory_space<vmem>>[vector<16xi32>, vector<16xi32>], vector<16xf32>,
      %mul3A_243 = arith.mulf %gather3A_242, %exp3A_213 : vector<16xf32>
      tpu.vector_store_idx %arg12[%add3A_198, %broadcast_in_dim3A_241], %mul3A_243 : memref<128x128xf32, #tpu.memory_space<vmem>>[vector<16xi32>, vector<16xi32>], vector<16xf32>,
      %broadcast_in_dim3A_244 = arith.constant 7 : i32
      %broadcast_in_dim3A_245 = vector.broadcast %broadcast_in_dim3A_244 : i32 to vector<16xi32>
      %gather3A_246 = tpu.vector_load_idx %arg12[%add3A_198, %broadcast_in_dim3A_245] : memref<128x128xf32, #tpu.memory_space<vmem>>[vector<16xi32>, vector<16xi32>], vector<16xf32>,
      %mul3A_247 = arith.mulf %gather3A_246, %exp3A_213 : vector<16xf32>
      tpu.vector_store_idx %arg12[%add3A_198, %broadcast_in_dim3A_245], %mul3A_247 : memref<128x128xf32, #tpu.memory_space<vmem>>[vector<16xi32>, vector<16xi32>], vector<16xf32>,
      %broadcast_in_dim3A_248 = arith.constant 8 : i32
      %broadcast_in_dim3A_249 = vector.broadcast %broadcast_in_dim3A_248 : i32 to vector<16xi32>
      %gather3A_250 = tpu.vector_load_idx %arg12[%add3A_198, %broadcast_in_dim3A_249] : memref<128x128xf32, #tpu.memory_space<vmem>>[vector<16xi32>, vector<16xi32>], vector<16xf32>,
      %mul3A_251 = arith.mulf %gather3A_250, %exp3A_213 : vector<16xf32>
      tpu.vector_store_idx %arg12[%add3A_198, %broadcast_in_dim3A_249], %mul3A_251 : memref<128x128xf32, #tpu.memory_space<vmem>>[vector<16xi32>, vector<16xi32>], vector<16xf32>,
      %broadcast_in_dim3A_252 = arith.constant 9 : i32
      %broadcast_in_dim3A_253 = vector.broadcast %broadcast_in_dim3A_252 : i32 to vector<16xi32>
      %gather3A_254 = tpu.vector_load_idx %arg12[%add3A_198, %broadcast_in_dim3A_253] : memref<128x128xf32, #tpu.memory_space<vmem>>[vector<16xi32>, vector<16xi32>], vector<16xf32>,
      %mul3A_255 = arith.mulf %gather3A_254, %exp3A_213 : vector<16xf32>
      tpu.vector_store_idx %arg12[%add3A_198, %broadcast_in_dim3A_253], %mul3A_255 : memref<128x128xf32, #tpu.memory_space<vmem>>[vector<16xi32>, vector<16xi32>], vector<16xf32>,
      %broadcast_in_dim3A_256 = arith.constant 10 : i32
      %broadcast_in_dim3A_257 = vector.broadcast %broadcast_in_dim3A_256 : i32 to vector<16xi32>
      %gather3A_258 = tpu.vector_load_idx %arg12[%add3A_198, %broadcast_in_dim3A_257] : memref<128x128xf32, #tpu.memory_space<vmem>>[vector<16xi32>, vector<16xi32>], vector<16xf32>,
      %mul3A_259 = arith.mulf %gather3A_258, %exp3A_213 : vector<16xf32>
      tpu.vector_store_idx %arg12[%add3A_198, %broadcast_in_dim3A_257], %mul3A_259 : memref<128x128xf32, #tpu.memory_space<vmem>>[vector<16xi32>, vector<16xi32>], vector<16xf32>,
      %broadcast_in_dim3A_260 = arith.constant 11 : i32
      %broadcast_in_dim3A_261 = vector.broadcast %broadcast_in_dim3A_260 : i32 to vector<16xi32>
      %gather3A_262 = tpu.vector_load_idx %arg12[%add3A_198, %broadcast_in_dim3A_261] : memref<128x128xf32, #tpu.memory_space<vmem>>[vector<16xi32>, vector<16xi32>], vector<16xf32>,
      %mul3A_263 = arith.mulf %gather3A_262, %exp3A_213 : vector<16xf32>
      tpu.vector_store_idx %arg12[%add3A_198, %broadcast_in_dim3A_261], %mul3A_263 : memref<128x128xf32, #tpu.memory_space<vmem>>[vector<16xi32>, vector<16xi32>], vector<16xf32>,
      %broadcast_in_dim3A_264 = arith.constant 12 : i32
      %broadcast_in_dim3A_265 = vector.broadcast %broadcast_in_dim3A_264 : i32 to vector<16xi32>
      %gather3A_266 = tpu.vector_load_idx %arg12[%add3A_198, %broadcast_in_dim3A_265] : memref<128x128xf32, #tpu.memory_space<vmem>>[vector<16xi32>, vector<16xi32>], vector<16xf32>,
      %mul3A_267 = arith.mulf %gather3A_266, %exp3A_213 : vector<16xf32>
      tpu.vector_store_idx %arg12[%add3A_198, %broadcast_in_dim3A_265], %mul3A_267 : memref<128x128xf32, #tpu.memory_space<vmem>>[vector<16xi32>, vector<16xi32>], vector<16xf32>,
      %broadcast_in_dim3A_268 = arith.constant 13 : i32
      %broadcast_in_dim3A_269 = vector.broadcast %broadcast_in_dim3A_268 : i32 to vector<16xi32>
      %gather3A_270 = tpu.vector_load_idx %arg12[%add3A_198, %broadcast_in_dim3A_269] : memref<128x128xf32, #tpu.memory_space<vmem>>[vector<16xi32>, vector<16xi32>], vector<16xf32>,
      %mul3A_271 = arith.mulf %gather3A_270, %exp3A_213 : vector<16xf32>
      tpu.vector_store_idx %arg12[%add3A_198, %broadcast_in_dim3A_269], %mul3A_271 : memref<128x128xf32, #tpu.memory_space<vmem>>[vector<16xi32>, vector<16xi32>], vector<16xf32>,
      %broadcast_in_dim3A_272 = arith.constant 14 : i32
      %broadcast_in_dim3A_273 = vector.broadcast %broadcast_in_dim3A_272 : i32 to vector<16xi32>
      %gather3A_274 = tpu.vector_load_idx %arg12[%add3A_198, %broadcast_in_dim3A_273] : memref<128x128xf32, #tpu.memory_space<vmem>>[vector<16xi32>, vector<16xi32>], vector<16xf32>,
      %mul3A_275 = arith.mulf %gather3A_274, %exp3A_213 : vector<16xf32>
      tpu.vector_store_idx %arg12[%add3A_198, %broadcast_in_dim3A_273], %mul3A_275 : memref<128x128xf32, #tpu.memory_space<vmem>>[vector<16xi32>, vector<16xi32>], vector<16xf32>,
      %broadcast_in_dim3A_276 = arith.constant 15 : i32
      %broadcast_in_dim3A_277 = vector.broadcast %broadcast_in_dim3A_276 : i32 to vector<16xi32>
      %gather3A_278 = tpu.vector_load_idx %arg12[%add3A_198, %broadcast_in_dim3A_277] : memref<128x128xf32, #tpu.memory_space<vmem>>[vector<16xi32>, vector<16xi32>], vector<16xf32>,
      %mul3A_279 = arith.mulf %gather3A_278, %exp3A_213 : vector<16xf32>
      tpu.vector_store_idx %arg12[%add3A_198, %broadcast_in_dim3A_277], %mul3A_279 : memref<128x128xf32, #tpu.memory_space<vmem>>[vector<16xi32>, vector<16xi32>], vector<16xf32>,
      %add3A_280 = arith.constant 48 : i32
      %add3A_281 = vector.broadcast %add3A_280 : i32 to vector<16xi32>
      %add3A_282 = arith.addi %iota3A, %add3A_281 : vector<16xi32>
      %add3A_283 = arith.constant 48 : i32
      %add3A_284 = arith.addi %mul3A_32, %add3A_283 : i32
      %get3A_285 = arith.index_cast %add3A_284 : i32 to index
      %get3A_286 = tpu.vector_load %arg11[%get3A_285] {strides = array<i32>} : memref<5120xi32, #tpu.memory_space<vmem>>, vector<16xi32>,
      %broadcast_in_dim3A_287 = arith.constant 16 : i32
      %broadcast_in_dim3A_288 = vector.broadcast %broadcast_in_dim3A_287 : i32 to vector<16xi32>
      %gather3A_289 = tpu.vector_load_idx %arg12[%add3A_282, %broadcast_in_dim3A_288] : memref<128x128xf32, #tpu.memory_space<vmem>>[vector<16xi32>, vector<16xi32>], vector<16xf32>,
      %gather3A_290 = tpu.vector_load_idx %arg8[%get3A_286] : memref<10240xf32, #tpu.memory_space<vmem>>[vector<16xi32>], vector<16xf32>,
      %add3A_291 = arith.addf %gather3A_289, %gather3A_290 : vector<16xf32>
      %mul3A_292 = arith.constant 2.000000e-01 : f32
      %mul3A_293 = vector.broadcast %mul3A_292 : f32 to vector<16xf32>
      %mul3A_294 = arith.mulf %mul3A_293, %add3A_291 : vector<16xf32>
      %max3A_295 = arith.maximumf %add3A_291, %mul3A_294 : vector<16xf32>
      %sub3A_296 = arith.subf %max3A_295, %get3A_3 : vector<16xf32>
      %exp3A_297 = math.exp %sub3A_296 : vector<16xf32>
      %broadcast_in_dim3A_298 = arith.constant 16 : i32
      %broadcast_in_dim3A_299 = vector.broadcast %broadcast_in_dim3A_298 : i32 to vector<16xi32>
      tpu.vector_store_idx %arg12[%add3A_282, %broadcast_in_dim3A_299], %exp3A_297 : memref<128x128xf32, #tpu.memory_space<vmem>>[vector<16xi32>, vector<16xi32>], vector<16xf32>,
      %broadcast_in_dim3A_300 = arith.constant 0 : i32
      %broadcast_in_dim3A_301 = vector.broadcast %broadcast_in_dim3A_300 : i32 to vector<16xi32>
      %gather3A_302 = tpu.vector_load_idx %arg12[%add3A_282, %broadcast_in_dim3A_301] : memref<128x128xf32, #tpu.memory_space<vmem>>[vector<16xi32>, vector<16xi32>], vector<16xf32>,
      %mul3A_303 = arith.mulf %gather3A_302, %exp3A_297 : vector<16xf32>
      tpu.vector_store_idx %arg12[%add3A_282, %broadcast_in_dim3A_301], %mul3A_303 : memref<128x128xf32, #tpu.memory_space<vmem>>[vector<16xi32>, vector<16xi32>], vector<16xf32>,
      %broadcast_in_dim3A_304 = arith.constant 1 : i32
      %broadcast_in_dim3A_305 = vector.broadcast %broadcast_in_dim3A_304 : i32 to vector<16xi32>
      %gather3A_306 = tpu.vector_load_idx %arg12[%add3A_282, %broadcast_in_dim3A_305] : memref<128x128xf32, #tpu.memory_space<vmem>>[vector<16xi32>, vector<16xi32>], vector<16xf32>,
      %mul3A_307 = arith.mulf %gather3A_306, %exp3A_297 : vector<16xf32>
      tpu.vector_store_idx %arg12[%add3A_282, %broadcast_in_dim3A_305], %mul3A_307 : memref<128x128xf32, #tpu.memory_space<vmem>>[vector<16xi32>, vector<16xi32>], vector<16xf32>,
      %broadcast_in_dim3A_308 = arith.constant 2 : i32
      %broadcast_in_dim3A_309 = vector.broadcast %broadcast_in_dim3A_308 : i32 to vector<16xi32>
      %gather3A_310 = tpu.vector_load_idx %arg12[%add3A_282, %broadcast_in_dim3A_309] : memref<128x128xf32, #tpu.memory_space<vmem>>[vector<16xi32>, vector<16xi32>], vector<16xf32>,
      %mul3A_311 = arith.mulf %gather3A_310, %exp3A_297 : vector<16xf32>
      tpu.vector_store_idx %arg12[%add3A_282, %broadcast_in_dim3A_309], %mul3A_311 : memref<128x128xf32, #tpu.memory_space<vmem>>[vector<16xi32>, vector<16xi32>], vector<16xf32>,
      %broadcast_in_dim3A_312 = arith.constant 3 : i32
      %broadcast_in_dim3A_313 = vector.broadcast %broadcast_in_dim3A_312 : i32 to vector<16xi32>
      %gather3A_314 = tpu.vector_load_idx %arg12[%add3A_282, %broadcast_in_dim3A_313] : memref<128x128xf32, #tpu.memory_space<vmem>>[vector<16xi32>, vector<16xi32>], vector<16xf32>,
      %mul3A_315 = arith.mulf %gather3A_314, %exp3A_297 : vector<16xf32>
      tpu.vector_store_idx %arg12[%add3A_282, %broadcast_in_dim3A_313], %mul3A_315 : memref<128x128xf32, #tpu.memory_space<vmem>>[vector<16xi32>, vector<16xi32>], vector<16xf32>,
      %broadcast_in_dim3A_316 = arith.constant 4 : i32
      %broadcast_in_dim3A_317 = vector.broadcast %broadcast_in_dim3A_316 : i32 to vector<16xi32>
      %gather3A_318 = tpu.vector_load_idx %arg12[%add3A_282, %broadcast_in_dim3A_317] : memref<128x128xf32, #tpu.memory_space<vmem>>[vector<16xi32>, vector<16xi32>], vector<16xf32>,
      %mul3A_319 = arith.mulf %gather3A_318, %exp3A_297 : vector<16xf32>
      tpu.vector_store_idx %arg12[%add3A_282, %broadcast_in_dim3A_317], %mul3A_319 : memref<128x128xf32, #tpu.memory_space<vmem>>[vector<16xi32>, vector<16xi32>], vector<16xf32>,
      %broadcast_in_dim3A_320 = arith.constant 5 : i32
      %broadcast_in_dim3A_321 = vector.broadcast %broadcast_in_dim3A_320 : i32 to vector<16xi32>
      %gather3A_322 = tpu.vector_load_idx %arg12[%add3A_282, %broadcast_in_dim3A_321] : memref<128x128xf32, #tpu.memory_space<vmem>>[vector<16xi32>, vector<16xi32>], vector<16xf32>,
      %mul3A_323 = arith.mulf %gather3A_322, %exp3A_297 : vector<16xf32>
      tpu.vector_store_idx %arg12[%add3A_282, %broadcast_in_dim3A_321], %mul3A_323 : memref<128x128xf32, #tpu.memory_space<vmem>>[vector<16xi32>, vector<16xi32>], vector<16xf32>,
      %broadcast_in_dim3A_324 = arith.constant 6 : i32
      %broadcast_in_dim3A_325 = vector.broadcast %broadcast_in_dim3A_324 : i32 to vector<16xi32>
      %gather3A_326 = tpu.vector_load_idx %arg12[%add3A_282, %broadcast_in_dim3A_325] : memref<128x128xf32, #tpu.memory_space<vmem>>[vector<16xi32>, vector<16xi32>], vector<16xf32>,
      %mul3A_327 = arith.mulf %gather3A_326, %exp3A_297 : vector<16xf32>
      tpu.vector_store_idx %arg12[%add3A_282, %broadcast_in_dim3A_325], %mul3A_327 : memref<128x128xf32, #tpu.memory_space<vmem>>[vector<16xi32>, vector<16xi32>], vector<16xf32>,
      %broadcast_in_dim3A_328 = arith.constant 7 : i32
      %broadcast_in_dim3A_329 = vector.broadcast %broadcast_in_dim3A_328 : i32 to vector<16xi32>
      %gather3A_330 = tpu.vector_load_idx %arg12[%add3A_282, %broadcast_in_dim3A_329] : memref<128x128xf32, #tpu.memory_space<vmem>>[vector<16xi32>, vector<16xi32>], vector<16xf32>,
      %mul3A_331 = arith.mulf %gather3A_330, %exp3A_297 : vector<16xf32>
      tpu.vector_store_idx %arg12[%add3A_282, %broadcast_in_dim3A_329], %mul3A_331 : memref<128x128xf32, #tpu.memory_space<vmem>>[vector<16xi32>, vector<16xi32>], vector<16xf32>,
      %broadcast_in_dim3A_332 = arith.constant 8 : i32
      %broadcast_in_dim3A_333 = vector.broadcast %broadcast_in_dim3A_332 : i32 to vector<16xi32>
      %gather3A_334 = tpu.vector_load_idx %arg12[%add3A_282, %broadcast_in_dim3A_333] : memref<128x128xf32, #tpu.memory_space<vmem>>[vector<16xi32>, vector<16xi32>], vector<16xf32>,
      %mul3A_335 = arith.mulf %gather3A_334, %exp3A_297 : vector<16xf32>
      tpu.vector_store_idx %arg12[%add3A_282, %broadcast_in_dim3A_333], %mul3A_335 : memref<128x128xf32, #tpu.memory_space<vmem>>[vector<16xi32>, vector<16xi32>], vector<16xf32>,
      %broadcast_in_dim3A_336 = arith.constant 9 : i32
      %broadcast_in_dim3A_337 = vector.broadcast %broadcast_in_dim3A_336 : i32 to vector<16xi32>
      %gather3A_338 = tpu.vector_load_idx %arg12[%add3A_282, %broadcast_in_dim3A_337] : memref<128x128xf32, #tpu.memory_space<vmem>>[vector<16xi32>, vector<16xi32>], vector<16xf32>,
      %mul3A_339 = arith.mulf %gather3A_338, %exp3A_297 : vector<16xf32>
      tpu.vector_store_idx %arg12[%add3A_282, %broadcast_in_dim3A_337], %mul3A_339 : memref<128x128xf32, #tpu.memory_space<vmem>>[vector<16xi32>, vector<16xi32>], vector<16xf32>,
      %broadcast_in_dim3A_340 = arith.constant 10 : i32
      %broadcast_in_dim3A_341 = vector.broadcast %broadcast_in_dim3A_340 : i32 to vector<16xi32>
      %gather3A_342 = tpu.vector_load_idx %arg12[%add3A_282, %broadcast_in_dim3A_341] : memref<128x128xf32, #tpu.memory_space<vmem>>[vector<16xi32>, vector<16xi32>], vector<16xf32>,
      %mul3A_343 = arith.mulf %gather3A_342, %exp3A_297 : vector<16xf32>
      tpu.vector_store_idx %arg12[%add3A_282, %broadcast_in_dim3A_341], %mul3A_343 : memref<128x128xf32, #tpu.memory_space<vmem>>[vector<16xi32>, vector<16xi32>], vector<16xf32>,
      %broadcast_in_dim3A_344 = arith.constant 11 : i32
      %broadcast_in_dim3A_345 = vector.broadcast %broadcast_in_dim3A_344 : i32 to vector<16xi32>
      %gather3A_346 = tpu.vector_load_idx %arg12[%add3A_282, %broadcast_in_dim3A_345] : memref<128x128xf32, #tpu.memory_space<vmem>>[vector<16xi32>, vector<16xi32>], vector<16xf32>,
      %mul3A_347 = arith.mulf %gather3A_346, %exp3A_297 : vector<16xf32>
      tpu.vector_store_idx %arg12[%add3A_282, %broadcast_in_dim3A_345], %mul3A_347 : memref<128x128xf32, #tpu.memory_space<vmem>>[vector<16xi32>, vector<16xi32>], vector<16xf32>,
      %broadcast_in_dim3A_348 = arith.constant 12 : i32
      %broadcast_in_dim3A_349 = vector.broadcast %broadcast_in_dim3A_348 : i32 to vector<16xi32>
      %gather3A_350 = tpu.vector_load_idx %arg12[%add3A_282, %broadcast_in_dim3A_349] : memref<128x128xf32, #tpu.memory_space<vmem>>[vector<16xi32>, vector<16xi32>], vector<16xf32>,
      %mul3A_351 = arith.mulf %gather3A_350, %exp3A_297 : vector<16xf32>
      tpu.vector_store_idx %arg12[%add3A_282, %broadcast_in_dim3A_349], %mul3A_351 : memref<128x128xf32, #tpu.memory_space<vmem>>[vector<16xi32>, vector<16xi32>], vector<16xf32>,
      %broadcast_in_dim3A_352 = arith.constant 13 : i32
      %broadcast_in_dim3A_353 = vector.broadcast %broadcast_in_dim3A_352 : i32 to vector<16xi32>
      %gather3A_354 = tpu.vector_load_idx %arg12[%add3A_282, %broadcast_in_dim3A_353] : memref<128x128xf32, #tpu.memory_space<vmem>>[vector<16xi32>, vector<16xi32>], vector<16xf32>,
      %mul3A_355 = arith.mulf %gather3A_354, %exp3A_297 : vector<16xf32>
      tpu.vector_store_idx %arg12[%add3A_282, %broadcast_in_dim3A_353], %mul3A_355 : memref<128x128xf32, #tpu.memory_space<vmem>>[vector<16xi32>, vector<16xi32>], vector<16xf32>,
      %broadcast_in_dim3A_356 = arith.constant 14 : i32
      %broadcast_in_dim3A_357 = vector.broadcast %broadcast_in_dim3A_356 : i32 to vector<16xi32>
      %gather3A_358 = tpu.vector_load_idx %arg12[%add3A_282, %broadcast_in_dim3A_357] : memref<128x128xf32, #tpu.memory_space<vmem>>[vector<16xi32>, vector<16xi32>], vector<16xf32>,
      %mul3A_359 = arith.mulf %gather3A_358, %exp3A_297 : vector<16xf32>
      tpu.vector_store_idx %arg12[%add3A_282, %broadcast_in_dim3A_357], %mul3A_359 : memref<128x128xf32, #tpu.memory_space<vmem>>[vector<16xi32>, vector<16xi32>], vector<16xf32>,
      %broadcast_in_dim3A_360 = arith.constant 15 : i32
      %broadcast_in_dim3A_361 = vector.broadcast %broadcast_in_dim3A_360 : i32 to vector<16xi32>
      %gather3A_362 = tpu.vector_load_idx %arg12[%add3A_282, %broadcast_in_dim3A_361] : memref<128x128xf32, #tpu.memory_space<vmem>>[vector<16xi32>, vector<16xi32>], vector<16xf32>,
      %mul3A_363 = arith.mulf %gather3A_362, %exp3A_297 : vector<16xf32>
      tpu.vector_store_idx %arg12[%add3A_282, %broadcast_in_dim3A_361], %mul3A_363 : memref<128x128xf32, #tpu.memory_space<vmem>>[vector<16xi32>, vector<16xi32>], vector<16xf32>,
      %add3A_364 = arith.constant 64 : i32
      %add3A_365 = vector.broadcast %add3A_364 : i32 to vector<16xi32>
      %add3A_366 = arith.addi %iota3A, %add3A_365 : vector<16xi32>
      %add3A_367 = arith.constant 64 : i32
      %add3A_368 = arith.addi %mul3A_32, %add3A_367 : i32
      %get3A_369 = arith.index_cast %add3A_368 : i32 to index
      %get3A_370 = tpu.vector_load %arg11[%get3A_369] {strides = array<i32>} : memref<5120xi32, #tpu.memory_space<vmem>>, vector<16xi32>,
      %broadcast_in_dim3A_371 = arith.constant 16 : i32
      %broadcast_in_dim3A_372 = vector.broadcast %broadcast_in_dim3A_371 : i32 to vector<16xi32>
      %gather3A_373 = tpu.vector_load_idx %arg12[%add3A_366, %broadcast_in_dim3A_372] : memref<128x128xf32, #tpu.memory_space<vmem>>[vector<16xi32>, vector<16xi32>], vector<16xf32>,
      %gather3A_374 = tpu.vector_load_idx %arg8[%get3A_370] : memref<10240xf32, #tpu.memory_space<vmem>>[vector<16xi32>], vector<16xf32>,
      %add3A_375 = arith.addf %gather3A_373, %gather3A_374 : vector<16xf32>
      %mul3A_376 = arith.constant 2.000000e-01 : f32
      %mul3A_377 = vector.broadcast %mul3A_376 : f32 to vector<16xf32>
      %mul3A_378 = arith.mulf %mul3A_377, %add3A_375 : vector<16xf32>
      %max3A_379 = arith.maximumf %add3A_375, %mul3A_378 : vector<16xf32>
      %sub3A_380 = arith.subf %max3A_379, %get3A_3 : vector<16xf32>
      %exp3A_381 = math.exp %sub3A_380 : vector<16xf32>
      %broadcast_in_dim3A_382 = arith.constant 16 : i32
      %broadcast_in_dim3A_383 = vector.broadcast %broadcast_in_dim3A_382 : i32 to vector<16xi32>
      tpu.vector_store_idx %arg12[%add3A_366, %broadcast_in_dim3A_383], %exp3A_381 : memref<128x128xf32, #tpu.memory_space<vmem>>[vector<16xi32>, vector<16xi32>], vector<16xf32>,
      %broadcast_in_dim3A_384 = arith.constant 0 : i32
      %broadcast_in_dim3A_385 = vector.broadcast %broadcast_in_dim3A_384 : i32 to vector<16xi32>
      %gather3A_386 = tpu.vector_load_idx %arg12[%add3A_366, %broadcast_in_dim3A_385] : memref<128x128xf32, #tpu.memory_space<vmem>>[vector<16xi32>, vector<16xi32>], vector<16xf32>,
      %mul3A_387 = arith.mulf %gather3A_386, %exp3A_381 : vector<16xf32>
      tpu.vector_store_idx %arg12[%add3A_366, %broadcast_in_dim3A_385], %mul3A_387 : memref<128x128xf32, #tpu.memory_space<vmem>>[vector<16xi32>, vector<16xi32>], vector<16xf32>,
      %broadcast_in_dim3A_388 = arith.constant 1 : i32
      %broadcast_in_dim3A_389 = vector.broadcast %broadcast_in_dim3A_388 : i32 to vector<16xi32>
      %gather3A_390 = tpu.vector_load_idx %arg12[%add3A_366, %broadcast_in_dim3A_389] : memref<128x128xf32, #tpu.memory_space<vmem>>[vector<16xi32>, vector<16xi32>], vector<16xf32>,
      %mul3A_391 = arith.mulf %gather3A_390, %exp3A_381 : vector<16xf32>
      tpu.vector_store_idx %arg12[%add3A_366, %broadcast_in_dim3A_389], %mul3A_391 : memref<128x128xf32, #tpu.memory_space<vmem>>[vector<16xi32>, vector<16xi32>], vector<16xf32>,
      %broadcast_in_dim3A_392 = arith.constant 2 : i32
      %broadcast_in_dim3A_393 = vector.broadcast %broadcast_in_dim3A_392 : i32 to vector<16xi32>
      %gather3A_394 = tpu.vector_load_idx %arg12[%add3A_366, %broadcast_in_dim3A_393] : memref<128x128xf32, #tpu.memory_space<vmem>>[vector<16xi32>, vector<16xi32>], vector<16xf32>,
      %mul3A_395 = arith.mulf %gather3A_394, %exp3A_381 : vector<16xf32>
      tpu.vector_store_idx %arg12[%add3A_366, %broadcast_in_dim3A_393], %mul3A_395 : memref<128x128xf32, #tpu.memory_space<vmem>>[vector<16xi32>, vector<16xi32>], vector<16xf32>,
      %broadcast_in_dim3A_396 = arith.constant 3 : i32
      %broadcast_in_dim3A_397 = vector.broadcast %broadcast_in_dim3A_396 : i32 to vector<16xi32>
      %gather3A_398 = tpu.vector_load_idx %arg12[%add3A_366, %broadcast_in_dim3A_397] : memref<128x128xf32, #tpu.memory_space<vmem>>[vector<16xi32>, vector<16xi32>], vector<16xf32>,
      %mul3A_399 = arith.mulf %gather3A_398, %exp3A_381 : vector<16xf32>
      tpu.vector_store_idx %arg12[%add3A_366, %broadcast_in_dim3A_397], %mul3A_399 : memref<128x128xf32, #tpu.memory_space<vmem>>[vector<16xi32>, vector<16xi32>], vector<16xf32>,
      %broadcast_in_dim3A_400 = arith.constant 4 : i32
      %broadcast_in_dim3A_401 = vector.broadcast %broadcast_in_dim3A_400 : i32 to vector<16xi32>
      %gather3A_402 = tpu.vector_load_idx %arg12[%add3A_366, %broadcast_in_dim3A_401] : memref<128x128xf32, #tpu.memory_space<vmem>>[vector<16xi32>, vector<16xi32>], vector<16xf32>,
      %mul3A_403 = arith.mulf %gather3A_402, %exp3A_381 : vector<16xf32>
      tpu.vector_store_idx %arg12[%add3A_366, %broadcast_in_dim3A_401], %mul3A_403 : memref<128x128xf32, #tpu.memory_space<vmem>>[vector<16xi32>, vector<16xi32>], vector<16xf32>,
      %broadcast_in_dim3A_404 = arith.constant 5 : i32
      %broadcast_in_dim3A_405 = vector.broadcast %broadcast_in_dim3A_404 : i32 to vector<16xi32>
      %gather3A_406 = tpu.vector_load_idx %arg12[%add3A_366, %broadcast_in_dim3A_405] : memref<128x128xf32, #tpu.memory_space<vmem>>[vector<16xi32>, vector<16xi32>], vector<16xf32>,
      %mul3A_407 = arith.mulf %gather3A_406, %exp3A_381 : vector<16xf32>
      tpu.vector_store_idx %arg12[%add3A_366, %broadcast_in_dim3A_405], %mul3A_407 : memref<128x128xf32, #tpu.memory_space<vmem>>[vector<16xi32>, vector<16xi32>], vector<16xf32>,
      %broadcast_in_dim3A_408 = arith.constant 6 : i32
      %broadcast_in_dim3A_409 = vector.broadcast %broadcast_in_dim3A_408 : i32 to vector<16xi32>
      %gather3A_410 = tpu.vector_load_idx %arg12[%add3A_366, %broadcast_in_dim3A_409] : memref<128x128xf32, #tpu.memory_space<vmem>>[vector<16xi32>, vector<16xi32>], vector<16xf32>,
      %mul3A_411 = arith.mulf %gather3A_410, %exp3A_381 : vector<16xf32>
      tpu.vector_store_idx %arg12[%add3A_366, %broadcast_in_dim3A_409], %mul3A_411 : memref<128x128xf32, #tpu.memory_space<vmem>>[vector<16xi32>, vector<16xi32>], vector<16xf32>,
      %broadcast_in_dim3A_412 = arith.constant 7 : i32
      %broadcast_in_dim3A_413 = vector.broadcast %broadcast_in_dim3A_412 : i32 to vector<16xi32>
      %gather3A_414 = tpu.vector_load_idx %arg12[%add3A_366, %broadcast_in_dim3A_413] : memref<128x128xf32, #tpu.memory_space<vmem>>[vector<16xi32>, vector<16xi32>], vector<16xf32>,
      %mul3A_415 = arith.mulf %gather3A_414, %exp3A_381 : vector<16xf32>
      tpu.vector_store_idx %arg12[%add3A_366, %broadcast_in_dim3A_413], %mul3A_415 : memref<128x128xf32, #tpu.memory_space<vmem>>[vector<16xi32>, vector<16xi32>], vector<16xf32>,
      %broadcast_in_dim3A_416 = arith.constant 8 : i32
      %broadcast_in_dim3A_417 = vector.broadcast %broadcast_in_dim3A_416 : i32 to vector<16xi32>
      %gather3A_418 = tpu.vector_load_idx %arg12[%add3A_366, %broadcast_in_dim3A_417] : memref<128x128xf32, #tpu.memory_space<vmem>>[vector<16xi32>, vector<16xi32>], vector<16xf32>,
      %mul3A_419 = arith.mulf %gather3A_418, %exp3A_381 : vector<16xf32>
      tpu.vector_store_idx %arg12[%add3A_366, %broadcast_in_dim3A_417], %mul3A_419 : memref<128x128xf32, #tpu.memory_space<vmem>>[vector<16xi32>, vector<16xi32>], vector<16xf32>,
      %broadcast_in_dim3A_420 = arith.constant 9 : i32
      %broadcast_in_dim3A_421 = vector.broadcast %broadcast_in_dim3A_420 : i32 to vector<16xi32>
      %gather3A_422 = tpu.vector_load_idx %arg12[%add3A_366, %broadcast_in_dim3A_421] : memref<128x128xf32, #tpu.memory_space<vmem>>[vector<16xi32>, vector<16xi32>], vector<16xf32>,
      %mul3A_423 = arith.mulf %gather3A_422, %exp3A_381 : vector<16xf32>
      tpu.vector_store_idx %arg12[%add3A_366, %broadcast_in_dim3A_421], %mul3A_423 : memref<128x128xf32, #tpu.memory_space<vmem>>[vector<16xi32>, vector<16xi32>], vector<16xf32>,
      %broadcast_in_dim3A_424 = arith.constant 10 : i32
      %broadcast_in_dim3A_425 = vector.broadcast %broadcast_in_dim3A_424 : i32 to vector<16xi32>
      %gather3A_426 = tpu.vector_load_idx %arg12[%add3A_366, %broadcast_in_dim3A_425] : memref<128x128xf32, #tpu.memory_space<vmem>>[vector<16xi32>, vector<16xi32>], vector<16xf32>,
      %mul3A_427 = arith.mulf %gather3A_426, %exp3A_381 : vector<16xf32>
      tpu.vector_store_idx %arg12[%add3A_366, %broadcast_in_dim3A_425], %mul3A_427 : memref<128x128xf32, #tpu.memory_space<vmem>>[vector<16xi32>, vector<16xi32>], vector<16xf32>,
      %broadcast_in_dim3A_428 = arith.constant 11 : i32
      %broadcast_in_dim3A_429 = vector.broadcast %broadcast_in_dim3A_428 : i32 to vector<16xi32>
      %gather3A_430 = tpu.vector_load_idx %arg12[%add3A_366, %broadcast_in_dim3A_429] : memref<128x128xf32, #tpu.memory_space<vmem>>[vector<16xi32>, vector<16xi32>], vector<16xf32>,
      %mul3A_431 = arith.mulf %gather3A_430, %exp3A_381 : vector<16xf32>
      tpu.vector_store_idx %arg12[%add3A_366, %broadcast_in_dim3A_429], %mul3A_431 : memref<128x128xf32, #tpu.memory_space<vmem>>[vector<16xi32>, vector<16xi32>], vector<16xf32>,
      %broadcast_in_dim3A_432 = arith.constant 12 : i32
      %broadcast_in_dim3A_433 = vector.broadcast %broadcast_in_dim3A_432 : i32 to vector<16xi32>
      %gather3A_434 = tpu.vector_load_idx %arg12[%add3A_366, %broadcast_in_dim3A_433] : memref<128x128xf32, #tpu.memory_space<vmem>>[vector<16xi32>, vector<16xi32>], vector<16xf32>,
      %mul3A_435 = arith.mulf %gather3A_434, %exp3A_381 : vector<16xf32>
      tpu.vector_store_idx %arg12[%add3A_366, %broadcast_in_dim3A_433], %mul3A_435 : memref<128x128xf32, #tpu.memory_space<vmem>>[vector<16xi32>, vector<16xi32>], vector<16xf32>,
      %broadcast_in_dim3A_436 = arith.constant 13 : i32
      %broadcast_in_dim3A_437 = vector.broadcast %broadcast_in_dim3A_436 : i32 to vector<16xi32>
      %gather3A_438 = tpu.vector_load_idx %arg12[%add3A_366, %broadcast_in_dim3A_437] : memref<128x128xf32, #tpu.memory_space<vmem>>[vector<16xi32>, vector<16xi32>], vector<16xf32>,
      %mul3A_439 = arith.mulf %gather3A_438, %exp3A_381 : vector<16xf32>
      tpu.vector_store_idx %arg12[%add3A_366, %broadcast_in_dim3A_437], %mul3A_439 : memref<128x128xf32, #tpu.memory_space<vmem>>[vector<16xi32>, vector<16xi32>], vector<16xf32>,
      %broadcast_in_dim3A_440 = arith.constant 14 : i32
      %broadcast_in_dim3A_441 = vector.broadcast %broadcast_in_dim3A_440 : i32 to vector<16xi32>
      %gather3A_442 = tpu.vector_load_idx %arg12[%add3A_366, %broadcast_in_dim3A_441] : memref<128x128xf32, #tpu.memory_space<vmem>>[vector<16xi32>, vector<16xi32>], vector<16xf32>,
      %mul3A_443 = arith.mulf %gather3A_442, %exp3A_381 : vector<16xf32>
      tpu.vector_store_idx %arg12[%add3A_366, %broadcast_in_dim3A_441], %mul3A_443 : memref<128x128xf32, #tpu.memory_space<vmem>>[vector<16xi32>, vector<16xi32>], vector<16xf32>,
      %broadcast_in_dim3A_444 = arith.constant 15 : i32
      %broadcast_in_dim3A_445 = vector.broadcast %broadcast_in_dim3A_444 : i32 to vector<16xi32>
      %gather3A_446 = tpu.vector_load_idx %arg12[%add3A_366, %broadcast_in_dim3A_445] : memref<128x128xf32, #tpu.memory_space<vmem>>[vector<16xi32>, vector<16xi32>], vector<16xf32>,
      %mul3A_447 = arith.mulf %gather3A_446, %exp3A_381 : vector<16xf32>
      tpu.vector_store_idx %arg12[%add3A_366, %broadcast_in_dim3A_445], %mul3A_447 : memref<128x128xf32, #tpu.memory_space<vmem>>[vector<16xi32>, vector<16xi32>], vector<16xf32>,
      %add3A_448 = arith.constant 80 : i32
      %add3A_449 = vector.broadcast %add3A_448 : i32 to vector<16xi32>
      %add3A_450 = arith.addi %iota3A, %add3A_449 : vector<16xi32>
      %add3A_451 = arith.constant 80 : i32
      %add3A_452 = arith.addi %mul3A_32, %add3A_451 : i32
      %get3A_453 = arith.index_cast %add3A_452 : i32 to index
      %get3A_454 = tpu.vector_load %arg11[%get3A_453] {strides = array<i32>} : memref<5120xi32, #tpu.memory_space<vmem>>, vector<16xi32>,
      %broadcast_in_dim3A_455 = arith.constant 16 : i32
      %broadcast_in_dim3A_456 = vector.broadcast %broadcast_in_dim3A_455 : i32 to vector<16xi32>
      %gather3A_457 = tpu.vector_load_idx %arg12[%add3A_450, %broadcast_in_dim3A_456] : memref<128x128xf32, #tpu.memory_space<vmem>>[vector<16xi32>, vector<16xi32>], vector<16xf32>,
      %gather3A_458 = tpu.vector_load_idx %arg8[%get3A_454] : memref<10240xf32, #tpu.memory_space<vmem>>[vector<16xi32>], vector<16xf32>,
      %add3A_459 = arith.addf %gather3A_457, %gather3A_458 : vector<16xf32>
      %mul3A_460 = arith.constant 2.000000e-01 : f32
      %mul3A_461 = vector.broadcast %mul3A_460 : f32 to vector<16xf32>
      %mul3A_462 = arith.mulf %mul3A_461, %add3A_459 : vector<16xf32>
      %max3A_463 = arith.maximumf %add3A_459, %mul3A_462 : vector<16xf32>
      %sub3A_464 = arith.subf %max3A_463, %get3A_3 : vector<16xf32>
      %exp3A_465 = math.exp %sub3A_464 : vector<16xf32>
      %broadcast_in_dim3A_466 = arith.constant 16 : i32
      %broadcast_in_dim3A_467 = vector.broadcast %broadcast_in_dim3A_466 : i32 to vector<16xi32>
      tpu.vector_store_idx %arg12[%add3A_450, %broadcast_in_dim3A_467], %exp3A_465 : memref<128x128xf32, #tpu.memory_space<vmem>>[vector<16xi32>, vector<16xi32>], vector<16xf32>,
      %broadcast_in_dim3A_468 = arith.constant 0 : i32
      %broadcast_in_dim3A_469 = vector.broadcast %broadcast_in_dim3A_468 : i32 to vector<16xi32>
      %gather3A_470 = tpu.vector_load_idx %arg12[%add3A_450, %broadcast_in_dim3A_469] : memref<128x128xf32, #tpu.memory_space<vmem>>[vector<16xi32>, vector<16xi32>], vector<16xf32>,
      %mul3A_471 = arith.mulf %gather3A_470, %exp3A_465 : vector<16xf32>
      tpu.vector_store_idx %arg12[%add3A_450, %broadcast_in_dim3A_469], %mul3A_471 : memref<128x128xf32, #tpu.memory_space<vmem>>[vector<16xi32>, vector<16xi32>], vector<16xf32>,
      %broadcast_in_dim3A_472 = arith.constant 1 : i32
      %broadcast_in_dim3A_473 = vector.broadcast %broadcast_in_dim3A_472 : i32 to vector<16xi32>
      %gather3A_474 = tpu.vector_load_idx %arg12[%add3A_450, %broadcast_in_dim3A_473] : memref<128x128xf32, #tpu.memory_space<vmem>>[vector<16xi32>, vector<16xi32>], vector<16xf32>,
      %mul3A_475 = arith.mulf %gather3A_474, %exp3A_465 : vector<16xf32>
      tpu.vector_store_idx %arg12[%add3A_450, %broadcast_in_dim3A_473], %mul3A_475 : memref<128x128xf32, #tpu.memory_space<vmem>>[vector<16xi32>, vector<16xi32>], vector<16xf32>,
      %broadcast_in_dim3A_476 = arith.constant 2 : i32
      %broadcast_in_dim3A_477 = vector.broadcast %broadcast_in_dim3A_476 : i32 to vector<16xi32>
      %gather3A_478 = tpu.vector_load_idx %arg12[%add3A_450, %broadcast_in_dim3A_477] : memref<128x128xf32, #tpu.memory_space<vmem>>[vector<16xi32>, vector<16xi32>], vector<16xf32>,
      %mul3A_479 = arith.mulf %gather3A_478, %exp3A_465 : vector<16xf32>
      tpu.vector_store_idx %arg12[%add3A_450, %broadcast_in_dim3A_477], %mul3A_479 : memref<128x128xf32, #tpu.memory_space<vmem>>[vector<16xi32>, vector<16xi32>], vector<16xf32>,
      %broadcast_in_dim3A_480 = arith.constant 3 : i32
      %broadcast_in_dim3A_481 = vector.broadcast %broadcast_in_dim3A_480 : i32 to vector<16xi32>
      %gather3A_482 = tpu.vector_load_idx %arg12[%add3A_450, %broadcast_in_dim3A_481] : memref<128x128xf32, #tpu.memory_space<vmem>>[vector<16xi32>, vector<16xi32>], vector<16xf32>,
      %mul3A_483 = arith.mulf %gather3A_482, %exp3A_465 : vector<16xf32>
      tpu.vector_store_idx %arg12[%add3A_450, %broadcast_in_dim3A_481], %mul3A_483 : memref<128x128xf32, #tpu.memory_space<vmem>>[vector<16xi32>, vector<16xi32>], vector<16xf32>,
      %broadcast_in_dim3A_484 = arith.constant 4 : i32
      %broadcast_in_dim3A_485 = vector.broadcast %broadcast_in_dim3A_484 : i32 to vector<16xi32>
      %gather3A_486 = tpu.vector_load_idx %arg12[%add3A_450, %broadcast_in_dim3A_485] : memref<128x128xf32, #tpu.memory_space<vmem>>[vector<16xi32>, vector<16xi32>], vector<16xf32>,
      %mul3A_487 = arith.mulf %gather3A_486, %exp3A_465 : vector<16xf32>
      tpu.vector_store_idx %arg12[%add3A_450, %broadcast_in_dim3A_485], %mul3A_487 : memref<128x128xf32, #tpu.memory_space<vmem>>[vector<16xi32>, vector<16xi32>], vector<16xf32>,
      %broadcast_in_dim3A_488 = arith.constant 5 : i32
      %broadcast_in_dim3A_489 = vector.broadcast %broadcast_in_dim3A_488 : i32 to vector<16xi32>
      %gather3A_490 = tpu.vector_load_idx %arg12[%add3A_450, %broadcast_in_dim3A_489] : memref<128x128xf32, #tpu.memory_space<vmem>>[vector<16xi32>, vector<16xi32>], vector<16xf32>,
      %mul3A_491 = arith.mulf %gather3A_490, %exp3A_465 : vector<16xf32>
      tpu.vector_store_idx %arg12[%add3A_450, %broadcast_in_dim3A_489], %mul3A_491 : memref<128x128xf32, #tpu.memory_space<vmem>>[vector<16xi32>, vector<16xi32>], vector<16xf32>,
      %broadcast_in_dim3A_492 = arith.constant 6 : i32
      %broadcast_in_dim3A_493 = vector.broadcast %broadcast_in_dim3A_492 : i32 to vector<16xi32>
      %gather3A_494 = tpu.vector_load_idx %arg12[%add3A_450, %broadcast_in_dim3A_493] : memref<128x128xf32, #tpu.memory_space<vmem>>[vector<16xi32>, vector<16xi32>], vector<16xf32>,
      %mul3A_495 = arith.mulf %gather3A_494, %exp3A_465 : vector<16xf32>
      tpu.vector_store_idx %arg12[%add3A_450, %broadcast_in_dim3A_493], %mul3A_495 : memref<128x128xf32, #tpu.memory_space<vmem>>[vector<16xi32>, vector<16xi32>], vector<16xf32>,
      %broadcast_in_dim3A_496 = arith.constant 7 : i32
      %broadcast_in_dim3A_497 = vector.broadcast %broadcast_in_dim3A_496 : i32 to vector<16xi32>
      %gather3A_498 = tpu.vector_load_idx %arg12[%add3A_450, %broadcast_in_dim3A_497] : memref<128x128xf32, #tpu.memory_space<vmem>>[vector<16xi32>, vector<16xi32>], vector<16xf32>,
      %mul3A_499 = arith.mulf %gather3A_498, %exp3A_465 : vector<16xf32>
      tpu.vector_store_idx %arg12[%add3A_450, %broadcast_in_dim3A_497], %mul3A_499 : memref<128x128xf32, #tpu.memory_space<vmem>>[vector<16xi32>, vector<16xi32>], vector<16xf32>,
      %broadcast_in_dim3A_500 = arith.constant 8 : i32
      %broadcast_in_dim3A_501 = vector.broadcast %broadcast_in_dim3A_500 : i32 to vector<16xi32>
      %gather3A_502 = tpu.vector_load_idx %arg12[%add3A_450, %broadcast_in_dim3A_501] : memref<128x128xf32, #tpu.memory_space<vmem>>[vector<16xi32>, vector<16xi32>], vector<16xf32>,
      %mul3A_503 = arith.mulf %gather3A_502, %exp3A_465 : vector<16xf32>
      tpu.vector_store_idx %arg12[%add3A_450, %broadcast_in_dim3A_501], %mul3A_503 : memref<128x128xf32, #tpu.memory_space<vmem>>[vector<16xi32>, vector<16xi32>], vector<16xf32>,
      %broadcast_in_dim3A_504 = arith.constant 9 : i32
      %broadcast_in_dim3A_505 = vector.broadcast %broadcast_in_dim3A_504 : i32 to vector<16xi32>
      %gather3A_506 = tpu.vector_load_idx %arg12[%add3A_450, %broadcast_in_dim3A_505] : memref<128x128xf32, #tpu.memory_space<vmem>>[vector<16xi32>, vector<16xi32>], vector<16xf32>,
      %mul3A_507 = arith.mulf %gather3A_506, %exp3A_465 : vector<16xf32>
      tpu.vector_store_idx %arg12[%add3A_450, %broadcast_in_dim3A_505], %mul3A_507 : memref<128x128xf32, #tpu.memory_space<vmem>>[vector<16xi32>, vector<16xi32>], vector<16xf32>,
      %broadcast_in_dim3A_508 = arith.constant 10 : i32
      %broadcast_in_dim3A_509 = vector.broadcast %broadcast_in_dim3A_508 : i32 to vector<16xi32>
      %gather3A_510 = tpu.vector_load_idx %arg12[%add3A_450, %broadcast_in_dim3A_509] : memref<128x128xf32, #tpu.memory_space<vmem>>[vector<16xi32>, vector<16xi32>], vector<16xf32>,
      %mul3A_511 = arith.mulf %gather3A_510, %exp3A_465 : vector<16xf32>
      tpu.vector_store_idx %arg12[%add3A_450, %broadcast_in_dim3A_509], %mul3A_511 : memref<128x128xf32, #tpu.memory_space<vmem>>[vector<16xi32>, vector<16xi32>], vector<16xf32>,
      %broadcast_in_dim3A_512 = arith.constant 11 : i32
      %broadcast_in_dim3A_513 = vector.broadcast %broadcast_in_dim3A_512 : i32 to vector<16xi32>
      %gather3A_514 = tpu.vector_load_idx %arg12[%add3A_450, %broadcast_in_dim3A_513] : memref<128x128xf32, #tpu.memory_space<vmem>>[vector<16xi32>, vector<16xi32>], vector<16xf32>,
      %mul3A_515 = arith.mulf %gather3A_514, %exp3A_465 : vector<16xf32>
      tpu.vector_store_idx %arg12[%add3A_450, %broadcast_in_dim3A_513], %mul3A_515 : memref<128x128xf32, #tpu.memory_space<vmem>>[vector<16xi32>, vector<16xi32>], vector<16xf32>,
      %broadcast_in_dim3A_516 = arith.constant 12 : i32
      %broadcast_in_dim3A_517 = vector.broadcast %broadcast_in_dim3A_516 : i32 to vector<16xi32>
      %gather3A_518 = tpu.vector_load_idx %arg12[%add3A_450, %broadcast_in_dim3A_517] : memref<128x128xf32, #tpu.memory_space<vmem>>[vector<16xi32>, vector<16xi32>], vector<16xf32>,
      %mul3A_519 = arith.mulf %gather3A_518, %exp3A_465 : vector<16xf32>
      tpu.vector_store_idx %arg12[%add3A_450, %broadcast_in_dim3A_517], %mul3A_519 : memref<128x128xf32, #tpu.memory_space<vmem>>[vector<16xi32>, vector<16xi32>], vector<16xf32>,
      %broadcast_in_dim3A_520 = arith.constant 13 : i32
      %broadcast_in_dim3A_521 = vector.broadcast %broadcast_in_dim3A_520 : i32 to vector<16xi32>
      %gather3A_522 = tpu.vector_load_idx %arg12[%add3A_450, %broadcast_in_dim3A_521] : memref<128x128xf32, #tpu.memory_space<vmem>>[vector<16xi32>, vector<16xi32>], vector<16xf32>,
      %mul3A_523 = arith.mulf %gather3A_522, %exp3A_465 : vector<16xf32>
      tpu.vector_store_idx %arg12[%add3A_450, %broadcast_in_dim3A_521], %mul3A_523 : memref<128x128xf32, #tpu.memory_space<vmem>>[vector<16xi32>, vector<16xi32>], vector<16xf32>,
      %broadcast_in_dim3A_524 = arith.constant 14 : i32
      %broadcast_in_dim3A_525 = vector.broadcast %broadcast_in_dim3A_524 : i32 to vector<16xi32>
      %gather3A_526 = tpu.vector_load_idx %arg12[%add3A_450, %broadcast_in_dim3A_525] : memref<128x128xf32, #tpu.memory_space<vmem>>[vector<16xi32>, vector<16xi32>], vector<16xf32>,
      %mul3A_527 = arith.mulf %gather3A_526, %exp3A_465 : vector<16xf32>
      tpu.vector_store_idx %arg12[%add3A_450, %broadcast_in_dim3A_525], %mul3A_527 : memref<128x128xf32, #tpu.memory_space<vmem>>[vector<16xi32>, vector<16xi32>], vector<16xf32>,
      %broadcast_in_dim3A_528 = arith.constant 15 : i32
      %broadcast_in_dim3A_529 = vector.broadcast %broadcast_in_dim3A_528 : i32 to vector<16xi32>
      %gather3A_530 = tpu.vector_load_idx %arg12[%add3A_450, %broadcast_in_dim3A_529] : memref<128x128xf32, #tpu.memory_space<vmem>>[vector<16xi32>, vector<16xi32>], vector<16xf32>,
      %mul3A_531 = arith.mulf %gather3A_530, %exp3A_465 : vector<16xf32>
      tpu.vector_store_idx %arg12[%add3A_450, %broadcast_in_dim3A_529], %mul3A_531 : memref<128x128xf32, #tpu.memory_space<vmem>>[vector<16xi32>, vector<16xi32>], vector<16xf32>,
      %add3A_532 = arith.constant 96 : i32
      %add3A_533 = vector.broadcast %add3A_532 : i32 to vector<16xi32>
      %add3A_534 = arith.addi %iota3A, %add3A_533 : vector<16xi32>
      %add3A_535 = arith.constant 96 : i32
      %add3A_536 = arith.addi %mul3A_32, %add3A_535 : i32
      %get3A_537 = arith.index_cast %add3A_536 : i32 to index
      %get3A_538 = tpu.vector_load %arg11[%get3A_537] {strides = array<i32>} : memref<5120xi32, #tpu.memory_space<vmem>>, vector<16xi32>,
      %broadcast_in_dim3A_539 = arith.constant 16 : i32
      %broadcast_in_dim3A_540 = vector.broadcast %broadcast_in_dim3A_539 : i32 to vector<16xi32>
      %gather3A_541 = tpu.vector_load_idx %arg12[%add3A_534, %broadcast_in_dim3A_540] : memref<128x128xf32, #tpu.memory_space<vmem>>[vector<16xi32>, vector<16xi32>], vector<16xf32>,
      %gather3A_542 = tpu.vector_load_idx %arg8[%get3A_538] : memref<10240xf32, #tpu.memory_space<vmem>>[vector<16xi32>], vector<16xf32>,
      %add3A_543 = arith.addf %gather3A_541, %gather3A_542 : vector<16xf32>
      %mul3A_544 = arith.constant 2.000000e-01 : f32
      %mul3A_545 = vector.broadcast %mul3A_544 : f32 to vector<16xf32>
      %mul3A_546 = arith.mulf %mul3A_545, %add3A_543 : vector<16xf32>
      %max3A_547 = arith.maximumf %add3A_543, %mul3A_546 : vector<16xf32>
      %sub3A_548 = arith.subf %max3A_547, %get3A_3 : vector<16xf32>
      %exp3A_549 = math.exp %sub3A_548 : vector<16xf32>
      %broadcast_in_dim3A_550 = arith.constant 16 : i32
      %broadcast_in_dim3A_551 = vector.broadcast %broadcast_in_dim3A_550 : i32 to vector<16xi32>
      tpu.vector_store_idx %arg12[%add3A_534, %broadcast_in_dim3A_551], %exp3A_549 : memref<128x128xf32, #tpu.memory_space<vmem>>[vector<16xi32>, vector<16xi32>], vector<16xf32>,
      %broadcast_in_dim3A_552 = arith.constant 0 : i32
      %broadcast_in_dim3A_553 = vector.broadcast %broadcast_in_dim3A_552 : i32 to vector<16xi32>
      %gather3A_554 = tpu.vector_load_idx %arg12[%add3A_534, %broadcast_in_dim3A_553] : memref<128x128xf32, #tpu.memory_space<vmem>>[vector<16xi32>, vector<16xi32>], vector<16xf32>,
      %mul3A_555 = arith.mulf %gather3A_554, %exp3A_549 : vector<16xf32>
      tpu.vector_store_idx %arg12[%add3A_534, %broadcast_in_dim3A_553], %mul3A_555 : memref<128x128xf32, #tpu.memory_space<vmem>>[vector<16xi32>, vector<16xi32>], vector<16xf32>,
      %broadcast_in_dim3A_556 = arith.constant 1 : i32
      %broadcast_in_dim3A_557 = vector.broadcast %broadcast_in_dim3A_556 : i32 to vector<16xi32>
      %gather3A_558 = tpu.vector_load_idx %arg12[%add3A_534, %broadcast_in_dim3A_557] : memref<128x128xf32, #tpu.memory_space<vmem>>[vector<16xi32>, vector<16xi32>], vector<16xf32>,
      %mul3A_559 = arith.mulf %gather3A_558, %exp3A_549 : vector<16xf32>
      tpu.vector_store_idx %arg12[%add3A_534, %broadcast_in_dim3A_557], %mul3A_559 : memref<128x128xf32, #tpu.memory_space<vmem>>[vector<16xi32>, vector<16xi32>], vector<16xf32>,
      %broadcast_in_dim3A_560 = arith.constant 2 : i32
      %broadcast_in_dim3A_561 = vector.broadcast %broadcast_in_dim3A_560 : i32 to vector<16xi32>
      %gather3A_562 = tpu.vector_load_idx %arg12[%add3A_534, %broadcast_in_dim3A_561] : memref<128x128xf32, #tpu.memory_space<vmem>>[vector<16xi32>, vector<16xi32>], vector<16xf32>,
      %mul3A_563 = arith.mulf %gather3A_562, %exp3A_549 : vector<16xf32>
      tpu.vector_store_idx %arg12[%add3A_534, %broadcast_in_dim3A_561], %mul3A_563 : memref<128x128xf32, #tpu.memory_space<vmem>>[vector<16xi32>, vector<16xi32>], vector<16xf32>,
      %broadcast_in_dim3A_564 = arith.constant 3 : i32
      %broadcast_in_dim3A_565 = vector.broadcast %broadcast_in_dim3A_564 : i32 to vector<16xi32>
      %gather3A_566 = tpu.vector_load_idx %arg12[%add3A_534, %broadcast_in_dim3A_565] : memref<128x128xf32, #tpu.memory_space<vmem>>[vector<16xi32>, vector<16xi32>], vector<16xf32>,
      %mul3A_567 = arith.mulf %gather3A_566, %exp3A_549 : vector<16xf32>
      tpu.vector_store_idx %arg12[%add3A_534, %broadcast_in_dim3A_565], %mul3A_567 : memref<128x128xf32, #tpu.memory_space<vmem>>[vector<16xi32>, vector<16xi32>], vector<16xf32>,
      %broadcast_in_dim3A_568 = arith.constant 4 : i32
      %broadcast_in_dim3A_569 = vector.broadcast %broadcast_in_dim3A_568 : i32 to vector<16xi32>
      %gather3A_570 = tpu.vector_load_idx %arg12[%add3A_534, %broadcast_in_dim3A_569] : memref<128x128xf32, #tpu.memory_space<vmem>>[vector<16xi32>, vector<16xi32>], vector<16xf32>,
      %mul3A_571 = arith.mulf %gather3A_570, %exp3A_549 : vector<16xf32>
      tpu.vector_store_idx %arg12[%add3A_534, %broadcast_in_dim3A_569], %mul3A_571 : memref<128x128xf32, #tpu.memory_space<vmem>>[vector<16xi32>, vector<16xi32>], vector<16xf32>,
      %broadcast_in_dim3A_572 = arith.constant 5 : i32
      %broadcast_in_dim3A_573 = vector.broadcast %broadcast_in_dim3A_572 : i32 to vector<16xi32>
      %gather3A_574 = tpu.vector_load_idx %arg12[%add3A_534, %broadcast_in_dim3A_573] : memref<128x128xf32, #tpu.memory_space<vmem>>[vector<16xi32>, vector<16xi32>], vector<16xf32>,
      %mul3A_575 = arith.mulf %gather3A_574, %exp3A_549 : vector<16xf32>
      tpu.vector_store_idx %arg12[%add3A_534, %broadcast_in_dim3A_573], %mul3A_575 : memref<128x128xf32, #tpu.memory_space<vmem>>[vector<16xi32>, vector<16xi32>], vector<16xf32>,
      %broadcast_in_dim3A_576 = arith.constant 6 : i32
      %broadcast_in_dim3A_577 = vector.broadcast %broadcast_in_dim3A_576 : i32 to vector<16xi32>
      %gather3A_578 = tpu.vector_load_idx %arg12[%add3A_534, %broadcast_in_dim3A_577] : memref<128x128xf32, #tpu.memory_space<vmem>>[vector<16xi32>, vector<16xi32>], vector<16xf32>,
      %mul3A_579 = arith.mulf %gather3A_578, %exp3A_549 : vector<16xf32>
      tpu.vector_store_idx %arg12[%add3A_534, %broadcast_in_dim3A_577], %mul3A_579 : memref<128x128xf32, #tpu.memory_space<vmem>>[vector<16xi32>, vector<16xi32>], vector<16xf32>,
      %broadcast_in_dim3A_580 = arith.constant 7 : i32
      %broadcast_in_dim3A_581 = vector.broadcast %broadcast_in_dim3A_580 : i32 to vector<16xi32>
      %gather3A_582 = tpu.vector_load_idx %arg12[%add3A_534, %broadcast_in_dim3A_581] : memref<128x128xf32, #tpu.memory_space<vmem>>[vector<16xi32>, vector<16xi32>], vector<16xf32>,
      %mul3A_583 = arith.mulf %gather3A_582, %exp3A_549 : vector<16xf32>
      tpu.vector_store_idx %arg12[%add3A_534, %broadcast_in_dim3A_581], %mul3A_583 : memref<128x128xf32, #tpu.memory_space<vmem>>[vector<16xi32>, vector<16xi32>], vector<16xf32>,
      %broadcast_in_dim3A_584 = arith.constant 8 : i32
      %broadcast_in_dim3A_585 = vector.broadcast %broadcast_in_dim3A_584 : i32 to vector<16xi32>
      %gather3A_586 = tpu.vector_load_idx %arg12[%add3A_534, %broadcast_in_dim3A_585] : memref<128x128xf32, #tpu.memory_space<vmem>>[vector<16xi32>, vector<16xi32>], vector<16xf32>,
      %mul3A_587 = arith.mulf %gather3A_586, %exp3A_549 : vector<16xf32>
      tpu.vector_store_idx %arg12[%add3A_534, %broadcast_in_dim3A_585], %mul3A_587 : memref<128x128xf32, #tpu.memory_space<vmem>>[vector<16xi32>, vector<16xi32>], vector<16xf32>,
      %broadcast_in_dim3A_588 = arith.constant 9 : i32
      %broadcast_in_dim3A_589 = vector.broadcast %broadcast_in_dim3A_588 : i32 to vector<16xi32>
      %gather3A_590 = tpu.vector_load_idx %arg12[%add3A_534, %broadcast_in_dim3A_589] : memref<128x128xf32, #tpu.memory_space<vmem>>[vector<16xi32>, vector<16xi32>], vector<16xf32>,
      %mul3A_591 = arith.mulf %gather3A_590, %exp3A_549 : vector<16xf32>
      tpu.vector_store_idx %arg12[%add3A_534, %broadcast_in_dim3A_589], %mul3A_591 : memref<128x128xf32, #tpu.memory_space<vmem>>[vector<16xi32>, vector<16xi32>], vector<16xf32>,
      %broadcast_in_dim3A_592 = arith.constant 10 : i32
      %broadcast_in_dim3A_593 = vector.broadcast %broadcast_in_dim3A_592 : i32 to vector<16xi32>
      %gather3A_594 = tpu.vector_load_idx %arg12[%add3A_534, %broadcast_in_dim3A_593] : memref<128x128xf32, #tpu.memory_space<vmem>>[vector<16xi32>, vector<16xi32>], vector<16xf32>,
      %mul3A_595 = arith.mulf %gather3A_594, %exp3A_549 : vector<16xf32>
      tpu.vector_store_idx %arg12[%add3A_534, %broadcast_in_dim3A_593], %mul3A_595 : memref<128x128xf32, #tpu.memory_space<vmem>>[vector<16xi32>, vector<16xi32>], vector<16xf32>,
      %broadcast_in_dim3A_596 = arith.constant 11 : i32
      %broadcast_in_dim3A_597 = vector.broadcast %broadcast_in_dim3A_596 : i32 to vector<16xi32>
      %gather3A_598 = tpu.vector_load_idx %arg12[%add3A_534, %broadcast_in_dim3A_597] : memref<128x128xf32, #tpu.memory_space<vmem>>[vector<16xi32>, vector<16xi32>], vector<16xf32>,
      %mul3A_599 = arith.mulf %gather3A_598, %exp3A_549 : vector<16xf32>
      tpu.vector_store_idx %arg12[%add3A_534, %broadcast_in_dim3A_597], %mul3A_599 : memref<128x128xf32, #tpu.memory_space<vmem>>[vector<16xi32>, vector<16xi32>], vector<16xf32>,
      %broadcast_in_dim3A_600 = arith.constant 12 : i32
      %broadcast_in_dim3A_601 = vector.broadcast %broadcast_in_dim3A_600 : i32 to vector<16xi32>
      %gather3A_602 = tpu.vector_load_idx %arg12[%add3A_534, %broadcast_in_dim3A_601] : memref<128x128xf32, #tpu.memory_space<vmem>>[vector<16xi32>, vector<16xi32>], vector<16xf32>,
      %mul3A_603 = arith.mulf %gather3A_602, %exp3A_549 : vector<16xf32>
      tpu.vector_store_idx %arg12[%add3A_534, %broadcast_in_dim3A_601], %mul3A_603 : memref<128x128xf32, #tpu.memory_space<vmem>>[vector<16xi32>, vector<16xi32>], vector<16xf32>,
      %broadcast_in_dim3A_604 = arith.constant 13 : i32
      %broadcast_in_dim3A_605 = vector.broadcast %broadcast_in_dim3A_604 : i32 to vector<16xi32>
      %gather3A_606 = tpu.vector_load_idx %arg12[%add3A_534, %broadcast_in_dim3A_605] : memref<128x128xf32, #tpu.memory_space<vmem>>[vector<16xi32>, vector<16xi32>], vector<16xf32>,
      %mul3A_607 = arith.mulf %gather3A_606, %exp3A_549 : vector<16xf32>
      tpu.vector_store_idx %arg12[%add3A_534, %broadcast_in_dim3A_605], %mul3A_607 : memref<128x128xf32, #tpu.memory_space<vmem>>[vector<16xi32>, vector<16xi32>], vector<16xf32>,
      %broadcast_in_dim3A_608 = arith.constant 14 : i32
      %broadcast_in_dim3A_609 = vector.broadcast %broadcast_in_dim3A_608 : i32 to vector<16xi32>
      %gather3A_610 = tpu.vector_load_idx %arg12[%add3A_534, %broadcast_in_dim3A_609] : memref<128x128xf32, #tpu.memory_space<vmem>>[vector<16xi32>, vector<16xi32>], vector<16xf32>,
      %mul3A_611 = arith.mulf %gather3A_610, %exp3A_549 : vector<16xf32>
      tpu.vector_store_idx %arg12[%add3A_534, %broadcast_in_dim3A_609], %mul3A_611 : memref<128x128xf32, #tpu.memory_space<vmem>>[vector<16xi32>, vector<16xi32>], vector<16xf32>,
      %broadcast_in_dim3A_612 = arith.constant 15 : i32
      %broadcast_in_dim3A_613 = vector.broadcast %broadcast_in_dim3A_612 : i32 to vector<16xi32>
      %gather3A_614 = tpu.vector_load_idx %arg12[%add3A_534, %broadcast_in_dim3A_613] : memref<128x128xf32, #tpu.memory_space<vmem>>[vector<16xi32>, vector<16xi32>], vector<16xf32>,
      %mul3A_615 = arith.mulf %gather3A_614, %exp3A_549 : vector<16xf32>
      tpu.vector_store_idx %arg12[%add3A_534, %broadcast_in_dim3A_613], %mul3A_615 : memref<128x128xf32, #tpu.memory_space<vmem>>[vector<16xi32>, vector<16xi32>], vector<16xf32>,
      %add3A_616 = arith.constant 112 : i32
      %add3A_617 = vector.broadcast %add3A_616 : i32 to vector<16xi32>
      %add3A_618 = arith.addi %iota3A, %add3A_617 : vector<16xi32>
      %add3A_619 = arith.constant 112 : i32
      %add3A_620 = arith.addi %mul3A_32, %add3A_619 : i32
      %get3A_621 = arith.index_cast %add3A_620 : i32 to index
      %get3A_622 = tpu.vector_load %arg11[%get3A_621] {strides = array<i32>} : memref<5120xi32, #tpu.memory_space<vmem>>, vector<16xi32>,
      %broadcast_in_dim3A_623 = arith.constant 16 : i32
      %broadcast_in_dim3A_624 = vector.broadcast %broadcast_in_dim3A_623 : i32 to vector<16xi32>
      %gather3A_625 = tpu.vector_load_idx %arg12[%add3A_618, %broadcast_in_dim3A_624] : memref<128x128xf32, #tpu.memory_space<vmem>>[vector<16xi32>, vector<16xi32>], vector<16xf32>,
      %gather3A_626 = tpu.vector_load_idx %arg8[%get3A_622] : memref<10240xf32, #tpu.memory_space<vmem>>[vector<16xi32>], vector<16xf32>,
      %add3A_627 = arith.addf %gather3A_625, %gather3A_626 : vector<16xf32>
      %mul3A_628 = arith.constant 2.000000e-01 : f32
      %mul3A_629 = vector.broadcast %mul3A_628 : f32 to vector<16xf32>
      %mul3A_630 = arith.mulf %mul3A_629, %add3A_627 : vector<16xf32>
      %max3A_631 = arith.maximumf %add3A_627, %mul3A_630 : vector<16xf32>
      %sub3A_632 = arith.subf %max3A_631, %get3A_3 : vector<16xf32>
      %exp3A_633 = math.exp %sub3A_632 : vector<16xf32>
      %broadcast_in_dim3A_634 = arith.constant 16 : i32
      %broadcast_in_dim3A_635 = vector.broadcast %broadcast_in_dim3A_634 : i32 to vector<16xi32>
      tpu.vector_store_idx %arg12[%add3A_618, %broadcast_in_dim3A_635], %exp3A_633 : memref<128x128xf32, #tpu.memory_space<vmem>>[vector<16xi32>, vector<16xi32>], vector<16xf32>,
      %broadcast_in_dim3A_636 = arith.constant 0 : i32
      %broadcast_in_dim3A_637 = vector.broadcast %broadcast_in_dim3A_636 : i32 to vector<16xi32>
      %gather3A_638 = tpu.vector_load_idx %arg12[%add3A_618, %broadcast_in_dim3A_637] : memref<128x128xf32, #tpu.memory_space<vmem>>[vector<16xi32>, vector<16xi32>], vector<16xf32>,
      %mul3A_639 = arith.mulf %gather3A_638, %exp3A_633 : vector<16xf32>
      tpu.vector_store_idx %arg12[%add3A_618, %broadcast_in_dim3A_637], %mul3A_639 : memref<128x128xf32, #tpu.memory_space<vmem>>[vector<16xi32>, vector<16xi32>], vector<16xf32>,
      %broadcast_in_dim3A_640 = arith.constant 1 : i32
      %broadcast_in_dim3A_641 = vector.broadcast %broadcast_in_dim3A_640 : i32 to vector<16xi32>
      %gather3A_642 = tpu.vector_load_idx %arg12[%add3A_618, %broadcast_in_dim3A_641] : memref<128x128xf32, #tpu.memory_space<vmem>>[vector<16xi32>, vector<16xi32>], vector<16xf32>,
      %mul3A_643 = arith.mulf %gather3A_642, %exp3A_633 : vector<16xf32>
      tpu.vector_store_idx %arg12[%add3A_618, %broadcast_in_dim3A_641], %mul3A_643 : memref<128x128xf32, #tpu.memory_space<vmem>>[vector<16xi32>, vector<16xi32>], vector<16xf32>,
      %broadcast_in_dim3A_644 = arith.constant 2 : i32
      %broadcast_in_dim3A_645 = vector.broadcast %broadcast_in_dim3A_644 : i32 to vector<16xi32>
      %gather3A_646 = tpu.vector_load_idx %arg12[%add3A_618, %broadcast_in_dim3A_645] : memref<128x128xf32, #tpu.memory_space<vmem>>[vector<16xi32>, vector<16xi32>], vector<16xf32>,
      %mul3A_647 = arith.mulf %gather3A_646, %exp3A_633 : vector<16xf32>
      tpu.vector_store_idx %arg12[%add3A_618, %broadcast_in_dim3A_645], %mul3A_647 : memref<128x128xf32, #tpu.memory_space<vmem>>[vector<16xi32>, vector<16xi32>], vector<16xf32>,
      %broadcast_in_dim3A_648 = arith.constant 3 : i32
      %broadcast_in_dim3A_649 = vector.broadcast %broadcast_in_dim3A_648 : i32 to vector<16xi32>
      %gather3A_650 = tpu.vector_load_idx %arg12[%add3A_618, %broadcast_in_dim3A_649] : memref<128x128xf32, #tpu.memory_space<vmem>>[vector<16xi32>, vector<16xi32>], vector<16xf32>,
      %mul3A_651 = arith.mulf %gather3A_650, %exp3A_633 : vector<16xf32>
      tpu.vector_store_idx %arg12[%add3A_618, %broadcast_in_dim3A_649], %mul3A_651 : memref<128x128xf32, #tpu.memory_space<vmem>>[vector<16xi32>, vector<16xi32>], vector<16xf32>,
      %broadcast_in_dim3A_652 = arith.constant 4 : i32
      %broadcast_in_dim3A_653 = vector.broadcast %broadcast_in_dim3A_652 : i32 to vector<16xi32>
      %gather3A_654 = tpu.vector_load_idx %arg12[%add3A_618, %broadcast_in_dim3A_653] : memref<128x128xf32, #tpu.memory_space<vmem>>[vector<16xi32>, vector<16xi32>], vector<16xf32>,
      %mul3A_655 = arith.mulf %gather3A_654, %exp3A_633 : vector<16xf32>
      tpu.vector_store_idx %arg12[%add3A_618, %broadcast_in_dim3A_653], %mul3A_655 : memref<128x128xf32, #tpu.memory_space<vmem>>[vector<16xi32>, vector<16xi32>], vector<16xf32>,
      %broadcast_in_dim3A_656 = arith.constant 5 : i32
      %broadcast_in_dim3A_657 = vector.broadcast %broadcast_in_dim3A_656 : i32 to vector<16xi32>
      %gather3A_658 = tpu.vector_load_idx %arg12[%add3A_618, %broadcast_in_dim3A_657] : memref<128x128xf32, #tpu.memory_space<vmem>>[vector<16xi32>, vector<16xi32>], vector<16xf32>,
      %mul3A_659 = arith.mulf %gather3A_658, %exp3A_633 : vector<16xf32>
      tpu.vector_store_idx %arg12[%add3A_618, %broadcast_in_dim3A_657], %mul3A_659 : memref<128x128xf32, #tpu.memory_space<vmem>>[vector<16xi32>, vector<16xi32>], vector<16xf32>,
      %broadcast_in_dim3A_660 = arith.constant 6 : i32
      %broadcast_in_dim3A_661 = vector.broadcast %broadcast_in_dim3A_660 : i32 to vector<16xi32>
      %gather3A_662 = tpu.vector_load_idx %arg12[%add3A_618, %broadcast_in_dim3A_661] : memref<128x128xf32, #tpu.memory_space<vmem>>[vector<16xi32>, vector<16xi32>], vector<16xf32>,
      %mul3A_663 = arith.mulf %gather3A_662, %exp3A_633 : vector<16xf32>
      tpu.vector_store_idx %arg12[%add3A_618, %broadcast_in_dim3A_661], %mul3A_663 : memref<128x128xf32, #tpu.memory_space<vmem>>[vector<16xi32>, vector<16xi32>], vector<16xf32>,
      %broadcast_in_dim3A_664 = arith.constant 7 : i32
      %broadcast_in_dim3A_665 = vector.broadcast %broadcast_in_dim3A_664 : i32 to vector<16xi32>
      %gather3A_666 = tpu.vector_load_idx %arg12[%add3A_618, %broadcast_in_dim3A_665] : memref<128x128xf32, #tpu.memory_space<vmem>>[vector<16xi32>, vector<16xi32>], vector<16xf32>,
      %mul3A_667 = arith.mulf %gather3A_666, %exp3A_633 : vector<16xf32>
      tpu.vector_store_idx %arg12[%add3A_618, %broadcast_in_dim3A_665], %mul3A_667 : memref<128x128xf32, #tpu.memory_space<vmem>>[vector<16xi32>, vector<16xi32>], vector<16xf32>,
      %broadcast_in_dim3A_668 = arith.constant 8 : i32
      %broadcast_in_dim3A_669 = vector.broadcast %broadcast_in_dim3A_668 : i32 to vector<16xi32>
      %gather3A_670 = tpu.vector_load_idx %arg12[%add3A_618, %broadcast_in_dim3A_669] : memref<128x128xf32, #tpu.memory_space<vmem>>[vector<16xi32>, vector<16xi32>], vector<16xf32>,
      %mul3A_671 = arith.mulf %gather3A_670, %exp3A_633 : vector<16xf32>
      tpu.vector_store_idx %arg12[%add3A_618, %broadcast_in_dim3A_669], %mul3A_671 : memref<128x128xf32, #tpu.memory_space<vmem>>[vector<16xi32>, vector<16xi32>], vector<16xf32>,
      %broadcast_in_dim3A_672 = arith.constant 9 : i32
      %broadcast_in_dim3A_673 = vector.broadcast %broadcast_in_dim3A_672 : i32 to vector<16xi32>
      %gather3A_674 = tpu.vector_load_idx %arg12[%add3A_618, %broadcast_in_dim3A_673] : memref<128x128xf32, #tpu.memory_space<vmem>>[vector<16xi32>, vector<16xi32>], vector<16xf32>,
      %mul3A_675 = arith.mulf %gather3A_674, %exp3A_633 : vector<16xf32>
      tpu.vector_store_idx %arg12[%add3A_618, %broadcast_in_dim3A_673], %mul3A_675 : memref<128x128xf32, #tpu.memory_space<vmem>>[vector<16xi32>, vector<16xi32>], vector<16xf32>,
      %broadcast_in_dim3A_676 = arith.constant 10 : i32
      %broadcast_in_dim3A_677 = vector.broadcast %broadcast_in_dim3A_676 : i32 to vector<16xi32>
      %gather3A_678 = tpu.vector_load_idx %arg12[%add3A_618, %broadcast_in_dim3A_677] : memref<128x128xf32, #tpu.memory_space<vmem>>[vector<16xi32>, vector<16xi32>], vector<16xf32>,
      %mul3A_679 = arith.mulf %gather3A_678, %exp3A_633 : vector<16xf32>
      tpu.vector_store_idx %arg12[%add3A_618, %broadcast_in_dim3A_677], %mul3A_679 : memref<128x128xf32, #tpu.memory_space<vmem>>[vector<16xi32>, vector<16xi32>], vector<16xf32>,
      %broadcast_in_dim3A_680 = arith.constant 11 : i32
      %broadcast_in_dim3A_681 = vector.broadcast %broadcast_in_dim3A_680 : i32 to vector<16xi32>
      %gather3A_682 = tpu.vector_load_idx %arg12[%add3A_618, %broadcast_in_dim3A_681] : memref<128x128xf32, #tpu.memory_space<vmem>>[vector<16xi32>, vector<16xi32>], vector<16xf32>,
      %mul3A_683 = arith.mulf %gather3A_682, %exp3A_633 : vector<16xf32>
      tpu.vector_store_idx %arg12[%add3A_618, %broadcast_in_dim3A_681], %mul3A_683 : memref<128x128xf32, #tpu.memory_space<vmem>>[vector<16xi32>, vector<16xi32>], vector<16xf32>,
      %broadcast_in_dim3A_684 = arith.constant 12 : i32
      %broadcast_in_dim3A_685 = vector.broadcast %broadcast_in_dim3A_684 : i32 to vector<16xi32>
      %gather3A_686 = tpu.vector_load_idx %arg12[%add3A_618, %broadcast_in_dim3A_685] : memref<128x128xf32, #tpu.memory_space<vmem>>[vector<16xi32>, vector<16xi32>], vector<16xf32>,
      %mul3A_687 = arith.mulf %gather3A_686, %exp3A_633 : vector<16xf32>
      tpu.vector_store_idx %arg12[%add3A_618, %broadcast_in_dim3A_685], %mul3A_687 : memref<128x128xf32, #tpu.memory_space<vmem>>[vector<16xi32>, vector<16xi32>], vector<16xf32>,
      %broadcast_in_dim3A_688 = arith.constant 13 : i32
      %broadcast_in_dim3A_689 = vector.broadcast %broadcast_in_dim3A_688 : i32 to vector<16xi32>
      %gather3A_690 = tpu.vector_load_idx %arg12[%add3A_618, %broadcast_in_dim3A_689] : memref<128x128xf32, #tpu.memory_space<vmem>>[vector<16xi32>, vector<16xi32>], vector<16xf32>,
      %mul3A_691 = arith.mulf %gather3A_690, %exp3A_633 : vector<16xf32>
      tpu.vector_store_idx %arg12[%add3A_618, %broadcast_in_dim3A_689], %mul3A_691 : memref<128x128xf32, #tpu.memory_space<vmem>>[vector<16xi32>, vector<16xi32>], vector<16xf32>,
      %broadcast_in_dim3A_692 = arith.constant 14 : i32
      %broadcast_in_dim3A_693 = vector.broadcast %broadcast_in_dim3A_692 : i32 to vector<16xi32>
      %gather3A_694 = tpu.vector_load_idx %arg12[%add3A_618, %broadcast_in_dim3A_693] : memref<128x128xf32, #tpu.memory_space<vmem>>[vector<16xi32>, vector<16xi32>], vector<16xf32>,
      %mul3A_695 = arith.mulf %gather3A_694, %exp3A_633 : vector<16xf32>
      tpu.vector_store_idx %arg12[%add3A_618, %broadcast_in_dim3A_693], %mul3A_695 : memref<128x128xf32, #tpu.memory_space<vmem>>[vector<16xi32>, vector<16xi32>], vector<16xf32>,
      %broadcast_in_dim3A_696 = arith.constant 15 : i32
      %broadcast_in_dim3A_697 = vector.broadcast %broadcast_in_dim3A_696 : i32 to vector<16xi32>
      %gather3A_698 = tpu.vector_load_idx %arg12[%add3A_618, %broadcast_in_dim3A_697] : memref<128x128xf32, #tpu.memory_space<vmem>>[vector<16xi32>, vector<16xi32>], vector<16xf32>,
      %mul3A_699 = arith.mulf %gather3A_698, %exp3A_633 : vector<16xf32>
      tpu.vector_store_idx %arg12[%add3A_618, %broadcast_in_dim3A_697], %mul3A_699 : memref<128x128xf32, #tpu.memory_space<vmem>>[vector<16xi32>, vector<16xi32>], vector<16xf32>,
      %add3A_700 = arith.addi %mul3A_2, %mul3A_32 : i32
      "tpu.region"() ({
        %run_scoped3A = tpu.sem_alloc : memref<!tpu.dma_semaphore, #tpu.memory_space<semaphore_mem>>
        %dma_start3A_1389 = arith.constant 0 : i32
        %dma_start3A_1390 = tpu.memref_slice %arg7[%add3A_700, %dma_start3A_1389] : memref<163840x128xf32, #tpu.memory_space<hbm>> -> memref<128x128xf32, #tpu.memory_space<hbm>>
        %dma_start3A_1391 = arith.constant 0 : i32
        %dma_start3A_1392 = tpu.memref_slice %arg7[%add3A_700, %dma_start3A_1391] : memref<163840x128xf32, #tpu.memory_space<hbm>> -> memref<128x128xf32, #tpu.memory_space<hbm>>
        tpu.enqueue_dma source(%arg12 : memref<128x128xf32, #tpu.memory_space<vmem>>) target(%dma_start3A_1392 : memref<128x128xf32, #tpu.memory_space<hbm>>) target_semaphore(%run_scoped3A : memref<!tpu.dma_semaphore, #tpu.memory_space<semaphore_mem>>)
        %dma_wait3A_1393 = arith.constant 0 : i32
        %dma_wait3A_1394 = tpu.memref_slice %arg7[%add3A_700, %dma_wait3A_1393] : memref<163840x128xf32, #tpu.memory_space<hbm>> -> memref<128x128xf32, #tpu.memory_space<hbm>>
        %dma_wait3A_1395 = arith.constant 0 : i32
        %dma_wait3A_1396 = tpu.memref_slice %arg7[%add3A_700, %dma_wait3A_1395] : memref<163840x128xf32, #tpu.memory_space<hbm>> -> memref<128x128xf32, #tpu.memory_space<hbm>>
        tpu.wait_dma2 semaphore(%run_scoped3A : memref<!tpu.dma_semaphore, #tpu.memory_space<semaphore_mem>>) src(%arg12 : memref<128x128xf32, #tpu.memory_space<vmem>>) dst(%dma_wait3A_1396 : memref<128x128xf32, #tpu.memory_space<hbm>>)
        tpu.yield
      }) : () -> ()
      %add3A_701 = arith.constant 2 : i32
      %add3A_702 = arith.addi %mul3A_17, %add3A_701 : i32
      %lt3A = arith.constant 40 : i32
      %lt3A_703 = arith.cmpi slt, %add3A_702, %lt3A : i32
      %convert_element_type3A = arith.extui %lt3A_703 : i1 to i32
      %cond3A = arith.constant 0 : i32
      %cond3A_704 = arith.cmpi ne, %convert_element_type3A, %cond3A : i32
      scf.if %cond3A_704 {
        %add3A_1389 = arith.constant 2 : i32
        %add3A_1390 = arith.addi %mul3A_17, %add3A_1389 : i32
        %mul3A_1391 = arith.constant 128 : i32
        %mul3A_1392 = arith.muli %add3A_1390, %mul3A_1391 : i32
        %dma_start3A_1393 = tpu.memref_slice %arg10[%mul3A_1392] : memref<5120xi32, #tpu.memory_space<vmem>> -> memref<128xi32, #tpu.memory_space<vmem>>
        %dma_start3A_1394 = arith.constant 0 : i32
        %dma_start3A_1395 = arith.constant 0 : i32
        %dma_start3A_1396 = tpu.memref_slice %arg2[%dma_start3A_1394, %dma_start3A_1395] : memref<10240x128xf32, #tpu.memory_space<hbm>> -> memref<10240x128xf32, #tpu.memory_space<hbm>>
        tpu.enqueue_indirect_dma source(%dma_start3A_1396 : memref<10240x128xf32, #tpu.memory_space<hbm>>) target(%arg12 : memref<128x128xf32, #tpu.memory_space<vmem>>) offsets(%dma_start3A_1393 : memref<128xi32, #tpu.memory_space<vmem>>) semaphore(%arg14 : memref<!tpu.dma_semaphore, #tpu.memory_space<semaphore_mem>>)
      } else {
      }
      %dma_wait3A_705 = arith.constant 0 : i32
      %dma_wait3A_706 = arith.constant 0 : i32
      %dma_wait3A_707 = tpu.memref_slice %arg2[%dma_wait3A_705, %dma_wait3A_706] : memref<10240x128xf32, #tpu.memory_space<hbm>> -> memref<128x128xf32, #tpu.memory_space<hbm>>
      %dma_wait3A_708 = arith.constant 0 : i32
      %dma_wait3A_709 = arith.constant 0 : i32
      %dma_wait3A_710 = tpu.memref_slice %arg2[%dma_wait3A_708, %dma_wait3A_709] : memref<10240x128xf32, #tpu.memory_space<hbm>> -> memref<128x128xf32, #tpu.memory_space<hbm>>
      tpu.wait_dma2 semaphore(%arg15 : memref<!tpu.dma_semaphore, #tpu.memory_space<semaphore_mem>>) src(%dma_wait3A_710 : memref<128x128xf32, #tpu.memory_space<hbm>>) dst(%arg13 : memref<128x128xf32, #tpu.memory_space<vmem>>)
      %add3A_711 = arith.constant 1 : i32
      %add3A_712 = arith.addi %mul3A_17, %add3A_711 : i32
      %mul3A_713 = arith.constant 128 : i32
      %mul3A_714 = arith.muli %add3A_712, %mul3A_713 : i32
      %add3A_715 = arith.constant 0 : i32
      %add3A_716 = vector.broadcast %add3A_715 : i32 to vector<16xi32>
      %add3A_717 = arith.addi %iota3A, %add3A_716 : vector<16xi32>
      %add3A_718 = arith.constant 0 : i32
      %add3A_719 = arith.addi %mul3A_714, %add3A_718 : i32
      %get3A_720 = arith.index_cast %add3A_719 : i32 to index
      %get3A_721 = tpu.vector_load %arg11[%get3A_720] {strides = array<i32>} : memref<5120xi32, #tpu.memory_space<vmem>>, vector<16xi32>,
      %broadcast_in_dim3A_722 = arith.constant 16 : i32
      %broadcast_in_dim3A_723 = vector.broadcast %broadcast_in_dim3A_722 : i32 to vector<16xi32>
      %gather3A_724 = tpu.vector_load_idx %arg13[%add3A_717, %broadcast_in_dim3A_723] : memref<128x128xf32, #tpu.memory_space<vmem>>[vector<16xi32>, vector<16xi32>], vector<16xf32>,
      %gather3A_725 = tpu.vector_load_idx %arg8[%get3A_721] : memref<10240xf32, #tpu.memory_space<vmem>>[vector<16xi32>], vector<16xf32>,
      %add3A_726 = arith.addf %gather3A_724, %gather3A_725 : vector<16xf32>
      %mul3A_727 = arith.constant 2.000000e-01 : f32
      %mul3A_728 = vector.broadcast %mul3A_727 : f32 to vector<16xf32>
      %mul3A_729 = arith.mulf %mul3A_728, %add3A_726 : vector<16xf32>
      %max3A_730 = arith.maximumf %add3A_726, %mul3A_729 : vector<16xf32>
      %sub3A_731 = arith.subf %max3A_730, %get3A_3 : vector<16xf32>
      %exp3A_732 = math.exp %sub3A_731 : vector<16xf32>
      %broadcast_in_dim3A_733 = arith.constant 16 : i32
      %broadcast_in_dim3A_734 = vector.broadcast %broadcast_in_dim3A_733 : i32 to vector<16xi32>
      tpu.vector_store_idx %arg13[%add3A_717, %broadcast_in_dim3A_734], %exp3A_732 : memref<128x128xf32, #tpu.memory_space<vmem>>[vector<16xi32>, vector<16xi32>], vector<16xf32>,
      %broadcast_in_dim3A_735 = arith.constant 0 : i32
      %broadcast_in_dim3A_736 = vector.broadcast %broadcast_in_dim3A_735 : i32 to vector<16xi32>
      %gather3A_737 = tpu.vector_load_idx %arg13[%add3A_717, %broadcast_in_dim3A_736] : memref<128x128xf32, #tpu.memory_space<vmem>>[vector<16xi32>, vector<16xi32>], vector<16xf32>,
      %mul3A_738 = arith.mulf %gather3A_737, %exp3A_732 : vector<16xf32>
      tpu.vector_store_idx %arg13[%add3A_717, %broadcast_in_dim3A_736], %mul3A_738 : memref<128x128xf32, #tpu.memory_space<vmem>>[vector<16xi32>, vector<16xi32>], vector<16xf32>,
      %broadcast_in_dim3A_739 = arith.constant 1 : i32
      %broadcast_in_dim3A_740 = vector.broadcast %broadcast_in_dim3A_739 : i32 to vector<16xi32>
      %gather3A_741 = tpu.vector_load_idx %arg13[%add3A_717, %broadcast_in_dim3A_740] : memref<128x128xf32, #tpu.memory_space<vmem>>[vector<16xi32>, vector<16xi32>], vector<16xf32>,
      %mul3A_742 = arith.mulf %gather3A_741, %exp3A_732 : vector<16xf32>
      tpu.vector_store_idx %arg13[%add3A_717, %broadcast_in_dim3A_740], %mul3A_742 : memref<128x128xf32, #tpu.memory_space<vmem>>[vector<16xi32>, vector<16xi32>], vector<16xf32>,
      %broadcast_in_dim3A_743 = arith.constant 2 : i32
      %broadcast_in_dim3A_744 = vector.broadcast %broadcast_in_dim3A_743 : i32 to vector<16xi32>
      %gather3A_745 = tpu.vector_load_idx %arg13[%add3A_717, %broadcast_in_dim3A_744] : memref<128x128xf32, #tpu.memory_space<vmem>>[vector<16xi32>, vector<16xi32>], vector<16xf32>,
      %mul3A_746 = arith.mulf %gather3A_745, %exp3A_732 : vector<16xf32>
      tpu.vector_store_idx %arg13[%add3A_717, %broadcast_in_dim3A_744], %mul3A_746 : memref<128x128xf32, #tpu.memory_space<vmem>>[vector<16xi32>, vector<16xi32>], vector<16xf32>,
      %broadcast_in_dim3A_747 = arith.constant 3 : i32
      %broadcast_in_dim3A_748 = vector.broadcast %broadcast_in_dim3A_747 : i32 to vector<16xi32>
      %gather3A_749 = tpu.vector_load_idx %arg13[%add3A_717, %broadcast_in_dim3A_748] : memref<128x128xf32, #tpu.memory_space<vmem>>[vector<16xi32>, vector<16xi32>], vector<16xf32>,
      %mul3A_750 = arith.mulf %gather3A_749, %exp3A_732 : vector<16xf32>
      tpu.vector_store_idx %arg13[%add3A_717, %broadcast_in_dim3A_748], %mul3A_750 : memref<128x128xf32, #tpu.memory_space<vmem>>[vector<16xi32>, vector<16xi32>], vector<16xf32>,
      %broadcast_in_dim3A_751 = arith.constant 4 : i32
      %broadcast_in_dim3A_752 = vector.broadcast %broadcast_in_dim3A_751 : i32 to vector<16xi32>
      %gather3A_753 = tpu.vector_load_idx %arg13[%add3A_717, %broadcast_in_dim3A_752] : memref<128x128xf32, #tpu.memory_space<vmem>>[vector<16xi32>, vector<16xi32>], vector<16xf32>,
      %mul3A_754 = arith.mulf %gather3A_753, %exp3A_732 : vector<16xf32>
      tpu.vector_store_idx %arg13[%add3A_717, %broadcast_in_dim3A_752], %mul3A_754 : memref<128x128xf32, #tpu.memory_space<vmem>>[vector<16xi32>, vector<16xi32>], vector<16xf32>,
      %broadcast_in_dim3A_755 = arith.constant 5 : i32
      %broadcast_in_dim3A_756 = vector.broadcast %broadcast_in_dim3A_755 : i32 to vector<16xi32>
      %gather3A_757 = tpu.vector_load_idx %arg13[%add3A_717, %broadcast_in_dim3A_756] : memref<128x128xf32, #tpu.memory_space<vmem>>[vector<16xi32>, vector<16xi32>], vector<16xf32>,
      %mul3A_758 = arith.mulf %gather3A_757, %exp3A_732 : vector<16xf32>
      tpu.vector_store_idx %arg13[%add3A_717, %broadcast_in_dim3A_756], %mul3A_758 : memref<128x128xf32, #tpu.memory_space<vmem>>[vector<16xi32>, vector<16xi32>], vector<16xf32>,
      %broadcast_in_dim3A_759 = arith.constant 6 : i32
      %broadcast_in_dim3A_760 = vector.broadcast %broadcast_in_dim3A_759 : i32 to vector<16xi32>
      %gather3A_761 = tpu.vector_load_idx %arg13[%add3A_717, %broadcast_in_dim3A_760] : memref<128x128xf32, #tpu.memory_space<vmem>>[vector<16xi32>, vector<16xi32>], vector<16xf32>,
      %mul3A_762 = arith.mulf %gather3A_761, %exp3A_732 : vector<16xf32>
      tpu.vector_store_idx %arg13[%add3A_717, %broadcast_in_dim3A_760], %mul3A_762 : memref<128x128xf32, #tpu.memory_space<vmem>>[vector<16xi32>, vector<16xi32>], vector<16xf32>,
      %broadcast_in_dim3A_763 = arith.constant 7 : i32
      %broadcast_in_dim3A_764 = vector.broadcast %broadcast_in_dim3A_763 : i32 to vector<16xi32>
      %gather3A_765 = tpu.vector_load_idx %arg13[%add3A_717, %broadcast_in_dim3A_764] : memref<128x128xf32, #tpu.memory_space<vmem>>[vector<16xi32>, vector<16xi32>], vector<16xf32>,
      %mul3A_766 = arith.mulf %gather3A_765, %exp3A_732 : vector<16xf32>
      tpu.vector_store_idx %arg13[%add3A_717, %broadcast_in_dim3A_764], %mul3A_766 : memref<128x128xf32, #tpu.memory_space<vmem>>[vector<16xi32>, vector<16xi32>], vector<16xf32>,
      %broadcast_in_dim3A_767 = arith.constant 8 : i32
      %broadcast_in_dim3A_768 = vector.broadcast %broadcast_in_dim3A_767 : i32 to vector<16xi32>
      %gather3A_769 = tpu.vector_load_idx %arg13[%add3A_717, %broadcast_in_dim3A_768] : memref<128x128xf32, #tpu.memory_space<vmem>>[vector<16xi32>, vector<16xi32>], vector<16xf32>,
      %mul3A_770 = arith.mulf %gather3A_769, %exp3A_732 : vector<16xf32>
      tpu.vector_store_idx %arg13[%add3A_717, %broadcast_in_dim3A_768], %mul3A_770 : memref<128x128xf32, #tpu.memory_space<vmem>>[vector<16xi32>, vector<16xi32>], vector<16xf32>,
      %broadcast_in_dim3A_771 = arith.constant 9 : i32
      %broadcast_in_dim3A_772 = vector.broadcast %broadcast_in_dim3A_771 : i32 to vector<16xi32>
      %gather3A_773 = tpu.vector_load_idx %arg13[%add3A_717, %broadcast_in_dim3A_772] : memref<128x128xf32, #tpu.memory_space<vmem>>[vector<16xi32>, vector<16xi32>], vector<16xf32>,
      %mul3A_774 = arith.mulf %gather3A_773, %exp3A_732 : vector<16xf32>
      tpu.vector_store_idx %arg13[%add3A_717, %broadcast_in_dim3A_772], %mul3A_774 : memref<128x128xf32, #tpu.memory_space<vmem>>[vector<16xi32>, vector<16xi32>], vector<16xf32>,
      %broadcast_in_dim3A_775 = arith.constant 10 : i32
      %broadcast_in_dim3A_776 = vector.broadcast %broadcast_in_dim3A_775 : i32 to vector<16xi32>
      %gather3A_777 = tpu.vector_load_idx %arg13[%add3A_717, %broadcast_in_dim3A_776] : memref<128x128xf32, #tpu.memory_space<vmem>>[vector<16xi32>, vector<16xi32>], vector<16xf32>,
      %mul3A_778 = arith.mulf %gather3A_777, %exp3A_732 : vector<16xf32>
      tpu.vector_store_idx %arg13[%add3A_717, %broadcast_in_dim3A_776], %mul3A_778 : memref<128x128xf32, #tpu.memory_space<vmem>>[vector<16xi32>, vector<16xi32>], vector<16xf32>,
      %broadcast_in_dim3A_779 = arith.constant 11 : i32
      %broadcast_in_dim3A_780 = vector.broadcast %broadcast_in_dim3A_779 : i32 to vector<16xi32>
      %gather3A_781 = tpu.vector_load_idx %arg13[%add3A_717, %broadcast_in_dim3A_780] : memref<128x128xf32, #tpu.memory_space<vmem>>[vector<16xi32>, vector<16xi32>], vector<16xf32>,
      %mul3A_782 = arith.mulf %gather3A_781, %exp3A_732 : vector<16xf32>
      tpu.vector_store_idx %arg13[%add3A_717, %broadcast_in_dim3A_780], %mul3A_782 : memref<128x128xf32, #tpu.memory_space<vmem>>[vector<16xi32>, vector<16xi32>], vector<16xf32>,
      %broadcast_in_dim3A_783 = arith.constant 12 : i32
      %broadcast_in_dim3A_784 = vector.broadcast %broadcast_in_dim3A_783 : i32 to vector<16xi32>
      %gather3A_785 = tpu.vector_load_idx %arg13[%add3A_717, %broadcast_in_dim3A_784] : memref<128x128xf32, #tpu.memory_space<vmem>>[vector<16xi32>, vector<16xi32>], vector<16xf32>,
      %mul3A_786 = arith.mulf %gather3A_785, %exp3A_732 : vector<16xf32>
      tpu.vector_store_idx %arg13[%add3A_717, %broadcast_in_dim3A_784], %mul3A_786 : memref<128x128xf32, #tpu.memory_space<vmem>>[vector<16xi32>, vector<16xi32>], vector<16xf32>,
      %broadcast_in_dim3A_787 = arith.constant 13 : i32
      %broadcast_in_dim3A_788 = vector.broadcast %broadcast_in_dim3A_787 : i32 to vector<16xi32>
      %gather3A_789 = tpu.vector_load_idx %arg13[%add3A_717, %broadcast_in_dim3A_788] : memref<128x128xf32, #tpu.memory_space<vmem>>[vector<16xi32>, vector<16xi32>], vector<16xf32>,
      %mul3A_790 = arith.mulf %gather3A_789, %exp3A_732 : vector<16xf32>
      tpu.vector_store_idx %arg13[%add3A_717, %broadcast_in_dim3A_788], %mul3A_790 : memref<128x128xf32, #tpu.memory_space<vmem>>[vector<16xi32>, vector<16xi32>], vector<16xf32>,
      %broadcast_in_dim3A_791 = arith.constant 14 : i32
      %broadcast_in_dim3A_792 = vector.broadcast %broadcast_in_dim3A_791 : i32 to vector<16xi32>
      %gather3A_793 = tpu.vector_load_idx %arg13[%add3A_717, %broadcast_in_dim3A_792] : memref<128x128xf32, #tpu.memory_space<vmem>>[vector<16xi32>, vector<16xi32>], vector<16xf32>,
      %mul3A_794 = arith.mulf %gather3A_793, %exp3A_732 : vector<16xf32>
      tpu.vector_store_idx %arg13[%add3A_717, %broadcast_in_dim3A_792], %mul3A_794 : memref<128x128xf32, #tpu.memory_space<vmem>>[vector<16xi32>, vector<16xi32>], vector<16xf32>,
      %broadcast_in_dim3A_795 = arith.constant 15 : i32
      %broadcast_in_dim3A_796 = vector.broadcast %broadcast_in_dim3A_795 : i32 to vector<16xi32>
      %gather3A_797 = tpu.vector_load_idx %arg13[%add3A_717, %broadcast_in_dim3A_796] : memref<128x128xf32, #tpu.memory_space<vmem>>[vector<16xi32>, vector<16xi32>], vector<16xf32>,
      %mul3A_798 = arith.mulf %gather3A_797, %exp3A_732 : vector<16xf32>
      tpu.vector_store_idx %arg13[%add3A_717, %broadcast_in_dim3A_796], %mul3A_798 : memref<128x128xf32, #tpu.memory_space<vmem>>[vector<16xi32>, vector<16xi32>], vector<16xf32>,
      %add3A_799 = arith.constant 16 : i32
      %add3A_800 = vector.broadcast %add3A_799 : i32 to vector<16xi32>
      %add3A_801 = arith.addi %iota3A, %add3A_800 : vector<16xi32>
      %add3A_802 = arith.constant 16 : i32
      %add3A_803 = arith.addi %mul3A_714, %add3A_802 : i32
      %get3A_804 = arith.index_cast %add3A_803 : i32 to index
      %get3A_805 = tpu.vector_load %arg11[%get3A_804] {strides = array<i32>} : memref<5120xi32, #tpu.memory_space<vmem>>, vector<16xi32>,
      %broadcast_in_dim3A_806 = arith.constant 16 : i32
      %broadcast_in_dim3A_807 = vector.broadcast %broadcast_in_dim3A_806 : i32 to vector<16xi32>
      %gather3A_808 = tpu.vector_load_idx %arg13[%add3A_801, %broadcast_in_dim3A_807] : memref<128x128xf32, #tpu.memory_space<vmem>>[vector<16xi32>, vector<16xi32>], vector<16xf32>,
      %gather3A_809 = tpu.vector_load_idx %arg8[%get3A_805] : memref<10240xf32, #tpu.memory_space<vmem>>[vector<16xi32>], vector<16xf32>,
      %add3A_810 = arith.addf %gather3A_808, %gather3A_809 : vector<16xf32>
      %mul3A_811 = arith.constant 2.000000e-01 : f32
      %mul3A_812 = vector.broadcast %mul3A_811 : f32 to vector<16xf32>
      %mul3A_813 = arith.mulf %mul3A_812, %add3A_810 : vector<16xf32>
      %max3A_814 = arith.maximumf %add3A_810, %mul3A_813 : vector<16xf32>
      %sub3A_815 = arith.subf %max3A_814, %get3A_3 : vector<16xf32>
      %exp3A_816 = math.exp %sub3A_815 : vector<16xf32>
      %broadcast_in_dim3A_817 = arith.constant 16 : i32
      %broadcast_in_dim3A_818 = vector.broadcast %broadcast_in_dim3A_817 : i32 to vector<16xi32>
      tpu.vector_store_idx %arg13[%add3A_801, %broadcast_in_dim3A_818], %exp3A_816 : memref<128x128xf32, #tpu.memory_space<vmem>>[vector<16xi32>, vector<16xi32>], vector<16xf32>,
      %broadcast_in_dim3A_819 = arith.constant 0 : i32
      %broadcast_in_dim3A_820 = vector.broadcast %broadcast_in_dim3A_819 : i32 to vector<16xi32>
      %gather3A_821 = tpu.vector_load_idx %arg13[%add3A_801, %broadcast_in_dim3A_820] : memref<128x128xf32, #tpu.memory_space<vmem>>[vector<16xi32>, vector<16xi32>], vector<16xf32>,
      %mul3A_822 = arith.mulf %gather3A_821, %exp3A_816 : vector<16xf32>
      tpu.vector_store_idx %arg13[%add3A_801, %broadcast_in_dim3A_820], %mul3A_822 : memref<128x128xf32, #tpu.memory_space<vmem>>[vector<16xi32>, vector<16xi32>], vector<16xf32>,
      %broadcast_in_dim3A_823 = arith.constant 1 : i32
      %broadcast_in_dim3A_824 = vector.broadcast %broadcast_in_dim3A_823 : i32 to vector<16xi32>
      %gather3A_825 = tpu.vector_load_idx %arg13[%add3A_801, %broadcast_in_dim3A_824] : memref<128x128xf32, #tpu.memory_space<vmem>>[vector<16xi32>, vector<16xi32>], vector<16xf32>,
      %mul3A_826 = arith.mulf %gather3A_825, %exp3A_816 : vector<16xf32>
      tpu.vector_store_idx %arg13[%add3A_801, %broadcast_in_dim3A_824], %mul3A_826 : memref<128x128xf32, #tpu.memory_space<vmem>>[vector<16xi32>, vector<16xi32>], vector<16xf32>,
      %broadcast_in_dim3A_827 = arith.constant 2 : i32
      %broadcast_in_dim3A_828 = vector.broadcast %broadcast_in_dim3A_827 : i32 to vector<16xi32>
      %gather3A_829 = tpu.vector_load_idx %arg13[%add3A_801, %broadcast_in_dim3A_828] : memref<128x128xf32, #tpu.memory_space<vmem>>[vector<16xi32>, vector<16xi32>], vector<16xf32>,
      %mul3A_830 = arith.mulf %gather3A_829, %exp3A_816 : vector<16xf32>
      tpu.vector_store_idx %arg13[%add3A_801, %broadcast_in_dim3A_828], %mul3A_830 : memref<128x128xf32, #tpu.memory_space<vmem>>[vector<16xi32>, vector<16xi32>], vector<16xf32>,
      %broadcast_in_dim3A_831 = arith.constant 3 : i32
      %broadcast_in_dim3A_832 = vector.broadcast %broadcast_in_dim3A_831 : i32 to vector<16xi32>
      %gather3A_833 = tpu.vector_load_idx %arg13[%add3A_801, %broadcast_in_dim3A_832] : memref<128x128xf32, #tpu.memory_space<vmem>>[vector<16xi32>, vector<16xi32>], vector<16xf32>,
      %mul3A_834 = arith.mulf %gather3A_833, %exp3A_816 : vector<16xf32>
      tpu.vector_store_idx %arg13[%add3A_801, %broadcast_in_dim3A_832], %mul3A_834 : memref<128x128xf32, #tpu.memory_space<vmem>>[vector<16xi32>, vector<16xi32>], vector<16xf32>,
      %broadcast_in_dim3A_835 = arith.constant 4 : i32
      %broadcast_in_dim3A_836 = vector.broadcast %broadcast_in_dim3A_835 : i32 to vector<16xi32>
      %gather3A_837 = tpu.vector_load_idx %arg13[%add3A_801, %broadcast_in_dim3A_836] : memref<128x128xf32, #tpu.memory_space<vmem>>[vector<16xi32>, vector<16xi32>], vector<16xf32>,
      %mul3A_838 = arith.mulf %gather3A_837, %exp3A_816 : vector<16xf32>
      tpu.vector_store_idx %arg13[%add3A_801, %broadcast_in_dim3A_836], %mul3A_838 : memref<128x128xf32, #tpu.memory_space<vmem>>[vector<16xi32>, vector<16xi32>], vector<16xf32>,
      %broadcast_in_dim3A_839 = arith.constant 5 : i32
      %broadcast_in_dim3A_840 = vector.broadcast %broadcast_in_dim3A_839 : i32 to vector<16xi32>
      %gather3A_841 = tpu.vector_load_idx %arg13[%add3A_801, %broadcast_in_dim3A_840] : memref<128x128xf32, #tpu.memory_space<vmem>>[vector<16xi32>, vector<16xi32>], vector<16xf32>,
      %mul3A_842 = arith.mulf %gather3A_841, %exp3A_816 : vector<16xf32>
      tpu.vector_store_idx %arg13[%add3A_801, %broadcast_in_dim3A_840], %mul3A_842 : memref<128x128xf32, #tpu.memory_space<vmem>>[vector<16xi32>, vector<16xi32>], vector<16xf32>,
      %broadcast_in_dim3A_843 = arith.constant 6 : i32
      %broadcast_in_dim3A_844 = vector.broadcast %broadcast_in_dim3A_843 : i32 to vector<16xi32>
      %gather3A_845 = tpu.vector_load_idx %arg13[%add3A_801, %broadcast_in_dim3A_844] : memref<128x128xf32, #tpu.memory_space<vmem>>[vector<16xi32>, vector<16xi32>], vector<16xf32>,
      %mul3A_846 = arith.mulf %gather3A_845, %exp3A_816 : vector<16xf32>
      tpu.vector_store_idx %arg13[%add3A_801, %broadcast_in_dim3A_844], %mul3A_846 : memref<128x128xf32, #tpu.memory_space<vmem>>[vector<16xi32>, vector<16xi32>], vector<16xf32>,
      %broadcast_in_dim3A_847 = arith.constant 7 : i32
      %broadcast_in_dim3A_848 = vector.broadcast %broadcast_in_dim3A_847 : i32 to vector<16xi32>
      %gather3A_849 = tpu.vector_load_idx %arg13[%add3A_801, %broadcast_in_dim3A_848] : memref<128x128xf32, #tpu.memory_space<vmem>>[vector<16xi32>, vector<16xi32>], vector<16xf32>,
      %mul3A_850 = arith.mulf %gather3A_849, %exp3A_816 : vector<16xf32>
      tpu.vector_store_idx %arg13[%add3A_801, %broadcast_in_dim3A_848], %mul3A_850 : memref<128x128xf32, #tpu.memory_space<vmem>>[vector<16xi32>, vector<16xi32>], vector<16xf32>,
      %broadcast_in_dim3A_851 = arith.constant 8 : i32
      %broadcast_in_dim3A_852 = vector.broadcast %broadcast_in_dim3A_851 : i32 to vector<16xi32>
      %gather3A_853 = tpu.vector_load_idx %arg13[%add3A_801, %broadcast_in_dim3A_852] : memref<128x128xf32, #tpu.memory_space<vmem>>[vector<16xi32>, vector<16xi32>], vector<16xf32>,
      %mul3A_854 = arith.mulf %gather3A_853, %exp3A_816 : vector<16xf32>
      tpu.vector_store_idx %arg13[%add3A_801, %broadcast_in_dim3A_852], %mul3A_854 : memref<128x128xf32, #tpu.memory_space<vmem>>[vector<16xi32>, vector<16xi32>], vector<16xf32>,
      %broadcast_in_dim3A_855 = arith.constant 9 : i32
      %broadcast_in_dim3A_856 = vector.broadcast %broadcast_in_dim3A_855 : i32 to vector<16xi32>
      %gather3A_857 = tpu.vector_load_idx %arg13[%add3A_801, %broadcast_in_dim3A_856] : memref<128x128xf32, #tpu.memory_space<vmem>>[vector<16xi32>, vector<16xi32>], vector<16xf32>,
      %mul3A_858 = arith.mulf %gather3A_857, %exp3A_816 : vector<16xf32>
      tpu.vector_store_idx %arg13[%add3A_801, %broadcast_in_dim3A_856], %mul3A_858 : memref<128x128xf32, #tpu.memory_space<vmem>>[vector<16xi32>, vector<16xi32>], vector<16xf32>,
      %broadcast_in_dim3A_859 = arith.constant 10 : i32
      %broadcast_in_dim3A_860 = vector.broadcast %broadcast_in_dim3A_859 : i32 to vector<16xi32>
      %gather3A_861 = tpu.vector_load_idx %arg13[%add3A_801, %broadcast_in_dim3A_860] : memref<128x128xf32, #tpu.memory_space<vmem>>[vector<16xi32>, vector<16xi32>], vector<16xf32>,
      %mul3A_862 = arith.mulf %gather3A_861, %exp3A_816 : vector<16xf32>
      tpu.vector_store_idx %arg13[%add3A_801, %broadcast_in_dim3A_860], %mul3A_862 : memref<128x128xf32, #tpu.memory_space<vmem>>[vector<16xi32>, vector<16xi32>], vector<16xf32>,
      %broadcast_in_dim3A_863 = arith.constant 11 : i32
      %broadcast_in_dim3A_864 = vector.broadcast %broadcast_in_dim3A_863 : i32 to vector<16xi32>
      %gather3A_865 = tpu.vector_load_idx %arg13[%add3A_801, %broadcast_in_dim3A_864] : memref<128x128xf32, #tpu.memory_space<vmem>>[vector<16xi32>, vector<16xi32>], vector<16xf32>,
      %mul3A_866 = arith.mulf %gather3A_865, %exp3A_816 : vector<16xf32>
      tpu.vector_store_idx %arg13[%add3A_801, %broadcast_in_dim3A_864], %mul3A_866 : memref<128x128xf32, #tpu.memory_space<vmem>>[vector<16xi32>, vector<16xi32>], vector<16xf32>,
      %broadcast_in_dim3A_867 = arith.constant 12 : i32
      %broadcast_in_dim3A_868 = vector.broadcast %broadcast_in_dim3A_867 : i32 to vector<16xi32>
      %gather3A_869 = tpu.vector_load_idx %arg13[%add3A_801, %broadcast_in_dim3A_868] : memref<128x128xf32, #tpu.memory_space<vmem>>[vector<16xi32>, vector<16xi32>], vector<16xf32>,
      %mul3A_870 = arith.mulf %gather3A_869, %exp3A_816 : vector<16xf32>
      tpu.vector_store_idx %arg13[%add3A_801, %broadcast_in_dim3A_868], %mul3A_870 : memref<128x128xf32, #tpu.memory_space<vmem>>[vector<16xi32>, vector<16xi32>], vector<16xf32>,
      %broadcast_in_dim3A_871 = arith.constant 13 : i32
      %broadcast_in_dim3A_872 = vector.broadcast %broadcast_in_dim3A_871 : i32 to vector<16xi32>
      %gather3A_873 = tpu.vector_load_idx %arg13[%add3A_801, %broadcast_in_dim3A_872] : memref<128x128xf32, #tpu.memory_space<vmem>>[vector<16xi32>, vector<16xi32>], vector<16xf32>,
      %mul3A_874 = arith.mulf %gather3A_873, %exp3A_816 : vector<16xf32>
      tpu.vector_store_idx %arg13[%add3A_801, %broadcast_in_dim3A_872], %mul3A_874 : memref<128x128xf32, #tpu.memory_space<vmem>>[vector<16xi32>, vector<16xi32>], vector<16xf32>,
      %broadcast_in_dim3A_875 = arith.constant 14 : i32
      %broadcast_in_dim3A_876 = vector.broadcast %broadcast_in_dim3A_875 : i32 to vector<16xi32>
      %gather3A_877 = tpu.vector_load_idx %arg13[%add3A_801, %broadcast_in_dim3A_876] : memref<128x128xf32, #tpu.memory_space<vmem>>[vector<16xi32>, vector<16xi32>], vector<16xf32>,
      %mul3A_878 = arith.mulf %gather3A_877, %exp3A_816 : vector<16xf32>
      tpu.vector_store_idx %arg13[%add3A_801, %broadcast_in_dim3A_876], %mul3A_878 : memref<128x128xf32, #tpu.memory_space<vmem>>[vector<16xi32>, vector<16xi32>], vector<16xf32>,
      %broadcast_in_dim3A_879 = arith.constant 15 : i32
      %broadcast_in_dim3A_880 = vector.broadcast %broadcast_in_dim3A_879 : i32 to vector<16xi32>
      %gather3A_881 = tpu.vector_load_idx %arg13[%add3A_801, %broadcast_in_dim3A_880] : memref<128x128xf32, #tpu.memory_space<vmem>>[vector<16xi32>, vector<16xi32>], vector<16xf32>,
      %mul3A_882 = arith.mulf %gather3A_881, %exp3A_816 : vector<16xf32>
      tpu.vector_store_idx %arg13[%add3A_801, %broadcast_in_dim3A_880], %mul3A_882 : memref<128x128xf32, #tpu.memory_space<vmem>>[vector<16xi32>, vector<16xi32>], vector<16xf32>,
      %add3A_883 = arith.constant 32 : i32
      %add3A_884 = vector.broadcast %add3A_883 : i32 to vector<16xi32>
      %add3A_885 = arith.addi %iota3A, %add3A_884 : vector<16xi32>
      %add3A_886 = arith.constant 32 : i32
      %add3A_887 = arith.addi %mul3A_714, %add3A_886 : i32
      %get3A_888 = arith.index_cast %add3A_887 : i32 to index
      %get3A_889 = tpu.vector_load %arg11[%get3A_888] {strides = array<i32>} : memref<5120xi32, #tpu.memory_space<vmem>>, vector<16xi32>,
      %broadcast_in_dim3A_890 = arith.constant 16 : i32
      %broadcast_in_dim3A_891 = vector.broadcast %broadcast_in_dim3A_890 : i32 to vector<16xi32>
      %gather3A_892 = tpu.vector_load_idx %arg13[%add3A_885, %broadcast_in_dim3A_891] : memref<128x128xf32, #tpu.memory_space<vmem>>[vector<16xi32>, vector<16xi32>], vector<16xf32>,
      %gather3A_893 = tpu.vector_load_idx %arg8[%get3A_889] : memref<10240xf32, #tpu.memory_space<vmem>>[vector<16xi32>], vector<16xf32>,
      %add3A_894 = arith.addf %gather3A_892, %gather3A_893 : vector<16xf32>
      %mul3A_895 = arith.constant 2.000000e-01 : f32
      %mul3A_896 = vector.broadcast %mul3A_895 : f32 to vector<16xf32>
      %mul3A_897 = arith.mulf %mul3A_896, %add3A_894 : vector<16xf32>
      %max3A_898 = arith.maximumf %add3A_894, %mul3A_897 : vector<16xf32>
      %sub3A_899 = arith.subf %max3A_898, %get3A_3 : vector<16xf32>
      %exp3A_900 = math.exp %sub3A_899 : vector<16xf32>
      %broadcast_in_dim3A_901 = arith.constant 16 : i32
      %broadcast_in_dim3A_902 = vector.broadcast %broadcast_in_dim3A_901 : i32 to vector<16xi32>
      tpu.vector_store_idx %arg13[%add3A_885, %broadcast_in_dim3A_902], %exp3A_900 : memref<128x128xf32, #tpu.memory_space<vmem>>[vector<16xi32>, vector<16xi32>], vector<16xf32>,
      %broadcast_in_dim3A_903 = arith.constant 0 : i32
      %broadcast_in_dim3A_904 = vector.broadcast %broadcast_in_dim3A_903 : i32 to vector<16xi32>
      %gather3A_905 = tpu.vector_load_idx %arg13[%add3A_885, %broadcast_in_dim3A_904] : memref<128x128xf32, #tpu.memory_space<vmem>>[vector<16xi32>, vector<16xi32>], vector<16xf32>,
      %mul3A_906 = arith.mulf %gather3A_905, %exp3A_900 : vector<16xf32>
      tpu.vector_store_idx %arg13[%add3A_885, %broadcast_in_dim3A_904], %mul3A_906 : memref<128x128xf32, #tpu.memory_space<vmem>>[vector<16xi32>, vector<16xi32>], vector<16xf32>,
      %broadcast_in_dim3A_907 = arith.constant 1 : i32
      %broadcast_in_dim3A_908 = vector.broadcast %broadcast_in_dim3A_907 : i32 to vector<16xi32>
      %gather3A_909 = tpu.vector_load_idx %arg13[%add3A_885, %broadcast_in_dim3A_908] : memref<128x128xf32, #tpu.memory_space<vmem>>[vector<16xi32>, vector<16xi32>], vector<16xf32>,
      %mul3A_910 = arith.mulf %gather3A_909, %exp3A_900 : vector<16xf32>
      tpu.vector_store_idx %arg13[%add3A_885, %broadcast_in_dim3A_908], %mul3A_910 : memref<128x128xf32, #tpu.memory_space<vmem>>[vector<16xi32>, vector<16xi32>], vector<16xf32>,
      %broadcast_in_dim3A_911 = arith.constant 2 : i32
      %broadcast_in_dim3A_912 = vector.broadcast %broadcast_in_dim3A_911 : i32 to vector<16xi32>
      %gather3A_913 = tpu.vector_load_idx %arg13[%add3A_885, %broadcast_in_dim3A_912] : memref<128x128xf32, #tpu.memory_space<vmem>>[vector<16xi32>, vector<16xi32>], vector<16xf32>,
      %mul3A_914 = arith.mulf %gather3A_913, %exp3A_900 : vector<16xf32>
      tpu.vector_store_idx %arg13[%add3A_885, %broadcast_in_dim3A_912], %mul3A_914 : memref<128x128xf32, #tpu.memory_space<vmem>>[vector<16xi32>, vector<16xi32>], vector<16xf32>,
      %broadcast_in_dim3A_915 = arith.constant 3 : i32
      %broadcast_in_dim3A_916 = vector.broadcast %broadcast_in_dim3A_915 : i32 to vector<16xi32>
      %gather3A_917 = tpu.vector_load_idx %arg13[%add3A_885, %broadcast_in_dim3A_916] : memref<128x128xf32, #tpu.memory_space<vmem>>[vector<16xi32>, vector<16xi32>], vector<16xf32>,
      %mul3A_918 = arith.mulf %gather3A_917, %exp3A_900 : vector<16xf32>
      tpu.vector_store_idx %arg13[%add3A_885, %broadcast_in_dim3A_916], %mul3A_918 : memref<128x128xf32, #tpu.memory_space<vmem>>[vector<16xi32>, vector<16xi32>], vector<16xf32>,
      %broadcast_in_dim3A_919 = arith.constant 4 : i32
      %broadcast_in_dim3A_920 = vector.broadcast %broadcast_in_dim3A_919 : i32 to vector<16xi32>
      %gather3A_921 = tpu.vector_load_idx %arg13[%add3A_885, %broadcast_in_dim3A_920] : memref<128x128xf32, #tpu.memory_space<vmem>>[vector<16xi32>, vector<16xi32>], vector<16xf32>,
      %mul3A_922 = arith.mulf %gather3A_921, %exp3A_900 : vector<16xf32>
      tpu.vector_store_idx %arg13[%add3A_885, %broadcast_in_dim3A_920], %mul3A_922 : memref<128x128xf32, #tpu.memory_space<vmem>>[vector<16xi32>, vector<16xi32>], vector<16xf32>,
      %broadcast_in_dim3A_923 = arith.constant 5 : i32
      %broadcast_in_dim3A_924 = vector.broadcast %broadcast_in_dim3A_923 : i32 to vector<16xi32>
      %gather3A_925 = tpu.vector_load_idx %arg13[%add3A_885, %broadcast_in_dim3A_924] : memref<128x128xf32, #tpu.memory_space<vmem>>[vector<16xi32>, vector<16xi32>], vector<16xf32>,
      %mul3A_926 = arith.mulf %gather3A_925, %exp3A_900 : vector<16xf32>
      tpu.vector_store_idx %arg13[%add3A_885, %broadcast_in_dim3A_924], %mul3A_926 : memref<128x128xf32, #tpu.memory_space<vmem>>[vector<16xi32>, vector<16xi32>], vector<16xf32>,
      %broadcast_in_dim3A_927 = arith.constant 6 : i32
      %broadcast_in_dim3A_928 = vector.broadcast %broadcast_in_dim3A_927 : i32 to vector<16xi32>
      %gather3A_929 = tpu.vector_load_idx %arg13[%add3A_885, %broadcast_in_dim3A_928] : memref<128x128xf32, #tpu.memory_space<vmem>>[vector<16xi32>, vector<16xi32>], vector<16xf32>,
      %mul3A_930 = arith.mulf %gather3A_929, %exp3A_900 : vector<16xf32>
      tpu.vector_store_idx %arg13[%add3A_885, %broadcast_in_dim3A_928], %mul3A_930 : memref<128x128xf32, #tpu.memory_space<vmem>>[vector<16xi32>, vector<16xi32>], vector<16xf32>,
      %broadcast_in_dim3A_931 = arith.constant 7 : i32
      %broadcast_in_dim3A_932 = vector.broadcast %broadcast_in_dim3A_931 : i32 to vector<16xi32>
      %gather3A_933 = tpu.vector_load_idx %arg13[%add3A_885, %broadcast_in_dim3A_932] : memref<128x128xf32, #tpu.memory_space<vmem>>[vector<16xi32>, vector<16xi32>], vector<16xf32>,
      %mul3A_934 = arith.mulf %gather3A_933, %exp3A_900 : vector<16xf32>
      tpu.vector_store_idx %arg13[%add3A_885, %broadcast_in_dim3A_932], %mul3A_934 : memref<128x128xf32, #tpu.memory_space<vmem>>[vector<16xi32>, vector<16xi32>], vector<16xf32>,
      %broadcast_in_dim3A_935 = arith.constant 8 : i32
      %broadcast_in_dim3A_936 = vector.broadcast %broadcast_in_dim3A_935 : i32 to vector<16xi32>
      %gather3A_937 = tpu.vector_load_idx %arg13[%add3A_885, %broadcast_in_dim3A_936] : memref<128x128xf32, #tpu.memory_space<vmem>>[vector<16xi32>, vector<16xi32>], vector<16xf32>,
      %mul3A_938 = arith.mulf %gather3A_937, %exp3A_900 : vector<16xf32>
      tpu.vector_store_idx %arg13[%add3A_885, %broadcast_in_dim3A_936], %mul3A_938 : memref<128x128xf32, #tpu.memory_space<vmem>>[vector<16xi32>, vector<16xi32>], vector<16xf32>,
      %broadcast_in_dim3A_939 = arith.constant 9 : i32
      %broadcast_in_dim3A_940 = vector.broadcast %broadcast_in_dim3A_939 : i32 to vector<16xi32>
      %gather3A_941 = tpu.vector_load_idx %arg13[%add3A_885, %broadcast_in_dim3A_940] : memref<128x128xf32, #tpu.memory_space<vmem>>[vector<16xi32>, vector<16xi32>], vector<16xf32>,
      %mul3A_942 = arith.mulf %gather3A_941, %exp3A_900 : vector<16xf32>
      tpu.vector_store_idx %arg13[%add3A_885, %broadcast_in_dim3A_940], %mul3A_942 : memref<128x128xf32, #tpu.memory_space<vmem>>[vector<16xi32>, vector<16xi32>], vector<16xf32>,
      %broadcast_in_dim3A_943 = arith.constant 10 : i32
      %broadcast_in_dim3A_944 = vector.broadcast %broadcast_in_dim3A_943 : i32 to vector<16xi32>
      %gather3A_945 = tpu.vector_load_idx %arg13[%add3A_885, %broadcast_in_dim3A_944] : memref<128x128xf32, #tpu.memory_space<vmem>>[vector<16xi32>, vector<16xi32>], vector<16xf32>,
      %mul3A_946 = arith.mulf %gather3A_945, %exp3A_900 : vector<16xf32>
      tpu.vector_store_idx %arg13[%add3A_885, %broadcast_in_dim3A_944], %mul3A_946 : memref<128x128xf32, #tpu.memory_space<vmem>>[vector<16xi32>, vector<16xi32>], vector<16xf32>,
      %broadcast_in_dim3A_947 = arith.constant 11 : i32
      %broadcast_in_dim3A_948 = vector.broadcast %broadcast_in_dim3A_947 : i32 to vector<16xi32>
      %gather3A_949 = tpu.vector_load_idx %arg13[%add3A_885, %broadcast_in_dim3A_948] : memref<128x128xf32, #tpu.memory_space<vmem>>[vector<16xi32>, vector<16xi32>], vector<16xf32>,
      %mul3A_950 = arith.mulf %gather3A_949, %exp3A_900 : vector<16xf32>
      tpu.vector_store_idx %arg13[%add3A_885, %broadcast_in_dim3A_948], %mul3A_950 : memref<128x128xf32, #tpu.memory_space<vmem>>[vector<16xi32>, vector<16xi32>], vector<16xf32>,
      %broadcast_in_dim3A_951 = arith.constant 12 : i32
      %broadcast_in_dim3A_952 = vector.broadcast %broadcast_in_dim3A_951 : i32 to vector<16xi32>
      %gather3A_953 = tpu.vector_load_idx %arg13[%add3A_885, %broadcast_in_dim3A_952] : memref<128x128xf32, #tpu.memory_space<vmem>>[vector<16xi32>, vector<16xi32>], vector<16xf32>,
      %mul3A_954 = arith.mulf %gather3A_953, %exp3A_900 : vector<16xf32>
      tpu.vector_store_idx %arg13[%add3A_885, %broadcast_in_dim3A_952], %mul3A_954 : memref<128x128xf32, #tpu.memory_space<vmem>>[vector<16xi32>, vector<16xi32>], vector<16xf32>,
      %broadcast_in_dim3A_955 = arith.constant 13 : i32
      %broadcast_in_dim3A_956 = vector.broadcast %broadcast_in_dim3A_955 : i32 to vector<16xi32>
      %gather3A_957 = tpu.vector_load_idx %arg13[%add3A_885, %broadcast_in_dim3A_956] : memref<128x128xf32, #tpu.memory_space<vmem>>[vector<16xi32>, vector<16xi32>], vector<16xf32>,
      %mul3A_958 = arith.mulf %gather3A_957, %exp3A_900 : vector<16xf32>
      tpu.vector_store_idx %arg13[%add3A_885, %broadcast_in_dim3A_956], %mul3A_958 : memref<128x128xf32, #tpu.memory_space<vmem>>[vector<16xi32>, vector<16xi32>], vector<16xf32>,
      %broadcast_in_dim3A_959 = arith.constant 14 : i32
      %broadcast_in_dim3A_960 = vector.broadcast %broadcast_in_dim3A_959 : i32 to vector<16xi32>
      %gather3A_961 = tpu.vector_load_idx %arg13[%add3A_885, %broadcast_in_dim3A_960] : memref<128x128xf32, #tpu.memory_space<vmem>>[vector<16xi32>, vector<16xi32>], vector<16xf32>,
      %mul3A_962 = arith.mulf %gather3A_961, %exp3A_900 : vector<16xf32>
      tpu.vector_store_idx %arg13[%add3A_885, %broadcast_in_dim3A_960], %mul3A_962 : memref<128x128xf32, #tpu.memory_space<vmem>>[vector<16xi32>, vector<16xi32>], vector<16xf32>,
      %broadcast_in_dim3A_963 = arith.constant 15 : i32
      %broadcast_in_dim3A_964 = vector.broadcast %broadcast_in_dim3A_963 : i32 to vector<16xi32>
      %gather3A_965 = tpu.vector_load_idx %arg13[%add3A_885, %broadcast_in_dim3A_964] : memref<128x128xf32, #tpu.memory_space<vmem>>[vector<16xi32>, vector<16xi32>], vector<16xf32>,
      %mul3A_966 = arith.mulf %gather3A_965, %exp3A_900 : vector<16xf32>
      tpu.vector_store_idx %arg13[%add3A_885, %broadcast_in_dim3A_964], %mul3A_966 : memref<128x128xf32, #tpu.memory_space<vmem>>[vector<16xi32>, vector<16xi32>], vector<16xf32>,
      %add3A_967 = arith.constant 48 : i32
      %add3A_968 = vector.broadcast %add3A_967 : i32 to vector<16xi32>
      %add3A_969 = arith.addi %iota3A, %add3A_968 : vector<16xi32>
      %add3A_970 = arith.constant 48 : i32
      %add3A_971 = arith.addi %mul3A_714, %add3A_970 : i32
      %get3A_972 = arith.index_cast %add3A_971 : i32 to index
      %get3A_973 = tpu.vector_load %arg11[%get3A_972] {strides = array<i32>} : memref<5120xi32, #tpu.memory_space<vmem>>, vector<16xi32>,
      %broadcast_in_dim3A_974 = arith.constant 16 : i32
      %broadcast_in_dim3A_975 = vector.broadcast %broadcast_in_dim3A_974 : i32 to vector<16xi32>
      %gather3A_976 = tpu.vector_load_idx %arg13[%add3A_969, %broadcast_in_dim3A_975] : memref<128x128xf32, #tpu.memory_space<vmem>>[vector<16xi32>, vector<16xi32>], vector<16xf32>,
      %gather3A_977 = tpu.vector_load_idx %arg8[%get3A_973] : memref<10240xf32, #tpu.memory_space<vmem>>[vector<16xi32>], vector<16xf32>,
      %add3A_978 = arith.addf %gather3A_976, %gather3A_977 : vector<16xf32>
      %mul3A_979 = arith.constant 2.000000e-01 : f32
      %mul3A_980 = vector.broadcast %mul3A_979 : f32 to vector<16xf32>
      %mul3A_981 = arith.mulf %mul3A_980, %add3A_978 : vector<16xf32>
      %max3A_982 = arith.maximumf %add3A_978, %mul3A_981 : vector<16xf32>
      %sub3A_983 = arith.subf %max3A_982, %get3A_3 : vector<16xf32>
      %exp3A_984 = math.exp %sub3A_983 : vector<16xf32>
      %broadcast_in_dim3A_985 = arith.constant 16 : i32
      %broadcast_in_dim3A_986 = vector.broadcast %broadcast_in_dim3A_985 : i32 to vector<16xi32>
      tpu.vector_store_idx %arg13[%add3A_969, %broadcast_in_dim3A_986], %exp3A_984 : memref<128x128xf32, #tpu.memory_space<vmem>>[vector<16xi32>, vector<16xi32>], vector<16xf32>,
      %broadcast_in_dim3A_987 = arith.constant 0 : i32
      %broadcast_in_dim3A_988 = vector.broadcast %broadcast_in_dim3A_987 : i32 to vector<16xi32>
      %gather3A_989 = tpu.vector_load_idx %arg13[%add3A_969, %broadcast_in_dim3A_988] : memref<128x128xf32, #tpu.memory_space<vmem>>[vector<16xi32>, vector<16xi32>], vector<16xf32>,
      %mul3A_990 = arith.mulf %gather3A_989, %exp3A_984 : vector<16xf32>
      tpu.vector_store_idx %arg13[%add3A_969, %broadcast_in_dim3A_988], %mul3A_990 : memref<128x128xf32, #tpu.memory_space<vmem>>[vector<16xi32>, vector<16xi32>], vector<16xf32>,
      %broadcast_in_dim3A_991 = arith.constant 1 : i32
      %broadcast_in_dim3A_992 = vector.broadcast %broadcast_in_dim3A_991 : i32 to vector<16xi32>
      %gather3A_993 = tpu.vector_load_idx %arg13[%add3A_969, %broadcast_in_dim3A_992] : memref<128x128xf32, #tpu.memory_space<vmem>>[vector<16xi32>, vector<16xi32>], vector<16xf32>,
      %mul3A_994 = arith.mulf %gather3A_993, %exp3A_984 : vector<16xf32>
      tpu.vector_store_idx %arg13[%add3A_969, %broadcast_in_dim3A_992], %mul3A_994 : memref<128x128xf32, #tpu.memory_space<vmem>>[vector<16xi32>, vector<16xi32>], vector<16xf32>,
      %broadcast_in_dim3A_995 = arith.constant 2 : i32
      %broadcast_in_dim3A_996 = vector.broadcast %broadcast_in_dim3A_995 : i32 to vector<16xi32>
      %gather3A_997 = tpu.vector_load_idx %arg13[%add3A_969, %broadcast_in_dim3A_996] : memref<128x128xf32, #tpu.memory_space<vmem>>[vector<16xi32>, vector<16xi32>], vector<16xf32>,
      %mul3A_998 = arith.mulf %gather3A_997, %exp3A_984 : vector<16xf32>
      tpu.vector_store_idx %arg13[%add3A_969, %broadcast_in_dim3A_996], %mul3A_998 : memref<128x128xf32, #tpu.memory_space<vmem>>[vector<16xi32>, vector<16xi32>], vector<16xf32>,
      %broadcast_in_dim3A_999 = arith.constant 3 : i32
      %broadcast_in_dim3A_1000 = vector.broadcast %broadcast_in_dim3A_999 : i32 to vector<16xi32>
      %gather3A_1001 = tpu.vector_load_idx %arg13[%add3A_969, %broadcast_in_dim3A_1000] : memref<128x128xf32, #tpu.memory_space<vmem>>[vector<16xi32>, vector<16xi32>], vector<16xf32>,
      %mul3A_1002 = arith.mulf %gather3A_1001, %exp3A_984 : vector<16xf32>
      tpu.vector_store_idx %arg13[%add3A_969, %broadcast_in_dim3A_1000], %mul3A_1002 : memref<128x128xf32, #tpu.memory_space<vmem>>[vector<16xi32>, vector<16xi32>], vector<16xf32>,
      %broadcast_in_dim3A_1003 = arith.constant 4 : i32
      %broadcast_in_dim3A_1004 = vector.broadcast %broadcast_in_dim3A_1003 : i32 to vector<16xi32>
      %gather3A_1005 = tpu.vector_load_idx %arg13[%add3A_969, %broadcast_in_dim3A_1004] : memref<128x128xf32, #tpu.memory_space<vmem>>[vector<16xi32>, vector<16xi32>], vector<16xf32>,
      %mul3A_1006 = arith.mulf %gather3A_1005, %exp3A_984 : vector<16xf32>
      tpu.vector_store_idx %arg13[%add3A_969, %broadcast_in_dim3A_1004], %mul3A_1006 : memref<128x128xf32, #tpu.memory_space<vmem>>[vector<16xi32>, vector<16xi32>], vector<16xf32>,
      %broadcast_in_dim3A_1007 = arith.constant 5 : i32
      %broadcast_in_dim3A_1008 = vector.broadcast %broadcast_in_dim3A_1007 : i32 to vector<16xi32>
      %gather3A_1009 = tpu.vector_load_idx %arg13[%add3A_969, %broadcast_in_dim3A_1008] : memref<128x128xf32, #tpu.memory_space<vmem>>[vector<16xi32>, vector<16xi32>], vector<16xf32>,
      %mul3A_1010 = arith.mulf %gather3A_1009, %exp3A_984 : vector<16xf32>
      tpu.vector_store_idx %arg13[%add3A_969, %broadcast_in_dim3A_1008], %mul3A_1010 : memref<128x128xf32, #tpu.memory_space<vmem>>[vector<16xi32>, vector<16xi32>], vector<16xf32>,
      %broadcast_in_dim3A_1011 = arith.constant 6 : i32
      %broadcast_in_dim3A_1012 = vector.broadcast %broadcast_in_dim3A_1011 : i32 to vector<16xi32>
      %gather3A_1013 = tpu.vector_load_idx %arg13[%add3A_969, %broadcast_in_dim3A_1012] : memref<128x128xf32, #tpu.memory_space<vmem>>[vector<16xi32>, vector<16xi32>], vector<16xf32>,
      %mul3A_1014 = arith.mulf %gather3A_1013, %exp3A_984 : vector<16xf32>
      tpu.vector_store_idx %arg13[%add3A_969, %broadcast_in_dim3A_1012], %mul3A_1014 : memref<128x128xf32, #tpu.memory_space<vmem>>[vector<16xi32>, vector<16xi32>], vector<16xf32>,
      %broadcast_in_dim3A_1015 = arith.constant 7 : i32
      %broadcast_in_dim3A_1016 = vector.broadcast %broadcast_in_dim3A_1015 : i32 to vector<16xi32>
      %gather3A_1017 = tpu.vector_load_idx %arg13[%add3A_969, %broadcast_in_dim3A_1016] : memref<128x128xf32, #tpu.memory_space<vmem>>[vector<16xi32>, vector<16xi32>], vector<16xf32>,
      %mul3A_1018 = arith.mulf %gather3A_1017, %exp3A_984 : vector<16xf32>
      tpu.vector_store_idx %arg13[%add3A_969, %broadcast_in_dim3A_1016], %mul3A_1018 : memref<128x128xf32, #tpu.memory_space<vmem>>[vector<16xi32>, vector<16xi32>], vector<16xf32>,
      %broadcast_in_dim3A_1019 = arith.constant 8 : i32
      %broadcast_in_dim3A_1020 = vector.broadcast %broadcast_in_dim3A_1019 : i32 to vector<16xi32>
      %gather3A_1021 = tpu.vector_load_idx %arg13[%add3A_969, %broadcast_in_dim3A_1020] : memref<128x128xf32, #tpu.memory_space<vmem>>[vector<16xi32>, vector<16xi32>], vector<16xf32>,
      %mul3A_1022 = arith.mulf %gather3A_1021, %exp3A_984 : vector<16xf32>
      tpu.vector_store_idx %arg13[%add3A_969, %broadcast_in_dim3A_1020], %mul3A_1022 : memref<128x128xf32, #tpu.memory_space<vmem>>[vector<16xi32>, vector<16xi32>], vector<16xf32>,
      %broadcast_in_dim3A_1023 = arith.constant 9 : i32
      %broadcast_in_dim3A_1024 = vector.broadcast %broadcast_in_dim3A_1023 : i32 to vector<16xi32>
      %gather3A_1025 = tpu.vector_load_idx %arg13[%add3A_969, %broadcast_in_dim3A_1024] : memref<128x128xf32, #tpu.memory_space<vmem>>[vector<16xi32>, vector<16xi32>], vector<16xf32>,
      %mul3A_1026 = arith.mulf %gather3A_1025, %exp3A_984 : vector<16xf32>
      tpu.vector_store_idx %arg13[%add3A_969, %broadcast_in_dim3A_1024], %mul3A_1026 : memref<128x128xf32, #tpu.memory_space<vmem>>[vector<16xi32>, vector<16xi32>], vector<16xf32>,
      %broadcast_in_dim3A_1027 = arith.constant 10 : i32
      %broadcast_in_dim3A_1028 = vector.broadcast %broadcast_in_dim3A_1027 : i32 to vector<16xi32>
      %gather3A_1029 = tpu.vector_load_idx %arg13[%add3A_969, %broadcast_in_dim3A_1028] : memref<128x128xf32, #tpu.memory_space<vmem>>[vector<16xi32>, vector<16xi32>], vector<16xf32>,
      %mul3A_1030 = arith.mulf %gather3A_1029, %exp3A_984 : vector<16xf32>
      tpu.vector_store_idx %arg13[%add3A_969, %broadcast_in_dim3A_1028], %mul3A_1030 : memref<128x128xf32, #tpu.memory_space<vmem>>[vector<16xi32>, vector<16xi32>], vector<16xf32>,
      %broadcast_in_dim3A_1031 = arith.constant 11 : i32
      %broadcast_in_dim3A_1032 = vector.broadcast %broadcast_in_dim3A_1031 : i32 to vector<16xi32>
      %gather3A_1033 = tpu.vector_load_idx %arg13[%add3A_969, %broadcast_in_dim3A_1032] : memref<128x128xf32, #tpu.memory_space<vmem>>[vector<16xi32>, vector<16xi32>], vector<16xf32>,
      %mul3A_1034 = arith.mulf %gather3A_1033, %exp3A_984 : vector<16xf32>
      tpu.vector_store_idx %arg13[%add3A_969, %broadcast_in_dim3A_1032], %mul3A_1034 : memref<128x128xf32, #tpu.memory_space<vmem>>[vector<16xi32>, vector<16xi32>], vector<16xf32>,
      %broadcast_in_dim3A_1035 = arith.constant 12 : i32
      %broadcast_in_dim3A_1036 = vector.broadcast %broadcast_in_dim3A_1035 : i32 to vector<16xi32>
      %gather3A_1037 = tpu.vector_load_idx %arg13[%add3A_969, %broadcast_in_dim3A_1036] : memref<128x128xf32, #tpu.memory_space<vmem>>[vector<16xi32>, vector<16xi32>], vector<16xf32>,
      %mul3A_1038 = arith.mulf %gather3A_1037, %exp3A_984 : vector<16xf32>
      tpu.vector_store_idx %arg13[%add3A_969, %broadcast_in_dim3A_1036], %mul3A_1038 : memref<128x128xf32, #tpu.memory_space<vmem>>[vector<16xi32>, vector<16xi32>], vector<16xf32>,
      %broadcast_in_dim3A_1039 = arith.constant 13 : i32
      %broadcast_in_dim3A_1040 = vector.broadcast %broadcast_in_dim3A_1039 : i32 to vector<16xi32>
      %gather3A_1041 = tpu.vector_load_idx %arg13[%add3A_969, %broadcast_in_dim3A_1040] : memref<128x128xf32, #tpu.memory_space<vmem>>[vector<16xi32>, vector<16xi32>], vector<16xf32>,
      %mul3A_1042 = arith.mulf %gather3A_1041, %exp3A_984 : vector<16xf32>
      tpu.vector_store_idx %arg13[%add3A_969, %broadcast_in_dim3A_1040], %mul3A_1042 : memref<128x128xf32, #tpu.memory_space<vmem>>[vector<16xi32>, vector<16xi32>], vector<16xf32>,
      %broadcast_in_dim3A_1043 = arith.constant 14 : i32
      %broadcast_in_dim3A_1044 = vector.broadcast %broadcast_in_dim3A_1043 : i32 to vector<16xi32>
      %gather3A_1045 = tpu.vector_load_idx %arg13[%add3A_969, %broadcast_in_dim3A_1044] : memref<128x128xf32, #tpu.memory_space<vmem>>[vector<16xi32>, vector<16xi32>], vector<16xf32>,
      %mul3A_1046 = arith.mulf %gather3A_1045, %exp3A_984 : vector<16xf32>
      tpu.vector_store_idx %arg13[%add3A_969, %broadcast_in_dim3A_1044], %mul3A_1046 : memref<128x128xf32, #tpu.memory_space<vmem>>[vector<16xi32>, vector<16xi32>], vector<16xf32>,
      %broadcast_in_dim3A_1047 = arith.constant 15 : i32
      %broadcast_in_dim3A_1048 = vector.broadcast %broadcast_in_dim3A_1047 : i32 to vector<16xi32>
      %gather3A_1049 = tpu.vector_load_idx %arg13[%add3A_969, %broadcast_in_dim3A_1048] : memref<128x128xf32, #tpu.memory_space<vmem>>[vector<16xi32>, vector<16xi32>], vector<16xf32>,
      %mul3A_1050 = arith.mulf %gather3A_1049, %exp3A_984 : vector<16xf32>
      tpu.vector_store_idx %arg13[%add3A_969, %broadcast_in_dim3A_1048], %mul3A_1050 : memref<128x128xf32, #tpu.memory_space<vmem>>[vector<16xi32>, vector<16xi32>], vector<16xf32>,
      %add3A_1051 = arith.constant 64 : i32
      %add3A_1052 = vector.broadcast %add3A_1051 : i32 to vector<16xi32>
      %add3A_1053 = arith.addi %iota3A, %add3A_1052 : vector<16xi32>
      %add3A_1054 = arith.constant 64 : i32
      %add3A_1055 = arith.addi %mul3A_714, %add3A_1054 : i32
      %get3A_1056 = arith.index_cast %add3A_1055 : i32 to index
      %get3A_1057 = tpu.vector_load %arg11[%get3A_1056] {strides = array<i32>} : memref<5120xi32, #tpu.memory_space<vmem>>, vector<16xi32>,
      %broadcast_in_dim3A_1058 = arith.constant 16 : i32
      %broadcast_in_dim3A_1059 = vector.broadcast %broadcast_in_dim3A_1058 : i32 to vector<16xi32>
      %gather3A_1060 = tpu.vector_load_idx %arg13[%add3A_1053, %broadcast_in_dim3A_1059] : memref<128x128xf32, #tpu.memory_space<vmem>>[vector<16xi32>, vector<16xi32>], vector<16xf32>,
      %gather3A_1061 = tpu.vector_load_idx %arg8[%get3A_1057] : memref<10240xf32, #tpu.memory_space<vmem>>[vector<16xi32>], vector<16xf32>,
      %add3A_1062 = arith.addf %gather3A_1060, %gather3A_1061 : vector<16xf32>
      %mul3A_1063 = arith.constant 2.000000e-01 : f32
      %mul3A_1064 = vector.broadcast %mul3A_1063 : f32 to vector<16xf32>
      %mul3A_1065 = arith.mulf %mul3A_1064, %add3A_1062 : vector<16xf32>
      %max3A_1066 = arith.maximumf %add3A_1062, %mul3A_1065 : vector<16xf32>
      %sub3A_1067 = arith.subf %max3A_1066, %get3A_3 : vector<16xf32>
      %exp3A_1068 = math.exp %sub3A_1067 : vector<16xf32>
      %broadcast_in_dim3A_1069 = arith.constant 16 : i32
      %broadcast_in_dim3A_1070 = vector.broadcast %broadcast_in_dim3A_1069 : i32 to vector<16xi32>
      tpu.vector_store_idx %arg13[%add3A_1053, %broadcast_in_dim3A_1070], %exp3A_1068 : memref<128x128xf32, #tpu.memory_space<vmem>>[vector<16xi32>, vector<16xi32>], vector<16xf32>,
      %broadcast_in_dim3A_1071 = arith.constant 0 : i32
      %broadcast_in_dim3A_1072 = vector.broadcast %broadcast_in_dim3A_1071 : i32 to vector<16xi32>
      %gather3A_1073 = tpu.vector_load_idx %arg13[%add3A_1053, %broadcast_in_dim3A_1072] : memref<128x128xf32, #tpu.memory_space<vmem>>[vector<16xi32>, vector<16xi32>], vector<16xf32>,
      %mul3A_1074 = arith.mulf %gather3A_1073, %exp3A_1068 : vector<16xf32>
      tpu.vector_store_idx %arg13[%add3A_1053, %broadcast_in_dim3A_1072], %mul3A_1074 : memref<128x128xf32, #tpu.memory_space<vmem>>[vector<16xi32>, vector<16xi32>], vector<16xf32>,
      %broadcast_in_dim3A_1075 = arith.constant 1 : i32
      %broadcast_in_dim3A_1076 = vector.broadcast %broadcast_in_dim3A_1075 : i32 to vector<16xi32>
      %gather3A_1077 = tpu.vector_load_idx %arg13[%add3A_1053, %broadcast_in_dim3A_1076] : memref<128x128xf32, #tpu.memory_space<vmem>>[vector<16xi32>, vector<16xi32>], vector<16xf32>,
      %mul3A_1078 = arith.mulf %gather3A_1077, %exp3A_1068 : vector<16xf32>
      tpu.vector_store_idx %arg13[%add3A_1053, %broadcast_in_dim3A_1076], %mul3A_1078 : memref<128x128xf32, #tpu.memory_space<vmem>>[vector<16xi32>, vector<16xi32>], vector<16xf32>,
      %broadcast_in_dim3A_1079 = arith.constant 2 : i32
      %broadcast_in_dim3A_1080 = vector.broadcast %broadcast_in_dim3A_1079 : i32 to vector<16xi32>
      %gather3A_1081 = tpu.vector_load_idx %arg13[%add3A_1053, %broadcast_in_dim3A_1080] : memref<128x128xf32, #tpu.memory_space<vmem>>[vector<16xi32>, vector<16xi32>], vector<16xf32>,
      %mul3A_1082 = arith.mulf %gather3A_1081, %exp3A_1068 : vector<16xf32>
      tpu.vector_store_idx %arg13[%add3A_1053, %broadcast_in_dim3A_1080], %mul3A_1082 : memref<128x128xf32, #tpu.memory_space<vmem>>[vector<16xi32>, vector<16xi32>], vector<16xf32>,
      %broadcast_in_dim3A_1083 = arith.constant 3 : i32
      %broadcast_in_dim3A_1084 = vector.broadcast %broadcast_in_dim3A_1083 : i32 to vector<16xi32>
      %gather3A_1085 = tpu.vector_load_idx %arg13[%add3A_1053, %broadcast_in_dim3A_1084] : memref<128x128xf32, #tpu.memory_space<vmem>>[vector<16xi32>, vector<16xi32>], vector<16xf32>,
      %mul3A_1086 = arith.mulf %gather3A_1085, %exp3A_1068 : vector<16xf32>
      tpu.vector_store_idx %arg13[%add3A_1053, %broadcast_in_dim3A_1084], %mul3A_1086 : memref<128x128xf32, #tpu.memory_space<vmem>>[vector<16xi32>, vector<16xi32>], vector<16xf32>,
      %broadcast_in_dim3A_1087 = arith.constant 4 : i32
      %broadcast_in_dim3A_1088 = vector.broadcast %broadcast_in_dim3A_1087 : i32 to vector<16xi32>
      %gather3A_1089 = tpu.vector_load_idx %arg13[%add3A_1053, %broadcast_in_dim3A_1088] : memref<128x128xf32, #tpu.memory_space<vmem>>[vector<16xi32>, vector<16xi32>], vector<16xf32>,
      %mul3A_1090 = arith.mulf %gather3A_1089, %exp3A_1068 : vector<16xf32>
      tpu.vector_store_idx %arg13[%add3A_1053, %broadcast_in_dim3A_1088], %mul3A_1090 : memref<128x128xf32, #tpu.memory_space<vmem>>[vector<16xi32>, vector<16xi32>], vector<16xf32>,
      %broadcast_in_dim3A_1091 = arith.constant 5 : i32
      %broadcast_in_dim3A_1092 = vector.broadcast %broadcast_in_dim3A_1091 : i32 to vector<16xi32>
      %gather3A_1093 = tpu.vector_load_idx %arg13[%add3A_1053, %broadcast_in_dim3A_1092] : memref<128x128xf32, #tpu.memory_space<vmem>>[vector<16xi32>, vector<16xi32>], vector<16xf32>,
      %mul3A_1094 = arith.mulf %gather3A_1093, %exp3A_1068 : vector<16xf32>
      tpu.vector_store_idx %arg13[%add3A_1053, %broadcast_in_dim3A_1092], %mul3A_1094 : memref<128x128xf32, #tpu.memory_space<vmem>>[vector<16xi32>, vector<16xi32>], vector<16xf32>,
      %broadcast_in_dim3A_1095 = arith.constant 6 : i32
      %broadcast_in_dim3A_1096 = vector.broadcast %broadcast_in_dim3A_1095 : i32 to vector<16xi32>
      %gather3A_1097 = tpu.vector_load_idx %arg13[%add3A_1053, %broadcast_in_dim3A_1096] : memref<128x128xf32, #tpu.memory_space<vmem>>[vector<16xi32>, vector<16xi32>], vector<16xf32>,
      %mul3A_1098 = arith.mulf %gather3A_1097, %exp3A_1068 : vector<16xf32>
      tpu.vector_store_idx %arg13[%add3A_1053, %broadcast_in_dim3A_1096], %mul3A_1098 : memref<128x128xf32, #tpu.memory_space<vmem>>[vector<16xi32>, vector<16xi32>], vector<16xf32>,
      %broadcast_in_dim3A_1099 = arith.constant 7 : i32
      %broadcast_in_dim3A_1100 = vector.broadcast %broadcast_in_dim3A_1099 : i32 to vector<16xi32>
      %gather3A_1101 = tpu.vector_load_idx %arg13[%add3A_1053, %broadcast_in_dim3A_1100] : memref<128x128xf32, #tpu.memory_space<vmem>>[vector<16xi32>, vector<16xi32>], vector<16xf32>,
      %mul3A_1102 = arith.mulf %gather3A_1101, %exp3A_1068 : vector<16xf32>
      tpu.vector_store_idx %arg13[%add3A_1053, %broadcast_in_dim3A_1100], %mul3A_1102 : memref<128x128xf32, #tpu.memory_space<vmem>>[vector<16xi32>, vector<16xi32>], vector<16xf32>,
      %broadcast_in_dim3A_1103 = arith.constant 8 : i32
      %broadcast_in_dim3A_1104 = vector.broadcast %broadcast_in_dim3A_1103 : i32 to vector<16xi32>
      %gather3A_1105 = tpu.vector_load_idx %arg13[%add3A_1053, %broadcast_in_dim3A_1104] : memref<128x128xf32, #tpu.memory_space<vmem>>[vector<16xi32>, vector<16xi32>], vector<16xf32>,
      %mul3A_1106 = arith.mulf %gather3A_1105, %exp3A_1068 : vector<16xf32>
      tpu.vector_store_idx %arg13[%add3A_1053, %broadcast_in_dim3A_1104], %mul3A_1106 : memref<128x128xf32, #tpu.memory_space<vmem>>[vector<16xi32>, vector<16xi32>], vector<16xf32>,
      %broadcast_in_dim3A_1107 = arith.constant 9 : i32
      %broadcast_in_dim3A_1108 = vector.broadcast %broadcast_in_dim3A_1107 : i32 to vector<16xi32>
      %gather3A_1109 = tpu.vector_load_idx %arg13[%add3A_1053, %broadcast_in_dim3A_1108] : memref<128x128xf32, #tpu.memory_space<vmem>>[vector<16xi32>, vector<16xi32>], vector<16xf32>,
      %mul3A_1110 = arith.mulf %gather3A_1109, %exp3A_1068 : vector<16xf32>
      tpu.vector_store_idx %arg13[%add3A_1053, %broadcast_in_dim3A_1108], %mul3A_1110 : memref<128x128xf32, #tpu.memory_space<vmem>>[vector<16xi32>, vector<16xi32>], vector<16xf32>,
      %broadcast_in_dim3A_1111 = arith.constant 10 : i32
      %broadcast_in_dim3A_1112 = vector.broadcast %broadcast_in_dim3A_1111 : i32 to vector<16xi32>
      %gather3A_1113 = tpu.vector_load_idx %arg13[%add3A_1053, %broadcast_in_dim3A_1112] : memref<128x128xf32, #tpu.memory_space<vmem>>[vector<16xi32>, vector<16xi32>], vector<16xf32>,
      %mul3A_1114 = arith.mulf %gather3A_1113, %exp3A_1068 : vector<16xf32>
      tpu.vector_store_idx %arg13[%add3A_1053, %broadcast_in_dim3A_1112], %mul3A_1114 : memref<128x128xf32, #tpu.memory_space<vmem>>[vector<16xi32>, vector<16xi32>], vector<16xf32>,
      %broadcast_in_dim3A_1115 = arith.constant 11 : i32
      %broadcast_in_dim3A_1116 = vector.broadcast %broadcast_in_dim3A_1115 : i32 to vector<16xi32>
      %gather3A_1117 = tpu.vector_load_idx %arg13[%add3A_1053, %broadcast_in_dim3A_1116] : memref<128x128xf32, #tpu.memory_space<vmem>>[vector<16xi32>, vector<16xi32>], vector<16xf32>,
      %mul3A_1118 = arith.mulf %gather3A_1117, %exp3A_1068 : vector<16xf32>
      tpu.vector_store_idx %arg13[%add3A_1053, %broadcast_in_dim3A_1116], %mul3A_1118 : memref<128x128xf32, #tpu.memory_space<vmem>>[vector<16xi32>, vector<16xi32>], vector<16xf32>,
      %broadcast_in_dim3A_1119 = arith.constant 12 : i32
      %broadcast_in_dim3A_1120 = vector.broadcast %broadcast_in_dim3A_1119 : i32 to vector<16xi32>
      %gather3A_1121 = tpu.vector_load_idx %arg13[%add3A_1053, %broadcast_in_dim3A_1120] : memref<128x128xf32, #tpu.memory_space<vmem>>[vector<16xi32>, vector<16xi32>], vector<16xf32>,
      %mul3A_1122 = arith.mulf %gather3A_1121, %exp3A_1068 : vector<16xf32>
      tpu.vector_store_idx %arg13[%add3A_1053, %broadcast_in_dim3A_1120], %mul3A_1122 : memref<128x128xf32, #tpu.memory_space<vmem>>[vector<16xi32>, vector<16xi32>], vector<16xf32>,
      %broadcast_in_dim3A_1123 = arith.constant 13 : i32
      %broadcast_in_dim3A_1124 = vector.broadcast %broadcast_in_dim3A_1123 : i32 to vector<16xi32>
      %gather3A_1125 = tpu.vector_load_idx %arg13[%add3A_1053, %broadcast_in_dim3A_1124] : memref<128x128xf32, #tpu.memory_space<vmem>>[vector<16xi32>, vector<16xi32>], vector<16xf32>,
      %mul3A_1126 = arith.mulf %gather3A_1125, %exp3A_1068 : vector<16xf32>
      tpu.vector_store_idx %arg13[%add3A_1053, %broadcast_in_dim3A_1124], %mul3A_1126 : memref<128x128xf32, #tpu.memory_space<vmem>>[vector<16xi32>, vector<16xi32>], vector<16xf32>,
      %broadcast_in_dim3A_1127 = arith.constant 14 : i32
      %broadcast_in_dim3A_1128 = vector.broadcast %broadcast_in_dim3A_1127 : i32 to vector<16xi32>
      %gather3A_1129 = tpu.vector_load_idx %arg13[%add3A_1053, %broadcast_in_dim3A_1128] : memref<128x128xf32, #tpu.memory_space<vmem>>[vector<16xi32>, vector<16xi32>], vector<16xf32>,
      %mul3A_1130 = arith.mulf %gather3A_1129, %exp3A_1068 : vector<16xf32>
      tpu.vector_store_idx %arg13[%add3A_1053, %broadcast_in_dim3A_1128], %mul3A_1130 : memref<128x128xf32, #tpu.memory_space<vmem>>[vector<16xi32>, vector<16xi32>], vector<16xf32>,
      %broadcast_in_dim3A_1131 = arith.constant 15 : i32
      %broadcast_in_dim3A_1132 = vector.broadcast %broadcast_in_dim3A_1131 : i32 to vector<16xi32>
      %gather3A_1133 = tpu.vector_load_idx %arg13[%add3A_1053, %broadcast_in_dim3A_1132] : memref<128x128xf32, #tpu.memory_space<vmem>>[vector<16xi32>, vector<16xi32>], vector<16xf32>,
      %mul3A_1134 = arith.mulf %gather3A_1133, %exp3A_1068 : vector<16xf32>
      tpu.vector_store_idx %arg13[%add3A_1053, %broadcast_in_dim3A_1132], %mul3A_1134 : memref<128x128xf32, #tpu.memory_space<vmem>>[vector<16xi32>, vector<16xi32>], vector<16xf32>,
      %add3A_1135 = arith.constant 80 : i32
      %add3A_1136 = vector.broadcast %add3A_1135 : i32 to vector<16xi32>
      %add3A_1137 = arith.addi %iota3A, %add3A_1136 : vector<16xi32>
      %add3A_1138 = arith.constant 80 : i32
      %add3A_1139 = arith.addi %mul3A_714, %add3A_1138 : i32
      %get3A_1140 = arith.index_cast %add3A_1139 : i32 to index
      %get3A_1141 = tpu.vector_load %arg11[%get3A_1140] {strides = array<i32>} : memref<5120xi32, #tpu.memory_space<vmem>>, vector<16xi32>,
      %broadcast_in_dim3A_1142 = arith.constant 16 : i32
      %broadcast_in_dim3A_1143 = vector.broadcast %broadcast_in_dim3A_1142 : i32 to vector<16xi32>
      %gather3A_1144 = tpu.vector_load_idx %arg13[%add3A_1137, %broadcast_in_dim3A_1143] : memref<128x128xf32, #tpu.memory_space<vmem>>[vector<16xi32>, vector<16xi32>], vector<16xf32>,
      %gather3A_1145 = tpu.vector_load_idx %arg8[%get3A_1141] : memref<10240xf32, #tpu.memory_space<vmem>>[vector<16xi32>], vector<16xf32>,
      %add3A_1146 = arith.addf %gather3A_1144, %gather3A_1145 : vector<16xf32>
      %mul3A_1147 = arith.constant 2.000000e-01 : f32
      %mul3A_1148 = vector.broadcast %mul3A_1147 : f32 to vector<16xf32>
      %mul3A_1149 = arith.mulf %mul3A_1148, %add3A_1146 : vector<16xf32>
      %max3A_1150 = arith.maximumf %add3A_1146, %mul3A_1149 : vector<16xf32>
      %sub3A_1151 = arith.subf %max3A_1150, %get3A_3 : vector<16xf32>
      %exp3A_1152 = math.exp %sub3A_1151 : vector<16xf32>
      %broadcast_in_dim3A_1153 = arith.constant 16 : i32
      %broadcast_in_dim3A_1154 = vector.broadcast %broadcast_in_dim3A_1153 : i32 to vector<16xi32>
      tpu.vector_store_idx %arg13[%add3A_1137, %broadcast_in_dim3A_1154], %exp3A_1152 : memref<128x128xf32, #tpu.memory_space<vmem>>[vector<16xi32>, vector<16xi32>], vector<16xf32>,
      %broadcast_in_dim3A_1155 = arith.constant 0 : i32
      %broadcast_in_dim3A_1156 = vector.broadcast %broadcast_in_dim3A_1155 : i32 to vector<16xi32>
      %gather3A_1157 = tpu.vector_load_idx %arg13[%add3A_1137, %broadcast_in_dim3A_1156] : memref<128x128xf32, #tpu.memory_space<vmem>>[vector<16xi32>, vector<16xi32>], vector<16xf32>,
      %mul3A_1158 = arith.mulf %gather3A_1157, %exp3A_1152 : vector<16xf32>
      tpu.vector_store_idx %arg13[%add3A_1137, %broadcast_in_dim3A_1156], %mul3A_1158 : memref<128x128xf32, #tpu.memory_space<vmem>>[vector<16xi32>, vector<16xi32>], vector<16xf32>,
      %broadcast_in_dim3A_1159 = arith.constant 1 : i32
      %broadcast_in_dim3A_1160 = vector.broadcast %broadcast_in_dim3A_1159 : i32 to vector<16xi32>
      %gather3A_1161 = tpu.vector_load_idx %arg13[%add3A_1137, %broadcast_in_dim3A_1160] : memref<128x128xf32, #tpu.memory_space<vmem>>[vector<16xi32>, vector<16xi32>], vector<16xf32>,
      %mul3A_1162 = arith.mulf %gather3A_1161, %exp3A_1152 : vector<16xf32>
      tpu.vector_store_idx %arg13[%add3A_1137, %broadcast_in_dim3A_1160], %mul3A_1162 : memref<128x128xf32, #tpu.memory_space<vmem>>[vector<16xi32>, vector<16xi32>], vector<16xf32>,
      %broadcast_in_dim3A_1163 = arith.constant 2 : i32
      %broadcast_in_dim3A_1164 = vector.broadcast %broadcast_in_dim3A_1163 : i32 to vector<16xi32>
      %gather3A_1165 = tpu.vector_load_idx %arg13[%add3A_1137, %broadcast_in_dim3A_1164] : memref<128x128xf32, #tpu.memory_space<vmem>>[vector<16xi32>, vector<16xi32>], vector<16xf32>,
      %mul3A_1166 = arith.mulf %gather3A_1165, %exp3A_1152 : vector<16xf32>
      tpu.vector_store_idx %arg13[%add3A_1137, %broadcast_in_dim3A_1164], %mul3A_1166 : memref<128x128xf32, #tpu.memory_space<vmem>>[vector<16xi32>, vector<16xi32>], vector<16xf32>,
      %broadcast_in_dim3A_1167 = arith.constant 3 : i32
      %broadcast_in_dim3A_1168 = vector.broadcast %broadcast_in_dim3A_1167 : i32 to vector<16xi32>
      %gather3A_1169 = tpu.vector_load_idx %arg13[%add3A_1137, %broadcast_in_dim3A_1168] : memref<128x128xf32, #tpu.memory_space<vmem>>[vector<16xi32>, vector<16xi32>], vector<16xf32>,
      %mul3A_1170 = arith.mulf %gather3A_1169, %exp3A_1152 : vector<16xf32>
      tpu.vector_store_idx %arg13[%add3A_1137, %broadcast_in_dim3A_1168], %mul3A_1170 : memref<128x128xf32, #tpu.memory_space<vmem>>[vector<16xi32>, vector<16xi32>], vector<16xf32>,
      %broadcast_in_dim3A_1171 = arith.constant 4 : i32
      %broadcast_in_dim3A_1172 = vector.broadcast %broadcast_in_dim3A_1171 : i32 to vector<16xi32>
      %gather3A_1173 = tpu.vector_load_idx %arg13[%add3A_1137, %broadcast_in_dim3A_1172] : memref<128x128xf32, #tpu.memory_space<vmem>>[vector<16xi32>, vector<16xi32>], vector<16xf32>,
      %mul3A_1174 = arith.mulf %gather3A_1173, %exp3A_1152 : vector<16xf32>
      tpu.vector_store_idx %arg13[%add3A_1137, %broadcast_in_dim3A_1172], %mul3A_1174 : memref<128x128xf32, #tpu.memory_space<vmem>>[vector<16xi32>, vector<16xi32>], vector<16xf32>,
      %broadcast_in_dim3A_1175 = arith.constant 5 : i32
      %broadcast_in_dim3A_1176 = vector.broadcast %broadcast_in_dim3A_1175 : i32 to vector<16xi32>
      %gather3A_1177 = tpu.vector_load_idx %arg13[%add3A_1137, %broadcast_in_dim3A_1176] : memref<128x128xf32, #tpu.memory_space<vmem>>[vector<16xi32>, vector<16xi32>], vector<16xf32>,
      %mul3A_1178 = arith.mulf %gather3A_1177, %exp3A_1152 : vector<16xf32>
      tpu.vector_store_idx %arg13[%add3A_1137, %broadcast_in_dim3A_1176], %mul3A_1178 : memref<128x128xf32, #tpu.memory_space<vmem>>[vector<16xi32>, vector<16xi32>], vector<16xf32>,
      %broadcast_in_dim3A_1179 = arith.constant 6 : i32
      %broadcast_in_dim3A_1180 = vector.broadcast %broadcast_in_dim3A_1179 : i32 to vector<16xi32>
      %gather3A_1181 = tpu.vector_load_idx %arg13[%add3A_1137, %broadcast_in_dim3A_1180] : memref<128x128xf32, #tpu.memory_space<vmem>>[vector<16xi32>, vector<16xi32>], vector<16xf32>,
      %mul3A_1182 = arith.mulf %gather3A_1181, %exp3A_1152 : vector<16xf32>
      tpu.vector_store_idx %arg13[%add3A_1137, %broadcast_in_dim3A_1180], %mul3A_1182 : memref<128x128xf32, #tpu.memory_space<vmem>>[vector<16xi32>, vector<16xi32>], vector<16xf32>,
      %broadcast_in_dim3A_1183 = arith.constant 7 : i32
      %broadcast_in_dim3A_1184 = vector.broadcast %broadcast_in_dim3A_1183 : i32 to vector<16xi32>
      %gather3A_1185 = tpu.vector_load_idx %arg13[%add3A_1137, %broadcast_in_dim3A_1184] : memref<128x128xf32, #tpu.memory_space<vmem>>[vector<16xi32>, vector<16xi32>], vector<16xf32>,
      %mul3A_1186 = arith.mulf %gather3A_1185, %exp3A_1152 : vector<16xf32>
      tpu.vector_store_idx %arg13[%add3A_1137, %broadcast_in_dim3A_1184], %mul3A_1186 : memref<128x128xf32, #tpu.memory_space<vmem>>[vector<16xi32>, vector<16xi32>], vector<16xf32>,
      %broadcast_in_dim3A_1187 = arith.constant 8 : i32
      %broadcast_in_dim3A_1188 = vector.broadcast %broadcast_in_dim3A_1187 : i32 to vector<16xi32>
      %gather3A_1189 = tpu.vector_load_idx %arg13[%add3A_1137, %broadcast_in_dim3A_1188] : memref<128x128xf32, #tpu.memory_space<vmem>>[vector<16xi32>, vector<16xi32>], vector<16xf32>,
      %mul3A_1190 = arith.mulf %gather3A_1189, %exp3A_1152 : vector<16xf32>
      tpu.vector_store_idx %arg13[%add3A_1137, %broadcast_in_dim3A_1188], %mul3A_1190 : memref<128x128xf32, #tpu.memory_space<vmem>>[vector<16xi32>, vector<16xi32>], vector<16xf32>,
      %broadcast_in_dim3A_1191 = arith.constant 9 : i32
      %broadcast_in_dim3A_1192 = vector.broadcast %broadcast_in_dim3A_1191 : i32 to vector<16xi32>
      %gather3A_1193 = tpu.vector_load_idx %arg13[%add3A_1137, %broadcast_in_dim3A_1192] : memref<128x128xf32, #tpu.memory_space<vmem>>[vector<16xi32>, vector<16xi32>], vector<16xf32>,
      %mul3A_1194 = arith.mulf %gather3A_1193, %exp3A_1152 : vector<16xf32>
      tpu.vector_store_idx %arg13[%add3A_1137, %broadcast_in_dim3A_1192], %mul3A_1194 : memref<128x128xf32, #tpu.memory_space<vmem>>[vector<16xi32>, vector<16xi32>], vector<16xf32>,
      %broadcast_in_dim3A_1195 = arith.constant 10 : i32
      %broadcast_in_dim3A_1196 = vector.broadcast %broadcast_in_dim3A_1195 : i32 to vector<16xi32>
      %gather3A_1197 = tpu.vector_load_idx %arg13[%add3A_1137, %broadcast_in_dim3A_1196] : memref<128x128xf32, #tpu.memory_space<vmem>>[vector<16xi32>, vector<16xi32>], vector<16xf32>,
      %mul3A_1198 = arith.mulf %gather3A_1197, %exp3A_1152 : vector<16xf32>
      tpu.vector_store_idx %arg13[%add3A_1137, %broadcast_in_dim3A_1196], %mul3A_1198 : memref<128x128xf32, #tpu.memory_space<vmem>>[vector<16xi32>, vector<16xi32>], vector<16xf32>,
      %broadcast_in_dim3A_1199 = arith.constant 11 : i32
      %broadcast_in_dim3A_1200 = vector.broadcast %broadcast_in_dim3A_1199 : i32 to vector<16xi32>
      %gather3A_1201 = tpu.vector_load_idx %arg13[%add3A_1137, %broadcast_in_dim3A_1200] : memref<128x128xf32, #tpu.memory_space<vmem>>[vector<16xi32>, vector<16xi32>], vector<16xf32>,
      %mul3A_1202 = arith.mulf %gather3A_1201, %exp3A_1152 : vector<16xf32>
      tpu.vector_store_idx %arg13[%add3A_1137, %broadcast_in_dim3A_1200], %mul3A_1202 : memref<128x128xf32, #tpu.memory_space<vmem>>[vector<16xi32>, vector<16xi32>], vector<16xf32>,
      %broadcast_in_dim3A_1203 = arith.constant 12 : i32
      %broadcast_in_dim3A_1204 = vector.broadcast %broadcast_in_dim3A_1203 : i32 to vector<16xi32>
      %gather3A_1205 = tpu.vector_load_idx %arg13[%add3A_1137, %broadcast_in_dim3A_1204] : memref<128x128xf32, #tpu.memory_space<vmem>>[vector<16xi32>, vector<16xi32>], vector<16xf32>,
      %mul3A_1206 = arith.mulf %gather3A_1205, %exp3A_1152 : vector<16xf32>
      tpu.vector_store_idx %arg13[%add3A_1137, %broadcast_in_dim3A_1204], %mul3A_1206 : memref<128x128xf32, #tpu.memory_space<vmem>>[vector<16xi32>, vector<16xi32>], vector<16xf32>,
      %broadcast_in_dim3A_1207 = arith.constant 13 : i32
      %broadcast_in_dim3A_1208 = vector.broadcast %broadcast_in_dim3A_1207 : i32 to vector<16xi32>
      %gather3A_1209 = tpu.vector_load_idx %arg13[%add3A_1137, %broadcast_in_dim3A_1208] : memref<128x128xf32, #tpu.memory_space<vmem>>[vector<16xi32>, vector<16xi32>], vector<16xf32>,
      %mul3A_1210 = arith.mulf %gather3A_1209, %exp3A_1152 : vector<16xf32>
      tpu.vector_store_idx %arg13[%add3A_1137, %broadcast_in_dim3A_1208], %mul3A_1210 : memref<128x128xf32, #tpu.memory_space<vmem>>[vector<16xi32>, vector<16xi32>], vector<16xf32>,
      %broadcast_in_dim3A_1211 = arith.constant 14 : i32
      %broadcast_in_dim3A_1212 = vector.broadcast %broadcast_in_dim3A_1211 : i32 to vector<16xi32>
      %gather3A_1213 = tpu.vector_load_idx %arg13[%add3A_1137, %broadcast_in_dim3A_1212] : memref<128x128xf32, #tpu.memory_space<vmem>>[vector<16xi32>, vector<16xi32>], vector<16xf32>,
      %mul3A_1214 = arith.mulf %gather3A_1213, %exp3A_1152 : vector<16xf32>
      tpu.vector_store_idx %arg13[%add3A_1137, %broadcast_in_dim3A_1212], %mul3A_1214 : memref<128x128xf32, #tpu.memory_space<vmem>>[vector<16xi32>, vector<16xi32>], vector<16xf32>,
      %broadcast_in_dim3A_1215 = arith.constant 15 : i32
      %broadcast_in_dim3A_1216 = vector.broadcast %broadcast_in_dim3A_1215 : i32 to vector<16xi32>
      %gather3A_1217 = tpu.vector_load_idx %arg13[%add3A_1137, %broadcast_in_dim3A_1216] : memref<128x128xf32, #tpu.memory_space<vmem>>[vector<16xi32>, vector<16xi32>], vector<16xf32>,
      %mul3A_1218 = arith.mulf %gather3A_1217, %exp3A_1152 : vector<16xf32>
      tpu.vector_store_idx %arg13[%add3A_1137, %broadcast_in_dim3A_1216], %mul3A_1218 : memref<128x128xf32, #tpu.memory_space<vmem>>[vector<16xi32>, vector<16xi32>], vector<16xf32>,
      %add3A_1219 = arith.constant 96 : i32
      %add3A_1220 = vector.broadcast %add3A_1219 : i32 to vector<16xi32>
      %add3A_1221 = arith.addi %iota3A, %add3A_1220 : vector<16xi32>
      %add3A_1222 = arith.constant 96 : i32
      %add3A_1223 = arith.addi %mul3A_714, %add3A_1222 : i32
      %get3A_1224 = arith.index_cast %add3A_1223 : i32 to index
      %get3A_1225 = tpu.vector_load %arg11[%get3A_1224] {strides = array<i32>} : memref<5120xi32, #tpu.memory_space<vmem>>, vector<16xi32>,
      %broadcast_in_dim3A_1226 = arith.constant 16 : i32
      %broadcast_in_dim3A_1227 = vector.broadcast %broadcast_in_dim3A_1226 : i32 to vector<16xi32>
      %gather3A_1228 = tpu.vector_load_idx %arg13[%add3A_1221, %broadcast_in_dim3A_1227] : memref<128x128xf32, #tpu.memory_space<vmem>>[vector<16xi32>, vector<16xi32>], vector<16xf32>,
      %gather3A_1229 = tpu.vector_load_idx %arg8[%get3A_1225] : memref<10240xf32, #tpu.memory_space<vmem>>[vector<16xi32>], vector<16xf32>,
      %add3A_1230 = arith.addf %gather3A_1228, %gather3A_1229 : vector<16xf32>
      %mul3A_1231 = arith.constant 2.000000e-01 : f32
      %mul3A_1232 = vector.broadcast %mul3A_1231 : f32 to vector<16xf32>
      %mul3A_1233 = arith.mulf %mul3A_1232, %add3A_1230 : vector<16xf32>
      %max3A_1234 = arith.maximumf %add3A_1230, %mul3A_1233 : vector<16xf32>
      %sub3A_1235 = arith.subf %max3A_1234, %get3A_3 : vector<16xf32>
      %exp3A_1236 = math.exp %sub3A_1235 : vector<16xf32>
      %broadcast_in_dim3A_1237 = arith.constant 16 : i32
      %broadcast_in_dim3A_1238 = vector.broadcast %broadcast_in_dim3A_1237 : i32 to vector<16xi32>
      tpu.vector_store_idx %arg13[%add3A_1221, %broadcast_in_dim3A_1238], %exp3A_1236 : memref<128x128xf32, #tpu.memory_space<vmem>>[vector<16xi32>, vector<16xi32>], vector<16xf32>,
      %broadcast_in_dim3A_1239 = arith.constant 0 : i32
      %broadcast_in_dim3A_1240 = vector.broadcast %broadcast_in_dim3A_1239 : i32 to vector<16xi32>
      %gather3A_1241 = tpu.vector_load_idx %arg13[%add3A_1221, %broadcast_in_dim3A_1240] : memref<128x128xf32, #tpu.memory_space<vmem>>[vector<16xi32>, vector<16xi32>], vector<16xf32>,
      %mul3A_1242 = arith.mulf %gather3A_1241, %exp3A_1236 : vector<16xf32>
      tpu.vector_store_idx %arg13[%add3A_1221, %broadcast_in_dim3A_1240], %mul3A_1242 : memref<128x128xf32, #tpu.memory_space<vmem>>[vector<16xi32>, vector<16xi32>], vector<16xf32>,
      %broadcast_in_dim3A_1243 = arith.constant 1 : i32
      %broadcast_in_dim3A_1244 = vector.broadcast %broadcast_in_dim3A_1243 : i32 to vector<16xi32>
      %gather3A_1245 = tpu.vector_load_idx %arg13[%add3A_1221, %broadcast_in_dim3A_1244] : memref<128x128xf32, #tpu.memory_space<vmem>>[vector<16xi32>, vector<16xi32>], vector<16xf32>,
      %mul3A_1246 = arith.mulf %gather3A_1245, %exp3A_1236 : vector<16xf32>
      tpu.vector_store_idx %arg13[%add3A_1221, %broadcast_in_dim3A_1244], %mul3A_1246 : memref<128x128xf32, #tpu.memory_space<vmem>>[vector<16xi32>, vector<16xi32>], vector<16xf32>,
      %broadcast_in_dim3A_1247 = arith.constant 2 : i32
      %broadcast_in_dim3A_1248 = vector.broadcast %broadcast_in_dim3A_1247 : i32 to vector<16xi32>
      %gather3A_1249 = tpu.vector_load_idx %arg13[%add3A_1221, %broadcast_in_dim3A_1248] : memref<128x128xf32, #tpu.memory_space<vmem>>[vector<16xi32>, vector<16xi32>], vector<16xf32>,
      %mul3A_1250 = arith.mulf %gather3A_1249, %exp3A_1236 : vector<16xf32>
      tpu.vector_store_idx %arg13[%add3A_1221, %broadcast_in_dim3A_1248], %mul3A_1250 : memref<128x128xf32, #tpu.memory_space<vmem>>[vector<16xi32>, vector<16xi32>], vector<16xf32>,
      %broadcast_in_dim3A_1251 = arith.constant 3 : i32
      %broadcast_in_dim3A_1252 = vector.broadcast %broadcast_in_dim3A_1251 : i32 to vector<16xi32>
      %gather3A_1253 = tpu.vector_load_idx %arg13[%add3A_1221, %broadcast_in_dim3A_1252] : memref<128x128xf32, #tpu.memory_space<vmem>>[vector<16xi32>, vector<16xi32>], vector<16xf32>,
      %mul3A_1254 = arith.mulf %gather3A_1253, %exp3A_1236 : vector<16xf32>
      tpu.vector_store_idx %arg13[%add3A_1221, %broadcast_in_dim3A_1252], %mul3A_1254 : memref<128x128xf32, #tpu.memory_space<vmem>>[vector<16xi32>, vector<16xi32>], vector<16xf32>,
      %broadcast_in_dim3A_1255 = arith.constant 4 : i32
      %broadcast_in_dim3A_1256 = vector.broadcast %broadcast_in_dim3A_1255 : i32 to vector<16xi32>
      %gather3A_1257 = tpu.vector_load_idx %arg13[%add3A_1221, %broadcast_in_dim3A_1256] : memref<128x128xf32, #tpu.memory_space<vmem>>[vector<16xi32>, vector<16xi32>], vector<16xf32>,
      %mul3A_1258 = arith.mulf %gather3A_1257, %exp3A_1236 : vector<16xf32>
      tpu.vector_store_idx %arg13[%add3A_1221, %broadcast_in_dim3A_1256], %mul3A_1258 : memref<128x128xf32, #tpu.memory_space<vmem>>[vector<16xi32>, vector<16xi32>], vector<16xf32>,
      %broadcast_in_dim3A_1259 = arith.constant 5 : i32
      %broadcast_in_dim3A_1260 = vector.broadcast %broadcast_in_dim3A_1259 : i32 to vector<16xi32>
      %gather3A_1261 = tpu.vector_load_idx %arg13[%add3A_1221, %broadcast_in_dim3A_1260] : memref<128x128xf32, #tpu.memory_space<vmem>>[vector<16xi32>, vector<16xi32>], vector<16xf32>,
      %mul3A_1262 = arith.mulf %gather3A_1261, %exp3A_1236 : vector<16xf32>
      tpu.vector_store_idx %arg13[%add3A_1221, %broadcast_in_dim3A_1260], %mul3A_1262 : memref<128x128xf32, #tpu.memory_space<vmem>>[vector<16xi32>, vector<16xi32>], vector<16xf32>,
      %broadcast_in_dim3A_1263 = arith.constant 6 : i32
      %broadcast_in_dim3A_1264 = vector.broadcast %broadcast_in_dim3A_1263 : i32 to vector<16xi32>
      %gather3A_1265 = tpu.vector_load_idx %arg13[%add3A_1221, %broadcast_in_dim3A_1264] : memref<128x128xf32, #tpu.memory_space<vmem>>[vector<16xi32>, vector<16xi32>], vector<16xf32>,
      %mul3A_1266 = arith.mulf %gather3A_1265, %exp3A_1236 : vector<16xf32>
      tpu.vector_store_idx %arg13[%add3A_1221, %broadcast_in_dim3A_1264], %mul3A_1266 : memref<128x128xf32, #tpu.memory_space<vmem>>[vector<16xi32>, vector<16xi32>], vector<16xf32>,
      %broadcast_in_dim3A_1267 = arith.constant 7 : i32
      %broadcast_in_dim3A_1268 = vector.broadcast %broadcast_in_dim3A_1267 : i32 to vector<16xi32>
      %gather3A_1269 = tpu.vector_load_idx %arg13[%add3A_1221, %broadcast_in_dim3A_1268] : memref<128x128xf32, #tpu.memory_space<vmem>>[vector<16xi32>, vector<16xi32>], vector<16xf32>,
      %mul3A_1270 = arith.mulf %gather3A_1269, %exp3A_1236 : vector<16xf32>
      tpu.vector_store_idx %arg13[%add3A_1221, %broadcast_in_dim3A_1268], %mul3A_1270 : memref<128x128xf32, #tpu.memory_space<vmem>>[vector<16xi32>, vector<16xi32>], vector<16xf32>,
      %broadcast_in_dim3A_1271 = arith.constant 8 : i32
      %broadcast_in_dim3A_1272 = vector.broadcast %broadcast_in_dim3A_1271 : i32 to vector<16xi32>
      %gather3A_1273 = tpu.vector_load_idx %arg13[%add3A_1221, %broadcast_in_dim3A_1272] : memref<128x128xf32, #tpu.memory_space<vmem>>[vector<16xi32>, vector<16xi32>], vector<16xf32>,
      %mul3A_1274 = arith.mulf %gather3A_1273, %exp3A_1236 : vector<16xf32>
      tpu.vector_store_idx %arg13[%add3A_1221, %broadcast_in_dim3A_1272], %mul3A_1274 : memref<128x128xf32, #tpu.memory_space<vmem>>[vector<16xi32>, vector<16xi32>], vector<16xf32>,
      %broadcast_in_dim3A_1275 = arith.constant 9 : i32
      %broadcast_in_dim3A_1276 = vector.broadcast %broadcast_in_dim3A_1275 : i32 to vector<16xi32>
      %gather3A_1277 = tpu.vector_load_idx %arg13[%add3A_1221, %broadcast_in_dim3A_1276] : memref<128x128xf32, #tpu.memory_space<vmem>>[vector<16xi32>, vector<16xi32>], vector<16xf32>,
      %mul3A_1278 = arith.mulf %gather3A_1277, %exp3A_1236 : vector<16xf32>
      tpu.vector_store_idx %arg13[%add3A_1221, %broadcast_in_dim3A_1276], %mul3A_1278 : memref<128x128xf32, #tpu.memory_space<vmem>>[vector<16xi32>, vector<16xi32>], vector<16xf32>,
      %broadcast_in_dim3A_1279 = arith.constant 10 : i32
      %broadcast_in_dim3A_1280 = vector.broadcast %broadcast_in_dim3A_1279 : i32 to vector<16xi32>
      %gather3A_1281 = tpu.vector_load_idx %arg13[%add3A_1221, %broadcast_in_dim3A_1280] : memref<128x128xf32, #tpu.memory_space<vmem>>[vector<16xi32>, vector<16xi32>], vector<16xf32>,
      %mul3A_1282 = arith.mulf %gather3A_1281, %exp3A_1236 : vector<16xf32>
      tpu.vector_store_idx %arg13[%add3A_1221, %broadcast_in_dim3A_1280], %mul3A_1282 : memref<128x128xf32, #tpu.memory_space<vmem>>[vector<16xi32>, vector<16xi32>], vector<16xf32>,
      %broadcast_in_dim3A_1283 = arith.constant 11 : i32
      %broadcast_in_dim3A_1284 = vector.broadcast %broadcast_in_dim3A_1283 : i32 to vector<16xi32>
      %gather3A_1285 = tpu.vector_load_idx %arg13[%add3A_1221, %broadcast_in_dim3A_1284] : memref<128x128xf32, #tpu.memory_space<vmem>>[vector<16xi32>, vector<16xi32>], vector<16xf32>,
      %mul3A_1286 = arith.mulf %gather3A_1285, %exp3A_1236 : vector<16xf32>
      tpu.vector_store_idx %arg13[%add3A_1221, %broadcast_in_dim3A_1284], %mul3A_1286 : memref<128x128xf32, #tpu.memory_space<vmem>>[vector<16xi32>, vector<16xi32>], vector<16xf32>,
      %broadcast_in_dim3A_1287 = arith.constant 12 : i32
      %broadcast_in_dim3A_1288 = vector.broadcast %broadcast_in_dim3A_1287 : i32 to vector<16xi32>
      %gather3A_1289 = tpu.vector_load_idx %arg13[%add3A_1221, %broadcast_in_dim3A_1288] : memref<128x128xf32, #tpu.memory_space<vmem>>[vector<16xi32>, vector<16xi32>], vector<16xf32>,
      %mul3A_1290 = arith.mulf %gather3A_1289, %exp3A_1236 : vector<16xf32>
      tpu.vector_store_idx %arg13[%add3A_1221, %broadcast_in_dim3A_1288], %mul3A_1290 : memref<128x128xf32, #tpu.memory_space<vmem>>[vector<16xi32>, vector<16xi32>], vector<16xf32>,
      %broadcast_in_dim3A_1291 = arith.constant 13 : i32
      %broadcast_in_dim3A_1292 = vector.broadcast %broadcast_in_dim3A_1291 : i32 to vector<16xi32>
      %gather3A_1293 = tpu.vector_load_idx %arg13[%add3A_1221, %broadcast_in_dim3A_1292] : memref<128x128xf32, #tpu.memory_space<vmem>>[vector<16xi32>, vector<16xi32>], vector<16xf32>,
      %mul3A_1294 = arith.mulf %gather3A_1293, %exp3A_1236 : vector<16xf32>
      tpu.vector_store_idx %arg13[%add3A_1221, %broadcast_in_dim3A_1292], %mul3A_1294 : memref<128x128xf32, #tpu.memory_space<vmem>>[vector<16xi32>, vector<16xi32>], vector<16xf32>,
      %broadcast_in_dim3A_1295 = arith.constant 14 : i32
      %broadcast_in_dim3A_1296 = vector.broadcast %broadcast_in_dim3A_1295 : i32 to vector<16xi32>
      %gather3A_1297 = tpu.vector_load_idx %arg13[%add3A_1221, %broadcast_in_dim3A_1296] : memref<128x128xf32, #tpu.memory_space<vmem>>[vector<16xi32>, vector<16xi32>], vector<16xf32>,
      %mul3A_1298 = arith.mulf %gather3A_1297, %exp3A_1236 : vector<16xf32>
      tpu.vector_store_idx %arg13[%add3A_1221, %broadcast_in_dim3A_1296], %mul3A_1298 : memref<128x128xf32, #tpu.memory_space<vmem>>[vector<16xi32>, vector<16xi32>], vector<16xf32>,
      %broadcast_in_dim3A_1299 = arith.constant 15 : i32
      %broadcast_in_dim3A_1300 = vector.broadcast %broadcast_in_dim3A_1299 : i32 to vector<16xi32>
      %gather3A_1301 = tpu.vector_load_idx %arg13[%add3A_1221, %broadcast_in_dim3A_1300] : memref<128x128xf32, #tpu.memory_space<vmem>>[vector<16xi32>, vector<16xi32>], vector<16xf32>,
      %mul3A_1302 = arith.mulf %gather3A_1301, %exp3A_1236 : vector<16xf32>
      tpu.vector_store_idx %arg13[%add3A_1221, %broadcast_in_dim3A_1300], %mul3A_1302 : memref<128x128xf32, #tpu.memory_space<vmem>>[vector<16xi32>, vector<16xi32>], vector<16xf32>,
      %add3A_1303 = arith.constant 112 : i32
      %add3A_1304 = vector.broadcast %add3A_1303 : i32 to vector<16xi32>
      %add3A_1305 = arith.addi %iota3A, %add3A_1304 : vector<16xi32>
      %add3A_1306 = arith.constant 112 : i32
      %add3A_1307 = arith.addi %mul3A_714, %add3A_1306 : i32
      %get3A_1308 = arith.index_cast %add3A_1307 : i32 to index
      %get3A_1309 = tpu.vector_load %arg11[%get3A_1308] {strides = array<i32>} : memref<5120xi32, #tpu.memory_space<vmem>>, vector<16xi32>,
      %broadcast_in_dim3A_1310 = arith.constant 16 : i32
      %broadcast_in_dim3A_1311 = vector.broadcast %broadcast_in_dim3A_1310 : i32 to vector<16xi32>
      %gather3A_1312 = tpu.vector_load_idx %arg13[%add3A_1305, %broadcast_in_dim3A_1311] : memref<128x128xf32, #tpu.memory_space<vmem>>[vector<16xi32>, vector<16xi32>], vector<16xf32>,
      %gather3A_1313 = tpu.vector_load_idx %arg8[%get3A_1309] : memref<10240xf32, #tpu.memory_space<vmem>>[vector<16xi32>], vector<16xf32>,
      %add3A_1314 = arith.addf %gather3A_1312, %gather3A_1313 : vector<16xf32>
      %mul3A_1315 = arith.constant 2.000000e-01 : f32
      %mul3A_1316 = vector.broadcast %mul3A_1315 : f32 to vector<16xf32>
      %mul3A_1317 = arith.mulf %mul3A_1316, %add3A_1314 : vector<16xf32>
      %max3A_1318 = arith.maximumf %add3A_1314, %mul3A_1317 : vector<16xf32>
      %sub3A_1319 = arith.subf %max3A_1318, %get3A_3 : vector<16xf32>
      %exp3A_1320 = math.exp %sub3A_1319 : vector<16xf32>
      %broadcast_in_dim3A_1321 = arith.constant 16 : i32
      %broadcast_in_dim3A_1322 = vector.broadcast %broadcast_in_dim3A_1321 : i32 to vector<16xi32>
      tpu.vector_store_idx %arg13[%add3A_1305, %broadcast_in_dim3A_1322], %exp3A_1320 : memref<128x128xf32, #tpu.memory_space<vmem>>[vector<16xi32>, vector<16xi32>], vector<16xf32>,
      %broadcast_in_dim3A_1323 = arith.constant 0 : i32
      %broadcast_in_dim3A_1324 = vector.broadcast %broadcast_in_dim3A_1323 : i32 to vector<16xi32>
      %gather3A_1325 = tpu.vector_load_idx %arg13[%add3A_1305, %broadcast_in_dim3A_1324] : memref<128x128xf32, #tpu.memory_space<vmem>>[vector<16xi32>, vector<16xi32>], vector<16xf32>,
      %mul3A_1326 = arith.mulf %gather3A_1325, %exp3A_1320 : vector<16xf32>
      tpu.vector_store_idx %arg13[%add3A_1305, %broadcast_in_dim3A_1324], %mul3A_1326 : memref<128x128xf32, #tpu.memory_space<vmem>>[vector<16xi32>, vector<16xi32>], vector<16xf32>,
      %broadcast_in_dim3A_1327 = arith.constant 1 : i32
      %broadcast_in_dim3A_1328 = vector.broadcast %broadcast_in_dim3A_1327 : i32 to vector<16xi32>
      %gather3A_1329 = tpu.vector_load_idx %arg13[%add3A_1305, %broadcast_in_dim3A_1328] : memref<128x128xf32, #tpu.memory_space<vmem>>[vector<16xi32>, vector<16xi32>], vector<16xf32>,
      %mul3A_1330 = arith.mulf %gather3A_1329, %exp3A_1320 : vector<16xf32>
      tpu.vector_store_idx %arg13[%add3A_1305, %broadcast_in_dim3A_1328], %mul3A_1330 : memref<128x128xf32, #tpu.memory_space<vmem>>[vector<16xi32>, vector<16xi32>], vector<16xf32>,
      %broadcast_in_dim3A_1331 = arith.constant 2 : i32
      %broadcast_in_dim3A_1332 = vector.broadcast %broadcast_in_dim3A_1331 : i32 to vector<16xi32>
      %gather3A_1333 = tpu.vector_load_idx %arg13[%add3A_1305, %broadcast_in_dim3A_1332] : memref<128x128xf32, #tpu.memory_space<vmem>>[vector<16xi32>, vector<16xi32>], vector<16xf32>,
      %mul3A_1334 = arith.mulf %gather3A_1333, %exp3A_1320 : vector<16xf32>
      tpu.vector_store_idx %arg13[%add3A_1305, %broadcast_in_dim3A_1332], %mul3A_1334 : memref<128x128xf32, #tpu.memory_space<vmem>>[vector<16xi32>, vector<16xi32>], vector<16xf32>,
      %broadcast_in_dim3A_1335 = arith.constant 3 : i32
      %broadcast_in_dim3A_1336 = vector.broadcast %broadcast_in_dim3A_1335 : i32 to vector<16xi32>
      %gather3A_1337 = tpu.vector_load_idx %arg13[%add3A_1305, %broadcast_in_dim3A_1336] : memref<128x128xf32, #tpu.memory_space<vmem>>[vector<16xi32>, vector<16xi32>], vector<16xf32>,
      %mul3A_1338 = arith.mulf %gather3A_1337, %exp3A_1320 : vector<16xf32>
      tpu.vector_store_idx %arg13[%add3A_1305, %broadcast_in_dim3A_1336], %mul3A_1338 : memref<128x128xf32, #tpu.memory_space<vmem>>[vector<16xi32>, vector<16xi32>], vector<16xf32>,
      %broadcast_in_dim3A_1339 = arith.constant 4 : i32
      %broadcast_in_dim3A_1340 = vector.broadcast %broadcast_in_dim3A_1339 : i32 to vector<16xi32>
      %gather3A_1341 = tpu.vector_load_idx %arg13[%add3A_1305, %broadcast_in_dim3A_1340] : memref<128x128xf32, #tpu.memory_space<vmem>>[vector<16xi32>, vector<16xi32>], vector<16xf32>,
      %mul3A_1342 = arith.mulf %gather3A_1341, %exp3A_1320 : vector<16xf32>
      tpu.vector_store_idx %arg13[%add3A_1305, %broadcast_in_dim3A_1340], %mul3A_1342 : memref<128x128xf32, #tpu.memory_space<vmem>>[vector<16xi32>, vector<16xi32>], vector<16xf32>,
      %broadcast_in_dim3A_1343 = arith.constant 5 : i32
      %broadcast_in_dim3A_1344 = vector.broadcast %broadcast_in_dim3A_1343 : i32 to vector<16xi32>
      %gather3A_1345 = tpu.vector_load_idx %arg13[%add3A_1305, %broadcast_in_dim3A_1344] : memref<128x128xf32, #tpu.memory_space<vmem>>[vector<16xi32>, vector<16xi32>], vector<16xf32>,
      %mul3A_1346 = arith.mulf %gather3A_1345, %exp3A_1320 : vector<16xf32>
      tpu.vector_store_idx %arg13[%add3A_1305, %broadcast_in_dim3A_1344], %mul3A_1346 : memref<128x128xf32, #tpu.memory_space<vmem>>[vector<16xi32>, vector<16xi32>], vector<16xf32>,
      %broadcast_in_dim3A_1347 = arith.constant 6 : i32
      %broadcast_in_dim3A_1348 = vector.broadcast %broadcast_in_dim3A_1347 : i32 to vector<16xi32>
      %gather3A_1349 = tpu.vector_load_idx %arg13[%add3A_1305, %broadcast_in_dim3A_1348] : memref<128x128xf32, #tpu.memory_space<vmem>>[vector<16xi32>, vector<16xi32>], vector<16xf32>,
      %mul3A_1350 = arith.mulf %gather3A_1349, %exp3A_1320 : vector<16xf32>
      tpu.vector_store_idx %arg13[%add3A_1305, %broadcast_in_dim3A_1348], %mul3A_1350 : memref<128x128xf32, #tpu.memory_space<vmem>>[vector<16xi32>, vector<16xi32>], vector<16xf32>,
      %broadcast_in_dim3A_1351 = arith.constant 7 : i32
      %broadcast_in_dim3A_1352 = vector.broadcast %broadcast_in_dim3A_1351 : i32 to vector<16xi32>
      %gather3A_1353 = tpu.vector_load_idx %arg13[%add3A_1305, %broadcast_in_dim3A_1352] : memref<128x128xf32, #tpu.memory_space<vmem>>[vector<16xi32>, vector<16xi32>], vector<16xf32>,
      %mul3A_1354 = arith.mulf %gather3A_1353, %exp3A_1320 : vector<16xf32>
      tpu.vector_store_idx %arg13[%add3A_1305, %broadcast_in_dim3A_1352], %mul3A_1354 : memref<128x128xf32, #tpu.memory_space<vmem>>[vector<16xi32>, vector<16xi32>], vector<16xf32>,
      %broadcast_in_dim3A_1355 = arith.constant 8 : i32
      %broadcast_in_dim3A_1356 = vector.broadcast %broadcast_in_dim3A_1355 : i32 to vector<16xi32>
      %gather3A_1357 = tpu.vector_load_idx %arg13[%add3A_1305, %broadcast_in_dim3A_1356] : memref<128x128xf32, #tpu.memory_space<vmem>>[vector<16xi32>, vector<16xi32>], vector<16xf32>,
      %mul3A_1358 = arith.mulf %gather3A_1357, %exp3A_1320 : vector<16xf32>
      tpu.vector_store_idx %arg13[%add3A_1305, %broadcast_in_dim3A_1356], %mul3A_1358 : memref<128x128xf32, #tpu.memory_space<vmem>>[vector<16xi32>, vector<16xi32>], vector<16xf32>,
      %broadcast_in_dim3A_1359 = arith.constant 9 : i32
      %broadcast_in_dim3A_1360 = vector.broadcast %broadcast_in_dim3A_1359 : i32 to vector<16xi32>
      %gather3A_1361 = tpu.vector_load_idx %arg13[%add3A_1305, %broadcast_in_dim3A_1360] : memref<128x128xf32, #tpu.memory_space<vmem>>[vector<16xi32>, vector<16xi32>], vector<16xf32>,
      %mul3A_1362 = arith.mulf %gather3A_1361, %exp3A_1320 : vector<16xf32>
      tpu.vector_store_idx %arg13[%add3A_1305, %broadcast_in_dim3A_1360], %mul3A_1362 : memref<128x128xf32, #tpu.memory_space<vmem>>[vector<16xi32>, vector<16xi32>], vector<16xf32>,
      %broadcast_in_dim3A_1363 = arith.constant 10 : i32
      %broadcast_in_dim3A_1364 = vector.broadcast %broadcast_in_dim3A_1363 : i32 to vector<16xi32>
      %gather3A_1365 = tpu.vector_load_idx %arg13[%add3A_1305, %broadcast_in_dim3A_1364] : memref<128x128xf32, #tpu.memory_space<vmem>>[vector<16xi32>, vector<16xi32>], vector<16xf32>,
      %mul3A_1366 = arith.mulf %gather3A_1365, %exp3A_1320 : vector<16xf32>
      tpu.vector_store_idx %arg13[%add3A_1305, %broadcast_in_dim3A_1364], %mul3A_1366 : memref<128x128xf32, #tpu.memory_space<vmem>>[vector<16xi32>, vector<16xi32>], vector<16xf32>,
      %broadcast_in_dim3A_1367 = arith.constant 11 : i32
      %broadcast_in_dim3A_1368 = vector.broadcast %broadcast_in_dim3A_1367 : i32 to vector<16xi32>
      %gather3A_1369 = tpu.vector_load_idx %arg13[%add3A_1305, %broadcast_in_dim3A_1368] : memref<128x128xf32, #tpu.memory_space<vmem>>[vector<16xi32>, vector<16xi32>], vector<16xf32>,
      %mul3A_1370 = arith.mulf %gather3A_1369, %exp3A_1320 : vector<16xf32>
      tpu.vector_store_idx %arg13[%add3A_1305, %broadcast_in_dim3A_1368], %mul3A_1370 : memref<128x128xf32, #tpu.memory_space<vmem>>[vector<16xi32>, vector<16xi32>], vector<16xf32>,
      %broadcast_in_dim3A_1371 = arith.constant 12 : i32
      %broadcast_in_dim3A_1372 = vector.broadcast %broadcast_in_dim3A_1371 : i32 to vector<16xi32>
      %gather3A_1373 = tpu.vector_load_idx %arg13[%add3A_1305, %broadcast_in_dim3A_1372] : memref<128x128xf32, #tpu.memory_space<vmem>>[vector<16xi32>, vector<16xi32>], vector<16xf32>,
      %mul3A_1374 = arith.mulf %gather3A_1373, %exp3A_1320 : vector<16xf32>
      tpu.vector_store_idx %arg13[%add3A_1305, %broadcast_in_dim3A_1372], %mul3A_1374 : memref<128x128xf32, #tpu.memory_space<vmem>>[vector<16xi32>, vector<16xi32>], vector<16xf32>,
      %broadcast_in_dim3A_1375 = arith.constant 13 : i32
      %broadcast_in_dim3A_1376 = vector.broadcast %broadcast_in_dim3A_1375 : i32 to vector<16xi32>
      %gather3A_1377 = tpu.vector_load_idx %arg13[%add3A_1305, %broadcast_in_dim3A_1376] : memref<128x128xf32, #tpu.memory_space<vmem>>[vector<16xi32>, vector<16xi32>], vector<16xf32>,
      %mul3A_1378 = arith.mulf %gather3A_1377, %exp3A_1320 : vector<16xf32>
      tpu.vector_store_idx %arg13[%add3A_1305, %broadcast_in_dim3A_1376], %mul3A_1378 : memref<128x128xf32, #tpu.memory_space<vmem>>[vector<16xi32>, vector<16xi32>], vector<16xf32>,
      %broadcast_in_dim3A_1379 = arith.constant 14 : i32
      %broadcast_in_dim3A_1380 = vector.broadcast %broadcast_in_dim3A_1379 : i32 to vector<16xi32>
      %gather3A_1381 = tpu.vector_load_idx %arg13[%add3A_1305, %broadcast_in_dim3A_1380] : memref<128x128xf32, #tpu.memory_space<vmem>>[vector<16xi32>, vector<16xi32>], vector<16xf32>,
      %mul3A_1382 = arith.mulf %gather3A_1381, %exp3A_1320 : vector<16xf32>
      tpu.vector_store_idx %arg13[%add3A_1305, %broadcast_in_dim3A_1380], %mul3A_1382 : memref<128x128xf32, #tpu.memory_space<vmem>>[vector<16xi32>, vector<16xi32>], vector<16xf32>,
      %broadcast_in_dim3A_1383 = arith.constant 15 : i32
      %broadcast_in_dim3A_1384 = vector.broadcast %broadcast_in_dim3A_1383 : i32 to vector<16xi32>
      %gather3A_1385 = tpu.vector_load_idx %arg13[%add3A_1305, %broadcast_in_dim3A_1384] : memref<128x128xf32, #tpu.memory_space<vmem>>[vector<16xi32>, vector<16xi32>], vector<16xf32>,
      %mul3A_1386 = arith.mulf %gather3A_1385, %exp3A_1320 : vector<16xf32>
      tpu.vector_store_idx %arg13[%add3A_1305, %broadcast_in_dim3A_1384], %mul3A_1386 : memref<128x128xf32, #tpu.memory_space<vmem>>[vector<16xi32>, vector<16xi32>], vector<16xf32>,
      %add3A_1387 = arith.addi %mul3A_2, %mul3A_714 : i32
      "tpu.region"() ({
        %run_scoped3A = tpu.sem_alloc : memref<!tpu.dma_semaphore, #tpu.memory_space<semaphore_mem>>
        %dma_start3A_1389 = arith.constant 0 : i32
        %dma_start3A_1390 = tpu.memref_slice %arg7[%add3A_1387, %dma_start3A_1389] : memref<163840x128xf32, #tpu.memory_space<hbm>> -> memref<128x128xf32, #tpu.memory_space<hbm>>
        %dma_start3A_1391 = arith.constant 0 : i32
        %dma_start3A_1392 = tpu.memref_slice %arg7[%add3A_1387, %dma_start3A_1391] : memref<163840x128xf32, #tpu.memory_space<hbm>> -> memref<128x128xf32, #tpu.memory_space<hbm>>
        tpu.enqueue_dma source(%arg13 : memref<128x128xf32, #tpu.memory_space<vmem>>) target(%dma_start3A_1392 : memref<128x128xf32, #tpu.memory_space<hbm>>) target_semaphore(%run_scoped3A : memref<!tpu.dma_semaphore, #tpu.memory_space<semaphore_mem>>)
        %dma_wait3A_1393 = arith.constant 0 : i32
        %dma_wait3A_1394 = tpu.memref_slice %arg7[%add3A_1387, %dma_wait3A_1393] : memref<163840x128xf32, #tpu.memory_space<hbm>> -> memref<128x128xf32, #tpu.memory_space<hbm>>
        %dma_wait3A_1395 = arith.constant 0 : i32
        %dma_wait3A_1396 = tpu.memref_slice %arg7[%add3A_1387, %dma_wait3A_1395] : memref<163840x128xf32, #tpu.memory_space<hbm>> -> memref<128x128xf32, #tpu.memory_space<hbm>>
        tpu.wait_dma2 semaphore(%run_scoped3A : memref<!tpu.dma_semaphore, #tpu.memory_space<semaphore_mem>>) src(%arg13 : memref<128x128xf32, #tpu.memory_space<vmem>>) dst(%dma_wait3A_1396 : memref<128x128xf32, #tpu.memory_space<hbm>>)
        tpu.yield
      }) : () -> ()
      %scan3A_1388 = arith.constant 0 : i32
      scf.yield %scan3A_1388 : i32
    }
    %scan3A_13 = arith.constant 20 : i32
    return
  }
}

#map = affine_map<(d0, d1) -> (0, 0)>
#map1 = affine_map<(d0, d1) -> (0, 0, 0)>
module attributes {stable_mosaic.version = 14 : i64} {
  func.func @_sc_scatter_rows(%arg0: i32, %arg1: i32, %arg2: memref<163840x128xf32, #tpu.memory_space<hbm>>, %arg3: memref<2x163840xi32, #tpu.memory_space<hbm>>, %arg4: memref<2x6144x128xf32, #tpu.memory_space<hbm>>, %arg5: memref<1x128xi32, #tpu.memory_space<vmem>>, %arg6: memref<1x128xi32, #tpu.memory_space<vmem>>, %arg7: memref<128x128xf32, #tpu.memory_space<vmem>>, %arg8: memref<128x128xf32, #tpu.memory_space<vmem>>, %arg9: memref<32x128xf32, #tpu.memory_space<vmem>>, %arg10: memref<6144x128xf32, #tpu.memory_space<vmem_shared>>, %arg11: memref<!tpu.dma_semaphore, #tpu.memory_space<semaphore_mem>>, %arg12: memref<!tpu.dma_semaphore, #tpu.memory_space<semaphore_mem>>) attributes {dimension_semantics = [#tpu.dimension_semantics<core_parallel>, #tpu.dimension_semantics<subcore_parallel>], iteration_bounds = array<i64: 2, 16>, scalar_prefetch = 0 : i64, scratch_operands = 8 : i64, tpu.core_type = #tpu.core_type<sc_vector_subcore>, window_params = [{transform_indices = #map}, {transform_indices = #map}, {transform_indices = #map1}]} {
    %broadcast_in_dim3A = arith.constant 0.000000e+00 : f32
    %broadcast_in_dim3A_0 = vector.broadcast %broadcast_in_dim3A : f32 to vector<16xf32>
    %scan3A = arith.constant 0 : i32
    %scan3A_1 = arith.constant 0 : i32
    %scan3A_2 = arith.constant 32 : i32
    %scan3A_3 = arith.addi %scan3A_1, %scan3A_2 : i32
    %scan3A_4 = arith.constant 1 : i32
    %scan3A_5 = scf.for %scan3A_45 = %scan3A_1 to %scan3A_3 step %scan3A_4 iter_args(%scan3A_46 = %scan3A) -> (i32)  : i32 {
      %swap3A = arith.index_cast %scan3A_45 : i32 to index
      %swap3A_47 = arith.constant 0 : index
      %swap3A_48 = tpu.vector_load %arg9[%swap3A, %swap3A_47] {strides = array<i32>} : memref<32x128xf32, #tpu.memory_space<vmem>>, vector<16xf32>,
      tpu.vector_store %arg9[%swap3A, %swap3A_47], %broadcast_in_dim3A_0 {strides = array<i32>} : memref<32x128xf32, #tpu.memory_space<vmem>>, vector<16xf32>,
      %swap3A_49 = arith.index_cast %scan3A_45 : i32 to index
      %swap3A_50 = arith.constant 16 : index
      %swap3A_51 = tpu.vector_load %arg9[%swap3A_49, %swap3A_50] {strides = array<i32>} : memref<32x128xf32, #tpu.memory_space<vmem>>, vector<16xf32>,
      tpu.vector_store %arg9[%swap3A_49, %swap3A_50], %broadcast_in_dim3A_0 {strides = array<i32>} : memref<32x128xf32, #tpu.memory_space<vmem>>, vector<16xf32>,
      %swap3A_52 = arith.index_cast %scan3A_45 : i32 to index
      %swap3A_53 = arith.constant 32 : index
      %swap3A_54 = tpu.vector_load %arg9[%swap3A_52, %swap3A_53] {strides = array<i32>} : memref<32x128xf32, #tpu.memory_space<vmem>>, vector<16xf32>,
      tpu.vector_store %arg9[%swap3A_52, %swap3A_53], %broadcast_in_dim3A_0 {strides = array<i32>} : memref<32x128xf32, #tpu.memory_space<vmem>>, vector<16xf32>,
      %swap3A_55 = arith.index_cast %scan3A_45 : i32 to index
      %swap3A_56 = arith.constant 48 : index
      %swap3A_57 = tpu.vector_load %arg9[%swap3A_55, %swap3A_56] {strides = array<i32>} : memref<32x128xf32, #tpu.memory_space<vmem>>, vector<16xf32>,
      tpu.vector_store %arg9[%swap3A_55, %swap3A_56], %broadcast_in_dim3A_0 {strides = array<i32>} : memref<32x128xf32, #tpu.memory_space<vmem>>, vector<16xf32>,
      %swap3A_58 = arith.index_cast %scan3A_45 : i32 to index
      %swap3A_59 = arith.constant 64 : index
      %swap3A_60 = tpu.vector_load %arg9[%swap3A_58, %swap3A_59] {strides = array<i32>} : memref<32x128xf32, #tpu.memory_space<vmem>>, vector<16xf32>,
      tpu.vector_store %arg9[%swap3A_58, %swap3A_59], %broadcast_in_dim3A_0 {strides = array<i32>} : memref<32x128xf32, #tpu.memory_space<vmem>>, vector<16xf32>,
      %swap3A_61 = arith.index_cast %scan3A_45 : i32 to index
      %swap3A_62 = arith.constant 80 : index
      %swap3A_63 = tpu.vector_load %arg9[%swap3A_61, %swap3A_62] {strides = array<i32>} : memref<32x128xf32, #tpu.memory_space<vmem>>, vector<16xf32>,
      tpu.vector_store %arg9[%swap3A_61, %swap3A_62], %broadcast_in_dim3A_0 {strides = array<i32>} : memref<32x128xf32, #tpu.memory_space<vmem>>, vector<16xf32>,
      %swap3A_64 = arith.index_cast %scan3A_45 : i32 to index
      %swap3A_65 = arith.constant 96 : index
      %swap3A_66 = tpu.vector_load %arg9[%swap3A_64, %swap3A_65] {strides = array<i32>} : memref<32x128xf32, #tpu.memory_space<vmem>>, vector<16xf32>,
      tpu.vector_store %arg9[%swap3A_64, %swap3A_65], %broadcast_in_dim3A_0 {strides = array<i32>} : memref<32x128xf32, #tpu.memory_space<vmem>>, vector<16xf32>,
      %swap3A_67 = arith.index_cast %scan3A_45 : i32 to index
      %swap3A_68 = arith.constant 112 : index
      %swap3A_69 = tpu.vector_load %arg9[%swap3A_67, %swap3A_68] {strides = array<i32>} : memref<32x128xf32, #tpu.memory_space<vmem>>, vector<16xf32>,
      tpu.vector_store %arg9[%swap3A_67, %swap3A_68], %broadcast_in_dim3A_0 {strides = array<i32>} : memref<32x128xf32, #tpu.memory_space<vmem>>, vector<16xf32>,
      %scan3A_70 = arith.constant 0 : i32
      scf.yield %scan3A_70 : i32
    }
    %scan3A_6 = arith.constant 32 : i32
    %scan3A_7 = arith.constant 0 : i32
    %scan3A_8 = arith.constant 0 : i32
    %scan3A_9 = arith.constant 12 : i32
    %scan3A_10 = arith.addi %scan3A_8, %scan3A_9 : i32
    %scan3A_11 = arith.constant 1 : i32
    %scan3A_12 = scf.for %scan3A_45 = %scan3A_8 to %scan3A_10 step %scan3A_11 iter_args(%scan3A_46 = %scan3A_7) -> (i32)  : i32 {
      %mul3A_47 = arith.constant 384 : i32
      %mul3A_48 = arith.muli %arg1, %mul3A_47 : i32
      %mul3A_49 = arith.constant 32 : i32
      %mul3A_50 = arith.muli %scan3A_45, %mul3A_49 : i32
      %add3A_51 = arith.addi %mul3A_48, %mul3A_50 : i32
      "tpu.region"() ({
        %run_scoped3A = tpu.sem_alloc : memref<!tpu.dma_semaphore, #tpu.memory_space<semaphore_mem>>
        %dma_start3A_53 = arith.constant 0 : i32
        %dma_start3A_54 = tpu.memref_slice %arg10[%add3A_51, %dma_start3A_53] : memref<6144x128xf32, #tpu.memory_space<vmem_shared>> -> memref<32x128xf32, #tpu.memory_space<vmem_shared>>
        %dma_start3A_55 = arith.constant 0 : i32
        %dma_start3A_56 = tpu.memref_slice %arg10[%add3A_51, %dma_start3A_55] : memref<6144x128xf32, #tpu.memory_space<vmem_shared>> -> memref<32x128xf32, #tpu.memory_space<vmem_shared>>
        tpu.enqueue_dma source(%arg9 : memref<32x128xf32, #tpu.memory_space<vmem>>) target(%dma_start3A_56 : memref<32x128xf32, #tpu.memory_space<vmem_shared>>) target_semaphore(%run_scoped3A : memref<!tpu.dma_semaphore, #tpu.memory_space<semaphore_mem>>)
        %dma_wait3A = arith.constant 0 : i32
        %dma_wait3A_57 = tpu.memref_slice %arg10[%add3A_51, %dma_wait3A] : memref<6144x128xf32, #tpu.memory_space<vmem_shared>> -> memref<32x128xf32, #tpu.memory_space<vmem_shared>>
        %dma_wait3A_58 = arith.constant 0 : i32
        %dma_wait3A_59 = tpu.memref_slice %arg10[%add3A_51, %dma_wait3A_58] : memref<6144x128xf32, #tpu.memory_space<vmem_shared>> -> memref<32x128xf32, #tpu.memory_space<vmem_shared>>
        tpu.wait_dma2 semaphore(%run_scoped3A : memref<!tpu.dma_semaphore, #tpu.memory_space<semaphore_mem>>) src(%arg9 : memref<32x128xf32, #tpu.memory_space<vmem>>) dst(%dma_wait3A_59 : memref<32x128xf32, #tpu.memory_space<vmem_shared>>)
        tpu.yield
      }) : () -> ()
      %scan3A_52 = arith.constant 0 : i32
      scf.yield %scan3A_52 : i32
    }
    %scan3A_13 = arith.constant 12 : i32
    %barrier3A = arith.constant 0 : index
    tpu.barrier barrier_id(%barrier3A)
    %mul3A = arith.constant 10240 : i32
    %mul3A_14 = arith.muli %arg1, %mul3A : i32
    %add3A = arith.constant 0 : i32
    %add3A_15 = arith.addi %mul3A_14, %add3A : i32
    %dma_start3A = arith.constant 0 : i32
    %dma_start3A_16 = arith.constant 0 : i32
    %dma_start3A_17 = tpu.memref_slice %arg5[%dma_start3A, %dma_start3A_16] : memref<1x128xi32, #tpu.memory_space<vmem>> -> memref<1x128xi32, #tpu.memory_space<vmem>>
    %dma_start3A_18 = tpu.memref_squeeze %dma_start3A_17 : memref<1x128xi32, #tpu.memory_space<vmem>> -> memref<128xi32, #tpu.memory_space<vmem>>
    %dma_start3A_19 = tpu.memref_slice %arg3[%arg0, %add3A_15] : memref<2x163840xi32, #tpu.memory_space<hbm>> -> memref<1x128xi32, #tpu.memory_space<hbm>>
    %dma_start3A_20 = tpu.memref_squeeze %dma_start3A_19 : memref<1x128xi32, #tpu.memory_space<hbm>> -> memref<128xi32, #tpu.memory_space<hbm>>
    %dma_start3A_21 = arith.constant 0 : i32
    %dma_start3A_22 = tpu.memref_slice %arg5[%dma_start3A, %dma_start3A_21] : memref<1x128xi32, #tpu.memory_space<vmem>> -> memref<1x128xi32, #tpu.memory_space<vmem>>
    %dma_start3A_23 = tpu.memref_squeeze %dma_start3A_22 : memref<1x128xi32, #tpu.memory_space<vmem>> -> memref<128xi32, #tpu.memory_space<vmem>>
    %dma_start3A_24 = tpu.memref_slice %arg3[%arg0, %add3A_15] : memref<2x163840xi32, #tpu.memory_space<hbm>> -> memref<1x128xi32, #tpu.memory_space<hbm>>
    %dma_start3A_25 = tpu.memref_squeeze %dma_start3A_24 : memref<1x128xi32, #tpu.memory_space<hbm>> -> memref<128xi32, #tpu.memory_space<hbm>>
    tpu.enqueue_dma source(%dma_start3A_25 : memref<128xi32, #tpu.memory_space<hbm>>) target(%dma_start3A_23 : memref<128xi32, #tpu.memory_space<vmem>>) target_semaphore(%arg11 : memref<!tpu.dma_semaphore, #tpu.memory_space<semaphore_mem>>)
    %dma_start3A_26 = arith.constant 0 : i32
    %dma_start3A_27 = tpu.memref_slice %arg2[%add3A_15, %dma_start3A_26] : memref<163840x128xf32, #tpu.memory_space<hbm>> -> memref<128x128xf32, #tpu.memory_space<hbm>>
    %dma_start3A_28 = arith.constant 0 : i32
    %dma_start3A_29 = tpu.memref_slice %arg2[%add3A_15, %dma_start3A_28] : memref<163840x128xf32, #tpu.memory_space<hbm>> -> memref<128x128xf32, #tpu.memory_space<hbm>>
    tpu.enqueue_dma source(%dma_start3A_29 : memref<128x128xf32, #tpu.memory_space<hbm>>) target(%arg7 : memref<128x128xf32, #tpu.memory_space<vmem>>) target_semaphore(%arg11 : memref<!tpu.dma_semaphore, #tpu.memory_space<semaphore_mem>>)
    %scan3A_30 = arith.constant 0 : i32
    %scan3A_31 = arith.constant 0 : i32
    %scan3A_32 = arith.constant 40 : i32
    %scan3A_33 = arith.addi %scan3A_31, %scan3A_32 : i32
    %scan3A_34 = arith.constant 1 : i32
    %scan3A_35 = scf.for %scan3A_45 = %scan3A_31 to %scan3A_33 step %scan3A_34 iter_args(%scan3A_46 = %scan3A_30) -> (i32)  : i32 {
      %mul3A_47 = arith.constant 2 : i32
      %mul3A_48 = arith.muli %mul3A_47, %scan3A_45 : i32
      %add3A_49 = arith.constant 1 : i32
      %add3A_50 = arith.addi %mul3A_48, %add3A_49 : i32
      %mul3A_51 = arith.constant 128 : i32
      %mul3A_52 = arith.muli %add3A_50, %mul3A_51 : i32
      %add3A_53 = arith.addi %mul3A_14, %mul3A_52 : i32
      %dma_start3A_54 = arith.constant 0 : i32
      %dma_start3A_55 = arith.constant 0 : i32
      %dma_start3A_56 = tpu.memref_slice %arg6[%dma_start3A_54, %dma_start3A_55] : memref<1x128xi32, #tpu.memory_space<vmem>> -> memref<1x128xi32, #tpu.memory_space<vmem>>
      %dma_start3A_57 = tpu.memref_squeeze %dma_start3A_56 : memref<1x128xi32, #tpu.memory_space<vmem>> -> memref<128xi32, #tpu.memory_space<vmem>>
      %dma_start3A_58 = tpu.memref_slice %arg3[%arg0, %add3A_53] : memref<2x163840xi32, #tpu.memory_space<hbm>> -> memref<1x128xi32, #tpu.memory_space<hbm>>
      %dma_start3A_59 = tpu.memref_squeeze %dma_start3A_58 : memref<1x128xi32, #tpu.memory_space<hbm>> -> memref<128xi32, #tpu.memory_space<hbm>>
      %dma_start3A_60 = arith.constant 0 : i32
      %dma_start3A_61 = tpu.memref_slice %arg6[%dma_start3A_54, %dma_start3A_60] : memref<1x128xi32, #tpu.memory_space<vmem>> -> memref<1x128xi32, #tpu.memory_space<vmem>>
      %dma_start3A_62 = tpu.memref_squeeze %dma_start3A_61 : memref<1x128xi32, #tpu.memory_space<vmem>> -> memref<128xi32, #tpu.memory_space<vmem>>
      %dma_start3A_63 = tpu.memref_slice %arg3[%arg0, %add3A_53] : memref<2x163840xi32, #tpu.memory_space<hbm>> -> memref<1x128xi32, #tpu.memory_space<hbm>>
      %dma_start3A_64 = tpu.memref_squeeze %dma_start3A_63 : memref<1x128xi32, #tpu.memory_space<hbm>> -> memref<128xi32, #tpu.memory_space<hbm>>
      tpu.enqueue_dma source(%dma_start3A_64 : memref<128xi32, #tpu.memory_space<hbm>>) target(%dma_start3A_62 : memref<128xi32, #tpu.memory_space<vmem>>) target_semaphore(%arg12 : memref<!tpu.dma_semaphore, #tpu.memory_space<semaphore_mem>>)
      %dma_start3A_65 = arith.constant 0 : i32
      %dma_start3A_66 = tpu.memref_slice %arg2[%add3A_53, %dma_start3A_65] : memref<163840x128xf32, #tpu.memory_space<hbm>> -> memref<128x128xf32, #tpu.memory_space<hbm>>
      %dma_start3A_67 = arith.constant 0 : i32
      %dma_start3A_68 = tpu.memref_slice %arg2[%add3A_53, %dma_start3A_67] : memref<163840x128xf32, #tpu.memory_space<hbm>> -> memref<128x128xf32, #tpu.memory_space<hbm>>
      tpu.enqueue_dma source(%dma_start3A_68 : memref<128x128xf32, #tpu.memory_space<hbm>>) target(%arg8 : memref<128x128xf32, #tpu.memory_space<vmem>>) target_semaphore(%arg12 : memref<!tpu.dma_semaphore, #tpu.memory_space<semaphore_mem>>)
      %dma_wait3A = arith.constant 0 : i32
      %dma_wait3A_69 = arith.constant 0 : i32
      %dma_wait3A_70 = tpu.memref_slice %arg5[%dma_wait3A, %dma_wait3A_69] : memref<1x128xi32, #tpu.memory_space<vmem>> -> memref<1x128xi32, #tpu.memory_space<vmem>>
      %dma_wait3A_71 = tpu.memref_squeeze %dma_wait3A_70 : memref<1x128xi32, #tpu.memory_space<vmem>> -> memref<128xi32, #tpu.memory_space<vmem>>
      %dma_wait3A_72 = arith.constant 0 : i32
      %dma_wait3A_73 = tpu.memref_slice %arg3[%arg0, %dma_wait3A_72] : memref<2x163840xi32, #tpu.memory_space<hbm>> -> memref<1x128xi32, #tpu.memory_space<hbm>>
      %dma_wait3A_74 = tpu.memref_squeeze %dma_wait3A_73 : memref<1x128xi32, #tpu.memory_space<hbm>> -> memref<128xi32, #tpu.memory_space<hbm>>
      %dma_wait3A_75 = arith.constant 0 : i32
      %dma_wait3A_76 = tpu.memref_slice %arg5[%dma_wait3A, %dma_wait3A_75] : memref<1x128xi32, #tpu.memory_space<vmem>> -> memref<1x128xi32, #tpu.memory_space<vmem>>
      %dma_wait3A_77 = tpu.memref_squeeze %dma_wait3A_76 : memref<1x128xi32, #tpu.memory_space<vmem>> -> memref<128xi32, #tpu.memory_space<vmem>>
      %dma_wait3A_78 = arith.constant 0 : i32
      %dma_wait3A_79 = tpu.memref_slice %arg3[%arg0, %dma_wait3A_78] : memref<2x163840xi32, #tpu.memory_space<hbm>> -> memref<1x128xi32, #tpu.memory_space<hbm>>
      %dma_wait3A_80 = tpu.memref_squeeze %dma_wait3A_79 : memref<1x128xi32, #tpu.memory_space<hbm>> -> memref<128xi32, #tpu.memory_space<hbm>>
      tpu.wait_dma2 semaphore(%arg11 : memref<!tpu.dma_semaphore, #tpu.memory_space<semaphore_mem>>) src(%dma_wait3A_80 : memref<128xi32, #tpu.memory_space<hbm>>) dst(%dma_wait3A_77 : memref<128xi32, #tpu.memory_space<vmem>>)
      %dma_wait3A_81 = arith.constant 0 : i32
      %dma_wait3A_82 = arith.constant 0 : i32
      %dma_wait3A_83 = tpu.memref_slice %arg2[%dma_wait3A_81, %dma_wait3A_82] : memref<163840x128xf32, #tpu.memory_space<hbm>> -> memref<128x128xf32, #tpu.memory_space<hbm>>
      %dma_wait3A_84 = arith.constant 0 : i32
      %dma_wait3A_85 = arith.constant 0 : i32
      %dma_wait3A_86 = tpu.memref_slice %arg2[%dma_wait3A_84, %dma_wait3A_85] : memref<163840x128xf32, #tpu.memory_space<hbm>> -> memref<128x128xf32, #tpu.memory_space<hbm>>
      tpu.wait_dma2 semaphore(%arg11 : memref<!tpu.dma_semaphore, #tpu.memory_space<semaphore_mem>>) src(%dma_wait3A_86 : memref<128x128xf32, #tpu.memory_space<hbm>>) dst(%arg7 : memref<128x128xf32, #tpu.memory_space<vmem>>)
      %run_scoped3A = arith.constant 0 : i32
      "tpu.region"() ({
        %run_scoped3A_112 = tpu.sem_alloc : memref<!tpu.dma_semaphore, #tpu.memory_space<semaphore_mem>>
        %dma_start3A_113 = arith.constant 0 : i32
        %dma_start3A_114 = tpu.memref_slice %arg5[%run_scoped3A, %dma_start3A_113] : memref<1x128xi32, #tpu.memory_space<vmem>> -> memref<1x128xi32, #tpu.memory_space<vmem>>
        %dma_start3A_115 = tpu.memref_squeeze %dma_start3A_114 : memref<1x128xi32, #tpu.memory_space<vmem>> -> memref<128xi32, #tpu.memory_space<vmem>>
        %dma_start3A_116 = arith.constant 0 : i32
        %dma_start3A_117 = arith.constant 0 : i32
        %dma_start3A_118 = tpu.memref_slice %arg10[%dma_start3A_116, %dma_start3A_117] : memref<6144x128xf32, #tpu.memory_space<vmem_shared>> -> memref<6144x128xf32, #tpu.memory_space<vmem_shared>>
        tpu.enqueue_indirect_dma source(%arg7 : memref<128x128xf32, #tpu.memory_space<vmem>>) target(%dma_start3A_118 : memref<6144x128xf32, #tpu.memory_space<vmem_shared>>) offsets(%dma_start3A_115 : memref<128xi32, #tpu.memory_space<vmem>>) semaphore(%run_scoped3A_112 : memref<!tpu.dma_semaphore, #tpu.memory_space<semaphore_mem>>) {add = true}
        %dma_wait3A_119 = arith.constant 0 : i32
        %dma_wait3A_120 = tpu.memref_slice %arg5[%run_scoped3A, %dma_wait3A_119] : memref<1x128xi32, #tpu.memory_space<vmem>> -> memref<1x128xi32, #tpu.memory_space<vmem>>
        %dma_wait3A_121 = tpu.memref_squeeze %dma_wait3A_120 : memref<1x128xi32, #tpu.memory_space<vmem>> -> memref<128xi32, #tpu.memory_space<vmem>>
        %dma_wait3A_122 = arith.constant 0 : i32
        %dma_wait3A_123 = arith.constant 0 : i32
        %dma_wait3A_124 = tpu.memref_slice %arg10[%dma_wait3A_122, %dma_wait3A_123] : memref<6144x128xf32, #tpu.memory_space<vmem_shared>> -> memref<6144x128xf32, #tpu.memory_space<vmem_shared>>
        tpu.wait_indirect_dma semaphore(%run_scoped3A_112 : memref<!tpu.dma_semaphore, #tpu.memory_space<semaphore_mem>>) src(%arg7 : memref<128x128xf32, #tpu.memory_space<vmem>>) dst(%dma_wait3A_124 : memref<6144x128xf32, #tpu.memory_space<vmem_shared>>)
        tpu.yield
      }) : () -> ()
      %add3A_87 = arith.constant 2 : i32
      %add3A_88 = arith.addi %mul3A_48, %add3A_87 : i32
      %lt3A = arith.constant 80 : i32
      %lt3A_89 = arith.cmpi slt, %add3A_88, %lt3A : i32
      %convert_element_type3A = arith.extui %lt3A_89 : i1 to i32
      %cond3A = arith.constant 0 : i32
      %cond3A_90 = arith.cmpi ne, %convert_element_type3A, %cond3A : i32
      scf.if %cond3A_90 {
        %add3A_112 = arith.constant 2 : i32
        %add3A_113 = arith.addi %mul3A_48, %add3A_112 : i32
        %mul3A_114 = arith.constant 128 : i32
        %mul3A_115 = arith.muli %add3A_113, %mul3A_114 : i32
        %add3A_116 = arith.addi %mul3A_14, %mul3A_115 : i32
        %dma_start3A_117 = arith.constant 0 : i32
        %dma_start3A_118 = arith.constant 0 : i32
        %dma_start3A_119 = tpu.memref_slice %arg5[%dma_start3A_117, %dma_start3A_118] : memref<1x128xi32, #tpu.memory_space<vmem>> -> memref<1x128xi32, #tpu.memory_space<vmem>>
        %dma_start3A_120 = tpu.memref_squeeze %dma_start3A_119 : memref<1x128xi32, #tpu.memory_space<vmem>> -> memref<128xi32, #tpu.memory_space<vmem>>
        %dma_start3A_121 = tpu.memref_slice %arg3[%arg0, %add3A_116] : memref<2x163840xi32, #tpu.memory_space<hbm>> -> memref<1x128xi32, #tpu.memory_space<hbm>>
        %dma_start3A_122 = tpu.memref_squeeze %dma_start3A_121 : memref<1x128xi32, #tpu.memory_space<hbm>> -> memref<128xi32, #tpu.memory_space<hbm>>
        %dma_start3A_123 = arith.constant 0 : i32
        %dma_start3A_124 = tpu.memref_slice %arg5[%dma_start3A_117, %dma_start3A_123] : memref<1x128xi32, #tpu.memory_space<vmem>> -> memref<1x128xi32, #tpu.memory_space<vmem>>
        %dma_start3A_125 = tpu.memref_squeeze %dma_start3A_124 : memref<1x128xi32, #tpu.memory_space<vmem>> -> memref<128xi32, #tpu.memory_space<vmem>>
        %dma_start3A_126 = tpu.memref_slice %arg3[%arg0, %add3A_116] : memref<2x163840xi32, #tpu.memory_space<hbm>> -> memref<1x128xi32, #tpu.memory_space<hbm>>
        %dma_start3A_127 = tpu.memref_squeeze %dma_start3A_126 : memref<1x128xi32, #tpu.memory_space<hbm>> -> memref<128xi32, #tpu.memory_space<hbm>>
        tpu.enqueue_dma source(%dma_start3A_127 : memref<128xi32, #tpu.memory_space<hbm>>) target(%dma_start3A_125 : memref<128xi32, #tpu.memory_space<vmem>>) target_semaphore(%arg11 : memref<!tpu.dma_semaphore, #tpu.memory_space<semaphore_mem>>)
        %dma_start3A_128 = arith.constant 0 : i32
        %dma_start3A_129 = tpu.memref_slice %arg2[%add3A_116, %dma_start3A_128] : memref<163840x128xf32, #tpu.memory_space<hbm>> -> memref<128x128xf32, #tpu.memory_space<hbm>>
        %dma_start3A_130 = arith.constant 0 : i32
        %dma_start3A_131 = tpu.memref_slice %arg2[%add3A_116, %dma_start3A_130] : memref<163840x128xf32, #tpu.memory_space<hbm>> -> memref<128x128xf32, #tpu.memory_space<hbm>>
        tpu.enqueue_dma source(%dma_start3A_131 : memref<128x128xf32, #tpu.memory_space<hbm>>) target(%arg7 : memref<128x128xf32, #tpu.memory_space<vmem>>) target_semaphore(%arg11 : memref<!tpu.dma_semaphore, #tpu.memory_space<semaphore_mem>>)
      } else {
      }
      %dma_wait3A_91 = arith.constant 0 : i32
      %dma_wait3A_92 = arith.constant 0 : i32
      %dma_wait3A_93 = tpu.memref_slice %arg6[%dma_wait3A_91, %dma_wait3A_92] : memref<1x128xi32, #tpu.memory_space<vmem>> -> memref<1x128xi32, #tpu.memory_space<vmem>>
      %dma_wait3A_94 = tpu.memref_squeeze %dma_wait3A_93 : memref<1x128xi32, #tpu.memory_space<vmem>> -> memref<128xi32, #tpu.memory_space<vmem>>
      %dma_wait3A_95 = arith.constant 0 : i32
      %dma_wait3A_96 = tpu.memref_slice %arg3[%arg0, %dma_wait3A_95] : memref<2x163840xi32, #tpu.memory_space<hbm>> -> memref<1x128xi32, #tpu.memory_space<hbm>>
      %dma_wait3A_97 = tpu.memref_squeeze %dma_wait3A_96 : memref<1x128xi32, #tpu.memory_space<hbm>> -> memref<128xi32, #tpu.memory_space<hbm>>
      %dma_wait3A_98 = arith.constant 0 : i32
      %dma_wait3A_99 = tpu.memref_slice %arg6[%dma_wait3A_91, %dma_wait3A_98] : memref<1x128xi32, #tpu.memory_space<vmem>> -> memref<1x128xi32, #tpu.memory_space<vmem>>
      %dma_wait3A_100 = tpu.memref_squeeze %dma_wait3A_99 : memref<1x128xi32, #tpu.memory_space<vmem>> -> memref<128xi32, #tpu.memory_space<vmem>>
      %dma_wait3A_101 = arith.constant 0 : i32
      %dma_wait3A_102 = tpu.memref_slice %arg3[%arg0, %dma_wait3A_101] : memref<2x163840xi32, #tpu.memory_space<hbm>> -> memref<1x128xi32, #tpu.memory_space<hbm>>
      %dma_wait3A_103 = tpu.memref_squeeze %dma_wait3A_102 : memref<1x128xi32, #tpu.memory_space<hbm>> -> memref<128xi32, #tpu.memory_space<hbm>>
      tpu.wait_dma2 semaphore(%arg12 : memref<!tpu.dma_semaphore, #tpu.memory_space<semaphore_mem>>) src(%dma_wait3A_103 : memref<128xi32, #tpu.memory_space<hbm>>) dst(%dma_wait3A_100 : memref<128xi32, #tpu.memory_space<vmem>>)
      %dma_wait3A_104 = arith.constant 0 : i32
      %dma_wait3A_105 = arith.constant 0 : i32
      %dma_wait3A_106 = tpu.memref_slice %arg2[%dma_wait3A_104, %dma_wait3A_105] : memref<163840x128xf32, #tpu.memory_space<hbm>> -> memref<128x128xf32, #tpu.memory_space<hbm>>
      %dma_wait3A_107 = arith.constant 0 : i32
      %dma_wait3A_108 = arith.constant 0 : i32
      %dma_wait3A_109 = tpu.memref_slice %arg2[%dma_wait3A_107, %dma_wait3A_108] : memref<163840x128xf32, #tpu.memory_space<hbm>> -> memref<128x128xf32, #tpu.memory_space<hbm>>
      tpu.wait_dma2 semaphore(%arg12 : memref<!tpu.dma_semaphore, #tpu.memory_space<semaphore_mem>>) src(%dma_wait3A_109 : memref<128x128xf32, #tpu.memory_space<hbm>>) dst(%arg8 : memref<128x128xf32, #tpu.memory_space<vmem>>)
      %run_scoped3A_110 = arith.constant 0 : i32
      "tpu.region"() ({
        %run_scoped3A_112 = tpu.sem_alloc : memref<!tpu.dma_semaphore, #tpu.memory_space<semaphore_mem>>
        %dma_start3A_113 = arith.constant 0 : i32
        %dma_start3A_114 = tpu.memref_slice %arg6[%run_scoped3A_110, %dma_start3A_113] : memref<1x128xi32, #tpu.memory_space<vmem>> -> memref<1x128xi32, #tpu.memory_space<vmem>>
        %dma_start3A_115 = tpu.memref_squeeze %dma_start3A_114 : memref<1x128xi32, #tpu.memory_space<vmem>> -> memref<128xi32, #tpu.memory_space<vmem>>
        %dma_start3A_116 = arith.constant 0 : i32
        %dma_start3A_117 = arith.constant 0 : i32
        %dma_start3A_118 = tpu.memref_slice %arg10[%dma_start3A_116, %dma_start3A_117] : memref<6144x128xf32, #tpu.memory_space<vmem_shared>> -> memref<6144x128xf32, #tpu.memory_space<vmem_shared>>
        tpu.enqueue_indirect_dma source(%arg8 : memref<128x128xf32, #tpu.memory_space<vmem>>) target(%dma_start3A_118 : memref<6144x128xf32, #tpu.memory_space<vmem_shared>>) offsets(%dma_start3A_115 : memref<128xi32, #tpu.memory_space<vmem>>) semaphore(%run_scoped3A_112 : memref<!tpu.dma_semaphore, #tpu.memory_space<semaphore_mem>>) {add = true}
        %dma_wait3A_119 = arith.constant 0 : i32
        %dma_wait3A_120 = tpu.memref_slice %arg6[%run_scoped3A_110, %dma_wait3A_119] : memref<1x128xi32, #tpu.memory_space<vmem>> -> memref<1x128xi32, #tpu.memory_space<vmem>>
        %dma_wait3A_121 = tpu.memref_squeeze %dma_wait3A_120 : memref<1x128xi32, #tpu.memory_space<vmem>> -> memref<128xi32, #tpu.memory_space<vmem>>
        %dma_wait3A_122 = arith.constant 0 : i32
        %dma_wait3A_123 = arith.constant 0 : i32
        %dma_wait3A_124 = tpu.memref_slice %arg10[%dma_wait3A_122, %dma_wait3A_123] : memref<6144x128xf32, #tpu.memory_space<vmem_shared>> -> memref<6144x128xf32, #tpu.memory_space<vmem_shared>>
        tpu.wait_indirect_dma semaphore(%run_scoped3A_112 : memref<!tpu.dma_semaphore, #tpu.memory_space<semaphore_mem>>) src(%arg8 : memref<128x128xf32, #tpu.memory_space<vmem>>) dst(%dma_wait3A_124 : memref<6144x128xf32, #tpu.memory_space<vmem_shared>>)
        tpu.yield
      }) : () -> ()
      %scan3A_111 = arith.constant 0 : i32
      scf.yield %scan3A_111 : i32
    }
    %scan3A_36 = arith.constant 40 : i32
    %barrier3A_37 = arith.constant 0 : index
    tpu.barrier barrier_id(%barrier3A_37)
    %scan3A_38 = arith.constant 0 : i32
    %scan3A_39 = arith.constant 0 : i32
    %scan3A_40 = arith.constant 6 : i32
    %scan3A_41 = arith.addi %scan3A_39, %scan3A_40 : i32
    %scan3A_42 = arith.constant 1 : i32
    %scan3A_43 = scf.for %scan3A_45 = %scan3A_39 to %scan3A_41 step %scan3A_42 iter_args(%scan3A_46 = %scan3A_38) -> (i32)  : i32 {
      %mul3A_47 = arith.constant 384 : i32
      %mul3A_48 = arith.muli %arg1, %mul3A_47 : i32
      %mul3A_49 = arith.constant 64 : i32
      %mul3A_50 = arith.muli %scan3A_45, %mul3A_49 : i32
      %add3A_51 = arith.addi %mul3A_48, %mul3A_50 : i32
      "tpu.region"() ({
        %run_scoped3A = tpu.sem_alloc : memref<!tpu.dma_semaphore, #tpu.memory_space<semaphore_mem>>
        %dma_start3A_53 = arith.constant 0 : i32
        %dma_start3A_54 = arith.constant 0 : i32
        %dma_start3A_55 = tpu.memref_slice %arg7[%dma_start3A_53, %dma_start3A_54] : memref<128x128xf32, #tpu.memory_space<vmem>> -> memref<64x128xf32, #tpu.memory_space<vmem>>
        %dma_start3A_56 = arith.constant 0 : i32
        %dma_start3A_57 = tpu.memref_slice %arg10[%add3A_51, %dma_start3A_56] : memref<6144x128xf32, #tpu.memory_space<vmem_shared>> -> memref<64x128xf32, #tpu.memory_space<vmem_shared>>
        %dma_start3A_58 = arith.constant 0 : i32
        %dma_start3A_59 = arith.constant 0 : i32
        %dma_start3A_60 = tpu.memref_slice %arg7[%dma_start3A_58, %dma_start3A_59] : memref<128x128xf32, #tpu.memory_space<vmem>> -> memref<64x128xf32, #tpu.memory_space<vmem>>
        %dma_start3A_61 = arith.constant 0 : i32
        %dma_start3A_62 = tpu.memref_slice %arg10[%add3A_51, %dma_start3A_61] : memref<6144x128xf32, #tpu.memory_space<vmem_shared>> -> memref<64x128xf32, #tpu.memory_space<vmem_shared>>
        tpu.enqueue_dma source(%dma_start3A_62 : memref<64x128xf32, #tpu.memory_space<vmem_shared>>) target(%dma_start3A_60 : memref<64x128xf32, #tpu.memory_space<vmem>>) target_semaphore(%run_scoped3A : memref<!tpu.dma_semaphore, #tpu.memory_space<semaphore_mem>>)
        %dma_wait3A = arith.constant 0 : i32
        %dma_wait3A_63 = arith.constant 0 : i32
        %dma_wait3A_64 = tpu.memref_slice %arg7[%dma_wait3A, %dma_wait3A_63] : memref<128x128xf32, #tpu.memory_space<vmem>> -> memref<64x128xf32, #tpu.memory_space<vmem>>
        %dma_wait3A_65 = arith.constant 0 : i32
        %dma_wait3A_66 = tpu.memref_slice %arg10[%add3A_51, %dma_wait3A_65] : memref<6144x128xf32, #tpu.memory_space<vmem_shared>> -> memref<64x128xf32, #tpu.memory_space<vmem_shared>>
        %dma_wait3A_67 = arith.constant 0 : i32
        %dma_wait3A_68 = arith.constant 0 : i32
        %dma_wait3A_69 = tpu.memref_slice %arg7[%dma_wait3A_67, %dma_wait3A_68] : memref<128x128xf32, #tpu.memory_space<vmem>> -> memref<64x128xf32, #tpu.memory_space<vmem>>
        %dma_wait3A_70 = arith.constant 0 : i32
        %dma_wait3A_71 = tpu.memref_slice %arg10[%add3A_51, %dma_wait3A_70] : memref<6144x128xf32, #tpu.memory_space<vmem_shared>> -> memref<64x128xf32, #tpu.memory_space<vmem_shared>>
        tpu.wait_dma2 semaphore(%run_scoped3A : memref<!tpu.dma_semaphore, #tpu.memory_space<semaphore_mem>>) src(%dma_wait3A_71 : memref<64x128xf32, #tpu.memory_space<vmem_shared>>) dst(%dma_wait3A_69 : memref<64x128xf32, #tpu.memory_space<vmem>>)
        tpu.yield
      }) : () -> ()
      "tpu.region"() ({
        %run_scoped3A = tpu.sem_alloc : memref<!tpu.dma_semaphore, #tpu.memory_space<semaphore_mem>>
        %dma_start3A_53 = arith.constant 0 : i32
        %dma_start3A_54 = arith.constant 0 : i32
        %dma_start3A_55 = tpu.memref_slice %arg7[%dma_start3A_53, %dma_start3A_54] : memref<128x128xf32, #tpu.memory_space<vmem>> -> memref<64x128xf32, #tpu.memory_space<vmem>>
        %dma_start3A_56 = arith.constant 0 : i32
        %dma_start3A_57 = tpu.memref_slice %arg4[%arg0, %add3A_51, %dma_start3A_56] : memref<2x6144x128xf32, #tpu.memory_space<hbm>> -> memref<1x64x128xf32, #tpu.memory_space<hbm>>
        %dma_start3A_58 = tpu.memref_squeeze %dma_start3A_57 : memref<1x64x128xf32, #tpu.memory_space<hbm>> -> memref<64x128xf32, #tpu.memory_space<hbm>>
        %dma_start3A_59 = arith.constant 0 : i32
        %dma_start3A_60 = tpu.memref_slice %arg4[%arg0, %add3A_51, %dma_start3A_59] : memref<2x6144x128xf32, #tpu.memory_space<hbm>> -> memref<1x64x128xf32, #tpu.memory_space<hbm>>
        %dma_start3A_61 = tpu.memref_squeeze %dma_start3A_60 : memref<1x64x128xf32, #tpu.memory_space<hbm>> -> memref<64x128xf32, #tpu.memory_space<hbm>>
        %dma_start3A_62 = arith.constant 0 : i32
        %dma_start3A_63 = arith.constant 0 : i32
        %dma_start3A_64 = tpu.memref_slice %arg7[%dma_start3A_62, %dma_start3A_63] : memref<128x128xf32, #tpu.memory_space<vmem>> -> memref<64x128xf32, #tpu.memory_space<vmem>>
        tpu.enqueue_dma source(%dma_start3A_64 : memref<64x128xf32, #tpu.memory_space<vmem>>) target(%dma_start3A_61 : memref<64x128xf32, #tpu.memory_space<hbm>>) target_semaphore(%run_scoped3A : memref<!tpu.dma_semaphore, #tpu.memory_space<semaphore_mem>>)
        %dma_wait3A = arith.constant 0 : i32
        %dma_wait3A_65 = arith.constant 0 : i32
        %dma_wait3A_66 = tpu.memref_slice %arg7[%dma_wait3A, %dma_wait3A_65] : memref<128x128xf32, #tpu.memory_space<vmem>> -> memref<64x128xf32, #tpu.memory_space<vmem>>
        %dma_wait3A_67 = arith.constant 0 : i32
        %dma_wait3A_68 = tpu.memref_slice %arg4[%arg0, %add3A_51, %dma_wait3A_67] : memref<2x6144x128xf32, #tpu.memory_space<hbm>> -> memref<1x64x128xf32, #tpu.memory_space<hbm>>
        %dma_wait3A_69 = tpu.memref_squeeze %dma_wait3A_68 : memref<1x64x128xf32, #tpu.memory_space<hbm>> -> memref<64x128xf32, #tpu.memory_space<hbm>>
        %dma_wait3A_70 = arith.constant 0 : i32
        %dma_wait3A_71 = tpu.memref_slice %arg4[%arg0, %add3A_51, %dma_wait3A_70] : memref<2x6144x128xf32, #tpu.memory_space<hbm>> -> memref<1x64x128xf32, #tpu.memory_space<hbm>>
        %dma_wait3A_72 = tpu.memref_squeeze %dma_wait3A_71 : memref<1x64x128xf32, #tpu.memory_space<hbm>> -> memref<64x128xf32, #tpu.memory_space<hbm>>
        %dma_wait3A_73 = arith.constant 0 : i32
        %dma_wait3A_74 = arith.constant 0 : i32
        %dma_wait3A_75 = tpu.memref_slice %arg7[%dma_wait3A_73, %dma_wait3A_74] : memref<128x128xf32, #tpu.memory_space<vmem>> -> memref<64x128xf32, #tpu.memory_space<vmem>>
        tpu.wait_dma2 semaphore(%run_scoped3A : memref<!tpu.dma_semaphore, #tpu.memory_space<semaphore_mem>>) src(%dma_wait3A_75 : memref<64x128xf32, #tpu.memory_space<vmem>>) dst(%dma_wait3A_72 : memref<64x128xf32, #tpu.memory_space<hbm>>)
        tpu.yield
      }) : () -> ()
      %scan3A_52 = arith.constant 0 : i32
      scf.yield %scan3A_52 : i32
    }
    %scan3A_44 = arith.constant 6 : i32
    return
  }
}

#map = affine_map<(d0, d1) -> (0, 0)>
#map1 = affine_map<(d0, d1) -> (0)>
module attributes {stable_mosaic.version = 14 : i64} {
  func.func @_sc_gather_rows(%arg0: i32, %arg1: i32, %arg2: memref<10000x128xf32, #tpu.memory_space<hbm>>, %arg3: memref<163840xi32, #tpu.memory_space<hbm>>, %arg4: memref<163840x128xf32, #tpu.memory_space<hbm>>, %arg5: memref<5120xi32, #tpu.memory_space<vmem>>, %arg6: memref<64x128xf32, #tpu.memory_space<vmem>>, %arg7: memref<64x128xf32, #tpu.memory_space<vmem>>, %arg8: memref<!tpu.dma_semaphore, #tpu.memory_space<semaphore_mem>>, %arg9: memref<!tpu.dma_semaphore, #tpu.memory_space<semaphore_mem>>) attributes {dimension_semantics = [#tpu.dimension_semantics<core_parallel>, #tpu.dimension_semantics<subcore_parallel>], iteration_bounds = array<i64: 2, 16>, scalar_prefetch = 0 : i64, scratch_operands = 5 : i64, tpu.core_type = #tpu.core_type<sc_vector_subcore>, window_params = [{transform_indices = #map}, {transform_indices = #map1}, {transform_indices = #map}]} {
    %mul3A = arith.constant 2 : i32
    %mul3A_0 = arith.muli %arg1, %mul3A : i32
    %add3A = arith.addi %mul3A_0, %arg0 : i32
    %mul3A_1 = arith.constant 5120 : i32
    %mul3A_2 = arith.muli %add3A, %mul3A_1 : i32
    "tpu.region"() ({
      %run_scoped3A = tpu.sem_alloc : memref<!tpu.dma_semaphore, #tpu.memory_space<semaphore_mem>>
      %dma_start3A_13 = tpu.memref_slice %arg3[%mul3A_2] : memref<163840xi32, #tpu.memory_space<hbm>> -> memref<5120xi32, #tpu.memory_space<hbm>>
      %dma_start3A_14 = tpu.memref_slice %arg3[%mul3A_2] : memref<163840xi32, #tpu.memory_space<hbm>> -> memref<5120xi32, #tpu.memory_space<hbm>>
      tpu.enqueue_dma source(%dma_start3A_14 : memref<5120xi32, #tpu.memory_space<hbm>>) target(%arg5 : memref<5120xi32, #tpu.memory_space<vmem>>) target_semaphore(%run_scoped3A : memref<!tpu.dma_semaphore, #tpu.memory_space<semaphore_mem>>)
      %dma_wait3A = tpu.memref_slice %arg3[%mul3A_2] : memref<163840xi32, #tpu.memory_space<hbm>> -> memref<5120xi32, #tpu.memory_space<hbm>>
      %dma_wait3A_15 = tpu.memref_slice %arg3[%mul3A_2] : memref<163840xi32, #tpu.memory_space<hbm>> -> memref<5120xi32, #tpu.memory_space<hbm>>
      tpu.wait_dma2 semaphore(%run_scoped3A : memref<!tpu.dma_semaphore, #tpu.memory_space<semaphore_mem>>) src(%dma_wait3A_15 : memref<5120xi32, #tpu.memory_space<hbm>>) dst(%arg5 : memref<5120xi32, #tpu.memory_space<vmem>>)
      tpu.yield
    }) : () -> ()
    %dma_start3A = arith.constant 0 : i32
    %dma_start3A_3 = tpu.memref_slice %arg5[%dma_start3A] : memref<5120xi32, #tpu.memory_space<vmem>> -> memref<64xi32, #tpu.memory_space<vmem>>
    %dma_start3A_4 = arith.constant 0 : i32
    %dma_start3A_5 = arith.constant 0 : i32
    %dma_start3A_6 = tpu.memref_slice %arg2[%dma_start3A_4, %dma_start3A_5] : memref<10000x128xf32, #tpu.memory_space<hbm>> -> memref<10000x128xf32, #tpu.memory_space<hbm>>
    tpu.enqueue_indirect_dma source(%dma_start3A_6 : memref<10000x128xf32, #tpu.memory_space<hbm>>) target(%arg6 : memref<64x128xf32, #tpu.memory_space<vmem>>) offsets(%dma_start3A_3 : memref<64xi32, #tpu.memory_space<vmem>>) semaphore(%arg8 : memref<!tpu.dma_semaphore, #tpu.memory_space<semaphore_mem>>)
    %scan3A = arith.constant 0 : i32
    %scan3A_7 = arith.constant 0 : i32
    %scan3A_8 = arith.constant 40 : i32
    %scan3A_9 = arith.addi %scan3A_7, %scan3A_8 : i32
    %scan3A_10 = arith.constant 1 : i32
    %scan3A_11 = scf.for %scan3A_13 = %scan3A_7 to %scan3A_9 step %scan3A_10 iter_args(%scan3A_14 = %scan3A) -> (i32)  : i32 {
      %mul3A_15 = arith.constant 2 : i32
      %mul3A_16 = arith.muli %mul3A_15, %scan3A_13 : i32
      %add3A_17 = arith.constant 1 : i32
      %add3A_18 = arith.addi %mul3A_16, %add3A_17 : i32
      %mul3A_19 = arith.constant 64 : i32
      %mul3A_20 = arith.muli %add3A_18, %mul3A_19 : i32
      %dma_start3A_21 = tpu.memref_slice %arg5[%mul3A_20] : memref<5120xi32, #tpu.memory_space<vmem>> -> memref<64xi32, #tpu.memory_space<vmem>>
      %dma_start3A_22 = arith.constant 0 : i32
      %dma_start3A_23 = arith.constant 0 : i32
      %dma_start3A_24 = tpu.memref_slice %arg2[%dma_start3A_22, %dma_start3A_23] : memref<10000x128xf32, #tpu.memory_space<hbm>> -> memref<10000x128xf32, #tpu.memory_space<hbm>>
      tpu.enqueue_indirect_dma source(%dma_start3A_24 : memref<10000x128xf32, #tpu.memory_space<hbm>>) target(%arg7 : memref<64x128xf32, #tpu.memory_space<vmem>>) offsets(%dma_start3A_21 : memref<64xi32, #tpu.memory_space<vmem>>) semaphore(%arg9 : memref<!tpu.dma_semaphore, #tpu.memory_space<semaphore_mem>>)
      %dma_wait3A = arith.constant 0 : i32
      %dma_wait3A_25 = arith.constant 0 : i32
      %dma_wait3A_26 = tpu.memref_slice %arg2[%dma_wait3A, %dma_wait3A_25] : memref<10000x128xf32, #tpu.memory_space<hbm>> -> memref<64x128xf32, #tpu.memory_space<hbm>>
      %dma_wait3A_27 = arith.constant 0 : i32
      %dma_wait3A_28 = arith.constant 0 : i32
      %dma_wait3A_29 = tpu.memref_slice %arg2[%dma_wait3A_27, %dma_wait3A_28] : memref<10000x128xf32, #tpu.memory_space<hbm>> -> memref<64x128xf32, #tpu.memory_space<hbm>>
      tpu.wait_dma2 semaphore(%arg8 : memref<!tpu.dma_semaphore, #tpu.memory_space<semaphore_mem>>) src(%dma_wait3A_29 : memref<64x128xf32, #tpu.memory_space<hbm>>) dst(%arg6 : memref<64x128xf32, #tpu.memory_space<vmem>>)
      %mul3A_30 = arith.constant 64 : i32
      %mul3A_31 = arith.muli %mul3A_16, %mul3A_30 : i32
      %add3A_32 = arith.addi %mul3A_2, %mul3A_31 : i32
      "tpu.region"() ({
        %run_scoped3A = tpu.sem_alloc : memref<!tpu.dma_semaphore, #tpu.memory_space<semaphore_mem>>
        %dma_start3A_49 = arith.constant 0 : i32
        %dma_start3A_50 = tpu.memref_slice %arg4[%add3A_32, %dma_start3A_49] : memref<163840x128xf32, #tpu.memory_space<hbm>> -> memref<64x128xf32, #tpu.memory_space<hbm>>
        %dma_start3A_51 = arith.constant 0 : i32
        %dma_start3A_52 = tpu.memref_slice %arg4[%add3A_32, %dma_start3A_51] : memref<163840x128xf32, #tpu.memory_space<hbm>> -> memref<64x128xf32, #tpu.memory_space<hbm>>
        tpu.enqueue_dma source(%arg6 : memref<64x128xf32, #tpu.memory_space<vmem>>) target(%dma_start3A_52 : memref<64x128xf32, #tpu.memory_space<hbm>>) target_semaphore(%run_scoped3A : memref<!tpu.dma_semaphore, #tpu.memory_space<semaphore_mem>>)
        %dma_wait3A_53 = arith.constant 0 : i32
        %dma_wait3A_54 = tpu.memref_slice %arg4[%add3A_32, %dma_wait3A_53] : memref<163840x128xf32, #tpu.memory_space<hbm>> -> memref<64x128xf32, #tpu.memory_space<hbm>>
        %dma_wait3A_55 = arith.constant 0 : i32
        %dma_wait3A_56 = tpu.memref_slice %arg4[%add3A_32, %dma_wait3A_55] : memref<163840x128xf32, #tpu.memory_space<hbm>> -> memref<64x128xf32, #tpu.memory_space<hbm>>
        tpu.wait_dma2 semaphore(%run_scoped3A : memref<!tpu.dma_semaphore, #tpu.memory_space<semaphore_mem>>) src(%arg6 : memref<64x128xf32, #tpu.memory_space<vmem>>) dst(%dma_wait3A_56 : memref<64x128xf32, #tpu.memory_space<hbm>>)
        tpu.yield
      }) : () -> ()
      %add3A_33 = arith.constant 2 : i32
      %add3A_34 = arith.addi %mul3A_16, %add3A_33 : i32
      %lt3A = arith.constant 80 : i32
      %lt3A_35 = arith.cmpi slt, %add3A_34, %lt3A : i32
      %convert_element_type3A = arith.extui %lt3A_35 : i1 to i32
      %cond3A = arith.constant 0 : i32
      %cond3A_36 = arith.cmpi ne, %convert_element_type3A, %cond3A : i32
      scf.if %cond3A_36 {
        %add3A_49 = arith.constant 2 : i32
        %add3A_50 = arith.addi %mul3A_16, %add3A_49 : i32
        %mul3A_51 = arith.constant 64 : i32
        %mul3A_52 = arith.muli %add3A_50, %mul3A_51 : i32
        %dma_start3A_53 = tpu.memref_slice %arg5[%mul3A_52] : memref<5120xi32, #tpu.memory_space<vmem>> -> memref<64xi32, #tpu.memory_space<vmem>>
        %dma_start3A_54 = arith.constant 0 : i32
        %dma_start3A_55 = arith.constant 0 : i32
        %dma_start3A_56 = tpu.memref_slice %arg2[%dma_start3A_54, %dma_start3A_55] : memref<10000x128xf32, #tpu.memory_space<hbm>> -> memref<10000x128xf32, #tpu.memory_space<hbm>>
        tpu.enqueue_indirect_dma source(%dma_start3A_56 : memref<10000x128xf32, #tpu.memory_space<hbm>>) target(%arg6 : memref<64x128xf32, #tpu.memory_space<vmem>>) offsets(%dma_start3A_53 : memref<64xi32, #tpu.memory_space<vmem>>) semaphore(%arg8 : memref<!tpu.dma_semaphore, #tpu.memory_space<semaphore_mem>>)
      } else {
      }
      %dma_wait3A_37 = arith.constant 0 : i32
      %dma_wait3A_38 = arith.constant 0 : i32
      %dma_wait3A_39 = tpu.memref_slice %arg2[%dma_wait3A_37, %dma_wait3A_38] : memref<10000x128xf32, #tpu.memory_space<hbm>> -> memref<64x128xf32, #tpu.memory_space<hbm>>
      %dma_wait3A_40 = arith.constant 0 : i32
      %dma_wait3A_41 = arith.constant 0 : i32
      %dma_wait3A_42 = tpu.memref_slice %arg2[%dma_wait3A_40, %dma_wait3A_41] : memref<10000x128xf32, #tpu.memory_space<hbm>> -> memref<64x128xf32, #tpu.memory_space<hbm>>
      tpu.wait_dma2 semaphore(%arg9 : memref<!tpu.dma_semaphore, #tpu.memory_space<semaphore_mem>>) src(%dma_wait3A_42 : memref<64x128xf32, #tpu.memory_space<hbm>>) dst(%arg7 : memref<64x128xf32, #tpu.memory_space<vmem>>)
      %add3A_43 = arith.constant 1 : i32
      %add3A_44 = arith.addi %mul3A_16, %add3A_43 : i32
      %mul3A_45 = arith.constant 64 : i32
      %mul3A_46 = arith.muli %add3A_44, %mul3A_45 : i32
      %add3A_47 = arith.addi %mul3A_2, %mul3A_46 : i32
      "tpu.region"() ({
        %run_scoped3A = tpu.sem_alloc : memref<!tpu.dma_semaphore, #tpu.memory_space<semaphore_mem>>
        %dma_start3A_49 = arith.constant 0 : i32
        %dma_start3A_50 = tpu.memref_slice %arg4[%add3A_47, %dma_start3A_49] : memref<163840x128xf32, #tpu.memory_space<hbm>> -> memref<64x128xf32, #tpu.memory_space<hbm>>
        %dma_start3A_51 = arith.constant 0 : i32
        %dma_start3A_52 = tpu.memref_slice %arg4[%add3A_47, %dma_start3A_51] : memref<163840x128xf32, #tpu.memory_space<hbm>> -> memref<64x128xf32, #tpu.memory_space<hbm>>
        tpu.enqueue_dma source(%arg7 : memref<64x128xf32, #tpu.memory_space<vmem>>) target(%dma_start3A_52 : memref<64x128xf32, #tpu.memory_space<hbm>>) target_semaphore(%run_scoped3A : memref<!tpu.dma_semaphore, #tpu.memory_space<semaphore_mem>>)
        %dma_wait3A_53 = arith.constant 0 : i32
        %dma_wait3A_54 = tpu.memref_slice %arg4[%add3A_47, %dma_wait3A_53] : memref<163840x128xf32, #tpu.memory_space<hbm>> -> memref<64x128xf32, #tpu.memory_space<hbm>>
        %dma_wait3A_55 = arith.constant 0 : i32
        %dma_wait3A_56 = tpu.memref_slice %arg4[%add3A_47, %dma_wait3A_55] : memref<163840x128xf32, #tpu.memory_space<hbm>> -> memref<64x128xf32, #tpu.memory_space<hbm>>
        tpu.wait_dma2 semaphore(%run_scoped3A : memref<!tpu.dma_semaphore, #tpu.memory_space<semaphore_mem>>) src(%arg7 : memref<64x128xf32, #tpu.memory_space<vmem>>) dst(%dma_wait3A_56 : memref<64x128xf32, #tpu.memory_space<hbm>>)
        tpu.yield
      }) : () -> ()
      %scan3A_48 = arith.constant 0 : i32
      scf.yield %scan3A_48 : i32
    }
    %scan3A_12 = arith.constant 40 : i32
    return
  }
}

module attributes {stable_mosaic.version = 14 : i64} {
  func.func @_tc_edge_msg_body(%arg0: i32, %arg1: memref<2048x4xf32, #tpu.memory_space<vmem>>, %arg2: memref<2048x128xf32, #tpu.memory_space<vmem>>, %arg3: memref<4x32xf32, #tpu.memory_space<vmem>>, %arg4: memref<1x32xf32, #tpu.memory_space<vmem>>, %arg5: memref<128x1024xf32, #tpu.memory_space<vmem>>, %arg6: memref<128x32xf32, #tpu.memory_space<vmem>>, %arg7: memref<1024x32xf32, #tpu.memory_space<vmem>>, %arg8: memref<2048x128xf32, #tpu.memory_space<vmem>>) attributes {dimension_semantics = [#tpu.dimension_semantics<arbitrary>], iteration_bounds = array<i64: 80>, scalar_prefetch = 0 : i64, scratch_operands = 0 : i64, tpu.core_type = #tpu.core_type<tc>, window_params = [{transform_indices = @transform_0, window_bounds = array<i64: 2048, 4>}, {transform_indices = @transform_1, window_bounds = array<i64: 2048, 128>}, {pipeline_mode = #tpu.pipeline_mode<synchronous>, transform_indices = @transform_2, window_bounds = array<i64: 4, 32>}, {pipeline_mode = #tpu.pipeline_mode<synchronous>, transform_indices = @transform_3, window_bounds = array<i64: 1, 32>}, {pipeline_mode = #tpu.pipeline_mode<synchronous>, transform_indices = @transform_4, window_bounds = array<i64: 128, 1024>}, {pipeline_mode = #tpu.pipeline_mode<synchronous>, transform_indices = @transform_5, window_bounds = array<i64: 128, 32>}, {pipeline_mode = #tpu.pipeline_mode<synchronous>, transform_indices = @transform_6, window_bounds = array<i64: 1024, 32>}, {transform_indices = @transform_7, window_bounds = array<i64: 2048, 128>}]} {
    %get3A = arith.constant 0 : index
    %get3A_0 = arith.constant 0 : index
    %get3A_1 = vector.load %arg1[%get3A, %get3A_0] : memref<2048x4xf32, #tpu.memory_space<vmem>>, vector<2048x4xf32>
    %get3A_2 = arith.constant 0 : index
    %get3A_3 = arith.constant 0 : index
    %get3A_4 = vector.load %arg3[%get3A_2, %get3A_3] : memref<4x32xf32, #tpu.memory_space<vmem>>, vector<4x32xf32>
    %dot_general3A = arith.constant dense<0.000000e+00> : vector<2048x32xf32>
    %dot_general3A_5 = tpu.matmul %get3A_1, %get3A_4, %dot_general3A {dimension_numbers = #tpu.dot_dimension_numbers<[1], [0], [0], [1], [0, 0, 1, 1], [], []>, transpose_lhs_hint = false} : vector<2048x4xf32>, vector<4x32xf32>, vector<2048x32xf32> -> vector<2048x32xf32>
    %get3A_6 = arith.constant 0 : index
    %get3A_7 = arith.constant 0 : index
    %get3A_8 = vector.load %arg4[%get3A_6, %get3A_7] : memref<1x32xf32, #tpu.memory_space<vmem>>, vector<1x32xf32>
    %add3A = vector.broadcast %get3A_8 : vector<1x32xf32> to vector<2048x32xf32>
    %add3A_9 = arith.addf %dot_general3A_5, %add3A : vector<2048x32xf32>
    %max3A = arith.constant 0.000000e+00 : f32
    %max3A_10 = vector.broadcast %max3A : f32 to vector<2048x32xf32>
    %max3A_11 = arith.maximumf %add3A_9, %max3A_10 : vector<2048x32xf32>
    %get3A_12 = arith.constant 0 : index
    %get3A_13 = arith.constant 0 : index
    %get3A_14 = vector.load %arg2[%get3A_12, %get3A_13] : memref<2048x128xf32, #tpu.memory_space<vmem>>, vector<2048x128xf32>
    %get3A_15 = arith.constant 0 : index
    %get3A_16 = arith.constant 0 : index
    %get3A_17 = vector.load %arg5[%get3A_15, %get3A_16] : memref<128x1024xf32, #tpu.memory_space<vmem>>, vector<128x1024xf32>
    %dot_general3A_18 = arith.constant dense<0.000000e+00> : vector<2048x1024xf32>
    %dot_general3A_19 = tpu.matmul %get3A_14, %get3A_17, %dot_general3A_18 {dimension_numbers = #tpu.dot_dimension_numbers<[1], [0], [0], [1], [0, 0, 1, 1], [], []>, transpose_lhs_hint = false} : vector<2048x128xf32>, vector<128x1024xf32>, vector<2048x1024xf32> -> vector<2048x1024xf32>
    %tile3A = tpu.concatenate %max3A_11, %max3A_11, %max3A_11, %max3A_11, %max3A_11, %max3A_11, %max3A_11, %max3A_11, %max3A_11, %max3A_11, %max3A_11, %max3A_11, %max3A_11, %max3A_11, %max3A_11, %max3A_11, %max3A_11, %max3A_11, %max3A_11, %max3A_11, %max3A_11, %max3A_11, %max3A_11, %max3A_11, %max3A_11, %max3A_11, %max3A_11, %max3A_11, %max3A_11, %max3A_11, %max3A_11, %max3A_11 in 1 : vector<2048x32xf32>, vector<2048x32xf32>, vector<2048x32xf32>, vector<2048x32xf32>, vector<2048x32xf32>, vector<2048x32xf32>, vector<2048x32xf32>, vector<2048x32xf32>, vector<2048x32xf32>, vector<2048x32xf32>, vector<2048x32xf32>, vector<2048x32xf32>, vector<2048x32xf32>, vector<2048x32xf32>, vector<2048x32xf32>, vector<2048x32xf32>, vector<2048x32xf32>, vector<2048x32xf32>, vector<2048x32xf32>, vector<2048x32xf32>, vector<2048x32xf32>, vector<2048x32xf32>, vector<2048x32xf32>, vector<2048x32xf32>, vector<2048x32xf32>, vector<2048x32xf32>, vector<2048x32xf32>, vector<2048x32xf32>, vector<2048x32xf32>, vector<2048x32xf32>, vector<2048x32xf32>, vector<2048x32xf32> -> vector<2048x1024xf32>
    %mul3A = arith.mulf %dot_general3A_19, %tile3A : vector<2048x1024xf32>
    %get3A_20 = arith.constant 0 : index
    %get3A_21 = arith.constant 0 : index
    %get3A_22 = vector.load %arg7[%get3A_20, %get3A_21] : memref<1024x32xf32, #tpu.memory_space<vmem>>, vector<1024x32xf32>
    %dot_general3A_23 = arith.constant dense<0.000000e+00> : vector<2048x32xf32>
    %dot_general3A_24 = tpu.matmul %mul3A, %get3A_22, %dot_general3A_23 {dimension_numbers = #tpu.dot_dimension_numbers<[1], [0], [0], [1], [0, 0, 1, 1], [], []>, transpose_lhs_hint = false} : vector<2048x1024xf32>, vector<1024x32xf32>, vector<2048x32xf32> -> vector<2048x32xf32>
    %get3A_25 = arith.constant 0 : index
    %get3A_26 = arith.constant 0 : index
    %get3A_27 = vector.load %arg2[%get3A_25, %get3A_26] : memref<2048x128xf32, #tpu.memory_space<vmem>>, vector<2048x128xf32>
    %get3A_28 = arith.constant 0 : index
    %get3A_29 = arith.constant 0 : index
    %get3A_30 = vector.load %arg6[%get3A_28, %get3A_29] : memref<128x32xf32, #tpu.memory_space<vmem>>, vector<128x32xf32>
    %dot_general3A_31 = arith.constant dense<0.000000e+00> : vector<2048x32xf32>
    %dot_general3A_32 = tpu.matmul %get3A_27, %get3A_30, %dot_general3A_31 {dimension_numbers = #tpu.dot_dimension_numbers<[1], [0], [0], [1], [0, 0, 1, 1], [], []>, transpose_lhs_hint = false} : vector<2048x128xf32>, vector<128x32xf32>, vector<2048x32xf32> -> vector<2048x32xf32>
    %add3A_33 = arith.addf %dot_general3A_24, %dot_general3A_32 : vector<2048x32xf32>
    %broadcast_in_dim3A = arith.constant 0.000000e+00 : f32
    %broadcast_in_dim3A_34 = vector.broadcast %broadcast_in_dim3A : f32 to vector<2048x96xf32>
    %concatenate3A = tpu.concatenate %add3A_33, %broadcast_in_dim3A_34 in 1 : vector<2048x32xf32>, vector<2048x96xf32> -> vector<2048x128xf32>
    %swap3A = arith.constant 0 : index
    %swap3A_35 = arith.constant 0 : index
    %swap3A_36 = vector.load %arg8[%swap3A, %swap3A_35] : memref<2048x128xf32, #tpu.memory_space<vmem>>, vector<2048x128xf32>
    tpu.vector_store %arg8[%swap3A, %swap3A_35], %concatenate3A {strides = array<i32>} : memref<2048x128xf32, #tpu.memory_space<vmem>>, vector<2048x128xf32>,
    return
  }
  func.func @transform_0(%arg0: i32) -> (i32, i32) {
    %c0_i32 = arith.constant 0 : i32
    %c0_i32_0 = arith.constant 0 : i32
    return %arg0, %c0_i32 : i32, i32
  }
  func.func @transform_1(%arg0: i32) -> (i32, i32) {
    %c0_i32 = arith.constant 0 : i32
    %c0_i32_0 = arith.constant 0 : i32
    return %arg0, %c0_i32 : i32, i32
  }
  func.func @transform_2(%arg0: i32) -> (i32, i32) {
    %c0_i32 = arith.constant 0 : i32
    %c0_i32_0 = arith.constant 0 : i32
    %c0_i32_1 = arith.constant 0 : i32
    return %c0_i32, %c0_i32_0 : i32, i32
  }
  func.func @transform_3(%arg0: i32) -> (i32, i32) {
    %c0_i32 = arith.constant 0 : i32
    %c0_i32_0 = arith.constant 0 : i32
    %c0_i32_1 = arith.constant 0 : i32
    return %c0_i32, %c0_i32_0 : i32, i32
  }
  func.func @transform_4(%arg0: i32) -> (i32, i32) {
    %c0_i32 = arith.constant 0 : i32
    %c0_i32_0 = arith.constant 0 : i32
    %c0_i32_1 = arith.constant 0 : i32
    return %c0_i32, %c0_i32_0 : i32, i32
  }
  func.func @transform_5(%arg0: i32) -> (i32, i32) {
    %c0_i32 = arith.constant 0 : i32
    %c0_i32_0 = arith.constant 0 : i32
    %c0_i32_1 = arith.constant 0 : i32
    return %c0_i32, %c0_i32_0 : i32, i32
  }
  func.func @transform_6(%arg0: i32) -> (i32, i32) {
    %c0_i32 = arith.constant 0 : i32
    %c0_i32_0 = arith.constant 0 : i32
    %c0_i32_1 = arith.constant 0 : i32
    return %c0_i32, %c0_i32_0 : i32, i32
  }
  func.func @transform_7(%arg0: i32) -> (i32, i32) {
    %c0_i32 = arith.constant 0 : i32
    %c0_i32_0 = arith.constant 0 : i32
    return %arg0, %c0_i32 : i32, i32
  }
}

module attributes {stable_mosaic.version = 14 : i64} {
  func.func @_tc_node_dense_body(%arg0: memref<10000x128xf32, #tpu.memory_space<vmem>>, %arg1: memref<10000x32xf32, #tpu.memory_space<vmem>>, %arg2: memref<128x32xf32, #tpu.memory_space<vmem>>, %arg3: memref<1x32xf32, #tpu.memory_space<vmem>>, %arg4: memref<32x16xf32, #tpu.memory_space<vmem>>, %arg5: memref<16x4xf32, #tpu.memory_space<vmem>>, %arg6: memref<10000x16xf32, #tpu.memory_space<vmem>>, %arg7: memref<10000x4xf32, #tpu.memory_space<vmem>>) attributes {dimension_semantics = [], scalar_prefetch = 0 : i64, scratch_operands = 0 : i64, tpu.core_type = #tpu.core_type<tc>} {
    %get3A = arith.constant 0 : index
    %get3A_0 = arith.constant 0 : index
    %get3A_1 = vector.load %arg0[%get3A, %get3A_0] : memref<10000x128xf32, #tpu.memory_space<vmem>>, vector<10000x128xf32>
    %get3A_2 = arith.constant 0 : index
    %get3A_3 = arith.constant 0 : index
    %get3A_4 = vector.load %arg2[%get3A_2, %get3A_3] : memref<128x32xf32, #tpu.memory_space<vmem>>, vector<128x32xf32>
    %dot_general3A = arith.constant dense<0.000000e+00> : vector<10000x32xf32>
    %dot_general3A_5 = tpu.matmul %get3A_1, %get3A_4, %dot_general3A {dimension_numbers = #tpu.dot_dimension_numbers<[1], [0], [0], [1], [0, 0, 1, 1], [], []>, transpose_lhs_hint = false} : vector<10000x128xf32>, vector<128x32xf32>, vector<10000x32xf32> -> vector<10000x32xf32>
    %get3A_6 = arith.constant 0 : index
    %get3A_7 = arith.constant 0 : index
    %get3A_8 = vector.load %arg1[%get3A_6, %get3A_7] : memref<10000x32xf32, #tpu.memory_space<vmem>>, vector<10000x32xf32>
    %add3A = arith.addf %dot_general3A_5, %get3A_8 : vector<10000x32xf32>
    %get3A_9 = arith.constant 0 : index
    %get3A_10 = arith.constant 0 : index
    %get3A_11 = vector.load %arg3[%get3A_9, %get3A_10] : memref<1x32xf32, #tpu.memory_space<vmem>>, vector<1x32xf32>
    %add3A_12 = vector.broadcast %get3A_11 : vector<1x32xf32> to vector<10000x32xf32>
    %add3A_13 = arith.addf %add3A, %add3A_12 : vector<10000x32xf32>
    %max3A = arith.constant 0.000000e+00 : f32
    %max3A_14 = vector.broadcast %max3A : f32 to vector<10000x32xf32>
    %max3A_15 = arith.maximumf %add3A_13, %max3A_14 : vector<10000x32xf32>
    %get3A_16 = arith.constant 0 : index
    %get3A_17 = arith.constant 0 : index
    %get3A_18 = vector.load %arg4[%get3A_16, %get3A_17] : memref<32x16xf32, #tpu.memory_space<vmem>>, vector<32x16xf32>
    %dot_general3A_19 = arith.constant dense<0.000000e+00> : vector<10000x16xf32>
    %dot_general3A_20 = tpu.matmul %max3A_15, %get3A_18, %dot_general3A_19 {dimension_numbers = #tpu.dot_dimension_numbers<[1], [0], [0], [1], [0, 0, 1, 1], [], []>, transpose_lhs_hint = false} : vector<10000x32xf32>, vector<32x16xf32>, vector<10000x16xf32> -> vector<10000x16xf32>
    %get3A_21 = arith.constant 0 : index
    %get3A_22 = arith.constant 0 : index
    %get3A_23 = vector.load %arg5[%get3A_21, %get3A_22] : memref<16x4xf32, #tpu.memory_space<vmem>>, vector<16x4xf32>
    %dot_general3A_24 = arith.constant dense<0.000000e+00> : vector<10000x4xf32>
    %dot_general3A_25 = tpu.matmul %dot_general3A_20, %get3A_23, %dot_general3A_24 {dimension_numbers = #tpu.dot_dimension_numbers<[1], [0], [0], [1], [0, 0, 1, 1], [], []>, transpose_lhs_hint = false} : vector<10000x16xf32>, vector<16x4xf32>, vector<10000x4xf32> -> vector<10000x4xf32>
    %slice3A = vector.extract_strided_slice %dot_general3A_25 {offsets = [0, 0], sizes = [10000, 1], strides = [1, 1]} : vector<10000x4xf32> to vector<10000x1xf32>
    %squeeze3A = vector.shape_cast %slice3A : vector<10000x1xf32> to vector<10000xf32>
    %reduce_max3A = vector.shape_cast %squeeze3A : vector<10000xf32> to vector<1x10000xf32>
    %reduce_max3A_26 = arith.constant dense<0xFF800000> : vector<1xf32>
    %reduce_max3A_27 = vector.multi_reduction <maximumf>, %reduce_max3A, %reduce_max3A_26 [1] : vector<1x10000xf32> to vector<1xf32>
    %reduce_max3A_28 = vector.shape_cast %reduce_max3A_27 : vector<1xf32> to vector<1x1xf32>
    %reduce_max3A_29 = vector.extract %reduce_max3A_28[0, 0] : f32 from vector<1x1xf32>
    %slice3A_30 = vector.extract_strided_slice %dot_general3A_25 {offsets = [0, 1], sizes = [10000, 1], strides = [1, 1]} : vector<10000x4xf32> to vector<10000x1xf32>
    %squeeze3A_31 = vector.shape_cast %slice3A_30 : vector<10000x1xf32> to vector<10000xf32>
    %reduce_max3A_32 = vector.shape_cast %squeeze3A_31 : vector<10000xf32> to vector<1x10000xf32>
    %reduce_max3A_33 = arith.constant dense<0xFF800000> : vector<1xf32>
    %reduce_max3A_34 = vector.multi_reduction <maximumf>, %reduce_max3A_32, %reduce_max3A_33 [1] : vector<1x10000xf32> to vector<1xf32>
    %reduce_max3A_35 = vector.shape_cast %reduce_max3A_34 : vector<1xf32> to vector<1x1xf32>
    %reduce_max3A_36 = vector.extract %reduce_max3A_35[0, 0] : f32 from vector<1x1xf32>
    %add3A_37 = arith.addf %reduce_max3A_29, %reduce_max3A_36 : f32
    %iota3A = tpu.iota {dimensions = array<i32: 1>} : vector<10000x4xi32>
    %swap3A = arith.constant 0 : index
    %swap3A_38 = arith.constant 0 : index
    %swap3A_39 = vector.load %arg6[%swap3A, %swap3A_38] : memref<10000x16xf32, #tpu.memory_space<vmem>>, vector<10000x16xf32>
    tpu.vector_store %arg6[%swap3A, %swap3A_38], %dot_general3A_20 {strides = array<i32>} : memref<10000x16xf32, #tpu.memory_space<vmem>>, vector<10000x16xf32>,
    %eq3A = arith.constant 2 : i32
    %eq3A_40 = vector.broadcast %eq3A : i32 to vector<10000x4xi32>
    %eq3A_41 = arith.cmpi eq, %iota3A, %eq3A_40 : vector<10000x4xi32>
    %jit3A = arith.constant 0.000000e+00 : f32
    %broadcast_in_dim3A = vector.broadcast %add3A_37 : f32 to vector<10000x4xf32>
    %broadcast_in_dim3A_42 = vector.broadcast %jit3A : f32 to vector<10000x4xf32>
    %select_n3A = arith.select %eq3A_41, %broadcast_in_dim3A, %broadcast_in_dim3A_42 : vector<10000x4xi1>, vector<10000x4xf32>
    %add3A_43 = arith.addf %dot_general3A_25, %select_n3A : vector<10000x4xf32>
    %swap3A_44 = arith.constant 0 : index
    %swap3A_45 = arith.constant 0 : index
    %swap3A_46 = vector.load %arg7[%swap3A_44, %swap3A_45] : memref<10000x4xf32, #tpu.memory_space<vmem>>, vector<10000x4xf32>
    tpu.vector_store %arg7[%swap3A_44, %swap3A_45], %add3A_43 {strides = array<i32>} : memref<10000x4xf32, #tpu.memory_space<vmem>>, vector<10000x4xf32>,
    return
  }
}

module attributes {stable_mosaic.version = 14 : i64} {
  func.func @_tc_gat_combine_body(%arg0: memref<10000x17xf32, #tpu.memory_space<vmem>>, %arg1: memref<10000x16xf32, #tpu.memory_space<vmem>>, %arg2: memref<10000x4xf32, #tpu.memory_space<vmem>>, %arg3: memref<1x16xf32, #tpu.memory_space<vmem>>, %arg4: memref<10000x16xf32, #tpu.memory_space<vmem>>) attributes {dimension_semantics = [], scalar_prefetch = 0 : i64, scratch_operands = 0 : i64, tpu.core_type = #tpu.core_type<tc>} {
    %get3A = arith.constant 0 : index
    %get3A_0 = arith.constant 0 : index
    %get3A_1 = vector.load %arg0[%get3A, %get3A_0] : memref<10000x17xf32, #tpu.memory_space<vmem>>, vector<10000x17xf32>
    %slice3A = vector.extract_strided_slice %get3A_1 {offsets = [0, 16], sizes = [10000, 1], strides = [1, 1]} : vector<10000x17xf32> to vector<10000x1xf32>
    %get3A_2 = arith.constant 0 : index
    %get3A_3 = arith.constant 0 : index
    %get3A_4 = vector.load %arg2[%get3A_2, %get3A_3] : memref<10000x4xf32, #tpu.memory_space<vmem>>, vector<10000x4xf32>
    %slice3A_5 = vector.extract_strided_slice %get3A_4 {offsets = [0, 0], sizes = [10000, 1], strides = [1, 1]} : vector<10000x4xf32> to vector<10000x1xf32>
    %slice3A_6 = vector.extract_strided_slice %get3A_4 {offsets = [0, 1], sizes = [10000, 1], strides = [1, 1]} : vector<10000x4xf32> to vector<10000x1xf32>
    %add3A = arith.addf %slice3A_5, %slice3A_6 : vector<10000x1xf32>
    %mul3A = arith.constant 2.000000e-01 : f32
    %mul3A_7 = vector.broadcast %mul3A : f32 to vector<10000x1xf32>
    %mul3A_8 = arith.mulf %mul3A_7, %add3A : vector<10000x1xf32>
    %max3A = arith.maximumf %add3A, %mul3A_8 : vector<10000x1xf32>
    %slice3A_9 = vector.extract_strided_slice %get3A_4 {offsets = [0, 2], sizes = [10000, 1], strides = [1, 1]} : vector<10000x4xf32> to vector<10000x1xf32>
    %sub3A = arith.subf %max3A, %slice3A_9 : vector<10000x1xf32>
    %exp3A = math.exp %sub3A : vector<10000x1xf32>
    %get3A_10 = arith.constant 0 : index
    %get3A_11 = arith.constant 0 : index
    %get3A_12 = vector.load %arg1[%get3A_10, %get3A_11] : memref<10000x16xf32, #tpu.memory_space<vmem>>, vector<10000x16xf32>
    %slice3A_13 = vector.extract_strided_slice %get3A_1 {offsets = [0, 0], sizes = [10000, 16], strides = [1, 1]} : vector<10000x17xf32> to vector<10000x16xf32>
    %mul3A_14 = vector.broadcast %exp3A : vector<10000x1xf32> to vector<10000x16xf32>
    %mul3A_15 = arith.mulf %mul3A_14, %get3A_12 : vector<10000x16xf32>
    %add3A_16 = arith.addf %slice3A_13, %mul3A_15 : vector<10000x16xf32>
    %add3A_17 = arith.addf %slice3A, %exp3A : vector<10000x1xf32>
    %add3A_18 = arith.constant 1.000000e-16 : f32
    %add3A_19 = vector.broadcast %add3A_18 : f32 to vector<10000x1xf32>
    %add3A_20 = arith.addf %add3A_17, %add3A_19 : vector<10000x1xf32>
    %div3A = vector.broadcast %add3A_20 : vector<10000x1xf32> to vector<10000x16xf32>
    %div3A_21 = arith.divf %add3A_16, %div3A : vector<10000x16xf32>
    %get3A_22 = arith.constant 0 : index
    %get3A_23 = arith.constant 0 : index
    %get3A_24 = vector.load %arg3[%get3A_22, %get3A_23] : memref<1x16xf32, #tpu.memory_space<vmem>>, vector<1x16xf32>
    %add3A_25 = vector.broadcast %get3A_24 : vector<1x16xf32> to vector<10000x16xf32>
    %add3A_26 = arith.addf %div3A_21, %add3A_25 : vector<10000x16xf32>
    %max3A_27 = arith.constant 0.000000e+00 : f32
    %max3A_28 = vector.broadcast %max3A_27 : f32 to vector<10000x16xf32>
    %max3A_29 = arith.maximumf %add3A_26, %max3A_28 : vector<10000x16xf32>
    %swap3A = arith.constant 0 : index
    %swap3A_30 = arith.constant 0 : index
    %swap3A_31 = vector.load %arg4[%swap3A, %swap3A_30] : memref<10000x16xf32, #tpu.memory_space<vmem>>, vector<10000x16xf32>
    tpu.vector_store %arg4[%swap3A, %swap3A_30], %max3A_29 {strides = array<i32>} : memref<10000x16xf32, #tpu.memory_space<vmem>>, vector<10000x16xf32>,
    return
  }
}

module attributes {stable_mosaic.version = 14 : i64} {
  func.func @_tc_head_body(%arg0: i32, %arg1: memref<1x1x16000xf32, #tpu.memory_space<vmem>>, %arg2: memref<16000x256xf32, #tpu.memory_space<vmem>>, %arg3: memref<1x256xf32, #tpu.memory_space<vmem>>, %arg4: memref<256x128xf32, #tpu.memory_space<vmem>>, %arg5: memref<1x128xf32, #tpu.memory_space<vmem>>, %arg6: memref<1x128xf32, #tpu.memory_space<vmem>>, %arg7: memref<1x256xf32, #tpu.memory_space<vmem>>) attributes {dimension_semantics = [#tpu.dimension_semantics<arbitrary>], iteration_bounds = array<i64: 10>, scalar_prefetch = 0 : i64, scratch_operands = 1 : i64, tpu.core_type = #tpu.core_type<tc>, window_params = [{transform_indices = @transform_0, window_bounds = array<i64: 1, 1, 16000>}, {transform_indices = @transform_1, window_bounds = array<i64: 16000, 256>}, {pipeline_mode = #tpu.pipeline_mode<synchronous>, transform_indices = @transform_2, window_bounds = array<i64: 1, 256>}, {pipeline_mode = #tpu.pipeline_mode<synchronous>, transform_indices = @transform_3, window_bounds = array<i64: 256, 128>}, {pipeline_mode = #tpu.pipeline_mode<synchronous>, transform_indices = @transform_4, window_bounds = array<i64: 1, 128>}, {pipeline_mode = #tpu.pipeline_mode<synchronous>, transform_indices = @transform_5, window_bounds = array<i64: 1, 128>}]} {
    %eq3A = arith.constant 0 : i32
    %eq3A_0 = arith.cmpi eq, %arg0, %eq3A : i32
    %convert_element_type3A = arith.extui %eq3A_0 : i1 to i32
    %cond3A = arith.constant 0 : i32
    %cond3A_1 = arith.cmpi ne, %convert_element_type3A, %cond3A : i32
    scf.if %cond3A_1 {
      %broadcast_in_dim3A = arith.constant 0.000000e+00 : f32
      %broadcast_in_dim3A_20 = vector.broadcast %broadcast_in_dim3A : f32 to vector<1x256xf32>
      %swap3A_21 = arith.constant 0 : index
      %swap3A_22 = arith.constant 0 : index
      %swap3A_23 = vector.load %arg7[%swap3A_21, %swap3A_22] : memref<1x256xf32, #tpu.memory_space<vmem>>, vector<1x256xf32>
      tpu.vector_store %arg7[%swap3A_21, %swap3A_22], %broadcast_in_dim3A_20 {strides = array<i32>} : memref<1x256xf32, #tpu.memory_space<vmem>>, vector<1x256xf32>,
    } else {
    }
    %get3A = arith.constant 0 : index
    %get3A_2 = arith.constant 0 : index
    %get3A_3 = vector.load %arg7[%get3A, %get3A_2] : memref<1x256xf32, #tpu.memory_space<vmem>>, vector<1x256xf32>
    %get3A_4 = arith.constant 0 : index
    %get3A_5 = arith.constant 0 : index
    %get3A_6 = arith.constant 0 : index
    %get3A_7 = vector.load %arg1[%get3A_4, %get3A_5, %get3A_6] : memref<1x1x16000xf32, #tpu.memory_space<vmem>>, vector<1x1x16000xf32>
    %get3A_8 = vector.shape_cast %get3A_7 : vector<1x1x16000xf32> to vector<1x16000xf32>
    %get3A_9 = arith.constant 0 : index
    %get3A_10 = arith.constant 0 : index
    %get3A_11 = vector.load %arg2[%get3A_9, %get3A_10] : memref<16000x256xf32, #tpu.memory_space<vmem>>, vector<16000x256xf32>
    %dot_general3A = arith.constant dense<0.000000e+00> : vector<1x256xf32>
    %dot_general3A_12 = tpu.matmul %get3A_8, %get3A_11, %dot_general3A {dimension_numbers = #tpu.dot_dimension_numbers<[1], [0], [0], [1], [0, 0, 1, 1], [], []>, transpose_lhs_hint = false} : vector<1x16000xf32>, vector<16000x256xf32>, vector<1x256xf32> -> vector<1x256xf32>
    %add3A = arith.addf %get3A_3, %dot_general3A_12 : vector<1x256xf32>
    %swap3A = arith.constant 0 : index
    %swap3A_13 = arith.constant 0 : index
    %swap3A_14 = vector.load %arg7[%swap3A, %swap3A_13] : memref<1x256xf32, #tpu.memory_space<vmem>>, vector<1x256xf32>
    tpu.vector_store %arg7[%swap3A, %swap3A_13], %add3A {strides = array<i32>} : memref<1x256xf32, #tpu.memory_space<vmem>>, vector<1x256xf32>,
    %eq3A_15 = arith.constant 9 : i32
    %eq3A_16 = arith.cmpi eq, %arg0, %eq3A_15 : i32
    %convert_element_type3A_17 = arith.extui %eq3A_16 : i1 to i32
    %cond3A_18 = arith.constant 0 : i32
    %cond3A_19 = arith.cmpi ne, %convert_element_type3A_17, %cond3A_18 : i32
    scf.if %cond3A_19 {
      %get3A_20 = arith.constant 0 : index
      %get3A_21 = arith.constant 0 : index
      %get3A_22 = vector.load %arg7[%get3A_20, %get3A_21] : memref<1x256xf32, #tpu.memory_space<vmem>>, vector<1x256xf32>
      %get3A_23 = arith.constant 0 : index
      %get3A_24 = arith.constant 0 : index
      %get3A_25 = vector.load %arg3[%get3A_23, %get3A_24] : memref<1x256xf32, #tpu.memory_space<vmem>>, vector<1x256xf32>
      %add3A_26 = arith.addf %get3A_22, %get3A_25 : vector<1x256xf32>
      %max3A = arith.constant 0.000000e+00 : f32
      %max3A_27 = vector.broadcast %max3A : f32 to vector<1x256xf32>
      %max3A_28 = arith.maximumf %add3A_26, %max3A_27 : vector<1x256xf32>
      %get3A_29 = arith.constant 0 : index
      %get3A_30 = arith.constant 0 : index
      %get3A_31 = vector.load %arg4[%get3A_29, %get3A_30] : memref<256x128xf32, #tpu.memory_space<vmem>>, vector<256x128xf32>
      %dot_general3A_32 = arith.constant dense<0.000000e+00> : vector<1x128xf32>
      %dot_general3A_33 = tpu.matmul %max3A_28, %get3A_31, %dot_general3A_32 {dimension_numbers = #tpu.dot_dimension_numbers<[1], [0], [0], [1], [0, 0, 1, 1], [], []>, transpose_lhs_hint = false} : vector<1x256xf32>, vector<256x128xf32>, vector<1x128xf32> -> vector<1x128xf32>
      %get3A_34 = arith.constant 0 : index
      %get3A_35 = arith.constant 0 : index
      %get3A_36 = vector.load %arg5[%get3A_34, %get3A_35] : memref<1x128xf32, #tpu.memory_space<vmem>>, vector<1x128xf32>
      %add3A_37 = arith.addf %dot_general3A_33, %get3A_36 : vector<1x128xf32>
      %max3A_38 = arith.constant 0.000000e+00 : f32
      %max3A_39 = vector.broadcast %max3A_38 : f32 to vector<1x128xf32>
      %max3A_40 = arith.maximumf %add3A_37, %max3A_39 : vector<1x128xf32>
      %swap3A_41 = arith.constant 0 : index
      %swap3A_42 = arith.constant 0 : index
      %swap3A_43 = vector.load %arg6[%swap3A_41, %swap3A_42] : memref<1x128xf32, #tpu.memory_space<vmem>>, vector<1x128xf32>
      tpu.vector_store %arg6[%swap3A_41, %swap3A_42], %max3A_40 {strides = array<i32>} : memref<1x128xf32, #tpu.memory_space<vmem>>, vector<1x128xf32>,
    } else {
    }
    return
  }
  func.func @transform_0(%arg0: i32) -> (i32, i32, i32) {
    %c0_i32 = arith.constant 0 : i32
    %c0_i32_0 = arith.constant 0 : i32
    %c0_i32_1 = arith.constant 0 : i32
    return %arg0, %c0_i32, %c0_i32_0 : i32, i32, i32
  }
  func.func @transform_1(%arg0: i32) -> (i32, i32) {
    %c0_i32 = arith.constant 0 : i32
    %c0_i32_0 = arith.constant 0 : i32
    return %arg0, %c0_i32 : i32, i32
  }
  func.func @transform_2(%arg0: i32) -> (i32, i32) {
    %c0_i32 = arith.constant 0 : i32
    %c0_i32_0 = arith.constant 0 : i32
    %c0_i32_1 = arith.constant 0 : i32
    return %c0_i32, %c0_i32_0 : i32, i32
  }
  func.func @transform_3(%arg0: i32) -> (i32, i32) {
    %c0_i32 = arith.constant 0 : i32
    %c0_i32_0 = arith.constant 0 : i32
    %c0_i32_1 = arith.constant 0 : i32
    return %c0_i32, %c0_i32_0 : i32, i32
  }
  func.func @transform_4(%arg0: i32) -> (i32, i32) {
    %c0_i32 = arith.constant 0 : i32
    %c0_i32_0 = arith.constant 0 : i32
    %c0_i32_1 = arith.constant 0 : i32
    return %c0_i32, %c0_i32_0 : i32, i32
  }
  func.func @transform_5(%arg0: i32) -> (i32, i32) {
    %c0_i32 = arith.constant 0 : i32
    %c0_i32_0 = arith.constant 0 : i32
    %c0_i32_1 = arith.constant 0 : i32
    return %c0_i32, %c0_i32_0 : i32, i32
  }
}

</mosaic_0001>

<sc_bundles>
// kernel: kernel.10.cloned.1.call-start
scs
__scs_entry_jumppad:
0x0: {  	(pc) =	sbr.rel $0x88, $3  }
0x1: {  	(tag) =	ssettag $0x0;
	lr =	simm.s32 $0x1  }
0x2: {  	[smem:$0x3F90] =	sst lr;
	_ =	strace $0xD0000000  }
0x3: {  	_ = 	snop  }
0x4: {  	_ = 	snop  }
0x5: {  	_ = 	snop  }
0x6: {  	_ = 	snop  }
0x7: {  	_ = 	snop  }
__scs_overlays_trampoline_lowered:
0x8: {  	[smem:$0x3F9F] =	sst s0  }
0x9: {  	[smem:$0x3FA0] =	sst s1  }
0xa: {  	[smem:$0x3FA1] =	sst s2  }
0xb: {  	[smem:$0x3FA2] =	sst s3  }
0xc: {  	[smem:$0x3FA3] =	sst s4  }
0xd: {  	[smem:$0x3FA4] =	sst s5  }
0xe: {  	[smem:$0x3FA5] =	sst s6  }
0xf: {  	[smem:$0x3FA6] =	sst s7  }
0x10: {  	[smem:$0x3FA7] =	sst s8  }
0x11: {  	[smem:$0x3FA8] =	sst s9;
	s0 =	simm.s32 @!p0 $0x0  }
0x12: {  	s1 =	sld [smem:$0x3F8E];
	s0 =	simm.s32 @p0 $0x1  }
0x13: {  	[smem:$0x3FA9] =	sst s0;
	s0 =	simm.s32 @!p1 $0x0  }
0x14: {  	s2 =	sld [smem:$0x3F8D];
	s0 =	simm.s32 @p1 $0x1  }
0x15: {  	[smem:$0x3FAA] =	sst s0;
	s0 =	simm.s32 @!p2 $0x0  }
0x16: {  	s3 =	sld [smem:$0x3FDB];
	s0 =	simm.s32 @p2 $0x1  }
0x17: {  	s4 =	simm.s32 $0x1BF5;
	[smem:$0x3FAC] =	sst s0  }
0x18: {  	s0 =	sld [smem:$0x3F8F];
	_ =	swait.ge [sflag:s4], $0x0  }
0x19: {  	s7 =	sld [smem:$0x3F90]  }
0x1a: {  	s8 =	sadd.s32 $0xFFFFE003, lr  }
0x1b: {  	s9 =	sadd.s32 $0xFFFFFEF7, lr;
	s5 =	simm.s32 $0xFFFFFFFF;
	p2 =	slt.u32 s8, $0xFFFFF086  }
0x1c: {  	p1 =	slt.u32 s9, $0xF7A;
	s5 =	simm.s32 @!p2 $0x0  }
0x1d: {  	s5 =	simm.s32 @p1 $0x1;
	p0 =	seq.s32 s7, s2  }
0x1e: {  	s7 =	smul.u32 @!p0 $0xF7A, s2;
	p2 =	seq.s32 @!p0 s5, $0x0  }
0x1f: {  	s9 =	smul.u32 $0xF7A, s1;
	s8 =	simm.s32 @!p0 $0x1BF5;
	p2 =	por !p2, p0  }
0x20: {  	[sflag:s8] =	ssyncset.s32 @!p0 $0xFFFFF086;
	s6 =	sadd.s32 @!p0 s3, s7;
	s7 =	simm.s32 @!p0 $0x108  }
0x21: {  	s3 =	sadd.s32 s3, s9;
	s6 =	sadd.s32 @!p0 $0x88, s6;
	s7 =	simm.s32 @p2 $0x1082  }
0x22: {  	[simem:s7], [sflag:s8] =	dma.local @!p0 [hbm:s6], $0xF7A  }
0x23: {  	s9 =	sor.u32 $0xD0000000, s2;
	s6 =	simm.s32 $0x108;
	_ =	swait.ge @!p0 [sflag:s8], $0x0  }
0x24: {  	s3 =	sadd.s32 $0x88, s3;
	s6 =	simm.s32 @!p1 $0x1082;
	[sflag:s4] =	ssyncset.s32 $0xFFFFF086  }
0x25: {  	[simem:s6], [sflag:s4] =	dma.local [hbm:s3], $0xF7A  }
0x26: {  	[smem:$0x3F90] =	sst s1;
	(tag) =	ssettag s2;
	_ =	strace s9  }
0x27: {  	s1 =	sld [smem:$0x3FA0]  }
0x28: {  	s2 =	sld [smem:$0x3FA1]  }
0x29: {  	s4 =	sld [smem:$0x3FA3]  }
0x2a: {  	p0 =	seq.s32 s5, $0x0;
	s5 =	sld [smem:$0x3FA4]  }
0x2b: {  	s6 =	sld [smem:$0x3FA5]  }
0x2c: {  	s7 =	sld [smem:$0x3FA6]  }
0x2d: {  	s3 =	simm.s32 $0x108;
	s8 =	sld [smem:$0x3FA7]  }
0x2e: {  	s3 =	simm.s32 @!p0 $0x1082;
	s9 =	sld [smem:$0x3FA8]  }
0x2f: {  	lr =	sadd.s32 s0, s3;
	s0 =	sld [smem:$0x3F9F]  }
0x30: {  	s3 =	sld [smem:$0x3FA2]  }
0x31: {  	[smem:$0x3FAB] =	sst s10  }
0x32: {  	s10 =	sld [smem:$0x3FA9];
	_ =	sdelay $0x3  }
0x33: {  	p0 =	seq.s32 s10, $0x1;
	s10 =	sld [smem:$0x3FAB];
	_ =	sdelay $0x3  }
0x34: {  	[smem:$0x3FAB] =	sst s10  }
0x35: {  	s10 =	sld [smem:$0x3FAA];
	_ =	sdelay $0x3  }
0x36: {  	p1 =	seq.s32 s10, $0x1;
	s10 =	sld [smem:$0x3FAB];
	_ =	sdelay $0x3  }
0x37: {  	[smem:$0x3FAB] =	sst s10  }
0x38: {  	s10 =	sld [smem:$0x3FAC]  }
0x39: {  	_ = 	snop;
	(pc) =	sbr.ind lr, $3  }
0x3a: {  	_ = 	snop  }
0x3b: {  	_ = 	snop  }
0x3c: {  	p2 =	seq.s32 s10, $0x1;
	s10 =	sld [smem:$0x3FAB]  }
0x3d: {  	_ =	shalt  }
0x3e: {  	_ =	shalt  }
0x3f: {  	_ =	shalt  }
0x40: {  	_ =	shalt  }
0x41: {  	_ =	shalt  }
0x42: {  	_ =	shalt  }
0x43: {  	_ =	shalt  }
0x44: {  	_ =	shalt  }
0x45: {  	_ =	shalt  }
0x46: {  	_ =	shalt  }
0x47: {  	_ =	shalt  }
0x48: {  	_ =	shalt  }
0x49: {  	_ =	shalt  }
0x4a: {  	_ =	shalt  }
0x4b: {  	_ =	shalt  }
0x4c: {  	_ =	shalt  }
0x4d: {  	_ =	shalt  }
0x4e: {  	_ =	shalt  }
0x4f: {  	_ =	shalt  }
0x50: {  	_ =	shalt  }
0x51: {  	_ =	shalt  }
0x52: {  	_ =	shalt  }
0x53: {  	_ =	shalt  }
0x54: {  	_ =	shalt  }
0x55: {  	_ =	shalt  }
0x56: {  	_ =	shalt  }
0x57: {  	_ =	shalt  }
0x58: {  	_ =	shalt  }
0x59: {  	_ =	shalt  }
0x5a: {  	_ =	shalt  }
0x5b: {  	_ =	shalt  }
0x5c: {  	_ =	shalt  }
0x5d: {  	_ =	shalt  }
0x5e: {  	_ =	shalt  }
0x5f: {  	_ =	shalt  }
0x60: {  	_ =	shalt  }
0x61: {  	_ =	shalt  }
0x62: {  	_ =	shalt  }
0x63: {  	_ =	shalt  }
0x64: {  	_ =	shalt  }
0x65: {  	_ =	shalt  }
0x66: {  	_ =	shalt  }
0x67: {  	_ =	shalt  }
0x68: {  	_ =	shalt  }
0x69: {  	_ =	shalt  }
0x6a: {  	_ =	shalt  }
0x6b: {  	_ =	shalt  }
0x6c: {  	_ =	shalt  }
0x6d: {  	_ =	shalt  }
0x6e: {  	_ =	shalt  }
0x6f: {  	_ =	shalt  }
0x70: {  	_ =	shalt  }
0x71: {  	_ =	shalt  }
0x72: {  	_ =	shalt  }
0x73: {  	_ =	shalt  }
0x74: {  	_ =	shalt  }
0x75: {  	_ =	shalt  }
0x76: {  	_ =	shalt  }
0x77: {  	_ =	shalt  }
0x78: {  	_ =	shalt  }
0x79: {  	_ =	shalt  }
0x7a: {  	_ =	shalt  }
0x7b: {  	_ =	shalt  }
0x7c: {  	_ =	shalt  }
0x7d: {  	_ =	shalt  }
0x7e: {  	_ =	shalt  }
0x7f: {  	_ =	shalt  }
0x80: {  	_ =	shalt  }
0x81: {  	_ =	shalt  }
0x82: {  	_ =	shalt  }
0x83: {  	_ =	shalt  }
0x84: {  	_ =	shalt  }
0x85: {  	_ =	shalt  }
0x86: {  	_ =	shalt  }
0x87: {  	_ =	shalt  }
.Lfunc_end0:
.L_simem_size_0:
called_computation_lowered:
.L_overlay_start_0:
0x88: {  	s2 =	sld [smem:$0x3FD9]  }
0x89: {  	s3 =	sld [smem:$0x3FFE];
	_ =	sdelay $0x1  }
0x8a: {  	s1 =	srdreg.scid  }
0x8b: {  	s0 =	sand.u32 $0x1, s1  }
0x8c: {  	s17 =	sshll.u32 s0, $0xA;
	s2 =	sadd.s32 s3, s2  }
0x8d: {  	s2 =	sadd.s32 s2, s17  }
0x8e: {  	[smem:$0x3FB7] =	sst s2  }
0x8f: {  	_ = 	snop  }
0x90: {  	s2 =	sld [smem:$0x3FC9];
	(tm) =	ssettm $0x1  }
0x91: {  	s18 =	sld [smem:$0x3FFB];
	_ =	sdelay $0x3  }
0x92: {  	_ =	strace s18  }
0x93: {  	s3 =	sld [smem:$0x3FFC];
	_ =	sdelay $0x3  }
0x94: {  	_ =	strace s3  }
0x95: {  	s3 =	sld [smem:$0x3FFD];
	_ =	sdelay $0x3  }
0x96: {  	_ =	strace s3  }
0x97: {  	_ =	strace $0x8FFFFFFF  }
0x98: {  	s19 =	sld [smem:$0x3FDB];
	_ =	sdelay $0x1  }
0x99: {  	s4 =	simm.s32 $_scs_section_size  }
0x9a: {  	s5 =	simm.s32 $_size__tile_overlayer_lowered;
	s6 =	simm.s32 $_tile_overlayer_lowered  }
0x9b: {  	s22 =	simm.s32 $0x1BFF;
	s21 =	sshll.u32 s6, $0x1;
	s3 =	sadd.s32 s4, s19  }
0x9c: {  	s7 =	simm.s32 $0x0;
	s20 =	sshll.u32 s5, $0x1;
	s5 =	sadd.s32 s21, s3  }
0x9d: {  	[timem:s7], [sflag:s22] =	dma.local [hbm:s5], s20  }
0x9e: {  	_ =	swait.ge [sflag:s22], s20  }
0x9f: {  	s4 =	ssub.s32 $0x0, s20;
	[sflag:s22] =	ssyncset.done $0x0  }
0xa0: {  	[sflag:s22] =	ssyncadd.s32 s4;
	_ =	sdelay $0x1  }
0xa1: {  	s23 =	simm.s32 $0x1B8B  }
0xa2: {  	_ =	swait.ge [sflag:s23], $0x1  }
0xa3: {  	[sflag:s23] =	ssyncset.done $0x0  }
0xa4: {  	s25 =	simm.s32 $0x1B8E;
	s24 =	sld [smem:$0x3FFE];
	[sflag:s23] =	ssyncadd.s32 $0xFFFFFFFF  }
0xa5: {  	s26 =	simm.s32 $execute0_lowered;
	[smem:$0x3FD2] =	sst s25  }
0xa6: {  	s5 =	sshll.u32 s26, $0x1;
	_ =	strace $0x80000046;
	[dreg:$0x1] =	wrdreg $0xFFFFFFFF  }
0xa7: {  	s28 =	simm.s32 $_size_execute0_lowered;
	s3 =	sadd.s32 s3, s5;
	[dreg:$0x0] =	wrdreg $0x0  }
0xa8: {  	s5 =	sshll.u32 s28, $0x1;
	[dreg:$0x2] =	wrdreg s3  }
0xa9: {  	[dreg:$0x3] =	wrdreg s5  }
0xaa: {  	[dreg:$0x4] =	wrdreg $0xC0  }
0xab: {  	_ =	task [dreg:s7], $0x5FFFF  }
0xac: {  	[dreg:$0x1] =	wrdreg $0xFFFFFFFF  }
0xad: {  	[dreg:$0x0] =	wrdreg $0x60  }
0xae: {  	[dreg:$0x2] =	wrdreg s2  }
0xaf: {  	[dreg:$0x3] =	wrdreg s24  }
0xb0: {  	[dreg:$0x4] =	wrdreg $0x9  }
0xb1: {  	_ =	task.clear_ibuf [dreg:s7], $0x5FFFF;
	_ =	strace $0x90000046  }
0xb2: {  	s29 =	simm.s32 $0x9;
	_ =	strace $0x80000048  }
0xb3: {  	_ =	swait.ge [sflag:s29], $0x1  }
0xb4: {  	[sflag:s29] =	ssyncadd.s32 $0xFFFFFFFF  }
0xb5: {  	_ =	strace $0x90000048  }
0xb6: {  	_ =	sfence  }
0xb7: {  	s30 =	sld [smem:$0x0];
	_ =	sdelay $0x2  }
0xb8: {  	s31 =	sshll.u32 s1, $0xD;
	s1 =	sshrl.u32 s1, $0x2  }
0xb9: {  	s3 =	sand.u32 $0x4000, s31;
	s1 =	sadd.s32 s1, s30  }
0xba: {  	s0 =	sor.u32 s3, s0;
	s1 =	sshll.u32 s1, $0x11  }
0xbb: {  	s0 =	sor.u32 s1, s0  }
0xbc: {  	s0 =	sadd.s32 $0x8F2B, s0  }
0xbd: {  	[sflag:s0] =	ssyncadd.remote.s32 $0x1  }
0xbe: {  	_ =	sfence.sel $0xFFFF  }
0xbf: {  	[dreg:$0x0] =	wrdreg $0xFFFFFFFF;
	(pc) =	sbr.abs _section_cstart, $3  }
0xc0: {  	[dreg:$0x1] =	wrdreg $0xFFFFFFFF  }
0xc1: {  	_ =	task.clear_ibuf [dreg:s7], $0x2FFFF;
	_ =	strace $0x9FFFFFFF  }
0xc2: {  	(tm) =	ssettm $0x7FFFFFFF  }
0xc3: {  	_ =	shalt  }
tec
execute0_lowered:
.L_overlay_start_1:
0x0: {  	(tag) =	ssettag $0x1  }
0x1: {  	s2 =	rddreg [dreg:$0x0]  }
0x2: {  	s1 =	srdreg.scid;
	s0 =	stileid.u32  }
0x3: {  	s4 =	rddreg [dreg:$0x1];
	s3 =	simm.s32 $0x0;
	s13 =	simm.s32 $0x3400  }
0x4: {  	s14 =	simm.s32 $0x1;
	s15 =	simm.s32 $0x2;
	s25 =	smul.u32 $0x140000, s0  }
0x5: {  	s16 =	simm.s32 $0x13C0;
	s7 =	sand.u32 $0x1, s1;
	s29 =	smul.u32 $0x28000, s0  }
0x6: {  	s17 =	simm.s32 $0x0;
	s5 =	sshll.u32 s0, $0x1;
	s28 =	smul.u32 $0xA0000, s7  }
0x7: {  	s1 =	rddreg [dreg:$0x2];
	s5 =	sor.u32 s7, s5;
	s30 =	smul.u32 $0x14000, s7  }
0x8: {  	[smem:$0x7FF] =	sst s3;
	s8 =	ssub.s32 $0x2, s7;
	s6 =	smul.u32 $0x1400, s5  }
0x9: {  	s12 =	sadd.s32 $0x26C00, s4;
	s9 =	smul.u32 $0xA0000, s5;
	s10 =	sshrl.u32 s8, $0x1  }
0xa: {  	_ =	strace $0x80000047;
	s11 =	smul.u32 $0x14000, s5;
	s24 =	ssub.s32 s8, s10  }
0xb: {  	s8 =	sadd.s32 s28, s25;
	s10 =	sadd.s32 s29, s12;
	s6 =	sshrl.u32 s6, $0x3  }
0xc: {  	s26 =	sshrl.u32 s9, $0x3;
	s5 =	smax.u32 s24, $0x1;
	s31 =	sadd.s32 s12, s11  }
0xd: {  	s8 =	sshrl.u32 s8, $0x3;
	s9 =	sadd.s32 s30, s10;
	s10 =	simm.s32 $0x3  }
0xe: {  	s11 =	simm.s32 $0x1400;
	s6 =	sadd.s32 s6, s4;
	s7 =	sadd.s32 $0x13C00, s31  }
0xf: {  	s8 =	sadd.s32 s8, s12;
	s4 =	sadd.s32 $0xDC00, s6;
	s6 =	sadd.s32 s12, s26  }
0x10: {  	s9 =	sadd.s32 $0x400, s9;
	s12 =	simm.s32 $0x40;
	s6 =	sadd.s32 $0x13800, s6  }
.LBB2_1:
0x11: {  	[tilespmem:s3], [sflag:$0x3] =	stream.linear.gather [hbm4b:s4+s3], $0x1400, $0x38;
	[tilespmem:$0x5400] =	vst v63  }
0x12: {  	_ =	swait.ge [sflag:s10], $0x1400  }
0x13: {  	[sflag:s10] =	ssyncset.done $0x0  }
0x14: {  	[sflag:s10] =	ssyncadd.s32 $0xFFFFEC00  }
0x15: {  	[tilespmem:s11], [sflag:$0x1] =	stream.indirect.gather [hbm4b:s2+s12], $0x80, s3, s12, $0xb8;
	[tilespmem:$0x5400] =	vst v63  }
0x16: {  	_ = 	snop  }
0x17: {  	[tilespmem:s13], [sflag:$0x2] =	stream.indirect.gather [hbm4b:s2+s12], $0x80, s12, s12, $0xb8;
	[tilespmem:$0x5400] =	vst v63  }
0x18: {  	_ =	swait.ge [sflag:s14], $0x2000  }
0x19: {  	[sflag:s14] =	ssyncset.done $0x0  }
0x1a: {  	s18 =	sadd.s32 $0x0, s8;
	[sflag:s14] =	ssyncadd.s32 $0xFFFFE000  }
0x1b: {  	[hbm4b:s18+s3] =	stream.linear.scatter [tilespmem:s11], [sflag:$0x3], $0x2000, $0x38;
	[tilespmem:$0x5400] =	vst v63  }
0x1c: {  	_ =	swait.ge [sflag:s10], $0x2000  }
0x1d: {  	[sflag:s10] =	ssyncset.done $0x0  }
0x1e: {  	s30 =	simm.s32 $0x80;
	[sflag:s10] =	ssyncadd.s32 $0xFFFFE000  }
0x1f: {  	[tilespmem:s11], [sflag:$0x1] =	stream.indirect.gather [hbm4b:s2+s12], $0x80, s30, s12, $0xb8;
	[tilespmem:$0x5400] =	vst v63  }
0x20: {  	_ =	swait.ge [sflag:s15], $0x2000  }
0x21: {  	[sflag:s15] =	ssyncset.done $0x0  }
0x22: {  	s31 =	sadd.s32 $0x0, s9;
	[sflag:s15] =	ssyncadd.s32 $0xFFFFE000  }
0x23: {  	[hbm4b:s31+s3] =	stream.linear.scatter [tilespmem:s13], [sflag:$0x3], $0x2000, $0x38;
	[tilespmem:$0x5400] =	vst v63  }
0x24: {  	_ =	swait.ge [sflag:s10], $0x2000  }
0x25: {  	s19 =	simm.s32 $0x40;
	s18 =	simm.s32 $0x800;
	[sflag:s10] =	ssyncset.done $0x0  }
.LBB2_2:
0x26: {  	p0 =	sne.s32 s18, $0x13000;
	[sflag:s10] =	ssyncadd.s32 $0xFFFFE000;
	s19 =	sadd.s32 $0x80, s19  }
0x27: {  	[tilespmem:s13], [sflag:$0x2] =	stream.indirect.gather [hbm4b:s2+s12], $0x80, s19, s12, $0xb8;
	[tilespmem:$0x5400] =	vst v63  }
0x28: {  	s20 =	smov.u32 s18;
	s18 =	sadd.s32 $0x800, s18;
	_ =	swait.ge [sflag:s14], $0x2000  }
0x29: {  	[sflag:s14] =	ssyncset.done $0x0  }
0x2a: {  	s21 =	sadd.s32 s20, s8;
	[sflag:s14] =	ssyncadd.s32 $0xFFFFE000  }
0x2b: {  	[hbm4b:s21+s3] =	stream.linear.scatter [tilespmem:s11], [sflag:$0x3], $0x2000, $0x38;
	[tilespmem:$0x5400] =	vst v63  }
0x2c: {  	_ =	swait.ge [sflag:s10], $0x2000  }
0x2d: {  	[sflag:s10] =	ssyncset.done $0x0  }
0x2e: {  	s21 =	sadd.s32 $0x40, s19;
	[sflag:s10] =	ssyncadd.s32 $0xFFFFE000  }
0x2f: {  	[tilespmem:s11], [sflag:$0x1] =	stream.indirect.gather [hbm4b:s2+s12], $0x80, s21, s12, $0xb8;
	[tilespmem:$0x5400] =	vst v63  }
0x30: {  	_ =	swait.ge [sflag:s15], $0x2000  }
.Ltmp0:
0x31: {  	[sflag:s15] =	ssyncset.done $0x0;
	(pc) =	sbr.rel @p0 .LBB2_2-.Ltmp0, $4  }
0x32: {  	s20 =	sadd.s32 s20, s9;
	[sflag:s15] =	ssyncadd.s32 $0xFFFFE000  }
0x33: {  	[hbm4b:s20+s3] =	stream.linear.scatter [tilespmem:s13], [sflag:$0x3], $0x2000, $0x38;
	[tilespmem:$0x5400] =	vst v63  }
0x34: {  	_ =	swait.ge [sflag:s10], $0x2000  }
0x35: {  	[sflag:s10] =	ssyncset.done $0x0  }
0x36: {  	[sflag:s10] =	ssyncadd.s32 $0xFFFFE000  }
0x37: {  	[tilespmem:s13], [sflag:$0x2] =	stream.indirect.gather [hbm4b:s2+s12], $0x80, s16, s12, $0xb8;
	[tilespmem:$0x5400] =	vst v63  }
0x38: {  	_ =	swait.ge [sflag:s14], $0x2000  }
0x39: {  	[sflag:s14] =	ssyncset.done $0x0  }
0x3a: {  	[sflag:s14] =	ssyncadd.s32 $0xFFFFE000  }
0x3b: {  	[hbm4b:s6+s3] =	stream.linear.scatter [tilespmem:s11], [sflag:$0x3], $0x2000, $0x38;
	[tilespmem:$0x5400] =	vst v63  }
0x3c: {  	_ =	swait.ge [sflag:s10], $0x2000  }
0x3d: {  	[sflag:s10] =	ssyncset.done $0x0  }
0x3e: {  	[sflag:s10] =	ssyncadd.s32 $0xFFFFE000  }
0x3f: {  	s17 =	sadd.s32 $0x1, s17;
	_ =	swait.ge [sflag:s15], $0x2000  }
0x40: {  	p0 =	sne.s32 s17, s5;
	[sflag:s15] =	ssyncset.done $0x0  }
.Ltmp1:
0x41: {  	[sflag:s15] =	ssyncadd.s32 $0xFFFFE000;
	(pc) =	sbr.rel @p0 .LBB2_1-.Ltmp1, $4  }
0x42: {  	[hbm4b:s7+s3] =	stream.linear.scatter [tilespmem:s13], [sflag:$0x3], $0x2000, $0x38;
	[tilespmem:$0x5400] =	vst v63  }
0x43: {  	_ =	swait.ge [sflag:s10], $0x2000  }
0x44: {  	[sflag:s10] =	ssyncset.done $0x0  }
0x45: {  	[sflag:s10] =	ssyncadd.s32 $0xFFFFE000  }
0x46: {  	_ =	sfence.sel $0x180000  }
0x47: {  	[bflag:$0x0] =	sbarrier.arrive $0xFFFF  }
0x48: {  	p0 =	sne.s32 s0, $0x0;
	_ =	strace $0x90000047  }
0x49: {  	s0 =	sadd.s32 @!p0 $0x100000, s1;
	[bflag:$0x2] =	sbarrier.arrive $0xFFFF  }
0x4a: {  	[sflag:s0] =	ssyncadd.tile.s32 @!p0 $0x1;
	_ =	shalt  }
.Lfunc_end2:
_tile_overlayer_lowered:
.L_overlay_start_2:
0x4b: {  	(tag) =	ssettag $0x2  }
0x4c: {  	s0 =	rddreg [dreg:$0x0];
	s2 =	stileid.u32  }
0x4d: {  	s1 =	rddreg [dreg:$0x1];
	p0 =	sne.s32 s2, $0x0  }
0x4e: {  	s3 =	rddreg [dreg:$0x2];
	[bflag:$0x3] =	sbarrier.arrive $0xFFFF;
	s2 =	simm.s32 @!p0 $0x1C03  }
0x4f: {  	[timem:s3], [sflag:s2] =	dma.local @!p0 [hbm:s0], s1  }
0x50: {  	s0 =	simm.s32 @!p0 $0x3  }
0x51: {  	_ =	swait.ge @!p0 [sflag:s0], s1  }
0x52: {  	s1 =	ssub.s32 @!p0 $0x0, s1;
	[sflag:s0] =	ssyncset.done @!p0 $0x0  }
0x53: {  	[sflag:s0] =	ssyncadd.s32 @!p0 s1  }
0x54: {  	[bflag:$0x3] =	sbarrier.arrive $0xFFFF  }
0x55: {  	_ =	shalt  }

// kernel: kernel.13.cloned.1.call-start
scs
__scs_entry_jumppad:
0x0: {  	(pc) =	sbr.rel $0x88, $3  }
0x1: {  	(tag) =	ssettag $0x0;
	lr =	simm.s32 $0x1  }
0x2: {  	[smem:$0x3F90] =	sst lr;
	_ =	strace $0xD0000000  }
0x3: {  	_ = 	snop  }
0x4: {  	_ = 	snop  }
0x5: {  	_ = 	snop  }
0x6: {  	_ = 	snop  }
0x7: {  	_ = 	snop  }
__scs_overlays_trampoline_lowered:
0x8: {  	[smem:$0x3F9F] =	sst s0  }
0x9: {  	[smem:$0x3FA0] =	sst s1  }
0xa: {  	[smem:$0x3FA1] =	sst s2  }
0xb: {  	[smem:$0x3FA2] =	sst s3  }
0xc: {  	[smem:$0x3FA3] =	sst s4  }
0xd: {  	[smem:$0x3FA4] =	sst s5  }
0xe: {  	[smem:$0x3FA5] =	sst s6  }
0xf: {  	[smem:$0x3FA6] =	sst s7  }
0x10: {  	[smem:$0x3FA7] =	sst s8  }
0x11: {  	[smem:$0x3FA8] =	sst s9;
	s0 =	simm.s32 @!p0 $0x0  }
0x12: {  	s1 =	sld [smem:$0x3F8E];
	s0 =	simm.s32 @p0 $0x1  }
0x13: {  	[smem:$0x3FA9] =	sst s0;
	s0 =	simm.s32 @!p1 $0x0  }
0x14: {  	s2 =	sld [smem:$0x3F8D];
	s0 =	simm.s32 @p1 $0x1  }
0x15: {  	[smem:$0x3FAA] =	sst s0;
	s0 =	simm.s32 @!p2 $0x0  }
0x16: {  	s3 =	sld [smem:$0x3FDB];
	s0 =	simm.s32 @p2 $0x1  }
0x17: {  	s4 =	simm.s32 $0x1BF5;
	[smem:$0x3FAC] =	sst s0  }
0x18: {  	s0 =	sld [smem:$0x3F8F];
	_ =	swait.ge [sflag:s4], $0x0  }
0x19: {  	s7 =	sld [smem:$0x3F90]  }
0x1a: {  	s8 =	sadd.s32 $0xFFFFE003, lr  }
0x1b: {  	s9 =	sadd.s32 $0xFFFFFEF7, lr;
	s5 =	simm.s32 $0xFFFFFFFF;
	p2 =	slt.u32 s8, $0xFFFFF086  }
0x1c: {  	p1 =	slt.u32 s9, $0xF7A;
	s5 =	simm.s32 @!p2 $0x0  }
0x1d: {  	s5 =	simm.s32 @p1 $0x1;
	p0 =	seq.s32 s7, s2  }
0x1e: {  	s7 =	smul.u32 @!p0 $0xF7A, s2;
	p2 =	seq.s32 @!p0 s5, $0x0  }
0x1f: {  	s9 =	smul.u32 $0xF7A, s1;
	s8 =	simm.s32 @!p0 $0x1BF5;
	p2 =	por !p2, p0  }
0x20: {  	[sflag:s8] =	ssyncset.s32 @!p0 $0xFFFFF086;
	s6 =	sadd.s32 @!p0 s3, s7;
	s7 =	simm.s32 @!p0 $0x108  }
0x21: {  	s3 =	sadd.s32 s3, s9;
	s6 =	sadd.s32 @!p0 $0x88, s6;
	s7 =	simm.s32 @p2 $0x1082  }
0x22: {  	[simem:s7], [sflag:s8] =	dma.local @!p0 [hbm:s6], $0xF7A  }
0x23: {  	s9 =	sor.u32 $0xD0000000, s2;
	s6 =	simm.s32 $0x108;
	_ =	swait.ge @!p0 [sflag:s8], $0x0  }
0x24: {  	s3 =	sadd.s32 $0x88, s3;
	s6 =	simm.s32 @!p1 $0x1082;
	[sflag:s4] =	ssyncset.s32 $0xFFFFF086  }
0x25: {  	[simem:s6], [sflag:s4] =	dma.local [hbm:s3], $0xF7A  }
0x26: {  	[smem:$0x3F90] =	sst s1;
	(tag) =	ssettag s2;
	_ =	strace s9  }
0x27: {  	s1 =	sld [smem:$0x3FA0]  }
0x28: {  	s2 =	sld [smem:$0x3FA1]  }
0x29: {  	s4 =	sld [smem:$0x3FA3]  }
0x2a: {  	p0 =	seq.s32 s5, $0x0;
	s5 =	sld [smem:$0x3FA4]  }
0x2b: {  	s6 =	sld [smem:$0x3FA5]  }
0x2c: {  	s7 =	sld [smem:$0x3FA6]  }
0x2d: {  	s3 =	simm.s32 $0x108;
	s8 =	sld [smem:$0x3FA7]  }
0x2e: {  	s3 =	simm.s32 @!p0 $0x1082;
	s9 =	sld [smem:$0x3FA8]  }
0x2f: {  	lr =	sadd.s32 s0, s3;
	s0 =	sld [smem:$0x3F9F]  }
0x30: {  	s3 =	sld [smem:$0x3FA2]  }
0x31: {  	[smem:$0x3FAB] =	sst s10  }
0x32: {  	s10 =	sld [smem:$0x3FA9];
	_ =	sdelay $0x3  }
0x33: {  	p0 =	seq.s32 s10, $0x1;
	s10 =	sld [smem:$0x3FAB];
	_ =	sdelay $0x3  }
0x34: {  	[smem:$0x3FAB] =	sst s10  }
0x35: {  	s10 =	sld [smem:$0x3FAA];
	_ =	sdelay $0x3  }
0x36: {  	p1 =	seq.s32 s10, $0x1;
	s10 =	sld [smem:$0x3FAB];
	_ =	sdelay $0x3  }
0x37: {  	[smem:$0x3FAB] =	sst s10  }
0x38: {  	s10 =	sld [smem:$0x3FAC]  }
0x39: {  	_ = 	snop;
	(pc) =	sbr.ind lr, $3  }
0x3a: {  	_ = 	snop  }
0x3b: {  	_ = 	snop  }
0x3c: {  	p2 =	seq.s32 s10, $0x1;
	s10 =	sld [smem:$0x3FAB]  }
0x3d: {  	_ =	shalt  }
0x3e: {  	_ =	shalt  }
0x3f: {  	_ =	shalt  }
0x40: {  	_ =	shalt  }
0x41: {  	_ =	shalt  }
0x42: {  	_ =	shalt  }
0x43: {  	_ =	shalt  }
0x44: {  	_ =	shalt  }
0x45: {  	_ =	shalt  }
0x46: {  	_ =	shalt  }
0x47: {  	_ =	shalt  }
0x48: {  	_ =	shalt  }
0x49: {  	_ =	shalt  }
0x4a: {  	_ =	shalt  }
0x4b: {  	_ =	shalt  }
0x4c: {  	_ =	shalt  }
0x4d: {  	_ =	shalt  }
0x4e: {  	_ =	shalt  }
0x4f: {  	_ =	shalt  }
0x50: {  	_ =	shalt  }
0x51: {  	_ =	shalt  }
0x52: {  	_ =	shalt  }
0x53: {  	_ =	shalt  }
0x54: {  	_ =	shalt  }
0x55: {  	_ =	shalt  }
0x56: {  	_ =	shalt  }
0x57: {  	_ =	shalt  }
0x58: {  	_ =	shalt  }
0x59: {  	_ =	shalt  }
0x5a: {  	_ =	shalt  }
0x5b: {  	_ =	shalt  }
0x5c: {  	_ =	shalt  }
0x5d: {  	_ =	shalt  }
0x5e: {  	_ =	shalt  }
0x5f: {  	_ =	shalt  }
0x60: {  	_ =	shalt  }
0x61: {  	_ =	shalt  }
0x62: {  	_ =	shalt  }
0x63: {  	_ =	shalt  }
0x64: {  	_ =	shalt  }
0x65: {  	_ =	shalt  }
0x66: {  	_ =	shalt  }
0x67: {  	_ =	shalt  }
0x68: {  	_ =	shalt  }
0x69: {  	_ =	shalt  }
0x6a: {  	_ =	shalt  }
0x6b: {  	_ =	shalt  }
0x6c: {  	_ =	shalt  }
0x6d: {  	_ =	shalt  }
0x6e: {  	_ =	shalt  }
0x6f: {  	_ =	shalt  }
0x70: {  	_ =	shalt  }
0x71: {  	_ =	shalt  }
0x72: {  	_ =	shalt  }
0x73: {  	_ =	shalt  }
0x74: {  	_ =	shalt  }
0x75: {  	_ =	shalt  }
0x76: {  	_ =	shalt  }
0x77: {  	_ =	shalt  }
0x78: {  	_ =	shalt  }
0x79: {  	_ =	shalt  }
0x7a: {  	_ =	shalt  }
0x7b: {  	_ =	shalt  }
0x7c: {  	_ =	shalt  }
0x7d: {  	_ =	shalt  }
0x7e: {  	_ =	shalt  }
0x7f: {  	_ =	shalt  }
0x80: {  	_ =	shalt  }
0x81: {  	_ =	shalt  }
0x82: {  	_ =	shalt  }
0x83: {  	_ =	shalt  }
0x84: {  	_ =	shalt  }
0x85: {  	_ =	shalt  }
0x86: {  	_ =	shalt  }
0x87: {  	_ =	shalt  }
.Lfunc_end0:
.L_simem_size_0:
called_computation.1_lowered:
.L_overlay_start_0:
0x88: {  	s2 =	sld [smem:$0x3FD9]  }
0x89: {  	s3 =	sld [smem:$0x3FFE];
	_ =	sdelay $0x1  }
0x8a: {  	s1 =	srdreg.scid  }
0x8b: {  	s0 =	sand.u32 $0x1, s1  }
0x8c: {  	s16 =	sshll.u32 s0, $0xA;
	s2 =	sadd.s32 s3, s2  }
0x8d: {  	s2 =	sadd.s32 s2, s16  }
0x8e: {  	[smem:$0x3FB7] =	sst s2  }
0x8f: {  	_ = 	snop  }
0x90: {  	(tm) =	ssettm $0x1  }
0x91: {  	s17 =	sld [smem:$0x3FFB];
	_ =	sdelay $0x3  }
0x92: {  	_ =	strace s17  }
0x93: {  	s2 =	sld [smem:$0x3FFC];
	_ =	sdelay $0x3  }
0x94: {  	_ =	strace s2  }
0x95: {  	s2 =	sld [smem:$0x3FFD];
	_ =	sdelay $0x3  }
0x96: {  	_ =	strace s2  }
0x97: {  	_ =	strace $0x8FFFFFFF  }
0x98: {  	s18 =	sld [smem:$0x3FDB];
	_ =	sdelay $0x1  }
0x99: {  	s19 =	simm.s32 $_scs_section_size  }
0x9a: {  	s4 =	simm.s32 $_size__tile_overlayer_lowered;
	s5 =	simm.s32 $_tile_overlayer_lowered  }
0x9b: {  	s22 =	simm.s32 $0x1BFF;
	s21 =	sshll.u32 s5, $0x1;
	s2 =	sadd.s32 s19, s18  }
0x9c: {  	s6 =	simm.s32 $0x0;
	s20 =	sshll.u32 s4, $0x1;
	s4 =	sadd.s32 s21, s2  }
0x9d: {  	[timem:s6], [sflag:s22] =	dma.local [hbm:s4], s20  }
0x9e: {  	_ =	swait.ge [sflag:s22], s20  }
0x9f: {  	s3 =	ssub.s32 $0x0, s20;
	[sflag:s22] =	ssyncset.done $0x0  }
0xa0: {  	[sflag:s22] =	ssyncadd.s32 s3;
	_ =	sdelay $0x1  }
0xa1: {  	s23 =	simm.s32 $0x1B8B  }
0xa2: {  	_ =	swait.ge [sflag:s23], $0x1  }
0xa3: {  	[sflag:s23] =	ssyncset.done $0x0  }
0xa4: {  	s25 =	simm.s32 $0x1B8E;
	s24 =	sld [smem:$0x3FFE];
	[sflag:s23] =	ssyncadd.s32 $0xFFFFFFFF  }
0xa5: {  	s26 =	simm.s32 $execute0_lowered;
	[smem:$0x3FD2] =	sst s25  }
0xa6: {  	s4 =	sshll.u32 s26, $0x1;
	_ =	strace $0x80000049;
	[dreg:$0x1] =	wrdreg $0xFFFFFFFF  }
0xa7: {  	s28 =	simm.s32 $_size_execute0_lowered;
	s2 =	sadd.s32 s2, s4;
	[dreg:$0x0] =	wrdreg $0x0  }
0xa8: {  	s4 =	sshll.u32 s28, $0x1;
	[dreg:$0x2] =	wrdreg s2  }
0xa9: {  	[dreg:$0x3] =	wrdreg s4  }
0xaa: {  	[dreg:$0x4] =	wrdreg $0xC0  }
0xab: {  	_ =	task [dreg:s6], $0x5FFFF  }
0xac: {  	[dreg:$0x1] =	wrdreg $0xFFFFFFFF  }
0xad: {  	[dreg:$0x0] =	wrdreg $0x60  }
0xae: {  	[dreg:$0x2] =	wrdreg s24  }
0xaf: {  	[dreg:$0x3] =	wrdreg $0x91000  }
0xb0: {  	[dreg:$0x4] =	wrdreg $0x9  }
0xb1: {  	_ =	task.clear_ibuf [dreg:s6], $0x5FFFF;
	_ =	strace $0x90000049  }
0xb2: {  	s29 =	simm.s32 $0x9;
	_ =	strace $0x8000004B  }
0xb3: {  	_ =	swait.ge [sflag:s29], $0x1  }
0xb4: {  	[sflag:s29] =	ssyncadd.s32 $0xFFFFFFFF  }
0xb5: {  	_ =	strace $0x9000004B  }
0xb6: {  	_ =	sfence  }
0xb7: {  	s30 =	sld [smem:$0x0];
	_ =	sdelay $0x2  }
0xb8: {  	s31 =	sshll.u32 s1, $0xD;
	s1 =	sshrl.u32 s1, $0x2  }
0xb9: {  	s3 =	sand.u32 $0x4000, s31;
	s1 =	sadd.s32 s1, s30  }
0xba: {  	s0 =	sor.u32 s3, s0;
	s1 =	sshll.u32 s1, $0x11  }
0xbb: {  	s0 =	sor.u32 s1, s0  }
0xbc: {  	s0 =	sadd.s32 $0x8F2B, s0  }
0xbd: {  	[sflag:s0] =	ssyncadd.remote.s32 $0x1  }
0xbe: {  	_ =	sfence.sel $0xFFFF  }
0xbf: {  	[dreg:$0x0] =	wrdreg $0xFFFFFFFF;
	(pc) =	sbr.abs _section_cstart, $3  }
0xc0: {  	[dreg:$0x1] =	wrdreg $0xFFFFFFFF  }
0xc1: {  	_ =	task.clear_ibuf [dreg:s6], $0x2FFFF;
	_ =	strace $0x9FFFFFFF  }
0xc2: {  	(tm) =	ssettm $0x7FFFFFFF  }
0xc3: {  	_ =	shalt  }
tec
execute0_lowered:
.L_overlay_start_1:
0x0: {  	(tag) =	ssettag $0x1  }
0x1: {  	s0 =	rddreg [dreg:$0x0];
	s14 =	stileid.u32  }
0x2: {  	s1 =	rddreg [dreg:$0x1];
	s5 =	smul.u32 $0x30000, s14  }
0x3: {  	s3 =	simm.s32 $0x0;
	s2 =	srdreg.scid;
	s8 =	smul.u32 $0x2800, s14  }
0x4: {  	[smem:$0x7FF] =	sst s3;
	s10 =	smul.u32 $0x5000, s14  }
0x5: {  	s2 =	sand.u32 $0x1, s2;
	s6 =	sadd.s32 $0x797C00, s0;
	s12 =	smul.u32 $0x28000, s14  }
0x6: {  	s4 =	sadd.s32 $0x3C00, s0;
	s0 =	sadd.s32 $0x26C00, s0;
	s22 =	smul.u32 $0xC000, s14  }
0x7: {  	_ =	strace $0x8000004A;
	s7 =	ssub.s32 $0x2, s2;
	s20 =	sshll.u32 s2, $0x7  }
0x8: {  	s2 =	smul.u32 $0xC0000, s2;
	s9 =	sshrl.u32 s7, $0x1;
	s5 =	sshrl.u32 s5, $0x2  }
0x9: {  	s10 =	sor.u32 s20, s10;
	s8 =	sadd.s32 $0x2780, s8;
	s12 =	sadd.s32 s6, s12  }
0xa: {  	s26 =	sor.u32 $0x2000, s22;
	s18 =	sadd.s32 $0x6000, s22;
	s7 =	ssub.s32 s7, s9  }
0xb: {  	s11 =	sshrl.u32 s10, $0x3;
	s13 =	sshll.u32 s8, $0x1;
	s5 =	sadd.s32 s5, s1  }
0xc: {  	s8 =	sshll.u32 s8, $0x4;
	s25 =	sadd.s32 s2, s22;
	s19 =	sadd.s32 s2, s18  }
0xd: {  	s11 =	sadd.s32 s4, s11;
	s9 =	sor.u32 s20, s13;
	s7 =	smax.u32 s7, $0x1  }
0xe: {  	s23 =	sadd.s32 $0x1000, s5;
	s24 =	sadd.s32 $0x2000, s5;
	s6 =	sadd.s32 s6, s8  }
0xf: {  	s13 =	sadd.s32 $0x4000, s22;
	s8 =	sadd.s32 s26, s1;
	[dreg:$0x3] =	wrdreg s11  }
0x10: {  	s20 =	sadd.s32 $0x8000, s22;
	s28 =	sadd.s32 $0x4000, s5;
	[dreg:$0x4] =	wrdreg s7  }
0x11: {  	s29 =	sadd.s32 $0x5000, s5;
	s30 =	sadd.s32 $0x6000, s5;
	[dreg:$0x6] =	wrdreg s23  }
0x12: {  	s31 =	sadd.s32 $0x7000, s5;
	s9 =	sshrl.u32 s9, $0x3;
	[dreg:$0x7] =	wrdreg s24  }
0x13: {  	[dreg:$0x8] =	wrdreg s6;
	s6 =	sshrl.u32 s25, $0x3;
	s11 =	sadd.s32 s2, s26  }
0x14: {  	s15 =	sadd.s32 s2, s13;
	[dreg:$0xa] =	wrdreg s8;
	s17 =	sadd.s32 s13, s1  }
0x15: {  	s7 =	sadd.s32 $0xA000, s22;
	s8 =	sshrl.u32 s19, $0x3;
	s23 =	sor.u32 $0x100, s10  }
0x16: {  	s24 =	sadd.s32 s18, s1;
	s25 =	sadd.s32 s20, s1;
	s13 =	simm.s32 $0x4100  }
0x17: {  	s21 =	sadd.s32 s4, s9;
	s6 =	sadd.s32 s0, s6;
	[dreg:$0xc] =	wrdreg s17  }
0x18: {  	s14 =	sshrl.u32 s11, $0x3;
	s16 =	sshrl.u32 s15, $0x3;
	[dreg:$0x11] =	wrdreg s24  }
0x19: {  	s8 =	sadd.s32 s0, s8;
	[dreg:$0x12] =	wrdreg s25;
	s26 =	sadd.s32 s7, s1  }
0x1a: {  	s24 =	sor.u32 $0x200, s10;
	s9 =	sadd.s32 $0x1000, s12;
	[dreg:$0x5] =	wrdreg s21  }
0x1b: {  	s10 =	simm.s32 $0x8100;
	s11 =	simm.s32 $0x3;
	[dreg:$0x9] =	wrdreg s6  }
0x1c: {  	s15 =	simm.s32 $0x2;
	s6 =	sadd.s32 s0, s14;
	[dreg:$0xe] =	wrdreg s8  }
0x1d: {  	s21 =	sadd.s32 s2, s20;
	s2 =	sadd.s32 s2, s7;
	[dreg:$0x13] =	wrdreg s26  }
0x1e: {  	s26 =	sadd.s32 $0x3000, s5;
	s7 =	simm.s32 $0x80;
	s14 =	simm.s32 $0x1  }
0x1f: {  	[dreg:$0xb] =	wrdreg s6;
	s6 =	sadd.s32 s0, s16;
	s22 =	sshrl.u32 s21, $0x3  }
0x20: {  	s2 =	sshrl.u32 s2, $0x3;
	[dreg:$0xd] =	wrdreg s6;
	s8 =	sadd.s32 s0, s22  }
0x21: {  	s16 =	simm.s32 $0x0;
	s0 =	sadd.s32 s0, s2;
	[dreg:$0xf] =	wrdreg s8  }
0x22: {  	s2 =	sadd.s32 $0x9000, s5;
	s6 =	sadd.s32 $0xA000, s5;
	[dreg:$0x10] =	wrdreg s0  }
0x23: {  	s0 =	sshrl.u32 s23, $0x3;
	s8 =	sadd.s32 $0xB000, s5;
	s23 =	smov.u32 s12  }
0x24: {  	v0 =	vimm.f32 $0.0e+00;
	s12 =	simm.s32 $0x100;
	s25 =	sadd.s32 s0, s4;
	s0 =	sadd.s32 $0x8000, s5  }
.LBB2_1:
0x25: {  	s17 =	simm.s32 $0x0;
	s18 =	simm.s32 $0x200  }
.LBB2_2:
0x26: {  	p0 =	sne.s32 s18, $0x3E00;
	[tilespmem:s17+$0x8170] =	vst v0  }
0x27: {  	[tilespmem:s17+$0x8100] =	vst v0  }
0x28: {  	[tilespmem:s17+$0x8110] =	vst v0  }
.Ltmp0:
0x29: {  	[tilespmem:s17+$0x8120] =	vst v0;
	(pc) =	sbr.rel @p0 .LBB2_2-.Ltmp0, $4  }
0x2a: {  	[tilespmem:s17+$0x8130] =	vst v0  }
0x2b: {  	[tilespmem:s17+$0x8140] =	vst v0  }
0x2c: {  	[tilespmem:s17+$0x8150] =	vst v0  }
0x2d: {  	[tilespmem:s17+$0x8160] =	vst v0;
	s17 =	sshra.s32 s18, $0x2;
	s18 =	sadd.s32 $0x200, s18  }
0x2e: {  	[tilespmem:s17+$0x8170] =	vst v0  }
0x2f: {  	[tilespmem:s17+$0x8100] =	vst v0  }
0x30: {  	[tilespmem:s17+$0x8110] =	vst v0  }
0x31: {  	[tilespmem:s17+$0x8120] =	vst v0  }
0x32: {  	[tilespmem:s17+$0x8130] =	vst v0  }
0x33: {  	[tilespmem:s17+$0x8140] =	vst v0  }
0x34: {  	[tilespmem:s17+$0x8150] =	vst v0  }
0x35: {  	[tilespmem:s17+$0x8160] =	vst v0  }
0x36: {  	[spmem:s5] =	stream.linear.scatter [tilespmem:s10], [sflag:$0x3], $0x1000, $0x38;
	[tilespmem:$0x15100] =	vst v63  }
0x37: {  	_ =	swait.ge [sflag:s11], $0x1000  }
0x38: {  	[sflag:s11] =	ssyncset.done $0x0  }
0x39: {  	s22 =	rddreg [dreg:$0x6];
	[sflag:s11] =	ssyncadd.s32 $0xFFFFF000  }
0x3a: {  	[spmem:s22] =	stream.linear.scatter [tilespmem:s10], [sflag:$0x3], $0x1000, $0x38;
	[tilespmem:$0x15100] =	vst v63  }
0x3b: {  	_ =	swait.ge [sflag:s11], $0x1000  }
0x3c: {  	[sflag:s11] =	ssyncset.done $0x0  }
0x3d: {  	s18 =	rddreg [dreg:$0x7];
	[sflag:s11] =	ssyncadd.s32 $0xFFFFF000  }
0x3e: {  	[spmem:s18] =	stream.linear.scatter [tilespmem:s10], [sflag:$0x3], $0x1000, $0x38;
	[tilespmem:$0x15100] =	vst v63  }
0x3f: {  	_ =	swait.ge [sflag:s11], $0x1000  }
0x40: {  	[sflag:s11] =	ssyncset.done $0x0  }
0x41: {  	[sflag:s11] =	ssyncadd.s32 $0xFFFFF000  }
0x42: {  	[spmem:s26] =	stream.linear.scatter [tilespmem:s10], [sflag:$0x3], $0x1000, $0x38;
	[tilespmem:$0x15100] =	vst v63  }
0x43: {  	_ =	swait.ge [sflag:s11], $0x1000  }
0x44: {  	[sflag:s11] =	ssyncset.done $0x0  }
0x45: {  	[sflag:s11] =	ssyncadd.s32 $0xFFFFF000  }
0x46: {  	[spmem:s28] =	stream.linear.scatter [tilespmem:s10], [sflag:$0x3], $0x1000, $0x38;
	[tilespmem:$0x15100] =	vst v63  }
0x47: {  	_ =	swait.ge [sflag:s11], $0x1000  }
0x48: {  	[sflag:s11] =	ssyncset.done $0x0  }
0x49: {  	[sflag:s11] =	ssyncadd.s32 $0xFFFFF000  }
0x4a: {  	[spmem:s29] =	stream.linear.scatter [tilespmem:s10], [sflag:$0x3], $0x1000, $0x38;
	[tilespmem:$0x15100] =	vst v63  }
0x4b: {  	_ =	swait.ge [sflag:s11], $0x1000  }
0x4c: {  	[sflag:s11] =	ssyncset.done $0x0  }
0x4d: {  	[sflag:s11] =	ssyncadd.s32 $0xFFFFF000  }
0x4e: {  	[spmem:s30] =	stream.linear.scatter [tilespmem:s10], [sflag:$0x3], $0x1000, $0x38;
	[tilespmem:$0x15100] =	vst v63  }
0x4f: {  	_ =	swait.ge [sflag:s11], $0x1000  }
0x50: {  	[sflag:s11] =	ssyncset.done $0x0  }
0x51: {  	[sflag:s11] =	ssyncadd.s32 $0xFFFFF000  }
0x52: {  	[spmem:s31] =	stream.linear.scatter [tilespmem:s10], [sflag:$0x3], $0x1000, $0x38;
	[tilespmem:$0x15100] =	vst v63  }
0x53: {  	_ =	swait.ge [sflag:s11], $0x1000  }
0x54: {  	[sflag:s11] =	ssyncset.done $0x0  }
0x55: {  	[sflag:s11] =	ssyncadd.s32 $0xFFFFF000  }
0x56: {  	[spmem:s0] =	stream.linear.scatter [tilespmem:s10], [sflag:$0x3], $0x1000, $0x38;
	[tilespmem:$0x15100] =	vst v63  }
0x57: {  	_ =	swait.ge [sflag:s11], $0x1000  }
0x58: {  	[sflag:s11] =	ssyncset.done $0x0  }
0x59: {  	[sflag:s11] =	ssyncadd.s32 $0xFFFFF000  }
0x5a: {  	[spmem:s2] =	stream.linear.scatter [tilespmem:s10], [sflag:$0x3], $0x1000, $0x38;
	[tilespmem:$0x15100] =	vst v63  }
0x5b: {  	_ =	swait.ge [sflag:s11], $0x1000  }
0x5c: {  	[sflag:s11] =	ssyncset.done $0x0  }
0x5d: {  	[sflag:s11] =	ssyncadd.s32 $0xFFFFF000  }
0x5e: {  	[spmem:s6] =	stream.linear.scatter [tilespmem:s10], [sflag:$0x3], $0x1000, $0x38;
	[tilespmem:$0x15100] =	vst v63  }
0x5f: {  	_ =	swait.ge [sflag:s11], $0x1000  }
0x60: {  	[sflag:s11] =	ssyncset.done $0x0  }
0x61: {  	[sflag:s11] =	ssyncadd.s32 $0xFFFFF000  }
0x62: {  	[spmem:s8] =	stream.linear.scatter [tilespmem:s10], [sflag:$0x3], $0x1000, $0x38;
	[tilespmem:$0x15100] =	vst v63  }
0x63: {  	_ =	swait.ge [sflag:s11], $0x1000  }
0x64: {  	[sflag:s11] =	ssyncset.done $0x0  }
0x65: {  	[sflag:s11] =	ssyncadd.s32 $0xFFFFF000  }
0x66: {  	[bflag:$0x0] =	sbarrier.arrive $0xFFFF  }
0x67: {  	s19 =	simm.s32 $0x0;
	s18 =	rddreg [dreg:$0x3]  }
0x68: {  	[tilespmem:s19], [sflag:$0x1] =	stream.linear.gather [hbm4b:s18+s19], $0x80, $0x38;
	[tilespmem:$0x15100] =	vst v63  }
0x69: {  	_ = 	snop  }
0x6a: {  	[tilespmem:s12], [sflag:$0x1] =	stream.linear.gather [hbm4b:s23+s19], $0x4000, $0x38;
	[tilespmem:$0x15100] =	vst v63  }
0x6b: {  	s20 =	sadd.s32 $0x0, s25  }
0x6c: {  	[tilespmem:s7], [sflag:$0x2] =	stream.linear.gather [hbm4b:s20+s3], $0x80, $0x38;
	[tilespmem:$0x15100] =	vst v63  }
0x6d: {  	s21 =	sadd.s32 $0xFFFFF800, s9  }
0x6e: {  	[tilespmem:s13], [sflag:$0x2] =	stream.linear.gather [hbm4b:s21+s3], $0x4000, $0x38;
	[tilespmem:$0x15100] =	vst v63  }
0x6f: {  	_ =	swait.ge [sflag:s14], $0x80  }
0x70: {  	[sflag:s14] =	ssyncset.done $0x0  }
0x71: {  	[sflag:s14] =	ssyncadd.s32 $0xFFFFFF80  }
0x72: {  	_ =	swait.ge [sflag:s14], $0x4000  }
0x73: {  	[sflag:s14] =	ssyncset.done $0x0  }
0x74: {  	[sflag:s14] =	ssyncadd.s32 $0xFFFFC000  }
0x75: {  	[spmem:s1] =	stream.indirect.scatter.add.f32 [tilespmem:s12], [sflag:$0x3], $0x80, s3, s7, $0xb8;
	[tilespmem:$0x15100] =	vst v63  }
0x76: {  	_ =	swait.ge [sflag:s11], $0x4000  }
0x77: {  	s22 =	sshrl.u32 s24, $0x3;
	[sflag:s11] =	ssyncset.done $0x0  }
0x78: {  	s17 =	sadd.s32 s4, s22;
	[sflag:s11] =	ssyncadd.s32 $0xFFFFC000  }
0x79: {  	[tilespmem:s3], [sflag:$0x1] =	stream.linear.gather [hbm4b:s17+s3], $0x80, $0x38;
	[tilespmem:$0x15100] =	vst v63  }
0x7a: {  	_ = 	snop  }
0x7b: {  	[tilespmem:s12], [sflag:$0x1] =	stream.linear.gather [hbm4b:s9+s3], $0x4000, $0x38;
	[tilespmem:$0x15100] =	vst v63  }
0x7c: {  	_ =	swait.ge [sflag:s15], $0x80  }
0x7d: {  	[sflag:s15] =	ssyncset.done $0x0  }
0x7e: {  	[sflag:s15] =	ssyncadd.s32 $0xFFFFFF80  }
0x7f: {  	_ =	swait.ge [sflag:s15], $0x4000  }
0x80: {  	[sflag:s15] =	ssyncset.done $0x0  }
0x81: {  	[sflag:s15] =	ssyncadd.s32 $0xFFFFC000  }
0x82: {  	[spmem:s1] =	stream.indirect.scatter.add.f32 [tilespmem:s13], [sflag:$0x3], $0x80, s7, s7, $0xb8;
	[tilespmem:$0x15100] =	vst v63  }
0x83: {  	s18 =	sadd.s32 $0x200, s24;
	s19 =	simm.s32 $0x40;
	_ =	swait.ge [sflag:s11], $0x4000  }
0x84: {  	s20 =	simm.s32 $0x80;
	s17 =	sadd.s32 $0x1000, s9;
	[sflag:s11] =	ssyncset.done $0x0  }
.LBB2_4:
0x85: {  	s21 =	sadd.s32 s19, s25  }
0x86: {  	[sflag:s11] =	ssyncadd.s32 $0xFFFFC000;
	s19 =	smov.u32 s20;
	s22 =	sadd.s32 $0x40, s20  }
0x87: {  	[tilespmem:s7], [sflag:$0x2] =	stream.linear.gather [hbm4b:s21+s3], $0x80, $0x38;
	[tilespmem:$0x15100] =	vst v63  }
0x88: {  	p0 =	sne.s32 s20, $0x980;
	s20 =	sadd.s32 $0xFFFFF800, s17  }
0x89: {  	[tilespmem:s13], [sflag:$0x2] =	stream.linear.gather [hbm4b:s20+s3], $0x4000, $0x38;
	[tilespmem:$0x15100] =	vst v63  }
0x8a: {  	_ =	swait.ge [sflag:s14], $0x80  }
0x8b: {  	[sflag:s14] =	ssyncset.done $0x0  }
0x8c: {  	[sflag:s14] =	ssyncadd.s32 $0xFFFFFF80  }
0x8d: {  	_ =	swait.ge [sflag:s14], $0x4000  }
0x8e: {  	[sflag:s14] =	ssyncset.done $0x0  }
0x8f: {  	[sflag:s14] =	ssyncadd.s32 $0xFFFFC000  }
0x90: {  	[spmem:s1] =	stream.indirect.scatter.add.f32 [tilespmem:s12], [sflag:$0x3], $0x80, s3, s7, $0xb8;
	[tilespmem:$0x15100] =	vst v63  }
0x91: {  	_ =	swait.ge [sflag:s11], $0x4000  }
0x92: {  	s20 =	sshrl.u32 s18, $0x3;
	[sflag:s11] =	ssyncset.done $0x0  }
0x93: {  	s20 =	sadd.s32 s4, s20;
	[sflag:s11] =	ssyncadd.s32 $0xFFFFC000  }
0x94: {  	[tilespmem:s3], [sflag:$0x1] =	stream.linear.gather [hbm4b:s20+s3], $0x80, $0x38;
	[tilespmem:$0x15100] =	vst v63  }
0x95: {  	_ = 	snop  }
0x96: {  	[tilespmem:s12], [sflag:$0x1] =	stream.linear.gather [hbm4b:s17+s3], $0x4000, $0x38;
	[tilespmem:$0x15100] =	vst v63  }
0x97: {  	_ =	swait.ge [sflag:s15], $0x80  }
0x98: {  	[sflag:s15] =	ssyncset.done $0x0  }
0x99: {  	[sflag:s15] =	ssyncadd.s32 $0xFFFFFF80  }
0x9a: {  	_ =	swait.ge [sflag:s15], $0x4000  }
.Ltmp1:
0x9b: {  	[sflag:s15] =	ssyncset.done $0x0;
	(pc) =	sbr.rel @p0 .LBB2_4-.Ltmp1, $4  }
0x9c: {  	[sflag:s15] =	ssyncadd.s32 $0xFFFFC000  }
0x9d: {  	[spmem:s1] =	stream.indirect.scatter.add.f32 [tilespmem:s13], [sflag:$0x3], $0x80, s7, s7, $0xb8;
	[tilespmem:$0x15100] =	vst v63  }
0x9e: {  	s18 =	sadd.s32 $0x200, s18;
	_ =	swait.ge [sflag:s11], $0x4000  }
0x9f: {  	s20 =	smov.u32 s22;
	s17 =	sadd.s32 $0x1000, s17;
	[sflag:s11] =	ssyncset.done $0x0  }
0xa0: {  	s19 =	sadd.s32 s19, s25;
	[sflag:s11] =	ssyncadd.s32 $0xFFFFC000  }
0xa1: {  	[tilespmem:s7], [sflag:$0x2] =	stream.linear.gather [hbm4b:s19+s3], $0x80, $0x38;
	[tilespmem:$0x15100] =	vst v63  }
0xa2: {  	s22 =	sadd.s32 $0xFFFFF800, s17  }
0xa3: {  	[tilespmem:s13], [sflag:$0x2] =	stream.linear.gather [hbm4b:s22+s3], $0x4000, $0x38;
	[tilespmem:$0x15100] =	vst v63  }
0xa4: {  	_ =	swait.ge [sflag:s14], $0x80  }
0xa5: {  	[sflag:s14] =	ssyncset.done $0x0  }
0xa6: {  	[sflag:s14] =	ssyncadd.s32 $0xFFFFFF80  }
0xa7: {  	_ =	swait.ge [sflag:s14], $0x4000  }
0xa8: {  	[sflag:s14] =	ssyncset.done $0x0  }
0xa9: {  	[sflag:s14] =	ssyncadd.s32 $0xFFFFC000  }
0xaa: {  	[spmem:s1] =	stream.indirect.scatter.add.f32 [tilespmem:s12], [sflag:$0x3], $0x80, s3, s7, $0xb8;
	[tilespmem:$0x15100] =	vst v63  }
0xab: {  	_ =	swait.ge [sflag:s11], $0x4000  }
0xac: {  	s18 =	sshrl.u32 s18, $0x3;
	[sflag:s11] =	ssyncset.done $0x0  }
0xad: {  	s18 =	sadd.s32 s4, s18;
	[sflag:s11] =	ssyncadd.s32 $0xFFFFC000  }
0xae: {  	[tilespmem:s3], [sflag:$0x1] =	stream.linear.gather [hbm4b:s18+s3], $0x80, $0x38;
	[tilespmem:$0x15100] =	vst v63  }
0xaf: {  	_ = 	snop  }
0xb0: {  	[tilespmem:s12], [sflag:$0x1] =	stream.linear.gather [hbm4b:s17+s3], $0x4000, $0x38;
	[tilespmem:$0x15100] =	vst v63  }
0xb1: {  	_ =	swait.ge [sflag:s15], $0x80  }
0xb2: {  	[sflag:s15] =	ssyncset.done $0x0  }
0xb3: {  	[sflag:s15] =	ssyncadd.s32 $0xFFFFFF80  }
0xb4: {  	_ =	swait.ge [sflag:s15], $0x4000  }
0xb5: {  	[sflag:s15] =	ssyncset.done $0x0  }
0xb6: {  	[sflag:s15] =	ssyncadd.s32 $0xFFFFC000  }
0xb7: {  	[spmem:s1] =	stream.indirect.scatter.add.f32 [tilespmem:s13], [sflag:$0x3], $0x80, s7, s7, $0xb8;
	[tilespmem:$0x15100] =	vst v63  }
0xb8: {  	_ =	swait.ge [sflag:s11], $0x4000  }
0xb9: {  	[sflag:s11] =	ssyncset.done $0x0  }
0xba: {  	s19 =	rddreg [dreg:$0x5];
	[sflag:s11] =	ssyncadd.s32 $0xFFFFC000  }
0xbb: {  	[tilespmem:s7], [sflag:$0x2] =	stream.linear.gather [hbm4b:s19+s3], $0x80, $0x38;
	[tilespmem:$0x15100] =	vst v63  }
0xbc: {  	s20 =	rddreg [dreg:$0x8]  }
0xbd: {  	[tilespmem:s13], [sflag:$0x2] =	stream.linear.gather [hbm4b:s20+s3], $0x4000, $0x38;
	[tilespmem:$0x15100] =	vst v63  }
0xbe: {  	_ =	swait.ge [sflag:s14], $0x80  }
0xbf: {  	[sflag:s14] =	ssyncset.done $0x0  }
0xc0: {  	[sflag:s14] =	ssyncadd.s32 $0xFFFFFF80  }
0xc1: {  	_ =	swait.ge [sflag:s14], $0x4000  }
0xc2: {  	[sflag:s14] =	ssyncset.done $0x0  }
0xc3: {  	[sflag:s14] =	ssyncadd.s32 $0xFFFFC000  }
0xc4: {  	[spmem:s1] =	stream.indirect.scatter.add.f32 [tilespmem:s12], [sflag:$0x3], $0x80, s3, s7, $0xb8;
	[tilespmem:$0x15100] =	vst v63  }
0xc5: {  	_ =	swait.ge [sflag:s11], $0x4000  }
0xc6: {  	[sflag:s11] =	ssyncset.done $0x0  }
0xc7: {  	[sflag:s11] =	ssyncadd.s32 $0xFFFFC000  }
0xc8: {  	_ =	swait.ge [sflag:s15], $0x80  }
0xc9: {  	[sflag:s15] =	ssyncset.done $0x0  }
0xca: {  	[sflag:s15] =	ssyncadd.s32 $0xFFFFFF80  }
0xcb: {  	_ =	swait.ge [sflag:s15], $0x4000  }
0xcc: {  	[sflag:s15] =	ssyncset.done $0x0  }
0xcd: {  	[sflag:s15] =	ssyncadd.s32 $0xFFFFC000  }
0xce: {  	[spmem:s1] =	stream.indirect.scatter.add.f32 [tilespmem:s13], [sflag:$0x3], $0x80, s7, s7, $0xb8;
	[tilespmem:$0x15100] =	vst v63  }
0xcf: {  	_ =	swait.ge [sflag:s11], $0x4000  }
0xd0: {  	[sflag:s11] =	ssyncset.done $0x0  }
0xd1: {  	[sflag:s11] =	ssyncadd.s32 $0xFFFFC000  }
0xd2: {  	[bflag:$0x0] =	sbarrier.arrive $0xFFFF  }
0xd3: {  	[tilespmem:s12], [sflag:$0x3] =	stream.linear.gather [spmem:s5], $0x2000, $0x38;
	[tilespmem:$0x15100] =	vst v63  }
0xd4: {  	_ =	swait.ge [sflag:s11], $0x2000  }
0xd5: {  	[sflag:s11] =	ssyncset.done $0x0  }
0xd6: {  	s21 =	rddreg [dreg:$0x9];
	[sflag:s11] =	ssyncadd.s32 $0xFFFFE000  }
0xd7: {  	[hbm4b:s21+s3] =	stream.linear.scatter [tilespmem:s12], [sflag:$0x3], $0x2000, $0x38;
	[tilespmem:$0x15100] =	vst v63  }
0xd8: {  	_ =	swait.ge [sflag:s11], $0x2000  }
0xd9: {  	[sflag:s11] =	ssyncset.done $0x0  }
0xda: {  	s22 =	rddreg [dreg:$0xa];
	[sflag:s11] =	ssyncadd.s32 $0xFFFFE000  }
0xdb: {  	[tilespmem:s12], [sflag:$0x3] =	stream.linear.gather [spmem:s22], $0x2000, $0x38;
	[tilespmem:$0x15100] =	vst v63  }
0xdc: {  	_ =	swait.ge [sflag:s11], $0x2000  }
0xdd: {  	[sflag:s11] =	ssyncset.done $0x0  }
0xde: {  	s18 =	rddreg [dreg:$0xb];
	[sflag:s11] =	ssyncadd.s32 $0xFFFFE000  }
0xdf: {  	[hbm4b:s18+s3] =	stream.linear.scatter [tilespmem:s12], [sflag:$0x3], $0x2000, $0x38;
	[tilespmem:$0x15100] =	vst v63  }
0xe0: {  	_ =	swait.ge [sflag:s11], $0x2000  }
0xe1: {  	[sflag:s11] =	ssyncset.done $0x0  }
0xe2: {  	s19 =	rddreg [dreg:$0xc];
	[sflag:s11] =	ssyncadd.s32 $0xFFFFE000  }
0xe3: {  	[tilespmem:s12], [sflag:$0x3] =	stream.linear.gather [spmem:s19], $0x2000, $0x38;
	[tilespmem:$0x15100] =	vst v63  }
0xe4: {  	_ =	swait.ge [sflag:s11], $0x2000  }
0xe5: {  	[sflag:s11] =	ssyncset.done $0x0  }
0xe6: {  	s20 =	rddreg [dreg:$0xd];
	[sflag:s11] =	ssyncadd.s32 $0xFFFFE000  }
0xe7: {  	[hbm4b:s20+s3] =	stream.linear.scatter [tilespmem:s12], [sflag:$0x3], $0x2000, $0x38;
	[tilespmem:$0x15100] =	vst v63  }
0xe8: {  	_ =	swait.ge [sflag:s11], $0x2000  }
0xe9: {  	[sflag:s11] =	ssyncset.done $0x0  }
0xea: {  	s21 =	rddreg [dreg:$0x11];
	[sflag:s11] =	ssyncadd.s32 $0xFFFFE000  }
0xeb: {  	[tilespmem:s12], [sflag:$0x3] =	stream.linear.gather [spmem:s21], $0x2000, $0x38;
	[tilespmem:$0x15100] =	vst v63  }
0xec: {  	_ =	swait.ge [sflag:s11], $0x2000  }
0xed: {  	[sflag:s11] =	ssyncset.done $0x0  }
0xee: {  	s22 =	rddreg [dreg:$0xe];
	[sflag:s11] =	ssyncadd.s32 $0xFFFFE000  }
0xef: {  	[hbm4b:s22+s3] =	stream.linear.scatter [tilespmem:s12], [sflag:$0x3], $0x2000, $0x38;
	[tilespmem:$0x15100] =	vst v63  }
0xf0: {  	_ =	swait.ge [sflag:s11], $0x2000  }
0xf1: {  	[sflag:s11] =	ssyncset.done $0x0  }
0xf2: {  	s18 =	rddreg [dreg:$0x12];
	[sflag:s11] =	ssyncadd.s32 $0xFFFFE000  }
0xf3: {  	[tilespmem:s12], [sflag:$0x3] =	stream.linear.gather [spmem:s18], $0x2000, $0x38;
	[tilespmem:$0x15100] =	vst v63  }
0xf4: {  	_ =	swait.ge [sflag:s11], $0x2000  }
0xf5: {  	[sflag:s11] =	ssyncset.done $0x0  }
0xf6: {  	s19 =	rddreg [dreg:$0xf];
	[sflag:s11] =	ssyncadd.s32 $0xFFFFE000  }
0xf7: {  	[hbm4b:s19+s3] =	stream.linear.scatter [tilespmem:s12], [sflag:$0x3], $0x2000, $0x38;
	[tilespmem:$0x15100] =	vst v63  }
0xf8: {  	_ =	swait.ge [sflag:s11], $0x2000  }
0xf9: {  	[sflag:s11] =	ssyncset.done $0x0  }
0xfa: {  	s20 =	rddreg [dreg:$0x13];
	[sflag:s11] =	ssyncadd.s32 $0xFFFFE000  }
0xfb: {  	[tilespmem:s12], [sflag:$0x3] =	stream.linear.gather [spmem:s20], $0x2000, $0x38;
	[tilespmem:$0x15100] =	vst v63  }
0xfc: {  	_ =	swait.ge [sflag:s11], $0x2000  }
0xfd: {  	[sflag:s11] =	ssyncset.done $0x0  }
0xfe: {  	s21 =	rddreg [dreg:$0x10];
	[sflag:s11] =	ssyncadd.s32 $0xFFFFE000  }
0xff: {  	[hbm4b:s21+s3] =	stream.linear.scatter [tilespmem:s12], [sflag:$0x3], $0x2000, $0x38;
	[tilespmem:$0x15100] =	vst v63  }
0x100: {  	_ =	swait.ge [sflag:s11], $0x2000  }
0x101: {  	s16 =	sadd.s32 $0x1, s16;
	s22 =	rddreg [dreg:$0x4]  }
0x102: {  	p0 =	sne.s32 s16, s22  }
.Ltmp2:
0x103: {  	_ = 	snop;
	(pc) =	sbr.rel @p0 .LBB2_1-.Ltmp2, $3  }
0x104: {  	_ =	sdelay $0x1  }
0x105: {  	[sflag:s11] =	ssyncset.done $0x0  }
0x106: {  	[sflag:s11] =	ssyncadd.s32 $0xFFFFE000  }
0x107: {  	_ =	sfence.sel $0x180000  }
0x108: {  	[bflag:$0x0] =	sbarrier.arrive $0xFFFF  }
0x109: {  	_ =	strace $0x9000004A  }
0x10a: {  	s0 =	stileid.u32;
	[bflag:$0x2] =	sbarrier.arrive $0xFFFF  }
0x10b: {  	p0 =	sne.s32 s0, $0x0;
	s0 =	rddreg [dreg:$0x2]  }
0x10c: {  	s0 =	sadd.s32 @!p0 $0x100000, s0  }
0x10d: {  	[sflag:s0] =	ssyncadd.tile.s32 @!p0 $0x1;
	_ =	shalt  }
.Lfunc_end2:
_tile_overlayer_lowered:
.L_overlay_start_2:
0x10e: {  	(tag) =	ssettag $0x2  }
0x10f: {  	s0 =	rddreg [dreg:$0x0];
	s2 =	stileid.u32  }
0x110: {  	s1 =	rddreg [dreg:$0x1];
	p0 =	sne.s32 s2, $0x0  }
0x111: {  	s3 =	rddreg [dreg:$0x2];
	[bflag:$0x3] =	sbarrier.arrive $0xFFFF;
	s2 =	simm.s32 @!p0 $0x1C03  }
0x112: {  	[timem:s3], [sflag:s2] =	dma.local @!p0 [hbm:s0], s1  }
0x113: {  	s0 =	simm.s32 @!p0 $0x3  }
0x114: {  	_ =	swait.ge @!p0 [sflag:s0], s1  }
0x115: {  	s1 =	ssub.s32 @!p0 $0x0, s1;
	[sflag:s0] =	ssyncset.done @!p0 $0x0  }
0x116: {  	[sflag:s0] =	ssyncadd.s32 @!p0 s1  }
0x117: {  	[bflag:$0x3] =	sbarrier.arrive $0xFFFF  }
0x118: {  	_ =	shalt  }

// kernel: kernel.16.cloned.1.call-start
scs
__scs_entry_jumppad:
0x0: {  	(pc) =	sbr.rel $0x88, $3  }
0x1: {  	(tag) =	ssettag $0x0;
	lr =	simm.s32 $0x1  }
0x2: {  	[smem:$0x3F90] =	sst lr;
	_ =	strace $0xD0000000  }
0x3: {  	_ = 	snop  }
0x4: {  	_ = 	snop  }
0x5: {  	_ = 	snop  }
0x6: {  	_ = 	snop  }
0x7: {  	_ = 	snop  }
__scs_overlays_trampoline_lowered:
0x8: {  	[smem:$0x3F9F] =	sst s0  }
0x9: {  	[smem:$0x3FA0] =	sst s1  }
0xa: {  	[smem:$0x3FA1] =	sst s2  }
0xb: {  	[smem:$0x3FA2] =	sst s3  }
0xc: {  	[smem:$0x3FA3] =	sst s4  }
0xd: {  	[smem:$0x3FA4] =	sst s5  }
0xe: {  	[smem:$0x3FA5] =	sst s6  }
0xf: {  	[smem:$0x3FA6] =	sst s7  }
0x10: {  	[smem:$0x3FA7] =	sst s8  }
0x11: {  	[smem:$0x3FA8] =	sst s9;
	s0 =	simm.s32 @!p0 $0x0  }
0x12: {  	s1 =	sld [smem:$0x3F8E];
	s0 =	simm.s32 @p0 $0x1  }
0x13: {  	[smem:$0x3FA9] =	sst s0;
	s0 =	simm.s32 @!p1 $0x0  }
0x14: {  	s2 =	sld [smem:$0x3F8D];
	s0 =	simm.s32 @p1 $0x1  }
0x15: {  	[smem:$0x3FAA] =	sst s0;
	s0 =	simm.s32 @!p2 $0x0  }
0x16: {  	s3 =	sld [smem:$0x3FDB];
	s0 =	simm.s32 @p2 $0x1  }
0x17: {  	s4 =	simm.s32 $0x1BF5;
	[smem:$0x3FAC] =	sst s0  }
0x18: {  	s0 =	sld [smem:$0x3F8F];
	_ =	swait.ge [sflag:s4], $0x0  }
0x19: {  	s7 =	sld [smem:$0x3F90]  }
0x1a: {  	s8 =	sadd.s32 $0xFFFFE003, lr  }
0x1b: {  	s9 =	sadd.s32 $0xFFFFFEF7, lr;
	s5 =	simm.s32 $0xFFFFFFFF;
	p2 =	slt.u32 s8, $0xFFFFF086  }
0x1c: {  	p1 =	slt.u32 s9, $0xF7A;
	s5 =	simm.s32 @!p2 $0x0  }
0x1d: {  	s5 =	simm.s32 @p1 $0x1;
	p0 =	seq.s32 s7, s2  }
0x1e: {  	s7 =	smul.u32 @!p0 $0xF7A, s2;
	p2 =	seq.s32 @!p0 s5, $0x0  }
0x1f: {  	s9 =	smul.u32 $0xF7A, s1;
	s8 =	simm.s32 @!p0 $0x1BF5;
	p2 =	por !p2, p0  }
0x20: {  	[sflag:s8] =	ssyncset.s32 @!p0 $0xFFFFF086;
	s6 =	sadd.s32 @!p0 s3, s7;
	s7 =	simm.s32 @!p0 $0x108  }
0x21: {  	s3 =	sadd.s32 s3, s9;
	s6 =	sadd.s32 @!p0 $0x88, s6;
	s7 =	simm.s32 @p2 $0x1082  }
0x22: {  	[simem:s7], [sflag:s8] =	dma.local @!p0 [hbm:s6], $0xF7A  }
0x23: {  	s9 =	sor.u32 $0xD0000000, s2;
	s6 =	simm.s32 $0x108;
	_ =	swait.ge @!p0 [sflag:s8], $0x0  }
0x24: {  	s3 =	sadd.s32 $0x88, s3;
	s6 =	simm.s32 @!p1 $0x1082;
	[sflag:s4] =	ssyncset.s32 $0xFFFFF086  }
0x25: {  	[simem:s6], [sflag:s4] =	dma.local [hbm:s3], $0xF7A  }
0x26: {  	[smem:$0x3F90] =	sst s1;
	(tag) =	ssettag s2;
	_ =	strace s9  }
0x27: {  	s1 =	sld [smem:$0x3FA0]  }
0x28: {  	s2 =	sld [smem:$0x3FA1]  }
0x29: {  	s4 =	sld [smem:$0x3FA3]  }
0x2a: {  	p0 =	seq.s32 s5, $0x0;
	s5 =	sld [smem:$0x3FA4]  }
0x2b: {  	s6 =	sld [smem:$0x3FA5]  }
0x2c: {  	s7 =	sld [smem:$0x3FA6]  }
0x2d: {  	s3 =	simm.s32 $0x108;
	s8 =	sld [smem:$0x3FA7]  }
0x2e: {  	s3 =	simm.s32 @!p0 $0x1082;
	s9 =	sld [smem:$0x3FA8]  }
0x2f: {  	lr =	sadd.s32 s0, s3;
	s0 =	sld [smem:$0x3F9F]  }
0x30: {  	s3 =	sld [smem:$0x3FA2]  }
0x31: {  	[smem:$0x3FAB] =	sst s10  }
0x32: {  	s10 =	sld [smem:$0x3FA9];
	_ =	sdelay $0x3  }
0x33: {  	p0 =	seq.s32 s10, $0x1;
	s10 =	sld [smem:$0x3FAB];
	_ =	sdelay $0x3  }
0x34: {  	[smem:$0x3FAB] =	sst s10  }
0x35: {  	s10 =	sld [smem:$0x3FAA];
	_ =	sdelay $0x3  }
0x36: {  	p1 =	seq.s32 s10, $0x1;
	s10 =	sld [smem:$0x3FAB];
	_ =	sdelay $0x3  }
0x37: {  	[smem:$0x3FAB] =	sst s10  }
0x38: {  	s10 =	sld [smem:$0x3FAC]  }
0x39: {  	_ = 	snop;
	(pc) =	sbr.ind lr, $3  }
0x3a: {  	_ = 	snop  }
0x3b: {  	_ = 	snop  }
0x3c: {  	p2 =	seq.s32 s10, $0x1;
	s10 =	sld [smem:$0x3FAB]  }
0x3d: {  	_ =	shalt  }
0x3e: {  	_ =	shalt  }
0x3f: {  	_ =	shalt  }
0x40: {  	_ =	shalt  }
0x41: {  	_ =	shalt  }
0x42: {  	_ =	shalt  }
0x43: {  	_ =	shalt  }
0x44: {  	_ =	shalt  }
0x45: {  	_ =	shalt  }
0x46: {  	_ =	shalt  }
0x47: {  	_ =	shalt  }
0x48: {  	_ =	shalt  }
0x49: {  	_ =	shalt  }
0x4a: {  	_ =	shalt  }
0x4b: {  	_ =	shalt  }
0x4c: {  	_ =	shalt  }
0x4d: {  	_ =	shalt  }
0x4e: {  	_ =	shalt  }
0x4f: {  	_ =	shalt  }
0x50: {  	_ =	shalt  }
0x51: {  	_ =	shalt  }
0x52: {  	_ =	shalt  }
0x53: {  	_ =	shalt  }
0x54: {  	_ =	shalt  }
0x55: {  	_ =	shalt  }
0x56: {  	_ =	shalt  }
0x57: {  	_ =	shalt  }
0x58: {  	_ =	shalt  }
0x59: {  	_ =	shalt  }
0x5a: {  	_ =	shalt  }
0x5b: {  	_ =	shalt  }
0x5c: {  	_ =	shalt  }
0x5d: {  	_ =	shalt  }
0x5e: {  	_ =	shalt  }
0x5f: {  	_ =	shalt  }
0x60: {  	_ =	shalt  }
0x61: {  	_ =	shalt  }
0x62: {  	_ =	shalt  }
0x63: {  	_ =	shalt  }
0x64: {  	_ =	shalt  }
0x65: {  	_ =	shalt  }
0x66: {  	_ =	shalt  }
0x67: {  	_ =	shalt  }
0x68: {  	_ =	shalt  }
0x69: {  	_ =	shalt  }
0x6a: {  	_ =	shalt  }
0x6b: {  	_ =	shalt  }
0x6c: {  	_ =	shalt  }
0x6d: {  	_ =	shalt  }
0x6e: {  	_ =	shalt  }
0x6f: {  	_ =	shalt  }
0x70: {  	_ =	shalt  }
0x71: {  	_ =	shalt  }
0x72: {  	_ =	shalt  }
0x73: {  	_ =	shalt  }
0x74: {  	_ =	shalt  }
0x75: {  	_ =	shalt  }
0x76: {  	_ =	shalt  }
0x77: {  	_ =	shalt  }
0x78: {  	_ =	shalt  }
0x79: {  	_ =	shalt  }
0x7a: {  	_ =	shalt  }
0x7b: {  	_ =	shalt  }
0x7c: {  	_ =	shalt  }
0x7d: {  	_ =	shalt  }
0x7e: {  	_ =	shalt  }
0x7f: {  	_ =	shalt  }
0x80: {  	_ =	shalt  }
0x81: {  	_ =	shalt  }
0x82: {  	_ =	shalt  }
0x83: {  	_ =	shalt  }
0x84: {  	_ =	shalt  }
0x85: {  	_ =	shalt  }
0x86: {  	_ =	shalt  }
0x87: {  	_ =	shalt  }
.Lfunc_end0:
.L_simem_size_0:
called_computation.2_lowered:
.L_overlay_start_0:
0x88: {  	s2 =	sld [smem:$0x3FD9]  }
0x89: {  	s3 =	sld [smem:$0x3FFE];
	_ =	sdelay $0x1  }
0x8a: {  	s1 =	srdreg.scid  }
0x8b: {  	s0 =	sand.u32 $0x1, s1  }
0x8c: {  	s17 =	sshll.u32 s0, $0xA;
	s2 =	sadd.s32 s3, s2  }
0x8d: {  	s2 =	sadd.s32 s2, s17  }
0x8e: {  	[smem:$0x3FB7] =	sst s2  }
0x8f: {  	_ = 	snop  }
0x90: {  	s2 =	sld [smem:$0x3FD0];
	(tm) =	ssettm $0x1  }
0x91: {  	s18 =	sld [smem:$0x3FFB];
	_ =	sdelay $0x3  }
0x92: {  	_ =	strace s18  }
0x93: {  	s3 =	sld [smem:$0x3FFC];
	_ =	sdelay $0x3  }
0x94: {  	_ =	strace s3  }
0x95: {  	s3 =	sld [smem:$0x3FFD];
	_ =	sdelay $0x3  }
0x96: {  	_ =	strace s3  }
0x97: {  	_ =	strace $0x8FFFFFFF  }
0x98: {  	s19 =	sld [smem:$0x3FDB];
	_ =	sdelay $0x1  }
0x99: {  	s4 =	simm.s32 $_scs_section_size  }
0x9a: {  	s5 =	simm.s32 $_size__tile_overlayer_lowered;
	s6 =	simm.s32 $_tile_overlayer_lowered  }
0x9b: {  	s22 =	simm.s32 $0x1BFF;
	s21 =	sshll.u32 s6, $0x1;
	s3 =	sadd.s32 s4, s19  }
0x9c: {  	s7 =	simm.s32 $0x0;
	s20 =	sshll.u32 s5, $0x1;
	s5 =	sadd.s32 s21, s3  }
0x9d: {  	[timem:s7], [sflag:s22] =	dma.local [hbm:s5], s20  }
0x9e: {  	_ =	swait.ge [sflag:s22], s20  }
0x9f: {  	s4 =	ssub.s32 $0x0, s20;
	[sflag:s22] =	ssyncset.done $0x0  }
0xa0: {  	[sflag:s22] =	ssyncadd.s32 s4;
	_ =	sdelay $0x1  }
0xa1: {  	s23 =	simm.s32 $0x1B8B  }
0xa2: {  	_ =	swait.ge [sflag:s23], $0x1  }
0xa3: {  	[sflag:s23] =	ssyncset.done $0x0  }
0xa4: {  	s25 =	simm.s32 $0x1B8E;
	s24 =	sld [smem:$0x3FFE];
	[sflag:s23] =	ssyncadd.s32 $0xFFFFFFFF  }
0xa5: {  	s26 =	simm.s32 $execute0_lowered;
	[smem:$0x3FD2] =	sst s25  }
0xa6: {  	s5 =	sshll.u32 s26, $0x1;
	_ =	strace $0x8000004C;
	[dreg:$0x1] =	wrdreg $0xFFFFFFFF  }
0xa7: {  	s28 =	simm.s32 $_size_execute0_lowered;
	s3 =	sadd.s32 s3, s5;
	[dreg:$0x0] =	wrdreg $0x0  }
0xa8: {  	s5 =	sshll.u32 s28, $0x1;
	[dreg:$0x2] =	wrdreg s3  }
0xa9: {  	[dreg:$0x3] =	wrdreg s5  }
0xaa: {  	[dreg:$0x4] =	wrdreg $0xC0  }
0xab: {  	_ =	task [dreg:s7], $0x5FFFF  }
0xac: {  	[dreg:$0x1] =	wrdreg $0xFFFFFFFF  }
0xad: {  	[dreg:$0x0] =	wrdreg $0x60  }
0xae: {  	[dreg:$0x2] =	wrdreg s24  }
0xaf: {  	[dreg:$0x3] =	wrdreg s2  }
0xb0: {  	[dreg:$0x4] =	wrdreg $0x9  }
0xb1: {  	_ =	task.clear_ibuf [dreg:s7], $0x5FFFF;
	_ =	strace $0x9000004C  }
0xb2: {  	s29 =	simm.s32 $0x9;
	_ =	strace $0x8000004E  }
0xb3: {  	_ =	swait.ge [sflag:s29], $0x1  }
0xb4: {  	[sflag:s29] =	ssyncadd.s32 $0xFFFFFFFF  }
0xb5: {  	_ =	strace $0x9000004E  }
0xb6: {  	_ =	sfence  }
0xb7: {  	s30 =	sld [smem:$0x0];
	_ =	sdelay $0x2  }
0xb8: {  	s31 =	sshll.u32 s1, $0xD;
	s1 =	sshrl.u32 s1, $0x2  }
0xb9: {  	s3 =	sand.u32 $0x4000, s31;
	s1 =	sadd.s32 s1, s30  }
0xba: {  	s0 =	sor.u32 s3, s0;
	s1 =	sshll.u32 s1, $0x11  }
0xbb: {  	s0 =	sor.u32 s1, s0  }
0xbc: {  	s0 =	sadd.s32 $0x8F2B, s0  }
0xbd: {  	[sflag:s0] =	ssyncadd.remote.s32 $0x1  }
0xbe: {  	_ =	sfence.sel $0xFFFF  }
0xbf: {  	[dreg:$0x0] =	wrdreg $0xFFFFFFFF;
	(pc) =	sbr.abs _section_cstart, $3  }
0xc0: {  	[dreg:$0x1] =	wrdreg $0xFFFFFFFF  }
0xc1: {  	_ =	task.clear_ibuf [dreg:s7], $0x2FFFF;
	_ =	strace $0x9FFFFFFF  }
0xc2: {  	(tm) =	ssettm $0x7FFFFFFF  }
0xc3: {  	_ =	shalt  }
tec
execute0_lowered:
.L_overlay_start_1:
0x0: {  	(tag) =	ssettag $0x1  }
0x1: {  	v0 =	vlaneseq.u32  }
0x2: {  	s6 =	rddreg [dreg:$0x0];
	v0 =	vmul.u32 $0x80, v0  }
0x3: {  	s1 =	rddreg [dreg:$0x1];
	s3 =	simm.s32 $0x0  }
0x4: {  	[smem:$0x7FF] =	sst s3;
	v2 =	vor.u32 $0x1809, v0  }
0x5: {  	s0 =	rddreg [dreg:$0x2];
	_ =	strace $0x8000004D;
	v1 =	vor.u32 $0x10, v0;
	[tilespmem:$0x1FCA0] =	vst v2  }
0x6: {  	v3 =	vor.u32 $0x1, v0;
	[tilespmem:$0x1FCB0] =	vst v1  }
0x7: {  	v4 =	vor.u32 $0x2, v0;
	[tilespmem:$0x1FCC0] =	vst v3  }
0x8: {  	v5 =	vor.u32 $0x3, v0;
	[tilespmem:$0x1FCD0] =	vst v4  }
0x9: {  	v6 =	vor.u32 $0x4, v0;
	[tilespmem:$0x1FCE0] =	vst v5  }
0xa: {  	v7 =	vor.u32 $0x5, v0;
	[tilespmem:$0x1FCF0] =	vst v6  }
0xb: {  	v8 =	vor.u32 $0x6, v0;
	[tilespmem:$0x1FD00] =	vst v7  }
0xc: {  	v9 =	vor.u32 $0x7, v0;
	[tilespmem:$0x1FD10] =	vst v8  }
0xd: {  	v10 =	vor.u32 $0x8, v0;
	[tilespmem:$0x1FD20] =	vst v9  }
0xe: {  	v11 =	vor.u32 $0x9, v0;
	[tilespmem:$0x1FD30] =	vst v10  }
0xf: {  	v12 =	vor.u32 $0xA, v0;
	[tilespmem:$0x1FD40] =	vst v11  }
0x10: {  	v63 =	vor.u32 $0x804, v0;
	[tilespmem:$0x1FD50] =	vst v12  }
0x11: {  	v25 =	vor.u32 $0x805, v0;
	[tilespmem:$0x1FD60] =	vst v63  }
0x12: {  	v26 =	vor.u32 $0x806, v0;
	[tilespmem:$0x1FD70] =	vst v25  }
0x13: {  	v27 =	vor.u32 $0x807, v0;
	[tilespmem:$0x1FD80] =	vst v26  }
0x14: {  	v28 =	vor.u32 $0x808, v0;
	[tilespmem:$0x1FD90] =	vst v27  }
0x15: {  	v29 =	vor.u32 $0x809, v0;
	[tilespmem:$0x1FDA0] =	vst v28  }
0x16: {  	v30 =	vor.u32 $0x80A, v0;
	[tilespmem:$0x1FDB0] =	vst v29  }
0x17: {  	v31 =	vor.u32 $0x80B, v0;
	[tilespmem:$0x1FDC0] =	vst v30  }
0x18: {  	v32 =	vor.u32 $0x80C, v0;
	[tilespmem:$0x1FDD0] =	vst v31  }
0x19: {  	v33 =	vor.u32 $0x80D, v0;
	[tilespmem:$0x1FDE0] =	vst v32  }
0x1a: {  	v34 =	vor.u32 $0x80E, v0;
	[tilespmem:$0x1FDF0] =	vst v33  }
0x1b: {  	v35 =	vor.u32 $0x80F, v0;
	[tilespmem:$0x1FE00] =	vst v34  }
0x1c: {  	v36 =	vor.u32 $0x1010, v0;
	[tilespmem:$0x1FE10] =	vst v35  }
0x1d: {  	v37 =	vor.u32 $0x1000, v0;
	[tilespmem:$0x1FE20] =	vst v36  }
0x1e: {  	v38 =	vor.u32 $0x1001, v0;
	[tilespmem:$0x1FE30] =	vst v37  }
0x1f: {  	v39 =	vor.u32 $0x1002, v0;
	[tilespmem:$0x1FE40] =	vst v38  }
0x20: {  	v40 =	vor.u32 $0x1003, v0;
	[tilespmem:$0x1FE50] =	vst v39  }
0x21: {  	v41 =	vor.u32 $0x1004, v0;
	[tilespmem:$0x1FE60] =	vst v40  }
0x22: {  	v42 =	vor.u32 $0x1005, v0;
	[tilespmem:$0x1FE70] =	vst v41  }
0x23: {  	v43 =	vor.u32 $0x1006, v0;
	[tilespmem:$0x1FE80] =	vst v42  }
0x24: {  	v44 =	vor.u32 $0x1007, v0;
	[tilespmem:$0x1FE90] =	vst v43  }
0x25: {  	v45 =	vor.u32 $0x1008, v0;
	[tilespmem:$0x1FEA0] =	vst v44  }
0x26: {  	v46 =	vor.u32 $0x1009, v0;
	[tilespmem:$0x1FEB0] =	vst v45  }
0x27: {  	v47 =	vor.u32 $0x100A, v0;
	[tilespmem:$0x1FEC0] =	vst v46  }
0x28: {  	v48 =	vor.u32 $0x100B, v0;
	[tilespmem:$0x1FED0] =	vst v47  }
0x29: {  	v49 =	vor.u32 $0x100C, v0;
	[tilespmem:$0x1FEE0] =	vst v48  }
0x2a: {  	v50 =	vor.u32 $0x100D, v0;
	[tilespmem:$0x1FEF0] =	vst v49  }
0x2b: {  	v51 =	vor.u32 $0x100E, v0;
	[tilespmem:$0x1FF00] =	vst v50  }
0x2c: {  	v52 =	vor.u32 $0x100F, v0;
	[tilespmem:$0x1FF10] =	vst v51  }
0x2d: {  	v53 =	vor.u32 $0x1810, v0;
	[tilespmem:$0x1FF20] =	vst v52  }
0x2e: {  	v54 =	vor.u32 $0x1800, v0;
	[tilespmem:$0x1FF30] =	vst v53  }
0x2f: {  	v55 =	vor.u32 $0x1801, v0;
	[tilespmem:$0x1FF40] =	vst v54  }
0x30: {  	s4 =	srdreg.scid;
	v56 =	vor.u32 $0x1802, v0;
	[tilespmem:$0x1FF50] =	vst v55  }
0x31: {  	s2 =	stileid.u32;
	s13 =	simm.s32 $0x3C80;
	s14 =	simm.s32 $0x80;
	v57 =	vor.u32 $0x1803, v0;
	[tilespmem:$0x1FF60] =	vst v56  }
0x32: {  	s15 =	simm.s32 $0x5080;
	s16 =	simm.s32 $0x9080;
	s17 =	simm.s32 $0x1;
	v58 =	vor.u32 $0x1804, v0;
	[tilespmem:$0x1FF70] =	vst v57  }
0x33: {  	s18 =	simm.s32 $0x2;
	s19 =	simm.s32 $0x0;
	s7 =	sand.u32 $0x1, s4;
	v59 =	vor.u32 $0x1805, v0;
	[tilespmem:$0x1FF80] =	vst v58  }
0x34: {  	s26 =	sshll.u32 s2, $0x1;
	s4 =	sadd.s32 $0x75000, s6;
	s9 =	smul.u32 $0x28000, s2;
	v60 =	vor.u32 $0x1806, v0;
	[tilespmem:$0x1FF90] =	vst v59  }
0x35: {  	s5 =	sor.u32 s7, s26;
	s10 =	ssub.s32 $0x2, s7;
	s12 =	smul.u32 $0x14000, s7;
	v61 =	vor.u32 $0x1807, v0;
	[tilespmem:$0x1FFA0] =	vst v60  }
0x36: {  	s8 =	smul.u32 $0x1400, s5;
	s11 =	sshrl.u32 s10, $0x1;
	s29 =	sadd.s32 s9, s6;
	v62 =	vor.u32 $0x1808, v0;
	[tilespmem:$0x1FFB0] =	vst v61  }
0x37: {  	v17 =	vor.u32 $0xB, v0;
	v14 =	vor.u32 $0x802, v0;
	s5 =	sadd.s32 $0x3C00, s6;
	s30 =	ssub.s32 s10, s11;
	s31 =	sadd.s32 s12, s29;
	[tilespmem:$0x1FFC0] =	vst v62  }
0x38: {  	v16 =	vor.u32 $0xC, v0;
	v19 =	vor.u32 $0xD, v0;
	v15 =	vor.u32 $0x180A, v0;
	s10 =	simm.s32 $0x3;
	s11 =	simm.s32 $0x2800;
	[tilespmem:$0x1FFD0] =	vst v14;
	s8 =	sshrl.u32 s8, $0x3  }
0x39: {  	v18 =	vor.u32 $0xE, v0;
	v21 =	vor.u32 $0xF, v0;
	v20 =	vor.u32 $0x810, v0;
	s12 =	simm.s32 $0x2880;
	[tilespmem:$0x1FFE0] =	vst v15;
	s9 =	sadd.s32 $0x9D000, s31;
	s28 =	sadd.s32 s8, s6  }
0x3a: {  	v23 =	vor.u32 $0x800, v0;
	v22 =	vor.u32 $0x801, v0;
	v24 =	vor.u32 $0x803, v0;
	[tilespmem:$0x1FFF0] =	vst v17;
	s8 =	smax.u32 s30, $0x1;
	s6 =	sadd.s32 $0x21C00, s28;
	s7 =	sadd.s32 $0x1CC00, s28  }
.LBB2_1:
0x3b: {  	[tilespmem:s3], [sflag:$0x3] =	stream.linear.gather [hbm4b:s5+s3], $0x2800, $0x38;
	[tilespmem:$0xD080] =	vst v63  }
0x3c: {  	_ =	swait.ge [sflag:s10], $0x2800  }
0x3d: {  	[sflag:s10] =	ssyncset.done $0x0  }
0x3e: {  	[sflag:s10] =	ssyncadd.s32 $0xFFFFD800  }
0x3f: {  	[tilespmem:s11], [sflag:$0x3] =	stream.linear.gather [hbm4b:s1+s3], $0x80, $0x38;
	[tilespmem:$0xD080] =	vst v63  }
0x40: {  	_ =	swait.ge [sflag:s10], $0x80  }
0x41: {  	[sflag:s10] =	ssyncset.done $0x0  }
0x42: {  	[sflag:s10] =	ssyncadd.s32 $0xFFFFFF80  }
0x43: {  	[tilespmem:s12], [sflag:$0x3] =	stream.linear.gather [hbm4b:s6+s3], $0x1400, $0x38;
	[tilespmem:$0xD080] =	vst v63  }
0x44: {  	_ =	swait.ge [sflag:s10], $0x1400  }
0x45: {  	[sflag:s10] =	ssyncset.done $0x0  }
0x46: {  	[sflag:s10] =	ssyncadd.s32 $0xFFFFEC00  }
0x47: {  	[tilespmem:s13], [sflag:$0x3] =	stream.linear.gather [hbm4b:s7+s3], $0x1400, $0x38;
	[tilespmem:$0xD080] =	vst v63  }
0x48: {  	_ =	swait.ge [sflag:s10], $0x1400  }
0x49: {  	[sflag:s10] =	ssyncset.done $0x0  }
0x4a: {  	s20 =	smov.u32 s9;
	s21 =	simm.s32 $0x0;
	[sflag:s10] =	ssyncadd.s32 $0xFFFFEC00  }
0x4b: {  	v13 =	vld [tilespmem:$0x2800];
	[tilespmem:s15], [sflag:$0x1] =	stream.indirect.gather [hbm4b:s4+s14], $0x80, s12, s14, $0xb8  }
.LBB2_2:
0x4c: {  	s22 =	sshra.s32 s21, $0x2  }
0x4d: {  	s23 =	sadd.s32 $0x2900, s22  }
0x4e: {  	[tilespmem:s16], [sflag:$0x2] =	stream.indirect.gather [hbm4b:s4+s14], $0x80, s23, s14, $0xb8;
	[tilespmem:$0xD080] =	vst v63  }
0x4f: {  	_ =	swait.ge [sflag:s17], $0x4000  }
0x50: {  	[sflag:s17] =	ssyncset.done $0x0  }
0x51: {  	v2 =	vld [tilespmem:$0x1FCB0];
	[sflag:s17] =	ssyncadd.s32 $0xFFFFC000  }
0x52: {  	v1 =	vld [tilespmem:s22+$0x3C80];
	_ =	sdelay $0x6  }
0x53: {  	v2 =	vld.idx.msk [tilespmem:v2+s15+$0x0], $0xffff  }
0x54: {  	v1 =	vld.idx.msk [tilespmem:v1+s3+$0x0], $0xffff;
	_ =	sdelay $0x4  }
0x55: {  	v1 =	vadd.f32 v1, v2;
	_ =	sdelay $0x1  }
0x56: {  	v2 =	vmul.f32 $2.000000030e-01, v1;
	_ =	sdelay $0x1  }
0x57: {  	v1 =	vmax.f32 v1, v2  }
0x58: {  	v1 =	vsub.f32 v1, v13;
	_ =	sdelay $0x1  }
0x59: {  	v1 =	vmul.f32 $1.442695020e+00, v1;
	_ =	sdelay $0x1  }
0x5a: {  	(erf) = vpow2.f32 v1;
	_ =	sdelay $0x1  }
0x5b: {  	v2 =	vld [tilespmem:$0x1FCB0];
	_ =	sdelay $0x6  }
0x5c: {  	v1 =	vpop (erf)  }
0x5d: {  	[tilespmem:v2+s15+$0x0] =	vst.idx.msk $0xffff, v1  }
0x5e: {  	v2 =	vld.idx.msk [tilespmem:v0+s15+$0x0], $0xffff;
	_ =	sdelay $0x4  }
0x5f: {  	v2 =	vmul.f32 v1, v2;
	_ =	sdelay $0x1  }
0x60: {  	[tilespmem:v0+s15+$0x0] =	vst.idx.msk $0xffff, v2  }
0x61: {  	v2 =	vld.idx.msk [tilespmem:v3+s15+$0x0], $0xffff;
	_ =	sdelay $0x4  }
0x62: {  	v2 =	vmul.f32 v1, v2;
	_ =	sdelay $0x1  }
0x63: {  	[tilespmem:v3+s15+$0x0] =	vst.idx.msk $0xffff, v2  }
0x64: {  	v2 =	vld.idx.msk [tilespmem:v4+s15+$0x0], $0xffff;
	_ =	sdelay $0x4  }
0x65: {  	v2 =	vmul.f32 v1, v2;
	_ =	sdelay $0x1  }
0x66: {  	[tilespmem:v4+s15+$0x0] =	vst.idx.msk $0xffff, v2  }
0x67: {  	v2 =	vld.idx.msk [tilespmem:v5+s15+$0x0], $0xffff;
	_ =	sdelay $0x4  }
0x68: {  	v2 =	vmul.f32 v2, v1;
	_ =	sdelay $0x1  }
0x69: {  	[tilespmem:v5+s15+$0x0] =	vst.idx.msk $0xffff, v2  }
0x6a: {  	v2 =	vld.idx.msk [tilespmem:v6+s15+$0x0], $0xffff;
	_ =	sdelay $0x4  }
0x6b: {  	v2 =	vmul.f32 v2, v1;
	_ =	sdelay $0x1  }
0x6c: {  	[tilespmem:v6+s15+$0x0] =	vst.idx.msk $0xffff, v2  }
0x6d: {  	v2 =	vld.idx.msk [tilespmem:v7+s15+$0x0], $0xffff;
	_ =	sdelay $0x4  }
0x6e: {  	v2 =	vmul.f32 v2, v1;
	_ =	sdelay $0x1  }
0x6f: {  	[tilespmem:v7+s15+$0x0] =	vst.idx.msk $0xffff, v2  }
0x70: {  	v2 =	vld.idx.msk [tilespmem:v8+s15+$0x0], $0xffff;
	_ =	sdelay $0x4  }
0x71: {  	v2 =	vmul.f32 v2, v1;
	_ =	sdelay $0x1  }
0x72: {  	[tilespmem:v8+s15+$0x0] =	vst.idx.msk $0xffff, v2  }
0x73: {  	v2 =	vld.idx.msk [tilespmem:v9+s15+$0x0], $0xffff;
	_ =	sdelay $0x4  }
0x74: {  	v2 =	vmul.f32 v2, v1;
	_ =	sdelay $0x1  }
0x75: {  	[tilespmem:v9+s15+$0x0] =	vst.idx.msk $0xffff, v2  }
0x76: {  	v2 =	vld.idx.msk [tilespmem:v10+s15+$0x0], $0xffff;
	_ =	sdelay $0x4  }
0x77: {  	v2 =	vmul.f32 v2, v1;
	_ =	sdelay $0x1  }
0x78: {  	[tilespmem:v10+s15+$0x0] =	vst.idx.msk $0xffff, v2  }
0x79: {  	v2 =	vld.idx.msk [tilespmem:v11+s15+$0x0], $0xffff;
	_ =	sdelay $0x4  }
0x7a: {  	v2 =	vmul.f32 v2, v1;
	_ =	sdelay $0x1  }
0x7b: {  	[tilespmem:v11+s15+$0x0] =	vst.idx.msk $0xffff, v2  }
0x7c: {  	v2 =	vld.idx.msk [tilespmem:v12+s15+$0x0], $0xffff;
	_ =	sdelay $0x4  }
0x7d: {  	v2 =	vmul.f32 v2, v1;
	_ =	sdelay $0x1  }
0x7e: {  	[tilespmem:v12+s15+$0x0] =	vst.idx.msk $0xffff, v2  }
0x7f: {  	v2 =	vld.idx.msk [tilespmem:v17+s15+$0x0], $0xffff;
	_ =	sdelay $0x4  }
0x80: {  	v2 =	vmul.f32 v2, v1;
	_ =	sdelay $0x1  }
0x81: {  	[tilespmem:v17+s15+$0x0] =	vst.idx.msk $0xffff, v2  }
0x82: {  	v2 =	vld.idx.msk [tilespmem:v16+s15+$0x0], $0xffff;
	_ =	sdelay $0x4  }
0x83: {  	v2 =	vmul.f32 v2, v1;
	_ =	sdelay $0x1  }
0x84: {  	[tilespmem:v16+s15+$0x0] =	vst.idx.msk $0xffff, v2  }
0x85: {  	v2 =	vld.idx.msk [tilespmem:v19+s15+$0x0], $0xffff;
	_ =	sdelay $0x4  }
0x86: {  	v2 =	vmul.f32 v2, v1;
	_ =	sdelay $0x1  }
0x87: {  	[tilespmem:v19+s15+$0x0] =	vst.idx.msk $0xffff, v2  }
0x88: {  	v2 =	vld.idx.msk [tilespmem:v18+s15+$0x0], $0xffff;
	_ =	sdelay $0x4  }
0x89: {  	v2 =	vmul.f32 v2, v1;
	_ =	sdelay $0x1  }
0x8a: {  	[tilespmem:v18+s15+$0x0] =	vst.idx.msk $0xffff, v2  }
0x8b: {  	v2 =	vld.idx.msk [tilespmem:v21+s15+$0x0], $0xffff;
	_ =	sdelay $0x4  }
0x8c: {  	v1 =	vmul.f32 v2, v1;
	_ =	sdelay $0x1  }
0x8d: {  	[tilespmem:v21+s15+$0x0] =	vst.idx.msk $0xffff, v1  }
0x8e: {  	v1 =	vld [tilespmem:s22+$0x3C90];
	_ =	sdelay $0x6  }
0x8f: {  	v2 =	vld.idx.msk [tilespmem:v20+s15+$0x0], $0xffff  }
0x90: {  	v1 =	vld.idx.msk [tilespmem:v1+s3+$0x0], $0xffff;
	_ =	sdelay $0x4  }
0x91: {  	v1 =	vadd.f32 v1, v2;
	_ =	sdelay $0x1  }
0x92: {  	v2 =	vmul.f32 $2.000000030e-01, v1;
	_ =	sdelay $0x1  }
0x93: {  	v1 =	vmax.f32 v1, v2  }
0x94: {  	v1 =	vsub.f32 v1, v13;
	_ =	sdelay $0x1  }
0x95: {  	v1 =	vmul.f32 $1.442695020e+00, v1;
	_ =	sdelay $0x1  }
0x96: {  	(erf) = vpow2.f32 v1;
	_ =	sdelay $0x8  }
0x97: {  	v1 =	vpop (erf)  }
0x98: {  	[tilespmem:v20+s15+$0x0] =	vst.idx.msk $0xffff, v1  }
0x99: {  	v2 =	vld.idx.msk [tilespmem:v23+s15+$0x0], $0xffff;
	_ =	sdelay $0x4  }
0x9a: {  	v2 =	vmul.f32 v1, v2;
	_ =	sdelay $0x1  }
0x9b: {  	[tilespmem:v23+s15+$0x0] =	vst.idx.msk $0xffff, v2  }
0x9c: {  	v2 =	vld.idx.msk [tilespmem:v22+s15+$0x0], $0xffff;
	_ =	sdelay $0x4  }
0x9d: {  	v2 =	vmul.f32 v1, v2;
	_ =	sdelay $0x1  }
0x9e: {  	[tilespmem:v22+s15+$0x0] =	vst.idx.msk $0xffff, v2  }
0x9f: {  	v2 =	vld.idx.msk [tilespmem:v14+s15+$0x0], $0xffff;
	_ =	sdelay $0x4  }
0xa0: {  	v2 =	vmul.f32 v1, v2;
	_ =	sdelay $0x1  }
0xa1: {  	[tilespmem:v14+s15+$0x0] =	vst.idx.msk $0xffff, v2  }
0xa2: {  	v2 =	vld.idx.msk [tilespmem:v24+s15+$0x0], $0xffff;
	_ =	sdelay $0x4  }
0xa3: {  	v2 =	vmul.f32 v2, v1;
	_ =	sdelay $0x1  }
0xa4: {  	[tilespmem:v24+s15+$0x0] =	vst.idx.msk $0xffff, v2  }
0xa5: {  	v2 =	vld.idx.msk [tilespmem:v63+s15+$0x0], $0xffff;
	_ =	sdelay $0x4  }
0xa6: {  	v2 =	vmul.f32 v2, v1;
	_ =	sdelay $0x1  }
0xa7: {  	[tilespmem:v63+s15+$0x0] =	vst.idx.msk $0xffff, v2  }
0xa8: {  	v2 =	vld.idx.msk [tilespmem:v25+s15+$0x0], $0xffff;
	_ =	sdelay $0x4  }
0xa9: {  	v2 =	vmul.f32 v2, v1;
	_ =	sdelay $0x1  }
0xaa: {  	[tilespmem:v25+s15+$0x0] =	vst.idx.msk $0xffff, v2  }
0xab: {  	v2 =	vld.idx.msk [tilespmem:v26+s15+$0x0], $0xffff;
	_ =	sdelay $0x4  }
0xac: {  	v2 =	vmul.f32 v2, v1;
	_ =	sdelay $0x1  }
0xad: {  	[tilespmem:v26+s15+$0x0] =	vst.idx.msk $0xffff, v2  }
0xae: {  	v2 =	vld.idx.msk [tilespmem:v27+s15+$0x0], $0xffff;
	_ =	sdelay $0x4  }
0xaf: {  	v2 =	vmul.f32 v2, v1;
	_ =	sdelay $0x1  }
0xb0: {  	[tilespmem:v27+s15+$0x0] =	vst.idx.msk $0xffff, v2  }
0xb1: {  	v2 =	vld.idx.msk [tilespmem:v28+s15+$0x0], $0xffff;
	_ =	sdelay $0x4  }
0xb2: {  	v2 =	vmul.f32 v2, v1;
	_ =	sdelay $0x1  }
0xb3: {  	[tilespmem:v28+s15+$0x0] =	vst.idx.msk $0xffff, v2  }
0xb4: {  	v2 =	vld.idx.msk [tilespmem:v29+s15+$0x0], $0xffff;
	_ =	sdelay $0x4  }
0xb5: {  	v2 =	vmul.f32 v2, v1;
	_ =	sdelay $0x1  }
0xb6: {  	[tilespmem:v29+s15+$0x0] =	vst.idx.msk $0xffff, v2  }
0xb7: {  	v2 =	vld.idx.msk [tilespmem:v30+s15+$0x0], $0xffff;
	_ =	sdelay $0x4  }
0xb8: {  	v2 =	vmul.f32 v2, v1;
	_ =	sdelay $0x1  }
0xb9: {  	[tilespmem:v30+s15+$0x0] =	vst.idx.msk $0xffff, v2  }
0xba: {  	v2 =	vld.idx.msk [tilespmem:v31+s15+$0x0], $0xffff;
	_ =	sdelay $0x4  }
0xbb: {  	v2 =	vmul.f32 v2, v1;
	_ =	sdelay $0x1  }
0xbc: {  	[tilespmem:v31+s15+$0x0] =	vst.idx.msk $0xffff, v2  }
0xbd: {  	v2 =	vld.idx.msk [tilespmem:v32+s15+$0x0], $0xffff;
	_ =	sdelay $0x4  }
0xbe: {  	v2 =	vmul.f32 v2, v1;
	_ =	sdelay $0x1  }
0xbf: {  	[tilespmem:v32+s15+$0x0] =	vst.idx.msk $0xffff, v2  }
0xc0: {  	v2 =	vld.idx.msk [tilespmem:v33+s15+$0x0], $0xffff;
	_ =	sdelay $0x4  }
0xc1: {  	v2 =	vmul.f32 v2, v1;
	_ =	sdelay $0x1  }
0xc2: {  	[tilespmem:v33+s15+$0x0] =	vst.idx.msk $0xffff, v2  }
0xc3: {  	v2 =	vld.idx.msk [tilespmem:v34+s15+$0x0], $0xffff;
	_ =	sdelay $0x4  }
0xc4: {  	v2 =	vmul.f32 v2, v1;
	_ =	sdelay $0x1  }
0xc5: {  	[tilespmem:v34+s15+$0x0] =	vst.idx.msk $0xffff, v2  }
0xc6: {  	v2 =	vld.idx.msk [tilespmem:v35+s15+$0x0], $0xffff;
	_ =	sdelay $0x4  }
0xc7: {  	v1 =	vmul.f32 v2, v1;
	_ =	sdelay $0x1  }
0xc8: {  	[tilespmem:v35+s15+$0x0] =	vst.idx.msk $0xffff, v1  }
0xc9: {  	v1 =	vld [tilespmem:s22+$0x3CA0];
	_ =	sdelay $0x6  }
0xca: {  	v2 =	vld.idx.msk [tilespmem:v36+s15+$0x0], $0xffff  }
0xcb: {  	v1 =	vld.idx.msk [tilespmem:v1+s3+$0x0], $0xffff;
	_ =	sdelay $0x4  }
0xcc: {  	v1 =	vadd.f32 v1, v2;
	_ =	sdelay $0x1  }
0xcd: {  	v2 =	vmul.f32 $2.000000030e-01, v1;
	_ =	sdelay $0x1  }
0xce: {  	v1 =	vmax.f32 v1, v2  }
0xcf: {  	v1 =	vsub.f32 v1, v13;
	_ =	sdelay $0x1  }
0xd0: {  	v1 =	vmul.f32 $1.442695020e+00, v1;
	_ =	sdelay $0x1  }
0xd1: {  	(erf) = vpow2.f32 v1;
	_ =	sdelay $0x8  }
0xd2: {  	v1 =	vpop (erf)  }
0xd3: {  	[tilespmem:v36+s15+$0x0] =	vst.idx.msk $0xffff, v1  }
0xd4: {  	v2 =	vld.idx.msk [tilespmem:v37+s15+$0x0], $0xffff;
	_ =	sdelay $0x4  }
0xd5: {  	v2 =	vmul.f32 v1, v2;
	_ =	sdelay $0x1  }
0xd6: {  	[tilespmem:v37+s15+$0x0] =	vst.idx.msk $0xffff, v2  }
0xd7: {  	v2 =	vld.idx.msk [tilespmem:v38+s15+$0x0], $0xffff;
	_ =	sdelay $0x4  }
0xd8: {  	v2 =	vmul.f32 v1, v2;
	_ =	sdelay $0x1  }
0xd9: {  	[tilespmem:v38+s15+$0x0] =	vst.idx.msk $0xffff, v2  }
0xda: {  	v2 =	vld.idx.msk [tilespmem:v39+s15+$0x0], $0xffff;
	_ =	sdelay $0x4  }
0xdb: {  	v2 =	vmul.f32 v1, v2;
	_ =	sdelay $0x1  }
0xdc: {  	[tilespmem:v39+s15+$0x0] =	vst.idx.msk $0xffff, v2  }
0xdd: {  	v2 =	vld.idx.msk [tilespmem:v40+s15+$0x0], $0xffff;
	_ =	sdelay $0x4  }
0xde: {  	v2 =	vmul.f32 v2, v1;
	_ =	sdelay $0x1  }
0xdf: {  	[tilespmem:v40+s15+$0x0] =	vst.idx.msk $0xffff, v2  }
0xe0: {  	v2 =	vld.idx.msk [tilespmem:v41+s15+$0x0], $0xffff;
	_ =	sdelay $0x4  }
0xe1: {  	v2 =	vmul.f32 v2, v1;
	_ =	sdelay $0x1  }
0xe2: {  	[tilespmem:v41+s15+$0x0] =	vst.idx.msk $0xffff, v2  }
0xe3: {  	v2 =	vld.idx.msk [tilespmem:v42+s15+$0x0], $0xffff;
	_ =	sdelay $0x4  }
0xe4: {  	v2 =	vmul.f32 v2, v1;
	_ =	sdelay $0x1  }
0xe5: {  	[tilespmem:v42+s15+$0x0] =	vst.idx.msk $0xffff, v2  }
0xe6: {  	v2 =	vld.idx.msk [tilespmem:v43+s15+$0x0], $0xffff;
	_ =	sdelay $0x4  }
0xe7: {  	v2 =	vmul.f32 v2, v1;
	_ =	sdelay $0x1  }
0xe8: {  	[tilespmem:v43+s15+$0x0] =	vst.idx.msk $0xffff, v2  }
0xe9: {  	v2 =	vld.idx.msk [tilespmem:v44+s15+$0x0], $0xffff;
	_ =	sdelay $0x4  }
0xea: {  	v2 =	vmul.f32 v2, v1;
	_ =	sdelay $0x1  }
0xeb: {  	[tilespmem:v44+s15+$0x0] =	vst.idx.msk $0xffff, v2  }
0xec: {  	v2 =	vld.idx.msk [tilespmem:v45+s15+$0x0], $0xffff;
	_ =	sdelay $0x4  }
0xed: {  	v2 =	vmul.f32 v2, v1;
	_ =	sdelay $0x1  }
0xee: {  	[tilespmem:v45+s15+$0x0] =	vst.idx.msk $0xffff, v2  }
0xef: {  	v2 =	vld.idx.msk [tilespmem:v46+s15+$0x0], $0xffff;
	_ =	sdelay $0x4  }
0xf0: {  	v2 =	vmul.f32 v2, v1;
	_ =	sdelay $0x1  }
0xf1: {  	[tilespmem:v46+s15+$0x0] =	vst.idx.msk $0xffff, v2  }
0xf2: {  	v2 =	vld.idx.msk [tilespmem:v47+s15+$0x0], $0xffff;
	_ =	sdelay $0x4  }
0xf3: {  	v2 =	vmul.f32 v2, v1;
	_ =	sdelay $0x1  }
0xf4: {  	[tilespmem:v47+s15+$0x0] =	vst.idx.msk $0xffff, v2  }
0xf5: {  	v2 =	vld.idx.msk [tilespmem:v48+s15+$0x0], $0xffff;
	_ =	sdelay $0x4  }
0xf6: {  	v2 =	vmul.f32 v2, v1;
	_ =	sdelay $0x1  }
0xf7: {  	[tilespmem:v48+s15+$0x0] =	vst.idx.msk $0xffff, v2  }
0xf8: {  	v2 =	vld.idx.msk [tilespmem:v49+s15+$0x0], $0xffff;
	_ =	sdelay $0x4  }
0xf9: {  	v2 =	vmul.f32 v2, v1;
	_ =	sdelay $0x1  }
0xfa: {  	[tilespmem:v49+s15+$0x0] =	vst.idx.msk $0xffff, v2  }
0xfb: {  	v2 =	vld.idx.msk [tilespmem:v50+s15+$0x0], $0xffff;
	_ =	sdelay $0x4  }
0xfc: {  	v2 =	vmul.f32 v2, v1;
	_ =	sdelay $0x1  }
0xfd: {  	[tilespmem:v50+s15+$0x0] =	vst.idx.msk $0xffff, v2  }
0xfe: {  	v2 =	vld.idx.msk [tilespmem:v51+s15+$0x0], $0xffff;
	_ =	sdelay $0x4  }
0xff: {  	v2 =	vmul.f32 v2, v1;
	_ =	sdelay $0x1  }
0x100: {  	[tilespmem:v51+s15+$0x0] =	vst.idx.msk $0xffff, v2  }
0x101: {  	v2 =	vld.idx.msk [tilespmem:v52+s15+$0x0], $0xffff;
	_ =	sdelay $0x4  }
0x102: {  	v1 =	vmul.f32 v2, v1;
	_ =	sdelay $0x1  }
0x103: {  	[tilespmem:v52+s15+$0x0] =	vst.idx.msk $0xffff, v1  }
0x104: {  	v1 =	vld [tilespmem:s22+$0x3CB0];
	_ =	sdelay $0x6  }
0x105: {  	v2 =	vld.idx.msk [tilespmem:v53+s15+$0x0], $0xffff  }
0x106: {  	v1 =	vld.idx.msk [tilespmem:v1+s3+$0x0], $0xffff;
	_ =	sdelay $0x4  }
0x107: {  	v1 =	vadd.f32 v1, v2;
	_ =	sdelay $0x1  }
0x108: {  	v2 =	vmul.f32 $2.000000030e-01, v1;
	_ =	sdelay $0x1  }
0x109: {  	v1 =	vmax.f32 v1, v2  }
0x10a: {  	v1 =	vsub.f32 v1, v13;
	_ =	sdelay $0x1  }
0x10b: {  	v1 =	vmul.f32 $1.442695020e+00, v1;
	_ =	sdelay $0x1  }
0x10c: {  	(erf) = vpow2.f32 v1;
	_ =	sdelay $0x8  }
0x10d: {  	v1 =	vpop (erf)  }
0x10e: {  	[tilespmem:v53+s15+$0x0] =	vst.idx.msk $0xffff, v1  }
0x10f: {  	v2 =	vld.idx.msk [tilespmem:v54+s15+$0x0], $0xffff;
	_ =	sdelay $0x4  }
0x110: {  	v2 =	vmul.f32 v1, v2;
	_ =	sdelay $0x1  }
0x111: {  	[tilespmem:v54+s15+$0x0] =	vst.idx.msk $0xffff, v2  }
0x112: {  	v2 =	vld.idx.msk [tilespmem:v55+s15+$0x0], $0xffff;
	_ =	sdelay $0x4  }
0x113: {  	v2 =	vmul.f32 v1, v2;
	_ =	sdelay $0x1  }
0x114: {  	[tilespmem:v55+s15+$0x0] =	vst.idx.msk $0xffff, v2  }
0x115: {  	v2 =	vld.idx.msk [tilespmem:v56+s15+$0x0], $0xffff;
	_ =	sdelay $0x4  }
0x116: {  	v2 =	vmul.f32 v1, v2;
	_ =	sdelay $0x1  }
0x117: {  	[tilespmem:v56+s15+$0x0] =	vst.idx.msk $0xffff, v2  }
0x118: {  	v2 =	vld.idx.msk [tilespmem:v57+s15+$0x0], $0xffff;
	_ =	sdelay $0x4  }
0x119: {  	v2 =	vmul.f32 v2, v1;
	_ =	sdelay $0x1  }
0x11a: {  	[tilespmem:v57+s15+$0x0] =	vst.idx.msk $0xffff, v2  }
0x11b: {  	v2 =	vld.idx.msk [tilespmem:v58+s15+$0x0], $0xffff;
	_ =	sdelay $0x4  }
0x11c: {  	v2 =	vmul.f32 v2, v1;
	_ =	sdelay $0x1  }
0x11d: {  	[tilespmem:v58+s15+$0x0] =	vst.idx.msk $0xffff, v2  }
0x11e: {  	v2 =	vld.idx.msk [tilespmem:v59+s15+$0x0], $0xffff;
	_ =	sdelay $0x4  }
0x11f: {  	v2 =	vmul.f32 v2, v1;
	_ =	sdelay $0x1  }
0x120: {  	[tilespmem:v59+s15+$0x0] =	vst.idx.msk $0xffff, v2  }
0x121: {  	v2 =	vld.idx.msk [tilespmem:v60+s15+$0x0], $0xffff;
	_ =	sdelay $0x4  }
0x122: {  	v2 =	vmul.f32 v2, v1;
	_ =	sdelay $0x1  }
0x123: {  	[tilespmem:v60+s15+$0x0] =	vst.idx.msk $0xffff, v2  }
0x124: {  	v2 =	vld.idx.msk [tilespmem:v61+s15+$0x0], $0xffff;
	_ =	sdelay $0x4  }
0x125: {  	v2 =	vmul.f32 v2, v1;
	_ =	sdelay $0x1  }
0x126: {  	v63 =	vld [tilespmem:$0x1FCA0];
	[tilespmem:v61+s15+$0x0] =	vst.idx.msk $0xffff, v2  }
0x127: {  	v2 =	vld.idx.msk [tilespmem:v62+s15+$0x0], $0xffff;
	_ =	sdelay $0x4  }
0x128: {  	v2 =	vmul.f32 v2, v1;
	_ =	sdelay $0x1  }
0x129: {  	[tilespmem:v62+s15+$0x0] =	vst.idx.msk $0xffff, v2  }
0x12a: {  	v2 =	vld.idx.msk [tilespmem:v63+s15+$0x0], $0xffff;
	_ =	sdelay $0x4  }
0x12b: {  	v2 =	vmul.f32 v2, v1;
	_ =	sdelay $0x1  }
0x12c: {  	[tilespmem:v63+s15+$0x0] =	vst.idx.msk $0xffff, v2  }
0x12d: {  	v2 =	vld.idx.msk [tilespmem:v15+s15+$0x0], $0xffff;
	_ =	sdelay $0x2  }
0x12e: {  	v3 =	vor.u32 $0x180B, v0;
	_ =	sdelay $0x1  }
0x12f: {  	v2 =	vmul.f32 v2, v1;
	_ =	sdelay $0x1  }
0x130: {  	[tilespmem:v15+s15+$0x0] =	vst.idx.msk $0xffff, v2  }
0x131: {  	v2 =	vld.idx.msk [tilespmem:v3+s15+$0x0], $0xffff;
	_ =	sdelay $0x2  }
0x132: {  	v4 =	vor.u32 $0x180C, v0;
	_ =	sdelay $0x1  }
0x133: {  	v2 =	vmul.f32 v2, v1;
	_ =	sdelay $0x1  }
0x134: {  	[tilespmem:v3+s15+$0x0] =	vst.idx.msk $0xffff, v2  }
0x135: {  	v2 =	vld.idx.msk [tilespmem:v4+s15+$0x0], $0xffff;
	_ =	sdelay $0x2  }
0x136: {  	[tilespmem:$0x1FB20] =	vst v3;
	v3 =	vor.u32 $0x180D, v0;
	_ =	sdelay $0x1  }
0x137: {  	v2 =	vmul.f32 v2, v1;
	_ =	sdelay $0x1  }
0x138: {  	[tilespmem:v4+s15+$0x0] =	vst.idx.msk $0xffff, v2  }
0x139: {  	v2 =	vld.idx.msk [tilespmem:v3+s15+$0x0], $0xffff;
	_ =	sdelay $0x2  }
0x13a: {  	[tilespmem:$0x1FB30] =	vst v4;
	v4 =	vor.u32 $0x180E, v0;
	_ =	sdelay $0x1  }
0x13b: {  	v2 =	vmul.f32 v2, v1;
	_ =	sdelay $0x1  }
0x13c: {  	[tilespmem:v3+s15+$0x0] =	vst.idx.msk $0xffff, v2  }
0x13d: {  	v2 =	vld.idx.msk [tilespmem:v4+s15+$0x0], $0xffff;
	_ =	sdelay $0x2  }
0x13e: {  	[tilespmem:$0x1FB40] =	vst v3;
	v3 =	vor.u32 $0x180F, v0;
	_ =	sdelay $0x1  }
0x13f: {  	v2 =	vmul.f32 v2, v1;
	_ =	sdelay $0x1  }
0x140: {  	[tilespmem:v4+s15+$0x0] =	vst.idx.msk $0xffff, v2  }
0x141: {  	v2 =	vld.idx.msk [tilespmem:v3+s15+$0x0], $0xffff;
	_ =	sdelay $0x4  }
0x142: {  	v1 =	vmul.f32 v2, v1;
	_ =	sdelay $0x1  }
0x143: {  	[tilespmem:v3+s15+$0x0] =	vst.idx.msk $0xffff, v1  }
0x144: {  	v1 =	vld [tilespmem:s22+$0x3CC0];
	_ =	sdelay $0x1  }
0x145: {  	[tilespmem:$0x1FB50] =	vst v4;
	v4 =	vor.u32 $0x2010, v0;
	_ =	sdelay $0x4  }
0x146: {  	v2 =	vld.idx.msk [tilespmem:v4+s15+$0x0], $0xffff  }
0x147: {  	v1 =	vld.idx.msk [tilespmem:v1+s3+$0x0], $0xffff;
	_ =	sdelay $0x4  }
0x148: {  	v1 =	vadd.f32 v1, v2;
	_ =	sdelay $0x1  }
0x149: {  	v2 =	vmul.f32 $2.000000030e-01, v1;
	_ =	sdelay $0x1  }
0x14a: {  	v1 =	vmax.f32 v1, v2  }
0x14b: {  	v1 =	vsub.f32 v1, v13;
	_ =	sdelay $0x1  }
0x14c: {  	v1 =	vmul.f32 $1.442695020e+00, v1;
	_ =	sdelay $0x1  }
0x14d: {  	(erf) = vpow2.f32 v1;
	_ =	sdelay $0x5  }
0x14e: {  	[tilespmem:$0x1FB60] =	vst v3;
	v3 =	vor.u32 $0x2000, v0;
	_ =	sdelay $0x2  }
0x14f: {  	v1 =	vpop (erf)  }
0x150: {  	[tilespmem:v4+s15+$0x0] =	vst.idx.msk $0xffff, v1  }
0x151: {  	v2 =	vld.idx.msk [tilespmem:v3+s15+$0x0], $0xffff;
	_ =	sdelay $0x2  }
0x152: {  	[tilespmem:$0x1FB70] =	vst v4;
	v4 =	vor.u32 $0x2001, v0;
	_ =	sdelay $0x1  }
0x153: {  	v2 =	vmul.f32 v1, v2;
	_ =	sdelay $0x1  }
0x154: {  	[tilespmem:v3+s15+$0x0] =	vst.idx.msk $0xffff, v2  }
0x155: {  	v2 =	vld.idx.msk [tilespmem:v4+s15+$0x0], $0xffff;
	_ =	sdelay $0x2  }
0x156: {  	[tilespmem:$0x1FB80] =	vst v3;
	v3 =	vor.u32 $0x2002, v0;
	_ =	sdelay $0x1  }
0x157: {  	v2 =	vmul.f32 v1, v2;
	_ =	sdelay $0x1  }
0x158: {  	[tilespmem:v4+s15+$0x0] =	vst.idx.msk $0xffff, v2  }
0x159: {  	v2 =	vld.idx.msk [tilespmem:v3+s15+$0x0], $0xffff;
	_ =	sdelay $0x2  }
0x15a: {  	[tilespmem:$0x1FB90] =	vst v4;
	v4 =	vor.u32 $0x2003, v0;
	_ =	sdelay $0x1  }
0x15b: {  	v2 =	vmul.f32 v1, v2;
	_ =	sdelay $0x1  }
0x15c: {  	[tilespmem:v3+s15+$0x0] =	vst.idx.msk $0xffff, v2  }
0x15d: {  	v2 =	vld.idx.msk [tilespmem:v4+s15+$0x0], $0xffff;
	_ =	sdelay $0x2  }
0x15e: {  	[tilespmem:$0x1FBA0] =	vst v3;
	v3 =	vor.u32 $0x2004, v0;
	_ =	sdelay $0x1  }
0x15f: {  	v2 =	vmul.f32 v2, v1;
	_ =	sdelay $0x1  }
0x160: {  	[tilespmem:v4+s15+$0x0] =	vst.idx.msk $0xffff, v2  }
0x161: {  	v2 =	vld.idx.msk [tilespmem:v3+s15+$0x0], $0xffff;
	_ =	sdelay $0x2  }
0x162: {  	[tilespmem:$0x1FBB0] =	vst v4;
	v4 =	vor.u32 $0x2005, v0;
	_ =	sdelay $0x1  }
0x163: {  	v2 =	vmul.f32 v2, v1;
	_ =	sdelay $0x1  }
0x164: {  	[tilespmem:v3+s15+$0x0] =	vst.idx.msk $0xffff, v2  }
0x165: {  	v2 =	vld.idx.msk [tilespmem:v4+s15+$0x0], $0xffff;
	_ =	sdelay $0x2  }
0x166: {  	[tilespmem:$0x1FBC0] =	vst v3;
	v3 =	vor.u32 $0x2006, v0;
	_ =	sdelay $0x1  }
0x167: {  	v2 =	vmul.f32 v2, v1;
	_ =	sdelay $0x1  }
0x168: {  	[tilespmem:v4+s15+$0x0] =	vst.idx.msk $0xffff, v2  }
0x169: {  	v2 =	vld.idx.msk [tilespmem:v3+s15+$0x0], $0xffff;
	_ =	sdelay $0x2  }
0x16a: {  	[tilespmem:$0x1FBD0] =	vst v4;
	v4 =	vor.u32 $0x2007, v0;
	_ =	sdelay $0x1  }
0x16b: {  	v2 =	vmul.f32 v2, v1;
	_ =	sdelay $0x1  }
0x16c: {  	[tilespmem:v3+s15+$0x0] =	vst.idx.msk $0xffff, v2  }
0x16d: {  	v2 =	vld.idx.msk [tilespmem:v4+s15+$0x0], $0xffff;
	_ =	sdelay $0x2  }
0x16e: {  	[tilespmem:$0x1FBE0] =	vst v3;
	v3 =	vor.u32 $0x2008, v0;
	_ =	sdelay $0x1  }
0x16f: {  	v2 =	vmul.f32 v2, v1;
	_ =	sdelay $0x1  }
0x170: {  	[tilespmem:v4+s15+$0x0] =	vst.idx.msk $0xffff, v2  }
0x171: {  	v2 =	vld.idx.msk [tilespmem:v3+s15+$0x0], $0xffff;
	_ =	sdelay $0x2  }
0x172: {  	[tilespmem:$0x1FBF0] =	vst v4;
	v4 =	vor.u32 $0x2009, v0;
	_ =	sdelay $0x1  }
0x173: {  	v2 =	vmul.f32 v2, v1;
	_ =	sdelay $0x1  }
0x174: {  	[tilespmem:v3+s15+$0x0] =	vst.idx.msk $0xffff, v2  }
0x175: {  	v2 =	vld.idx.msk [tilespmem:v4+s15+$0x0], $0xffff;
	_ =	sdelay $0x2  }
0x176: {  	[tilespmem:$0x1FC00] =	vst v3;
	v3 =	vor.u32 $0x200A, v0;
	_ =	sdelay $0x1  }
0x177: {  	v2 =	vmul.f32 v2, v1;
	_ =	sdelay $0x1  }
0x178: {  	[tilespmem:v4+s15+$0x0] =	vst.idx.msk $0xffff, v2  }
0x179: {  	v2 =	vld.idx.msk [tilespmem:v3+s15+$0x0], $0xffff;
	_ =	sdelay $0x2  }
0x17a: {  	[tilespmem:$0x1FC10] =	vst v4;
	v4 =	vor.u32 $0x200B, v0;
	_ =	sdelay $0x1  }
0x17b: {  	v2 =	vmul.f32 v2, v1;
	_ =	sdelay $0x1  }
0x17c: {  	[tilespmem:v3+s15+$0x0] =	vst.idx.msk $0xffff, v2  }
0x17d: {  	v2 =	vld.idx.msk [tilespmem:v4+s15+$0x0], $0xffff;
	_ =	sdelay $0x2  }
0x17e: {  	[tilespmem:$0x1FC20] =	vst v3;
	v3 =	vor.u32 $0x200C, v0;
	_ =	sdelay $0x1  }
0x17f: {  	v2 =	vmul.f32 v2, v1;
	_ =	sdelay $0x1  }
0x180: {  	[tilespmem:v4+s15+$0x0] =	vst.idx.msk $0xffff, v2  }
0x181: {  	v2 =	vld.idx.msk [tilespmem:v3+s15+$0x0], $0xffff;
	_ =	sdelay $0x2  }
0x182: {  	[tilespmem:$0x1FC30] =	vst v4;
	v4 =	vor.u32 $0x200D, v0;
	_ =	sdelay $0x1  }
0x183: {  	v2 =	vmul.f32 v2, v1;
	_ =	sdelay $0x1  }
0x184: {  	[tilespmem:v3+s15+$0x0] =	vst.idx.msk $0xffff, v2  }
0x185: {  	v2 =	vld.idx.msk [tilespmem:v4+s15+$0x0], $0xffff;
	_ =	sdelay $0x2  }
0x186: {  	[tilespmem:$0x1FC40] =	vst v3;
	v3 =	vor.u32 $0x200E, v0;
	_ =	sdelay $0x1  }
0x187: {  	v2 =	vmul.f32 v2, v1;
	_ =	sdelay $0x1  }
0x188: {  	[tilespmem:v4+s15+$0x0] =	vst.idx.msk $0xffff, v2  }
0x189: {  	v2 =	vld.idx.msk [tilespmem:v3+s15+$0x0], $0xffff;
	_ =	sdelay $0x2  }
0x18a: {  	[tilespmem:$0x1FC50] =	vst v4;
	v4 =	vor.u32 $0x200F, v0;
	_ =	sdelay $0x1  }
0x18b: {  	v2 =	vmul.f32 v2, v1;
	_ =	sdelay $0x1  }
0x18c: {  	[tilespmem:v3+s15+$0x0] =	vst.idx.msk $0xffff, v2  }
0x18d: {  	v2 =	vld.idx.msk [tilespmem:v4+s15+$0x0], $0xffff;
	_ =	sdelay $0x4  }
0x18e: {  	v1 =	vmul.f32 v2, v1;
	_ =	sdelay $0x1  }
0x18f: {  	[tilespmem:v4+s15+$0x0] =	vst.idx.msk $0xffff, v1  }
0x190: {  	v1 =	vld [tilespmem:s22+$0x3CD0];
	_ =	sdelay $0x1  }
0x191: {  	[tilespmem:$0x1FC70] =	vst v4;
	v4 =	vor.u32 $0x2810, v0;
	_ =	sdelay $0x4  }
0x192: {  	v2 =	vld.idx.msk [tilespmem:v4+s15+$0x0], $0xffff  }
0x193: {  	v1 =	vld.idx.msk [tilespmem:v1+s3+$0x0], $0xffff;
	_ =	sdelay $0x4  }
0x194: {  	v1 =	vadd.f32 v1, v2;
	_ =	sdelay $0x1  }
0x195: {  	v2 =	vmul.f32 $2.000000030e-01, v1;
	_ =	sdelay $0x1  }
0x196: {  	v1 =	vmax.f32 v1, v2  }
0x197: {  	v1 =	vsub.f32 v1, v13;
	_ =	sdelay $0x1  }
0x198: {  	v1 =	vmul.f32 $1.442695020e+00, v1;
	_ =	sdelay $0x1  }
0x199: {  	(erf) = vpow2.f32 v1;
	_ =	sdelay $0x5  }
0x19a: {  	[tilespmem:$0x1FC60] =	vst v3;
	v3 =	vor.u32 $0x2800, v0;
	_ =	sdelay $0x2  }
0x19b: {  	v1 =	vpop (erf)  }
0x19c: {  	[tilespmem:v4+s15+$0x0] =	vst.idx.msk $0xffff, v1  }
0x19d: {  	v2 =	vld.idx.msk [tilespmem:v3+s15+$0x0], $0xffff;
	_ =	sdelay $0x2  }
0x19e: {  	v25 =	vor.u32 $0x2801, v0;
	_ =	sdelay $0x1  }
0x19f: {  	v2 =	vmul.f32 v1, v2;
	_ =	sdelay $0x1  }
0x1a0: {  	[tilespmem:v3+s15+$0x0] =	vst.idx.msk $0xffff, v2  }
0x1a1: {  	v2 =	vld.idx.msk [tilespmem:v25+s15+$0x0], $0xffff;
	_ =	sdelay $0x2  }
0x1a2: {  	v26 =	vor.u32 $0x2802, v0;
	_ =	sdelay $0x1  }
0x1a3: {  	v2 =	vmul.f32 v1, v2;
	_ =	sdelay $0x1  }
0x1a4: {  	[tilespmem:v25+s15+$0x0] =	vst.idx.msk $0xffff, v2  }
0x1a5: {  	v2 =	vld.idx.msk [tilespmem:v26+s15+$0x0], $0xffff;
	_ =	sdelay $0x2  }
0x1a6: {  	v27 =	vor.u32 $0x2803, v0;
	_ =	sdelay $0x1  }
0x1a7: {  	v2 =	vmul.f32 v1, v2;
	_ =	sdelay $0x1  }
0x1a8: {  	[tilespmem:v26+s15+$0x0] =	vst.idx.msk $0xffff, v2  }
0x1a9: {  	v2 =	vld.idx.msk [tilespmem:v27+s15+$0x0], $0xffff;
	_ =	sdelay $0x2  }
0x1aa: {  	v28 =	vor.u32 $0x2804, v0;
	_ =	sdelay $0x1  }
0x1ab: {  	v2 =	vmul.f32 v2, v1;
	_ =	sdelay $0x1  }
0x1ac: {  	[tilespmem:v27+s15+$0x0] =	vst.idx.msk $0xffff, v2  }
0x1ad: {  	v2 =	vld.idx.msk [tilespmem:v28+s15+$0x0], $0xffff;
	_ =	sdelay $0x2  }
0x1ae: {  	v29 =	vor.u32 $0x2805, v0;
	_ =	sdelay $0x1  }
0x1af: {  	v2 =	vmul.f32 v2, v1;
	_ =	sdelay $0x1  }
0x1b0: {  	[tilespmem:v28+s15+$0x0] =	vst.idx.msk $0xffff, v2  }
0x1b1: {  	v2 =	vld.idx.msk [tilespmem:v29+s15+$0x0], $0xffff;
	_ =	sdelay $0x2  }
0x1b2: {  	v30 =	vor.u32 $0x2806, v0;
	_ =	sdelay $0x1  }
0x1b3: {  	v2 =	vmul.f32 v2, v1;
	_ =	sdelay $0x1  }
0x1b4: {  	[tilespmem:v29+s15+$0x0] =	vst.idx.msk $0xffff, v2  }
0x1b5: {  	v2 =	vld.idx.msk [tilespmem:v30+s15+$0x0], $0xffff;
	_ =	sdelay $0x2  }
0x1b6: {  	v31 =	vor.u32 $0x2807, v0;
	_ =	sdelay $0x1  }
0x1b7: {  	v2 =	vmul.f32 v2, v1;
	_ =	sdelay $0x1  }
0x1b8: {  	[tilespmem:v30+s15+$0x0] =	vst.idx.msk $0xffff, v2  }
0x1b9: {  	v2 =	vld.idx.msk [tilespmem:v31+s15+$0x0], $0xffff;
	_ =	sdelay $0x2  }
0x1ba: {  	v32 =	vor.u32 $0x2808, v0;
	_ =	sdelay $0x1  }
0x1bb: {  	v2 =	vmul.f32 v2, v1;
	_ =	sdelay $0x1  }
0x1bc: {  	[tilespmem:v31+s15+$0x0] =	vst.idx.msk $0xffff, v2  }
0x1bd: {  	v2 =	vld.idx.msk [tilespmem:v32+s15+$0x0], $0xffff;
	_ =	sdelay $0x2  }
0x1be: {  	v33 =	vor.u32 $0x2809, v0;
	_ =	sdelay $0x1  }
0x1bf: {  	v2 =	vmul.f32 v2, v1;
	_ =	sdelay $0x1  }
0x1c0: {  	[tilespmem:v32+s15+$0x0] =	vst.idx.msk $0xffff, v2  }
0x1c1: {  	v2 =	vld.idx.msk [tilespmem:v33+s15+$0x0], $0xffff;
	_ =	sdelay $0x2  }
0x1c2: {  	v34 =	vor.u32 $0x280A, v0;
	_ =	sdelay $0x1  }
0x1c3: {  	v2 =	vmul.f32 v2, v1;
	_ =	sdelay $0x1  }
0x1c4: {  	[tilespmem:v33+s15+$0x0] =	vst.idx.msk $0xffff, v2  }
0x1c5: {  	v2 =	vld.idx.msk [tilespmem:v34+s15+$0x0], $0xffff;
	_ =	sdelay $0x2  }
0x1c6: {  	v35 =	vor.u32 $0x280B, v0;
	_ =	sdelay $0x1  }
0x1c7: {  	v2 =	vmul.f32 v2, v1;
	_ =	sdelay $0x1  }
0x1c8: {  	[tilespmem:v34+s15+$0x0] =	vst.idx.msk $0xffff, v2  }
0x1c9: {  	v2 =	vld.idx.msk [tilespmem:v35+s15+$0x0], $0xffff;
	_ =	sdelay $0x2  }
0x1ca: {  	v37 =	vor.u32 $0x280C, v0;
	_ =	sdelay $0x1  }
0x1cb: {  	v2 =	vmul.f32 v2, v1;
	_ =	sdelay $0x1  }
0x1cc: {  	[tilespmem:v35+s15+$0x0] =	vst.idx.msk $0xffff, v2  }
0x1cd: {  	v2 =	vld.idx.msk [tilespmem:v37+s15+$0x0], $0xffff;
	_ =	sdelay $0x2  }
0x1ce: {  	v38 =	vor.u32 $0x280D, v0;
	_ =	sdelay $0x1  }
0x1cf: {  	v2 =	vmul.f32 v2, v1;
	_ =	sdelay $0x1  }
0x1d0: {  	[tilespmem:v37+s15+$0x0] =	vst.idx.msk $0xffff, v2  }
0x1d1: {  	v2 =	vld.idx.msk [tilespmem:v38+s15+$0x0], $0xffff;
	_ =	sdelay $0x2  }
0x1d2: {  	v39 =	vor.u32 $0x280E, v0;
	_ =	sdelay $0x1  }
0x1d3: {  	v2 =	vmul.f32 v2, v1;
	_ =	sdelay $0x1  }
0x1d4: {  	[tilespmem:v38+s15+$0x0] =	vst.idx.msk $0xffff, v2  }
0x1d5: {  	v2 =	vld.idx.msk [tilespmem:v39+s15+$0x0], $0xffff;
	_ =	sdelay $0x2  }
0x1d6: {  	v40 =	vor.u32 $0x280F, v0;
	_ =	sdelay $0x1  }
0x1d7: {  	v2 =	vmul.f32 v2, v1;
	_ =	sdelay $0x1  }
0x1d8: {  	[tilespmem:v39+s15+$0x0] =	vst.idx.msk $0xffff, v2  }
0x1d9: {  	v2 =	vld.idx.msk [tilespmem:v40+s15+$0x0], $0xffff;
	_ =	sdelay $0x4  }
0x1da: {  	v1 =	vmul.f32 v2, v1;
	_ =	sdelay $0x1  }
0x1db: {  	[tilespmem:v40+s15+$0x0] =	vst.idx.msk $0xffff, v1  }
0x1dc: {  	v1 =	vld [tilespmem:s22+$0x3CE0];
	_ =	sdelay $0x1  }
0x1dd: {  	v36 =	vor.u32 $0x3010, v0;
	_ =	sdelay $0x4  }
0x1de: {  	v2 =	vld.idx.msk [tilespmem:v36+s15+$0x0], $0xffff  }
0x1df: {  	v1 =	vld.idx.msk [tilespmem:v1+s3+$0x0], $0xffff;
	_ =	sdelay $0x4  }
0x1e0: {  	v1 =	vadd.f32 v1, v2;
	_ =	sdelay $0x1  }
0x1e1: {  	v2 =	vmul.f32 $2.000000030e-01, v1;
	_ =	sdelay $0x1  }
0x1e2: {  	v1 =	vmax.f32 v1, v2  }
0x1e3: {  	v1 =	vsub.f32 v1, v13;
	_ =	sdelay $0x1  }
0x1e4: {  	v1 =	vmul.f32 $1.442695020e+00, v1;
	_ =	sdelay $0x1  }
0x1e5: {  	(erf) = vpow2.f32 v1;
	_ =	sdelay $0x5  }
0x1e6: {  	v41 =	vor.u32 $0x3000, v0;
	_ =	sdelay $0x2  }
0x1e7: {  	v1 =	vpop (erf)  }
0x1e8: {  	[tilespmem:v36+s15+$0x0] =	vst.idx.msk $0xffff, v1  }
0x1e9: {  	v2 =	vld.idx.msk [tilespmem:v41+s15+$0x0], $0xffff;
	_ =	sdelay $0x2  }
0x1ea: {  	v42 =	vor.u32 $0x3001, v0;
	_ =	sdelay $0x1  }
0x1eb: {  	v2 =	vmul.f32 v1, v2;
	_ =	sdelay $0x1  }
0x1ec: {  	[tilespmem:v41+s15+$0x0] =	vst.idx.msk $0xffff, v2  }
0x1ed: {  	v2 =	vld.idx.msk [tilespmem:v42+s15+$0x0], $0xffff;
	_ =	sdelay $0x2  }
0x1ee: {  	v43 =	vor.u32 $0x3002, v0;
	_ =	sdelay $0x1  }
0x1ef: {  	v2 =	vmul.f32 v1, v2;
	_ =	sdelay $0x1  }
0x1f0: {  	[tilespmem:v42+s15+$0x0] =	vst.idx.msk $0xffff, v2  }
0x1f1: {  	v2 =	vld.idx.msk [tilespmem:v43+s15+$0x0], $0xffff;
	_ =	sdelay $0x2  }
0x1f2: {  	v44 =	vor.u32 $0x3003, v0;
	_ =	sdelay $0x1  }
0x1f3: {  	v2 =	vmul.f32 v1, v2;
	_ =	sdelay $0x1  }
0x1f4: {  	[tilespmem:v43+s15+$0x0] =	vst.idx.msk $0xffff, v2  }
0x1f5: {  	v2 =	vld.idx.msk [tilespmem:v44+s15+$0x0], $0xffff;
	_ =	sdelay $0x2  }
0x1f6: {  	v45 =	vor.u32 $0x3004, v0;
	_ =	sdelay $0x1  }
0x1f7: {  	v2 =	vmul.f32 v2, v1;
	_ =	sdelay $0x1  }
0x1f8: {  	[tilespmem:v44+s15+$0x0] =	vst.idx.msk $0xffff, v2  }
0x1f9: {  	v2 =	vld.idx.msk [tilespmem:v45+s15+$0x0], $0xffff;
	_ =	sdelay $0x2  }
0x1fa: {  	v46 =	vor.u32 $0x3005, v0;
	_ =	sdelay $0x1  }
0x1fb: {  	v2 =	vmul.f32 v2, v1;
	_ =	sdelay $0x1  }
0x1fc: {  	[tilespmem:v45+s15+$0x0] =	vst.idx.msk $0xffff, v2  }
0x1fd: {  	v2 =	vld.idx.msk [tilespmem:v46+s15+$0x0], $0xffff;
	_ =	sdelay $0x2  }
0x1fe: {  	v47 =	vor.u32 $0x3006, v0;
	_ =	sdelay $0x1  }
0x1ff: {  	v2 =	vmul.f32 v2, v1;
	_ =	sdelay $0x1  }
0x200: {  	[tilespmem:v46+s15+$0x0] =	vst.idx.msk $0xffff, v2  }
0x201: {  	v2 =	vld.idx.msk [tilespmem:v47+s15+$0x0], $0xffff;
	_ =	sdelay $0x2  }
0x202: {  	v48 =	vor.u32 $0x3007, v0;
	_ =	sdelay $0x1  }
0x203: {  	v2 =	vmul.f32 v2, v1;
	_ =	sdelay $0x1  }
0x204: {  	[tilespmem:v47+s15+$0x0] =	vst.idx.msk $0xffff, v2  }
0x205: {  	v2 =	vld.idx.msk [tilespmem:v48+s15+$0x0], $0xffff;
	_ =	sdelay $0x2  }
0x206: {  	v49 =	vor.u32 $0x3008, v0;
	_ =	sdelay $0x1  }
0x207: {  	v2 =	vmul.f32 v2, v1;
	_ =	sdelay $0x1  }
0x208: {  	[tilespmem:v48+s15+$0x0] =	vst.idx.msk $0xffff, v2  }
0x209: {  	v2 =	vld.idx.msk [tilespmem:v49+s15+$0x0], $0xffff;
	_ =	sdelay $0x2  }
0x20a: {  	v50 =	vor.u32 $0x3009, v0;
	_ =	sdelay $0x1  }
0x20b: {  	v2 =	vmul.f32 v2, v1;
	_ =	sdelay $0x1  }
0x20c: {  	[tilespmem:v49+s15+$0x0] =	vst.idx.msk $0xffff, v2  }
0x20d: {  	v2 =	vld.idx.msk [tilespmem:v50+s15+$0x0], $0xffff;
	_ =	sdelay $0x2  }
0x20e: {  	v51 =	vor.u32 $0x300A, v0;
	_ =	sdelay $0x1  }
0x20f: {  	v2 =	vmul.f32 v2, v1;
	_ =	sdelay $0x1  }
0x210: {  	[tilespmem:v50+s15+$0x0] =	vst.idx.msk $0xffff, v2  }
0x211: {  	v2 =	vld.idx.msk [tilespmem:v51+s15+$0x0], $0xffff;
	_ =	sdelay $0x2  }
0x212: {  	v52 =	vor.u32 $0x300B, v0;
	_ =	sdelay $0x1  }
0x213: {  	v2 =	vmul.f32 v2, v1;
	_ =	sdelay $0x1  }
0x214: {  	[tilespmem:v51+s15+$0x0] =	vst.idx.msk $0xffff, v2  }
0x215: {  	v2 =	vld.idx.msk [tilespmem:v52+s15+$0x0], $0xffff;
	_ =	sdelay $0x2  }
0x216: {  	v54 =	vor.u32 $0x300C, v0;
	_ =	sdelay $0x1  }
0x217: {  	v2 =	vmul.f32 v2, v1;
	_ =	sdelay $0x1  }
0x218: {  	[tilespmem:v52+s15+$0x0] =	vst.idx.msk $0xffff, v2  }
0x219: {  	v2 =	vld.idx.msk [tilespmem:v54+s15+$0x0], $0xffff;
	_ =	sdelay $0x2  }
0x21a: {  	v55 =	vor.u32 $0x300D, v0;
	_ =	sdelay $0x1  }
0x21b: {  	v2 =	vmul.f32 v2, v1;
	_ =	sdelay $0x1  }
0x21c: {  	[tilespmem:v54+s15+$0x0] =	vst.idx.msk $0xffff, v2  }
0x21d: {  	v2 =	vld.idx.msk [tilespmem:v55+s15+$0x0], $0xffff;
	_ =	sdelay $0x2  }
0x21e: {  	v56 =	vor.u32 $0x300E, v0;
	_ =	sdelay $0x1  }
0x21f: {  	v2 =	vmul.f32 v2, v1;
	_ =	sdelay $0x1  }
0x220: {  	[tilespmem:v55+s15+$0x0] =	vst.idx.msk $0xffff, v2  }
0x221: {  	v2 =	vld.idx.msk [tilespmem:v56+s15+$0x0], $0xffff;
	_ =	sdelay $0x2  }
0x222: {  	v57 =	vor.u32 $0x300F, v0;
	_ =	sdelay $0x1  }
0x223: {  	v2 =	vmul.f32 v2, v1;
	_ =	sdelay $0x1  }
0x224: {  	[tilespmem:v56+s15+$0x0] =	vst.idx.msk $0xffff, v2  }
0x225: {  	v2 =	vld.idx.msk [tilespmem:v57+s15+$0x0], $0xffff;
	_ =	sdelay $0x4  }
0x226: {  	v1 =	vmul.f32 v2, v1;
	_ =	sdelay $0x1  }
0x227: {  	[tilespmem:v57+s15+$0x0] =	vst.idx.msk $0xffff, v1  }
0x228: {  	v1 =	vld [tilespmem:s22+$0x3CF0];
	_ =	sdelay $0x1  }
0x229: {  	v53 =	vor.u32 $0x3810, v0;
	_ =	sdelay $0x4  }
0x22a: {  	v2 =	vld.idx.msk [tilespmem:v53+s15+$0x0], $0xffff  }
0x22b: {  	v1 =	vld.idx.msk [tilespmem:v1+s3+$0x0], $0xffff;
	_ =	sdelay $0x4  }
0x22c: {  	v1 =	vadd.f32 v1, v2;
	_ =	sdelay $0x1  }
0x22d: {  	v2 =	vmul.f32 $2.000000030e-01, v1;
	_ =	sdelay $0x1  }
0x22e: {  	v1 =	vmax.f32 v1, v2  }
0x22f: {  	v1 =	vsub.f32 v1, v13;
	_ =	sdelay $0x1  }
0x230: {  	v1 =	vmul.f32 $1.442695020e+00, v1;
	_ =	sdelay $0x1  }
0x231: {  	(erf) = vpow2.f32 v1;
	_ =	sdelay $0x5  }
0x232: {  	v58 =	vor.u32 $0x3800, v0;
	_ =	sdelay $0x2  }
0x233: {  	v2 =	vmov v63;
	v63 =	vpop (erf)  }
0x234: {  	[tilespmem:v53+s15+$0x0] =	vst.idx.msk $0xffff, v63  }
0x235: {  	v1 =	vld.idx.msk [tilespmem:v58+s15+$0x0], $0xffff;
	_ =	sdelay $0x2  }
0x236: {  	v59 =	vor.u32 $0x3801, v0;
	_ =	sdelay $0x1  }
0x237: {  	v1 =	vmul.f32 v63, v1;
	_ =	sdelay $0x1  }
0x238: {  	[tilespmem:v58+s15+$0x0] =	vst.idx.msk $0xffff, v1  }
0x239: {  	v1 =	vld.idx.msk [tilespmem:v59+s15+$0x0], $0xffff;
	_ =	sdelay $0x2  }
0x23a: {  	v60 =	vor.u32 $0x3802, v0;
	_ =	sdelay $0x1  }
0x23b: {  	v1 =	vmul.f32 v63, v1;
	_ =	sdelay $0x1  }
0x23c: {  	[tilespmem:v59+s15+$0x0] =	vst.idx.msk $0xffff, v1  }
0x23d: {  	v1 =	vld.idx.msk [tilespmem:v60+s15+$0x0], $0xffff;
	_ =	sdelay $0x2  }
0x23e: {  	v61 =	vor.u32 $0x3803, v0;
	_ =	sdelay $0x1  }
0x23f: {  	v1 =	vmul.f32 v63, v1;
	_ =	sdelay $0x1  }
0x240: {  	[tilespmem:v60+s15+$0x0] =	vst.idx.msk $0xffff, v1  }
0x241: {  	v1 =	vld.idx.msk [tilespmem:v61+s15+$0x0], $0xffff;
	_ =	sdelay $0x2  }
0x242: {  	v62 =	vor.u32 $0x3804, v0;
	_ =	sdelay $0x1  }
0x243: {  	v1 =	vmul.f32 v1, v63;
	_ =	sdelay $0x1  }
0x244: {  	[tilespmem:v61+s15+$0x0] =	vst.idx.msk $0xffff, v1  }
0x245: {  	v1 =	vld.idx.msk [tilespmem:v62+s15+$0x0], $0xffff;
	_ =	sdelay $0x2  }
0x246: {  	v11 =	vor.u32 $0x3805, v0;
	_ =	sdelay $0x1  }
0x247: {  	v1 =	vmul.f32 v1, v63;
	_ =	sdelay $0x1  }
0x248: {  	[tilespmem:v62+s15+$0x0] =	vst.idx.msk $0xffff, v1  }
0x249: {  	v1 =	vld.idx.msk [tilespmem:v11+s15+$0x0], $0xffff;
	_ =	sdelay $0x2  }
0x24a: {  	v10 =	vor.u32 $0x3806, v0;
	_ =	sdelay $0x1  }
0x24b: {  	v1 =	vmul.f32 v1, v63;
	_ =	sdelay $0x1  }
0x24c: {  	[tilespmem:v11+s15+$0x0] =	vst.idx.msk $0xffff, v1  }
0x24d: {  	v1 =	vld.idx.msk [tilespmem:v10+s15+$0x0], $0xffff;
	_ =	sdelay $0x2  }
0x24e: {  	v9 =	vor.u32 $0x3807, v0;
	_ =	sdelay $0x1  }
0x24f: {  	v1 =	vmul.f32 v1, v63;
	_ =	sdelay $0x1  }
0x250: {  	[tilespmem:v10+s15+$0x0] =	vst.idx.msk $0xffff, v1  }
0x251: {  	v1 =	vld.idx.msk [tilespmem:v9+s15+$0x0], $0xffff;
	_ =	sdelay $0x2  }
0x252: {  	v8 =	vor.u32 $0x3808, v0;
	_ =	sdelay $0x1  }
0x253: {  	v1 =	vmul.f32 v1, v63;
	_ =	sdelay $0x1  }
0x254: {  	[tilespmem:v9+s15+$0x0] =	vst.idx.msk $0xffff, v1  }
0x255: {  	v1 =	vld.idx.msk [tilespmem:v8+s15+$0x0], $0xffff;
	_ =	sdelay $0x2  }
0x256: {  	v7 =	vor.u32 $0x3809, v0;
	_ =	sdelay $0x1  }
0x257: {  	v1 =	vmul.f32 v1, v63;
	_ =	sdelay $0x1  }
0x258: {  	[tilespmem:v8+s15+$0x0] =	vst.idx.msk $0xffff, v1  }
0x259: {  	v1 =	vld.idx.msk [tilespmem:v7+s15+$0x0], $0xffff;
	_ =	sdelay $0x2  }
0x25a: {  	v6 =	vor.u32 $0x380A, v0;
	_ =	sdelay $0x1  }
0x25b: {  	v1 =	vmul.f32 v1, v63;
	_ =	sdelay $0x1  }
0x25c: {  	[tilespmem:v7+s15+$0x0] =	vst.idx.msk $0xffff, v1  }
0x25d: {  	v1 =	vld.idx.msk [tilespmem:v6+s15+$0x0], $0xffff;
	_ =	sdelay $0x2  }
0x25e: {  	v5 =	vor.u32 $0x380B, v0;
	_ =	sdelay $0x1  }
0x25f: {  	v1 =	vmul.f32 v1, v63;
	_ =	sdelay $0x1  }
0x260: {  	[tilespmem:v6+s15+$0x0] =	vst.idx.msk $0xffff, v1  }
0x261: {  	v1 =	vld.idx.msk [tilespmem:v5+s15+$0x0], $0xffff;
	_ =	sdelay $0x2  }
0x262: {  	[tilespmem:$0x1FC80] =	vst v4;
	v4 =	vor.u32 $0x380C, v0;
	_ =	sdelay $0x1  }
0x263: {  	v1 =	vmul.f32 v1, v63;
	_ =	sdelay $0x1  }
0x264: {  	[tilespmem:v5+s15+$0x0] =	vst.idx.msk $0xffff, v1  }
0x265: {  	v1 =	vld.idx.msk [tilespmem:v4+s15+$0x0], $0xffff;
	_ =	sdelay $0x2  }
0x266: {  	[tilespmem:$0x1FC90] =	vst v3;
	v3 =	vor.u32 $0x380D, v0;
	_ =	sdelay $0x1  }
0x267: {  	v1 =	vmul.f32 v1, v63;
	_ =	sdelay $0x1  }
0x268: {  	[tilespmem:v4+s15+$0x0] =	vst.idx.msk $0xffff, v1  }
0x269: {  	v1 =	vld.idx.msk [tilespmem:v3+s15+$0x0], $0xffff;
	_ =	sdelay $0x2  }
0x26a: {  	v15 =	vor.u32 $0x380E, v0;
	_ =	sdelay $0x1  }
0x26b: {  	v1 =	vmul.f32 v1, v63;
	_ =	sdelay $0x1  }
0x26c: {  	[tilespmem:v3+s15+$0x0] =	vst.idx.msk $0xffff, v1  }
0x26d: {  	v12 =	vld.idx.msk [tilespmem:v15+s15+$0x0], $0xffff;
	_ =	sdelay $0x2  }
0x26e: {  	v1 =	vor.u32 $0x380F, v0;
	_ =	sdelay $0x1  }
0x26f: {  	v12 =	vmul.f32 v12, v63;
	_ =	sdelay $0x1  }
0x270: {  	[tilespmem:v15+s15+$0x0] =	vst.idx.msk $0xffff, v12  }
0x271: {  	v12 =	vld.idx.msk [tilespmem:v1+s15+$0x0], $0xffff;
	_ =	sdelay $0x4  }
0x272: {  	v12 =	vmul.f32 v12, v63;
	_ =	sdelay $0x1  }
0x273: {  	[tilespmem:v1+s15+$0x0] =	vst.idx.msk $0xffff, v12  }
0x274: {  	[hbm4b:s20+s3] =	stream.linear.scatter [tilespmem:s15], [sflag:$0x3], $0x4000, $0x38;
	[tilespmem:$0xD080] =	vst v63  }
0x275: {  	p0 =	seq.s32 s21, $0x4C00;
	_ =	swait.ge [sflag:s10], $0x4000  }
0x276: {  	s24 =	simm.s32 @!p0 $0x80;
	s23 =	sshra.s32 @!p0 s21, $0x2;
	[sflag:s10] =	ssyncset.done $0x0  }
0x277: {  	s25 =	simm.s32 @!p0 $0x5080;
	s23 =	sadd.s32 @!p0 $0x2980, s23;
	[sflag:s10] =	ssyncadd.s32 $0xFFFFC000  }
0x278: {  	[tilespmem:s25], [sflag:$0x1] =	stream.indirect.gather @!p0 [hbm4b:s4+s24], $0x80, s23, s24, $0xb8;
	[tilespmem:$0xD080] =	vst v63  }
0x279: {  	_ =	swait.ge [sflag:s18], $0x4000  }
0x27a: {  	[sflag:s18] =	ssyncset.done $0x0  }
0x27b: {  	v63 =	vld [tilespmem:$0x1FCB0];
	[sflag:s18] =	ssyncadd.s32 $0xFFFFC000  }
0x27c: {  	v12 =	vld [tilespmem:s22+$0x3D00];
	_ =	sdelay $0x6  }
0x27d: {  	v63 =	vld.idx.msk [tilespmem:v63+s16+$0x0], $0xffff  }
0x27e: {  	v12 =	vld.idx.msk [tilespmem:v12+s3+$0x0], $0xffff;
	_ =	sdelay $0x4  }
0x27f: {  	v12 =	vadd.f32 v12, v63;
	_ =	sdelay $0x1  }
0x280: {  	v63 =	vmul.f32 $2.000000030e-01, v12;
	_ =	sdelay $0x1  }
0x281: {  	v12 =	vmax.f32 v12, v63  }
0x282: {  	v12 =	vsub.f32 v12, v13;
	_ =	sdelay $0x1  }
0x283: {  	v12 =	vmul.f32 $1.442695020e+00, v12;
	_ =	sdelay $0x1  }
0x284: {  	(erf) = vpow2.f32 v12;
	_ =	sdelay $0x1  }
0x285: {  	v63 =	vld [tilespmem:$0x1FCB0];
	_ =	sdelay $0x6  }
0x286: {  	v12 =	vpop (erf)  }
0x287: {  	[tilespmem:v63+s16+$0x0] =	vst.idx.msk $0xffff, v12  }
0x288: {  	v63 =	vld.idx.msk [tilespmem:v0+s16+$0x0], $0xffff;
	_ =	sdelay $0x4  }
0x289: {  	v63 =	vmul.f32 v12, v63;
	_ =	sdelay $0x1  }
0x28a: {  	[tilespmem:v0+s16+$0x0] =	vst.idx.msk $0xffff, v63;
	v63 =	vld [tilespmem:$0x1FCC0];
	_ =	sdelay $0x6  }
0x28b: {  	v14 =	vld [tilespmem:$0x1FCC0]  }
0x28c: {  	v63 =	vld.idx.msk [tilespmem:v63+s16+$0x0], $0xffff;
	_ =	sdelay $0x4  }
0x28d: {  	v63 =	vmul.f32 v12, v63;
	_ =	sdelay $0x1  }
0x28e: {  	[tilespmem:v14+s16+$0x0] =	vst.idx.msk $0xffff, v63;
	v14 =	vld [tilespmem:$0x1FCD0];
	_ =	sdelay $0x7  }
0x28f: {  	v63 =	vld.idx.msk [tilespmem:v14+s16+$0x0], $0xffff  }
0x290: {  	v14 =	vld [tilespmem:$0x1FCD0];
	_ =	sdelay $0x5  }
0x291: {  	v63 =	vmul.f32 v12, v63;
	_ =	sdelay $0x1  }
0x292: {  	[tilespmem:v14+s16+$0x0] =	vst.idx.msk $0xffff, v63;
	v14 =	vld [tilespmem:$0x1FCE0];
	_ =	sdelay $0x7  }
0x293: {  	v63 =	vld.idx.msk [tilespmem:v14+s16+$0x0], $0xffff  }
0x294: {  	v14 =	vld [tilespmem:$0x1FCE0];
	_ =	sdelay $0x5  }
0x295: {  	v63 =	vmul.f32 v63, v12;
	_ =	sdelay $0x1  }
0x296: {  	[tilespmem:v14+s16+$0x0] =	vst.idx.msk $0xffff, v63;
	v14 =	vld [tilespmem:$0x1FCF0];
	_ =	sdelay $0x7  }
0x297: {  	v63 =	vld.idx.msk [tilespmem:v14+s16+$0x0], $0xffff  }
0x298: {  	v14 =	vld [tilespmem:$0x1FCF0];
	_ =	sdelay $0x5  }
0x299: {  	v63 =	vmul.f32 v63, v12;
	_ =	sdelay $0x1  }
0x29a: {  	[tilespmem:v14+s16+$0x0] =	vst.idx.msk $0xffff, v63;
	v14 =	vld [tilespmem:$0x1FD00];
	_ =	sdelay $0x7  }
0x29b: {  	v63 =	vld.idx.msk [tilespmem:v14+s16+$0x0], $0xffff  }
0x29c: {  	v14 =	vld [tilespmem:$0x1FD00];
	_ =	sdelay $0x5  }
0x29d: {  	v63 =	vmul.f32 v63, v12;
	_ =	sdelay $0x1  }
0x29e: {  	[tilespmem:v14+s16+$0x0] =	vst.idx.msk $0xffff, v63;
	v14 =	vld [tilespmem:$0x1FD10];
	_ =	sdelay $0x7  }
0x29f: {  	v63 =	vld.idx.msk [tilespmem:v14+s16+$0x0], $0xffff  }
0x2a0: {  	v14 =	vld [tilespmem:$0x1FD10];
	_ =	sdelay $0x5  }
0x2a1: {  	v63 =	vmul.f32 v63, v12;
	_ =	sdelay $0x1  }
0x2a2: {  	[tilespmem:v14+s16+$0x0] =	vst.idx.msk $0xffff, v63;
	v14 =	vld [tilespmem:$0x1FD20];
	_ =	sdelay $0x7  }
0x2a3: {  	v63 =	vld.idx.msk [tilespmem:v14+s16+$0x0], $0xffff  }
0x2a4: {  	v14 =	vld [tilespmem:$0x1FD20];
	_ =	sdelay $0x5  }
0x2a5: {  	v63 =	vmul.f32 v63, v12;
	_ =	sdelay $0x1  }
0x2a6: {  	[tilespmem:v14+s16+$0x0] =	vst.idx.msk $0xffff, v63;
	v14 =	vld [tilespmem:$0x1FD30];
	_ =	sdelay $0x7  }
0x2a7: {  	v63 =	vld.idx.msk [tilespmem:v14+s16+$0x0], $0xffff  }
0x2a8: {  	v14 =	vld [tilespmem:$0x1FD30];
	_ =	sdelay $0x5  }
0x2a9: {  	v63 =	vmul.f32 v63, v12;
	_ =	sdelay $0x1  }
0x2aa: {  	[tilespmem:v14+s16+$0x0] =	vst.idx.msk $0xffff, v63;
	v14 =	vld [tilespmem:$0x1FD40];
	_ =	sdelay $0x7  }
0x2ab: {  	v63 =	vld.idx.msk [tilespmem:v14+s16+$0x0], $0xffff  }
0x2ac: {  	v14 =	vld [tilespmem:$0x1FD40];
	_ =	sdelay $0x5  }
0x2ad: {  	v63 =	vmul.f32 v63, v12;
	_ =	sdelay $0x1  }
0x2ae: {  	[tilespmem:v14+s16+$0x0] =	vst.idx.msk $0xffff, v63;
	v14 =	vld [tilespmem:$0x1FD50];
	_ =	sdelay $0x6  }
0x2af: {  	v17 =	vmov v16;
	v16 =	vmov v19;
	v19 =	vmov v18  }
0x2b0: {  	v63 =	vld.idx.msk [tilespmem:v14+s16+$0x0], $0xffff  }
0x2b1: {  	v14 =	vld [tilespmem:$0x1FD50]  }
0x2b2: {  	v18 =	vmov v19;
	v19 =	vmov v16;
	v16 =	vmov v17;
	v17 =	vld [tilespmem:$0x1FFF0];
	_ =	sdelay $0x4  }
0x2b3: {  	v63 =	vmul.f32 v63, v12;
	_ =	sdelay $0x1  }
0x2b4: {  	[tilespmem:v14+s16+$0x0] =	vst.idx.msk $0xffff, v63  }
0x2b5: {  	v63 =	vld.idx.msk [tilespmem:v17+s16+$0x0], $0xffff;
	_ =	sdelay $0x4  }
0x2b6: {  	v63 =	vmul.f32 v63, v12;
	_ =	sdelay $0x1  }
0x2b7: {  	[tilespmem:v17+s16+$0x0] =	vst.idx.msk $0xffff, v63  }
0x2b8: {  	v63 =	vld.idx.msk [tilespmem:v16+s16+$0x0], $0xffff;
	_ =	sdelay $0x4  }
0x2b9: {  	v63 =	vmul.f32 v63, v12;
	_ =	sdelay $0x1  }
0x2ba: {  	[tilespmem:v16+s16+$0x0] =	vst.idx.msk $0xffff, v63  }
0x2bb: {  	v63 =	vld.idx.msk [tilespmem:v19+s16+$0x0], $0xffff;
	_ =	sdelay $0x4  }
0x2bc: {  	v63 =	vmul.f32 v63, v12;
	_ =	sdelay $0x1  }
0x2bd: {  	[tilespmem:v19+s16+$0x0] =	vst.idx.msk $0xffff, v63  }
0x2be: {  	v63 =	vld.idx.msk [tilespmem:v18+s16+$0x0], $0xffff;
	_ =	sdelay $0x4  }
0x2bf: {  	v63 =	vmul.f32 v63, v12;
	_ =	sdelay $0x1  }
0x2c0: {  	[tilespmem:v18+s16+$0x0] =	vst.idx.msk $0xffff, v63  }
0x2c1: {  	v63 =	vld.idx.msk [tilespmem:v21+s16+$0x0], $0xffff;
	_ =	sdelay $0x4  }
0x2c2: {  	v12 =	vmul.f32 v63, v12;
	_ =	sdelay $0x1  }
0x2c3: {  	[tilespmem:v21+s16+$0x0] =	vst.idx.msk $0xffff, v12  }
0x2c4: {  	v12 =	vld [tilespmem:s22+$0x3D10];
	_ =	sdelay $0x6  }
0x2c5: {  	v63 =	vld.idx.msk [tilespmem:v20+s16+$0x0], $0xffff  }
0x2c6: {  	v12 =	vld.idx.msk [tilespmem:v12+s3+$0x0], $0xffff;
	_ =	sdelay $0x4  }
0x2c7: {  	v12 =	vadd.f32 v12, v63;
	_ =	sdelay $0x1  }
0x2c8: {  	v63 =	vmul.f32 $2.000000030e-01, v12;
	_ =	sdelay $0x1  }
0x2c9: {  	v12 =	vmax.f32 v12, v63  }
0x2ca: {  	v12 =	vsub.f32 v12, v13;
	_ =	sdelay $0x1  }
0x2cb: {  	v12 =	vmul.f32 $1.442695020e+00, v12;
	_ =	sdelay $0x1  }
0x2cc: {  	(erf) = vpow2.f32 v12;
	_ =	sdelay $0x8  }
0x2cd: {  	v12 =	vpop (erf)  }
0x2ce: {  	[tilespmem:v20+s16+$0x0] =	vst.idx.msk $0xffff, v12  }
0x2cf: {  	v63 =	vld.idx.msk [tilespmem:v23+s16+$0x0], $0xffff;
	_ =	sdelay $0x4  }
0x2d0: {  	v63 =	vmul.f32 v12, v63;
	_ =	sdelay $0x1  }
0x2d1: {  	v14 =	vld [tilespmem:$0x1FFD0];
	[tilespmem:v23+s16+$0x0] =	vst.idx.msk $0xffff, v63  }
0x2d2: {  	v63 =	vld.idx.msk [tilespmem:v22+s16+$0x0], $0xffff;
	_ =	sdelay $0x4  }
0x2d3: {  	v63 =	vmul.f32 v12, v63;
	_ =	sdelay $0x1  }
0x2d4: {  	[tilespmem:v22+s16+$0x0] =	vst.idx.msk $0xffff, v63  }
0x2d5: {  	v63 =	vld.idx.msk [tilespmem:v14+s16+$0x0], $0xffff  }
0x2d6: {  	v14 =	vld [tilespmem:$0x1FFD0];
	_ =	sdelay $0x5  }
0x2d7: {  	v63 =	vmul.f32 v12, v63;
	_ =	sdelay $0x1  }
0x2d8: {  	[tilespmem:v14+s16+$0x0] =	vst.idx.msk $0xffff, v63;
	v14 =	vld [tilespmem:$0x1FD60]  }
0x2d9: {  	v63 =	vld.idx.msk [tilespmem:v24+s16+$0x0], $0xffff;
	_ =	sdelay $0x4  }
0x2da: {  	v63 =	vmul.f32 v63, v12;
	_ =	sdelay $0x1  }
0x2db: {  	[tilespmem:v24+s16+$0x0] =	vst.idx.msk $0xffff, v63  }
0x2dc: {  	v63 =	vld.idx.msk [tilespmem:v14+s16+$0x0], $0xffff  }
0x2dd: {  	v14 =	vld [tilespmem:$0x1FD60];
	_ =	sdelay $0x5  }
0x2de: {  	v63 =	vmul.f32 v63, v12;
	_ =	sdelay $0x1  }
0x2df: {  	[tilespmem:v14+s16+$0x0] =	vst.idx.msk $0xffff, v63;
	v14 =	vld [tilespmem:$0x1FD70];
	_ =	sdelay $0x7  }
0x2e0: {  	v63 =	vld.idx.msk [tilespmem:v14+s16+$0x0], $0xffff  }
0x2e1: {  	v14 =	vld [tilespmem:$0x1FD70];
	_ =	sdelay $0x5  }
0x2e2: {  	v63 =	vmul.f32 v63, v12;
	_ =	sdelay $0x1  }
0x2e3: {  	[tilespmem:v14+s16+$0x0] =	vst.idx.msk $0xffff, v63;
	v14 =	vld [tilespmem:$0x1FD80];
	_ =	sdelay $0x7  }
0x2e4: {  	v63 =	vld.idx.msk [tilespmem:v14+s16+$0x0], $0xffff  }
0x2e5: {  	v14 =	vld [tilespmem:$0x1FD80];
	_ =	sdelay $0x5  }
0x2e6: {  	v63 =	vmul.f32 v63, v12;
	_ =	sdelay $0x1  }
0x2e7: {  	[tilespmem:v14+s16+$0x0] =	vst.idx.msk $0xffff, v63;
	v14 =	vld [tilespmem:$0x1FD90];
	_ =	sdelay $0x7  }
0x2e8: {  	v63 =	vld.idx.msk [tilespmem:v14+s16+$0x0], $0xffff  }
0x2e9: {  	v14 =	vld [tilespmem:$0x1FD90];
	_ =	sdelay $0x5  }
0x2ea: {  	v63 =	vmul.f32 v63, v12;
	_ =	sdelay $0x1  }
0x2eb: {  	[tilespmem:v14+s16+$0x0] =	vst.idx.msk $0xffff, v63;
	v14 =	vld [tilespmem:$0x1FDA0];
	_ =	sdelay $0x7  }
0x2ec: {  	v63 =	vld.idx.msk [tilespmem:v14+s16+$0x0], $0xffff  }
0x2ed: {  	v14 =	vld [tilespmem:$0x1FDA0];
	_ =	sdelay $0x5  }
0x2ee: {  	v63 =	vmul.f32 v63, v12;
	_ =	sdelay $0x1  }
0x2ef: {  	[tilespmem:v14+s16+$0x0] =	vst.idx.msk $0xffff, v63;
	v14 =	vld [tilespmem:$0x1FDB0];
	_ =	sdelay $0x7  }
0x2f0: {  	v63 =	vld.idx.msk [tilespmem:v14+s16+$0x0], $0xffff  }
0x2f1: {  	v14 =	vld [tilespmem:$0x1FDB0];
	_ =	sdelay $0x5  }
0x2f2: {  	v63 =	vmul.f32 v63, v12;
	_ =	sdelay $0x1  }
0x2f3: {  	[tilespmem:v14+s16+$0x0] =	vst.idx.msk $0xffff, v63;
	v14 =	vld [tilespmem:$0x1FDC0];
	_ =	sdelay $0x7  }
0x2f4: {  	v63 =	vld.idx.msk [tilespmem:v14+s16+$0x0], $0xffff  }
0x2f5: {  	v14 =	vld [tilespmem:$0x1FDC0];
	_ =	sdelay $0x5  }
0x2f6: {  	v63 =	vmul.f32 v63, v12;
	_ =	sdelay $0x1  }
0x2f7: {  	[tilespmem:v14+s16+$0x0] =	vst.idx.msk $0xffff, v63;
	v14 =	vld [tilespmem:$0x1FDD0];
	_ =	sdelay $0x7  }
0x2f8: {  	v63 =	vld.idx.msk [tilespmem:v14+s16+$0x0], $0xffff  }
0x2f9: {  	v14 =	vld [tilespmem:$0x1FDD0];
	_ =	sdelay $0x5  }
0x2fa: {  	v63 =	vmul.f32 v63, v12;
	_ =	sdelay $0x1  }
0x2fb: {  	[tilespmem:v14+s16+$0x0] =	vst.idx.msk $0xffff, v63;
	v14 =	vld [tilespmem:$0x1FDE0];
	_ =	sdelay $0x7  }
0x2fc: {  	v63 =	vld.idx.msk [tilespmem:v14+s16+$0x0], $0xffff  }
0x2fd: {  	v14 =	vld [tilespmem:$0x1FDE0];
	_ =	sdelay $0x5  }
0x2fe: {  	v63 =	vmul.f32 v63, v12;
	_ =	sdelay $0x1  }
0x2ff: {  	[tilespmem:v14+s16+$0x0] =	vst.idx.msk $0xffff, v63;
	v14 =	vld [tilespmem:$0x1FDF0];
	_ =	sdelay $0x7  }
0x300: {  	v63 =	vld.idx.msk [tilespmem:v14+s16+$0x0], $0xffff  }
0x301: {  	v14 =	vld [tilespmem:$0x1FDF0];
	_ =	sdelay $0x5  }
0x302: {  	v63 =	vmul.f32 v63, v12;
	_ =	sdelay $0x1  }
0x303: {  	[tilespmem:v14+s16+$0x0] =	vst.idx.msk $0xffff, v63;
	v14 =	vld [tilespmem:$0x1FE00];
	_ =	sdelay $0x7  }
0x304: {  	v63 =	vld.idx.msk [tilespmem:v14+s16+$0x0], $0xffff  }
0x305: {  	v14 =	vld [tilespmem:$0x1FE00];
	_ =	sdelay $0x5  }
0x306: {  	v63 =	vmul.f32 v63, v12;
	_ =	sdelay $0x1  }
0x307: {  	[tilespmem:v14+s16+$0x0] =	vst.idx.msk $0xffff, v63;
	v14 =	vld [tilespmem:$0x1FE10];
	_ =	sdelay $0x7  }
0x308: {  	v63 =	vld.idx.msk [tilespmem:v14+s16+$0x0], $0xffff  }
0x309: {  	v14 =	vld [tilespmem:$0x1FE10];
	_ =	sdelay $0x5  }
0x30a: {  	v12 =	vmul.f32 v63, v12;
	_ =	sdelay $0x1  }
0x30b: {  	[tilespmem:v14+s16+$0x0] =	vst.idx.msk $0xffff, v12;
	v14 =	vld [tilespmem:$0x1FE20]  }
0x30c: {  	v12 =	vld [tilespmem:s22+$0x3D20];
	_ =	sdelay $0x6  }
0x30d: {  	v63 =	vld.idx.msk [tilespmem:v14+s16+$0x0], $0xffff  }
0x30e: {  	v12 =	vld.idx.msk [tilespmem:v12+s3+$0x0], $0xffff;
	_ =	sdelay $0x4  }
0x30f: {  	v12 =	vadd.f32 v12, v63;
	_ =	sdelay $0x1  }
0x310: {  	v63 =	vmul.f32 $2.000000030e-01, v12;
	_ =	sdelay $0x1  }
0x311: {  	v12 =	vmax.f32 v12, v63  }
0x312: {  	v12 =	vsub.f32 v12, v13;
	_ =	sdelay $0x1  }
0x313: {  	v12 =	vmul.f32 $1.442695020e+00, v12;
	_ =	sdelay $0x1  }
0x314: {  	(erf) = vpow2.f32 v12;
	_ =	sdelay $0x1  }
0x315: {  	v14 =	vld [tilespmem:$0x1FE20];
	_ =	sdelay $0x6  }
0x316: {  	v12 =	vpop (erf)  }
0x317: {  	[tilespmem:v14+s16+$0x0] =	vst.idx.msk $0xffff, v12;
	v14 =	vld [tilespmem:$0x1FE30];
	_ =	sdelay $0x7  }
0x318: {  	v63 =	vld.idx.msk [tilespmem:v14+s16+$0x0], $0xffff  }
0x319: {  	v14 =	vld [tilespmem:$0x1FE30];
	_ =	sdelay $0x5  }
0x31a: {  	v63 =	vmul.f32 v12, v63;
	_ =	sdelay $0x1  }
0x31b: {  	[tilespmem:v14+s16+$0x0] =	vst.idx.msk $0xffff, v63;
	v14 =	vld [tilespmem:$0x1FE40];
	_ =	sdelay $0x7  }
0x31c: {  	v63 =	vld.idx.msk [tilespmem:v14+s16+$0x0], $0xffff  }
0x31d: {  	v14 =	vld [tilespmem:$0x1FE40];
	_ =	sdelay $0x5  }
0x31e: {  	v63 =	vmul.f32 v12, v63;
	_ =	sdelay $0x1  }
0x31f: {  	[tilespmem:v14+s16+$0x0] =	vst.idx.msk $0xffff, v63;
	v14 =	vld [tilespmem:$0x1FE50];
	_ =	sdelay $0x7  }
0x320: {  	v63 =	vld.idx.msk [tilespmem:v14+s16+$0x0], $0xffff  }
0x321: {  	v14 =	vld [tilespmem:$0x1FE50];
	_ =	sdelay $0x5  }
0x322: {  	v63 =	vmul.f32 v12, v63;
	_ =	sdelay $0x1  }
0x323: {  	[tilespmem:v14+s16+$0x0] =	vst.idx.msk $0xffff, v63;
	v14 =	vld [tilespmem:$0x1FE60];
	_ =	sdelay $0x7  }
0x324: {  	v63 =	vld.idx.msk [tilespmem:v14+s16+$0x0], $0xffff  }
0x325: {  	v14 =	vld [tilespmem:$0x1FE60];
	_ =	sdelay $0x5  }
0x326: {  	v63 =	vmul.f32 v63, v12;
	_ =	sdelay $0x1  }
0x327: {  	[tilespmem:v14+s16+$0x0] =	vst.idx.msk $0xffff, v63;
	v14 =	vld [tilespmem:$0x1FE70];
	_ =	sdelay $0x7  }
0x328: {  	v63 =	vld.idx.msk [tilespmem:v14+s16+$0x0], $0xffff  }
0x329: {  	v14 =	vld [tilespmem:$0x1FE70];
	_ =	sdelay $0x5  }
0x32a: {  	v63 =	vmul.f32 v63, v12;
	_ =	sdelay $0x1  }
0x32b: {  	[tilespmem:v14+s16+$0x0] =	vst.idx.msk $0xffff, v63;
	v14 =	vld [tilespmem:$0x1FE80];
	_ =	sdelay $0x7  }
0x32c: {  	v63 =	vld.idx.msk [tilespmem:v14+s16+$0x0], $0xffff  }
0x32d: {  	v14 =	vld [tilespmem:$0x1FE80];
	_ =	sdelay $0x5  }
0x32e: {  	v63 =	vmul.f32 v63, v12;
	_ =	sdelay $0x1  }
0x32f: {  	[tilespmem:v14+s16+$0x0] =	vst.idx.msk $0xffff, v63;
	v14 =	vld [tilespmem:$0x1FE90];
	_ =	sdelay $0x7  }
0x330: {  	v63 =	vld.idx.msk [tilespmem:v14+s16+$0x0], $0xffff  }
0x331: {  	v14 =	vld [tilespmem:$0x1FE90];
	_ =	sdelay $0x5  }
0x332: {  	v63 =	vmul.f32 v63, v12;
	_ =	sdelay $0x1  }
0x333: {  	[tilespmem:v14+s16+$0x0] =	vst.idx.msk $0xffff, v63;
	v14 =	vld [tilespmem:$0x1FEA0];
	_ =	sdelay $0x7  }
0x334: {  	v63 =	vld.idx.msk [tilespmem:v14+s16+$0x0], $0xffff  }
0x335: {  	v14 =	vld [tilespmem:$0x1FEA0];
	_ =	sdelay $0x5  }
0x336: {  	v63 =	vmul.f32 v63, v12;
	_ =	sdelay $0x1  }
0x337: {  	[tilespmem:v14+s16+$0x0] =	vst.idx.msk $0xffff, v63;
	v14 =	vld [tilespmem:$0x1FEB0];
	_ =	sdelay $0x7  }
0x338: {  	v63 =	vld.idx.msk [tilespmem:v14+s16+$0x0], $0xffff  }
0x339: {  	v14 =	vld [tilespmem:$0x1FEB0];
	_ =	sdelay $0x5  }
0x33a: {  	v63 =	vmul.f32 v63, v12;
	_ =	sdelay $0x1  }
0x33b: {  	[tilespmem:v14+s16+$0x0] =	vst.idx.msk $0xffff, v63;
	v14 =	vld [tilespmem:$0x1FEC0];
	_ =	sdelay $0x7  }
0x33c: {  	v63 =	vld.idx.msk [tilespmem:v14+s16+$0x0], $0xffff  }
0x33d: {  	v14 =	vld [tilespmem:$0x1FEC0];
	_ =	sdelay $0x5  }
0x33e: {  	v63 =	vmul.f32 v63, v12;
	_ =	sdelay $0x1  }
0x33f: {  	[tilespmem:v14+s16+$0x0] =	vst.idx.msk $0xffff, v63;
	v14 =	vld [tilespmem:$0x1FED0];
	_ =	sdelay $0x7  }
0x340: {  	v63 =	vld.idx.msk [tilespmem:v14+s16+$0x0], $0xffff  }
0x341: {  	v14 =	vld [tilespmem:$0x1FED0];
	_ =	sdelay $0x5  }
0x342: {  	v63 =	vmul.f32 v63, v12;
	_ =	sdelay $0x1  }
0x343: {  	[tilespmem:v14+s16+$0x0] =	vst.idx.msk $0xffff, v63;
	v14 =	vld [tilespmem:$0x1FEE0];
	_ =	sdelay $0x7  }
0x344: {  	v63 =	vld.idx.msk [tilespmem:v14+s16+$0x0], $0xffff  }
0x345: {  	v14 =	vld [tilespmem:$0x1FEE0];
	_ =	sdelay $0x5  }
0x346: {  	v63 =	vmul.f32 v63, v12;
	_ =	sdelay $0x1  }
0x347: {  	[tilespmem:v14+s16+$0x0] =	vst.idx.msk $0xffff, v63;
	v14 =	vld [tilespmem:$0x1FEF0];
	_ =	sdelay $0x7  }
0x348: {  	v63 =	vld.idx.msk [tilespmem:v14+s16+$0x0], $0xffff  }
0x349: {  	v14 =	vld [tilespmem:$0x1FEF0];
	_ =	sdelay $0x5  }
0x34a: {  	v63 =	vmul.f32 v63, v12;
	_ =	sdelay $0x1  }
0x34b: {  	[tilespmem:v14+s16+$0x0] =	vst.idx.msk $0xffff, v63;
	v14 =	vld [tilespmem:$0x1FF00];
	_ =	sdelay $0x7  }
0x34c: {  	v63 =	vld.idx.msk [tilespmem:v14+s16+$0x0], $0xffff  }
0x34d: {  	v14 =	vld [tilespmem:$0x1FF00];
	_ =	sdelay $0x5  }
0x34e: {  	v63 =	vmul.f32 v63, v12;
	_ =	sdelay $0x1  }
0x34f: {  	[tilespmem:v14+s16+$0x0] =	vst.idx.msk $0xffff, v63;
	v14 =	vld [tilespmem:$0x1FF10];
	_ =	sdelay $0x7  }
0x350: {  	v63 =	vld.idx.msk [tilespmem:v14+s16+$0x0], $0xffff  }
0x351: {  	v14 =	vld [tilespmem:$0x1FF10];
	_ =	sdelay $0x5  }
0x352: {  	v63 =	vmul.f32 v63, v12;
	_ =	sdelay $0x1  }
0x353: {  	[tilespmem:v14+s16+$0x0] =	vst.idx.msk $0xffff, v63;
	v14 =	vld [tilespmem:$0x1FF20];
	_ =	sdelay $0x7  }
0x354: {  	v63 =	vld.idx.msk [tilespmem:v14+s16+$0x0], $0xffff  }
0x355: {  	v14 =	vld [tilespmem:$0x1FF20];
	_ =	sdelay $0x5  }
0x356: {  	v12 =	vmul.f32 v63, v12;
	_ =	sdelay $0x1  }
0x357: {  	[tilespmem:v14+s16+$0x0] =	vst.idx.msk $0xffff, v12;
	v14 =	vld [tilespmem:$0x1FF30]  }
0x358: {  	v12 =	vld [tilespmem:s22+$0x3D30];
	_ =	sdelay $0x6  }
0x359: {  	v63 =	vld.idx.msk [tilespmem:v14+s16+$0x0], $0xffff  }
0x35a: {  	v12 =	vld.idx.msk [tilespmem:v12+s3+$0x0], $0xffff;
	_ =	sdelay $0x4  }
0x35b: {  	v12 =	vadd.f32 v12, v63;
	_ =	sdelay $0x1  }
0x35c: {  	v63 =	vmul.f32 $2.000000030e-01, v12;
	_ =	sdelay $0x1  }
0x35d: {  	v12 =	vmax.f32 v12, v63  }
0x35e: {  	v12 =	vsub.f32 v12, v13;
	_ =	sdelay $0x1  }
0x35f: {  	v12 =	vmul.f32 $1.442695020e+00, v12;
	_ =	sdelay $0x1  }
0x360: {  	(erf) = vpow2.f32 v12;
	_ =	sdelay $0x1  }
0x361: {  	v14 =	vld [tilespmem:$0x1FF30];
	_ =	sdelay $0x6  }
0x362: {  	v12 =	vpop (erf)  }
0x363: {  	[tilespmem:v14+s16+$0x0] =	vst.idx.msk $0xffff, v12;
	v14 =	vld [tilespmem:$0x1FF40];
	_ =	sdelay $0x7  }
0x364: {  	v63 =	vld.idx.msk [tilespmem:v14+s16+$0x0], $0xffff  }
0x365: {  	v14 =	vld [tilespmem:$0x1FF40];
	_ =	sdelay $0x5  }
0x366: {  	v63 =	vmul.f32 v12, v63;
	_ =	sdelay $0x1  }
0x367: {  	[tilespmem:v14+s16+$0x0] =	vst.idx.msk $0xffff, v63;
	v14 =	vld [tilespmem:$0x1FF50];
	_ =	sdelay $0x7  }
0x368: {  	v63 =	vld.idx.msk [tilespmem:v14+s16+$0x0], $0xffff  }
0x369: {  	v14 =	vld [tilespmem:$0x1FF50];
	_ =	sdelay $0x5  }
0x36a: {  	v63 =	vmul.f32 v12, v63;
	_ =	sdelay $0x1  }
0x36b: {  	[tilespmem:v14+s16+$0x0] =	vst.idx.msk $0xffff, v63;
	v14 =	vld [tilespmem:$0x1FF60];
	_ =	sdelay $0x7  }
0x36c: {  	v63 =	vld.idx.msk [tilespmem:v14+s16+$0x0], $0xffff  }
0x36d: {  	v14 =	vld [tilespmem:$0x1FF60];
	_ =	sdelay $0x5  }
0x36e: {  	v63 =	vmul.f32 v12, v63;
	_ =	sdelay $0x1  }
0x36f: {  	[tilespmem:v14+s16+$0x0] =	vst.idx.msk $0xffff, v63;
	v14 =	vld [tilespmem:$0x1FF70];
	_ =	sdelay $0x7  }
0x370: {  	v63 =	vld.idx.msk [tilespmem:v14+s16+$0x0], $0xffff  }
0x371: {  	v14 =	vld [tilespmem:$0x1FF70];
	_ =	sdelay $0x5  }
0x372: {  	v63 =	vmul.f32 v63, v12;
	_ =	sdelay $0x1  }
0x373: {  	[tilespmem:v14+s16+$0x0] =	vst.idx.msk $0xffff, v63;
	v14 =	vld [tilespmem:$0x1FF80];
	_ =	sdelay $0x7  }
0x374: {  	v63 =	vld.idx.msk [tilespmem:v14+s16+$0x0], $0xffff  }
0x375: {  	v14 =	vld [tilespmem:$0x1FF80];
	_ =	sdelay $0x5  }
0x376: {  	v63 =	vmul.f32 v63, v12;
	_ =	sdelay $0x1  }
0x377: {  	[tilespmem:v14+s16+$0x0] =	vst.idx.msk $0xffff, v63;
	v14 =	vld [tilespmem:$0x1FF90];
	_ =	sdelay $0x7  }
0x378: {  	v63 =	vld.idx.msk [tilespmem:v14+s16+$0x0], $0xffff  }
0x379: {  	v14 =	vld [tilespmem:$0x1FF90];
	_ =	sdelay $0x5  }
0x37a: {  	v63 =	vmul.f32 v63, v12;
	_ =	sdelay $0x1  }
0x37b: {  	[tilespmem:v14+s16+$0x0] =	vst.idx.msk $0xffff, v63;
	v14 =	vld [tilespmem:$0x1FFA0];
	_ =	sdelay $0x7  }
0x37c: {  	v63 =	vld.idx.msk [tilespmem:v14+s16+$0x0], $0xffff  }
0x37d: {  	v14 =	vld [tilespmem:$0x1FFA0];
	_ =	sdelay $0x5  }
0x37e: {  	v63 =	vmul.f32 v63, v12;
	_ =	sdelay $0x1  }
0x37f: {  	[tilespmem:v14+s16+$0x0] =	vst.idx.msk $0xffff, v63;
	v14 =	vld [tilespmem:$0x1FFB0];
	_ =	sdelay $0x7  }
0x380: {  	v63 =	vld.idx.msk [tilespmem:v14+s16+$0x0], $0xffff  }
0x381: {  	v14 =	vld [tilespmem:$0x1FFB0];
	_ =	sdelay $0x5  }
0x382: {  	v63 =	vmul.f32 v63, v12;
	_ =	sdelay $0x1  }
0x383: {  	[tilespmem:v14+s16+$0x0] =	vst.idx.msk $0xffff, v63;
	v14 =	vld [tilespmem:$0x1FFC0];
	_ =	sdelay $0x7  }
0x384: {  	v63 =	vld.idx.msk [tilespmem:v14+s16+$0x0], $0xffff  }
0x385: {  	v14 =	vld [tilespmem:$0x1FFC0];
	_ =	sdelay $0x5  }
0x386: {  	v63 =	vmul.f32 v63, v12;
	_ =	sdelay $0x1  }
0x387: {  	[tilespmem:v14+s16+$0x0] =	vst.idx.msk $0xffff, v63  }
0x388: {  	v63 =	vld.idx.msk [tilespmem:v2+s16+$0x0], $0xffff;
	_ =	sdelay $0x4  }
0x389: {  	v63 =	vmul.f32 v63, v12;
	_ =	sdelay $0x1  }
0x38a: {  	[tilespmem:v2+s16+$0x0] =	vst.idx.msk $0xffff, v63;
	v2 =	vld [tilespmem:$0x1FFE0];
	_ =	sdelay $0x7  }
0x38b: {  	v63 =	vld.idx.msk [tilespmem:v2+s16+$0x0], $0xffff  }
0x38c: {  	v2 =	vld [tilespmem:$0x1FFE0];
	_ =	sdelay $0x5  }
0x38d: {  	v63 =	vmul.f32 v63, v12;
	_ =	sdelay $0x1  }
0x38e: {  	[tilespmem:v2+s16+$0x0] =	vst.idx.msk $0xffff, v63;
	v2 =	vld [tilespmem:$0x1FB20];
	_ =	sdelay $0x7  }
0x38f: {  	v63 =	vld.idx.msk [tilespmem:v2+s16+$0x0], $0xffff;
	_ =	sdelay $0x4  }
0x390: {  	v63 =	vmul.f32 v63, v12;
	_ =	sdelay $0x1  }
0x391: {  	[tilespmem:v2+s16+$0x0] =	vst.idx.msk $0xffff, v63;
	v2 =	vld [tilespmem:$0x1FB30];
	_ =	sdelay $0x7  }
0x392: {  	v63 =	vld.idx.msk [tilespmem:v2+s16+$0x0], $0xffff;
	_ =	sdelay $0x4  }
0x393: {  	v63 =	vmul.f32 v63, v12;
	_ =	sdelay $0x1  }
0x394: {  	[tilespmem:v2+s16+$0x0] =	vst.idx.msk $0xffff, v63;
	v2 =	vld [tilespmem:$0x1FB40];
	_ =	sdelay $0x7  }
0x395: {  	v63 =	vld.idx.msk [tilespmem:v2+s16+$0x0], $0xffff;
	_ =	sdelay $0x4  }
0x396: {  	v63 =	vmul.f32 v63, v12;
	_ =	sdelay $0x1  }
0x397: {  	[tilespmem:v2+s16+$0x0] =	vst.idx.msk $0xffff, v63;
	v2 =	vld [tilespmem:$0x1FB50];
	_ =	sdelay $0x7  }
0x398: {  	v63 =	vld.idx.msk [tilespmem:v2+s16+$0x0], $0xffff;
	_ =	sdelay $0x4  }
0x399: {  	v63 =	vmul.f32 v63, v12;
	_ =	sdelay $0x1  }
0x39a: {  	[tilespmem:v2+s16+$0x0] =	vst.idx.msk $0xffff, v63;
	v2 =	vld [tilespmem:$0x1FB60];
	_ =	sdelay $0x7  }
0x39b: {  	v63 =	vld.idx.msk [tilespmem:v2+s16+$0x0], $0xffff;
	_ =	sdelay $0x4  }
0x39c: {  	v12 =	vmul.f32 v63, v12;
	_ =	sdelay $0x1  }
0x39d: {  	[tilespmem:v2+s16+$0x0] =	vst.idx.msk $0xffff, v12;
	v2 =	vld [tilespmem:$0x1FB70]  }
0x39e: {  	v12 =	vld [tilespmem:s22+$0x3D40];
	_ =	sdelay $0x6  }
0x39f: {  	v63 =	vld.idx.msk [tilespmem:v2+s16+$0x0], $0xffff  }
0x3a0: {  	v12 =	vld.idx.msk [tilespmem:v12+s3+$0x0], $0xffff;
	_ =	sdelay $0x4  }
0x3a1: {  	v12 =	vadd.f32 v12, v63;
	_ =	sdelay $0x1  }
0x3a2: {  	v63 =	vmul.f32 $2.000000030e-01, v12;
	_ =	sdelay $0x1  }
0x3a3: {  	v12 =	vmax.f32 v12, v63  }
0x3a4: {  	v12 =	vsub.f32 v12, v13;
	_ =	sdelay $0x1  }
0x3a5: {  	v12 =	vmul.f32 $1.442695020e+00, v12;
	_ =	sdelay $0x1  }
0x3a6: {  	(erf) = vpow2.f32 v12;
	_ =	sdelay $0x8  }
0x3a7: {  	v12 =	vpop (erf)  }
0x3a8: {  	[tilespmem:v2+s16+$0x0] =	vst.idx.msk $0xffff, v12;
	v2 =	vld [tilespmem:$0x1FB80];
	_ =	sdelay $0x7  }
0x3a9: {  	v63 =	vld.idx.msk [tilespmem:v2+s16+$0x0], $0xffff;
	_ =	sdelay $0x4  }
0x3aa: {  	v63 =	vmul.f32 v12, v63;
	_ =	sdelay $0x1  }
0x3ab: {  	[tilespmem:v2+s16+$0x0] =	vst.idx.msk $0xffff, v63;
	v2 =	vld [tilespmem:$0x1FB90];
	_ =	sdelay $0x7  }
0x3ac: {  	v63 =	vld.idx.msk [tilespmem:v2+s16+$0x0], $0xffff;
	_ =	sdelay $0x4  }
0x3ad: {  	v63 =	vmul.f32 v12, v63;
	_ =	sdelay $0x1  }
0x3ae: {  	[tilespmem:v2+s16+$0x0] =	vst.idx.msk $0xffff, v63;
	v2 =	vld [tilespmem:$0x1FBA0];
	_ =	sdelay $0x7  }
0x3af: {  	v63 =	vld.idx.msk [tilespmem:v2+s16+$0x0], $0xffff;
	_ =	sdelay $0x4  }
0x3b0: {  	v63 =	vmul.f32 v12, v63;
	_ =	sdelay $0x1  }
0x3b1: {  	[tilespmem:v2+s16+$0x0] =	vst.idx.msk $0xffff, v63;
	v2 =	vld [tilespmem:$0x1FBB0];
	_ =	sdelay $0x7  }
0x3b2: {  	v63 =	vld.idx.msk [tilespmem:v2+s16+$0x0], $0xffff;
	_ =	sdelay $0x4  }
0x3b3: {  	v63 =	vmul.f32 v63, v12;
	_ =	sdelay $0x1  }
0x3b4: {  	[tilespmem:v2+s16+$0x0] =	vst.idx.msk $0xffff, v63;
	v2 =	vld [tilespmem:$0x1FBC0];
	_ =	sdelay $0x7  }
0x3b5: {  	v63 =	vld.idx.msk [tilespmem:v2+s16+$0x0], $0xffff;
	_ =	sdelay $0x4  }
0x3b6: {  	v63 =	vmul.f32 v63, v12;
	_ =	sdelay $0x1  }
0x3b7: {  	[tilespmem:v2+s16+$0x0] =	vst.idx.msk $0xffff, v63;
	v2 =	vld [tilespmem:$0x1FBD0];
	_ =	sdelay $0x7  }
0x3b8: {  	v63 =	vld.idx.msk [tilespmem:v2+s16+$0x0], $0xffff;
	_ =	sdelay $0x4  }
0x3b9: {  	v63 =	vmul.f32 v63, v12;
	_ =	sdelay $0x1  }
0x3ba: {  	[tilespmem:v2+s16+$0x0] =	vst.idx.msk $0xffff, v63;
	v2 =	vld [tilespmem:$0x1FBE0];
	_ =	sdelay $0x7  }
0x3bb: {  	v63 =	vld.idx.msk [tilespmem:v2+s16+$0x0], $0xffff;
	_ =	sdelay $0x4  }
0x3bc: {  	v63 =	vmul.f32 v63, v12;
	_ =	sdelay $0x1  }
0x3bd: {  	[tilespmem:v2+s16+$0x0] =	vst.idx.msk $0xffff, v63;
	v2 =	vld [tilespmem:$0x1FBF0];
	_ =	sdelay $0x7  }
0x3be: {  	v63 =	vld.idx.msk [tilespmem:v2+s16+$0x0], $0xffff;
	_ =	sdelay $0x4  }
0x3bf: {  	v63 =	vmul.f32 v63, v12;
	_ =	sdelay $0x1  }
0x3c0: {  	[tilespmem:v2+s16+$0x0] =	vst.idx.msk $0xffff, v63;
	v2 =	vld [tilespmem:$0x1FC00];
	_ =	sdelay $0x7  }
0x3c1: {  	v14 =	vld.idx.msk [tilespmem:v2+s16+$0x0], $0xffff;
	_ =	sdelay $0x4  }
0x3c2: {  	v14 =	vmul.f32 v14, v12;
	_ =	sdelay $0x1  }
0x3c3: {  	[tilespmem:v2+s16+$0x0] =	vst.idx.msk $0xffff, v14;
	v2 =	vld [tilespmem:$0x1FC10];
	_ =	sdelay $0x7  }
0x3c4: {  	v14 =	vld.idx.msk [tilespmem:v2+s16+$0x0], $0xffff;
	_ =	sdelay $0x4  }
0x3c5: {  	v14 =	vmul.f32 v14, v12;
	_ =	sdelay $0x1  }
0x3c6: {  	[tilespmem:v2+s16+$0x0] =	vst.idx.msk $0xffff, v14;
	v2 =	vld [tilespmem:$0x1FC20];
	_ =	sdelay $0x7  }
0x3c7: {  	v14 =	vld.idx.msk [tilespmem:v2+s16+$0x0], $0xffff;
	_ =	sdelay $0x4  }
0x3c8: {  	v14 =	vmul.f32 v14, v12;
	_ =	sdelay $0x1  }
0x3c9: {  	[tilespmem:v2+s16+$0x0] =	vst.idx.msk $0xffff, v14;
	v2 =	vld [tilespmem:$0x1FC30];
	_ =	sdelay $0x7  }
0x3ca: {  	v14 =	vld.idx.msk [tilespmem:v2+s16+$0x0], $0xffff;
	_ =	sdelay $0x4  }
0x3cb: {  	v14 =	vmul.f32 v14, v12;
	_ =	sdelay $0x1  }
0x3cc: {  	[tilespmem:v2+s16+$0x0] =	vst.idx.msk $0xffff, v14;
	v2 =	vld [tilespmem:$0x1FC40];
	_ =	sdelay $0x7  }
0x3cd: {  	v14 =	vld.idx.msk [tilespmem:v2+s16+$0x0], $0xffff;
	_ =	sdelay $0x4  }
0x3ce: {  	v14 =	vmul.f32 v14, v12;
	_ =	sdelay $0x1  }
0x3cf: {  	[tilespmem:v2+s16+$0x0] =	vst.idx.msk $0xffff, v14;
	v2 =	vld [tilespmem:$0x1FC50];
	_ =	sdelay $0x7  }
0x3d0: {  	v14 =	vld.idx.msk [tilespmem:v2+s16+$0x0], $0xffff;
	_ =	sdelay $0x4  }
0x3d1: {  	v14 =	vmul.f32 v14, v12;
	_ =	sdelay $0x1  }
0x3d2: {  	[tilespmem:v2+s16+$0x0] =	vst.idx.msk $0xffff, v14;
	v2 =	vld [tilespmem:$0x1FC60];
	_ =	sdelay $0x7  }
0x3d3: {  	v14 =	vld.idx.msk [tilespmem:v2+s16+$0x0], $0xffff;
	_ =	sdelay $0x4  }
0x3d4: {  	v14 =	vmul.f32 v14, v12;
	_ =	sdelay $0x1  }
0x3d5: {  	[tilespmem:v2+s16+$0x0] =	vst.idx.msk $0xffff, v14;
	v2 =	vld [tilespmem:$0x1FC70];
	_ =	sdelay $0x7  }
0x3d6: {  	v14 =	vld.idx.msk [tilespmem:v2+s16+$0x0], $0xffff;
	_ =	sdelay $0x4  }
0x3d7: {  	v12 =	vmul.f32 v14, v12;
	_ =	sdelay $0x1  }
0x3d8: {  	[tilespmem:v2+s16+$0x0] =	vst.idx.msk $0xffff, v12;
	v2 =	vld [tilespmem:$0x1FC80]  }
0x3d9: {  	v12 =	vld [tilespmem:s22+$0x3D50];
	_ =	sdelay $0x6  }
0x3da: {  	v14 =	vld.idx.msk [tilespmem:v2+s16+$0x0], $0xffff  }
0x3db: {  	v12 =	vld.idx.msk [tilespmem:v12+s3+$0x0], $0xffff;
	_ =	sdelay $0x4  }
0x3dc: {  	v12 =	vadd.f32 v12, v14;
	_ =	sdelay $0x1  }
0x3dd: {  	v14 =	vmul.f32 $2.000000030e-01, v12;
	_ =	sdelay $0x1  }
0x3de: {  	v12 =	vmax.f32 v12, v14  }
0x3df: {  	v12 =	vsub.f32 v12, v13;
	_ =	sdelay $0x1  }
0x3e0: {  	v12 =	vmul.f32 $1.442695020e+00, v12;
	_ =	sdelay $0x1  }
0x3e1: {  	(erf) = vpow2.f32 v12;
	_ =	sdelay $0x8  }
0x3e2: {  	v12 =	vpop (erf)  }
0x3e3: {  	[tilespmem:v2+s16+$0x0] =	vst.idx.msk $0xffff, v12;
	v2 =	vld [tilespmem:$0x1FC90];
	_ =	sdelay $0x7  }
0x3e4: {  	v14 =	vld.idx.msk [tilespmem:v2+s16+$0x0], $0xffff;
	_ =	sdelay $0x4  }
0x3e5: {  	v14 =	vmul.f32 v12, v14;
	_ =	sdelay $0x1  }
0x3e6: {  	[tilespmem:v2+s16+$0x0] =	vst.idx.msk $0xffff, v14  }
0x3e7: {  	v14 =	vld.idx.msk [tilespmem:v25+s16+$0x0], $0xffff;
	_ =	sdelay $0x4  }
0x3e8: {  	v14 =	vmul.f32 v12, v14;
	_ =	sdelay $0x1  }
0x3e9: {  	[tilespmem:v25+s16+$0x0] =	vst.idx.msk $0xffff, v14  }
0x3ea: {  	v14 =	vld.idx.msk [tilespmem:v26+s16+$0x0], $0xffff;
	_ =	sdelay $0x4  }
0x3eb: {  	v14 =	vmul.f32 v12, v14;
	_ =	sdelay $0x1  }
0x3ec: {  	[tilespmem:v26+s16+$0x0] =	vst.idx.msk $0xffff, v14  }
0x3ed: {  	v14 =	vld.idx.msk [tilespmem:v27+s16+$0x0], $0xffff;
	_ =	sdelay $0x4  }
0x3ee: {  	v14 =	vmul.f32 v14, v12;
	_ =	sdelay $0x1  }
0x3ef: {  	[tilespmem:v27+s16+$0x0] =	vst.idx.msk $0xffff, v14  }
0x3f0: {  	v14 =	vld.idx.msk [tilespmem:v28+s16+$0x0], $0xffff;
	_ =	sdelay $0x4  }
0x3f1: {  	v14 =	vmul.f32 v14, v12;
	_ =	sdelay $0x1  }
0x3f2: {  	[tilespmem:v28+s16+$0x0] =	vst.idx.msk $0xffff, v14  }
0x3f3: {  	v14 =	vld.idx.msk [tilespmem:v29+s16+$0x0], $0xffff;
	_ =	sdelay $0x4  }
0x3f4: {  	v14 =	vmul.f32 v14, v12;
	_ =	sdelay $0x1  }
0x3f5: {  	[tilespmem:v29+s16+$0x0] =	vst.idx.msk $0xffff, v14  }
0x3f6: {  	v14 =	vld.idx.msk [tilespmem:v30+s16+$0x0], $0xffff;
	_ =	sdelay $0x4  }
0x3f7: {  	v14 =	vmul.f32 v14, v12;
	_ =	sdelay $0x1  }
0x3f8: {  	[tilespmem:v30+s16+$0x0] =	vst.idx.msk $0xffff, v14  }
0x3f9: {  	v14 =	vld.idx.msk [tilespmem:v31+s16+$0x0], $0xffff;
	_ =	sdelay $0x4  }
0x3fa: {  	v14 =	vmul.f32 v14, v12;
	_ =	sdelay $0x1  }
0x3fb: {  	[tilespmem:v31+s16+$0x0] =	vst.idx.msk $0xffff, v14  }
0x3fc: {  	v14 =	vld.idx.msk [tilespmem:v32+s16+$0x0], $0xffff;
	_ =	sdelay $0x4  }
0x3fd: {  	v14 =	vmul.f32 v14, v12;
	_ =	sdelay $0x1  }
0x3fe: {  	[tilespmem:v32+s16+$0x0] =	vst.idx.msk $0xffff, v14  }
0x3ff: {  	v14 =	vld.idx.msk [tilespmem:v33+s16+$0x0], $0xffff;
	_ =	sdelay $0x4  }
0x400: {  	v14 =	vmul.f32 v14, v12;
	_ =	sdelay $0x1  }
0x401: {  	[tilespmem:v33+s16+$0x0] =	vst.idx.msk $0xffff, v14  }
0x402: {  	v14 =	vld.idx.msk [tilespmem:v34+s16+$0x0], $0xffff;
	_ =	sdelay $0x4  }
0x403: {  	v14 =	vmul.f32 v14, v12;
	_ =	sdelay $0x1  }
0x404: {  	[tilespmem:v34+s16+$0x0] =	vst.idx.msk $0xffff, v14  }
0x405: {  	v14 =	vld.idx.msk [tilespmem:v35+s16+$0x0], $0xffff;
	_ =	sdelay $0x4  }
0x406: {  	v14 =	vmul.f32 v14, v12;
	_ =	sdelay $0x1  }
0x407: {  	[tilespmem:v35+s16+$0x0] =	vst.idx.msk $0xffff, v14  }
0x408: {  	v14 =	vld.idx.msk [tilespmem:v37+s16+$0x0], $0xffff;
	_ =	sdelay $0x4  }
0x409: {  	v14 =	vmul.f32 v14, v12;
	_ =	sdelay $0x1  }
0x40a: {  	[tilespmem:v37+s16+$0x0] =	vst.idx.msk $0xffff, v14  }
0x40b: {  	v14 =	vld.idx.msk [tilespmem:v38+s16+$0x0], $0xffff;
	_ =	sdelay $0x4  }
0x40c: {  	v14 =	vmul.f32 v14, v12;
	_ =	sdelay $0x1  }
0x40d: {  	[tilespmem:v38+s16+$0x0] =	vst.idx.msk $0xffff, v14  }
0x40e: {  	v14 =	vld.idx.msk [tilespmem:v39+s16+$0x0], $0xffff;
	_ =	sdelay $0x4  }
0x40f: {  	v14 =	vmul.f32 v14, v12;
	_ =	sdelay $0x1  }
0x410: {  	[tilespmem:v39+s16+$0x0] =	vst.idx.msk $0xffff, v14  }
0x411: {  	v14 =	vld.idx.msk [tilespmem:v40+s16+$0x0], $0xffff;
	_ =	sdelay $0x4  }
0x412: {  	v12 =	vmul.f32 v14, v12;
	_ =	sdelay $0x1  }
0x413: {  	[tilespmem:v40+s16+$0x0] =	vst.idx.msk $0xffff, v12  }
0x414: {  	v12 =	vld [tilespmem:s22+$0x3D60];
	_ =	sdelay $0x6  }
0x415: {  	v14 =	vld.idx.msk [tilespmem:v36+s16+$0x0], $0xffff  }
0x416: {  	v12 =	vld.idx.msk [tilespmem:v12+s3+$0x0], $0xffff;
	_ =	sdelay $0x4  }
0x417: {  	v12 =	vadd.f32 v12, v14;
	_ =	sdelay $0x1  }
0x418: {  	v14 =	vmul.f32 $2.000000030e-01, v12;
	_ =	sdelay $0x1  }
0x419: {  	v12 =	vmax.f32 v12, v14  }
0x41a: {  	v12 =	vsub.f32 v12, v13;
	_ =	sdelay $0x1  }
0x41b: {  	v12 =	vmul.f32 $1.442695020e+00, v12;
	_ =	sdelay $0x1  }
0x41c: {  	(erf) = vpow2.f32 v12;
	_ =	sdelay $0x8  }
0x41d: {  	v12 =	vpop (erf)  }
0x41e: {  	[tilespmem:v36+s16+$0x0] =	vst.idx.msk $0xffff, v12  }
0x41f: {  	v14 =	vld.idx.msk [tilespmem:v41+s16+$0x0], $0xffff;
	_ =	sdelay $0x4  }
0x420: {  	v14 =	vmul.f32 v12, v14;
	_ =	sdelay $0x1  }
0x421: {  	[tilespmem:v41+s16+$0x0] =	vst.idx.msk $0xffff, v14  }
0x422: {  	v14 =	vld.idx.msk [tilespmem:v42+s16+$0x0], $0xffff;
	_ =	sdelay $0x4  }
0x423: {  	v14 =	vmul.f32 v12, v14;
	_ =	sdelay $0x1  }
0x424: {  	[tilespmem:v42+s16+$0x0] =	vst.idx.msk $0xffff, v14  }
0x425: {  	v14 =	vld.idx.msk [tilespmem:v43+s16+$0x0], $0xffff;
	_ =	sdelay $0x4  }
0x426: {  	v14 =	vmul.f32 v12, v14;
	_ =	sdelay $0x1  }
0x427: {  	[tilespmem:v43+s16+$0x0] =	vst.idx.msk $0xffff, v14  }
0x428: {  	v14 =	vld.idx.msk [tilespmem:v44+s16+$0x0], $0xffff;
	_ =	sdelay $0x4  }
0x429: {  	v14 =	vmul.f32 v14, v12;
	_ =	sdelay $0x1  }
0x42a: {  	[tilespmem:v44+s16+$0x0] =	vst.idx.msk $0xffff, v14  }
0x42b: {  	v14 =	vld.idx.msk [tilespmem:v45+s16+$0x0], $0xffff;
	_ =	sdelay $0x4  }
0x42c: {  	v14 =	vmul.f32 v14, v12;
	_ =	sdelay $0x1  }
0x42d: {  	[tilespmem:v45+s16+$0x0] =	vst.idx.msk $0xffff, v14  }
0x42e: {  	v14 =	vld.idx.msk [tilespmem:v46+s16+$0x0], $0xffff;
	_ =	sdelay $0x4  }
0x42f: {  	v14 =	vmul.f32 v14, v12;
	_ =	sdelay $0x1  }
0x430: {  	[tilespmem:v46+s16+$0x0] =	vst.idx.msk $0xffff, v14  }
0x431: {  	v14 =	vld.idx.msk [tilespmem:v47+s16+$0x0], $0xffff;
	_ =	sdelay $0x4  }
0x432: {  	v14 =	vmul.f32 v14, v12;
	_ =	sdelay $0x1  }
0x433: {  	[tilespmem:v47+s16+$0x0] =	vst.idx.msk $0xffff, v14  }
0x434: {  	v14 =	vld.idx.msk [tilespmem:v48+s16+$0x0], $0xffff;
	_ =	sdelay $0x4  }
0x435: {  	v14 =	vmul.f32 v14, v12;
	_ =	sdelay $0x1  }
0x436: {  	[tilespmem:v48+s16+$0x0] =	vst.idx.msk $0xffff, v14  }
0x437: {  	v14 =	vld.idx.msk [tilespmem:v49+s16+$0x0], $0xffff;
	_ =	sdelay $0x4  }
0x438: {  	v14 =	vmul.f32 v14, v12;
	_ =	sdelay $0x1  }
0x439: {  	[tilespmem:v49+s16+$0x0] =	vst.idx.msk $0xffff, v14  }
0x43a: {  	v14 =	vld.idx.msk [tilespmem:v50+s16+$0x0], $0xffff;
	_ =	sdelay $0x4  }
0x43b: {  	v14 =	vmul.f32 v14, v12;
	_ =	sdelay $0x1  }
0x43c: {  	[tilespmem:v50+s16+$0x0] =	vst.idx.msk $0xffff, v14  }
0x43d: {  	v14 =	vld.idx.msk [tilespmem:v51+s16+$0x0], $0xffff;
	_ =	sdelay $0x4  }
0x43e: {  	v14 =	vmul.f32 v14, v12;
	_ =	sdelay $0x1  }
0x43f: {  	[tilespmem:v51+s16+$0x0] =	vst.idx.msk $0xffff, v14  }
0x440: {  	v14 =	vld.idx.msk [tilespmem:v52+s16+$0x0], $0xffff;
	_ =	sdelay $0x4  }
0x441: {  	v14 =	vmul.f32 v14, v12;
	_ =	sdelay $0x1  }
0x442: {  	[tilespmem:v52+s16+$0x0] =	vst.idx.msk $0xffff, v14  }
0x443: {  	v14 =	vld.idx.msk [tilespmem:v54+s16+$0x0], $0xffff;
	_ =	sdelay $0x4  }
0x444: {  	v14 =	vmul.f32 v14, v12;
	_ =	sdelay $0x1  }
0x445: {  	[tilespmem:v54+s16+$0x0] =	vst.idx.msk $0xffff, v14  }
0x446: {  	v14 =	vld.idx.msk [tilespmem:v55+s16+$0x0], $0xffff;
	_ =	sdelay $0x4  }
0x447: {  	v14 =	vmul.f32 v14, v12;
	_ =	sdelay $0x1  }
0x448: {  	[tilespmem:v55+s16+$0x0] =	vst.idx.msk $0xffff, v14  }
0x449: {  	v14 =	vld.idx.msk [tilespmem:v56+s16+$0x0], $0xffff;
	_ =	sdelay $0x4  }
0x44a: {  	v14 =	vmul.f32 v14, v12;
	_ =	sdelay $0x1  }
0x44b: {  	[tilespmem:v56+s16+$0x0] =	vst.idx.msk $0xffff, v14  }
0x44c: {  	v14 =	vld.idx.msk [tilespmem:v57+s16+$0x0], $0xffff;
	_ =	sdelay $0x4  }
0x44d: {  	v12 =	vmul.f32 v14, v12;
	_ =	sdelay $0x1  }
0x44e: {  	[tilespmem:v57+s16+$0x0] =	vst.idx.msk $0xffff, v12  }
0x44f: {  	v12 =	vld [tilespmem:s22+$0x3D70];
	_ =	sdelay $0x6  }
0x450: {  	v14 =	vld.idx.msk [tilespmem:v53+s16+$0x0], $0xffff  }
0x451: {  	v12 =	vld.idx.msk [tilespmem:v12+s3+$0x0], $0xffff;
	_ =	sdelay $0x4  }
0x452: {  	v12 =	vadd.f32 v12, v14;
	_ =	sdelay $0x1  }
0x453: {  	v14 =	vmul.f32 $2.000000030e-01, v12;
	_ =	sdelay $0x1  }
0x454: {  	v12 =	vmax.f32 v12, v14  }
0x455: {  	v12 =	vsub.f32 v12, v13;
	_ =	sdelay $0x1  }
0x456: {  	v12 =	vmul.f32 $1.442695020e+00, v12;
	_ =	sdelay $0x1  }
0x457: {  	(erf) = vpow2.f32 v12;
	_ =	sdelay $0x8  }
0x458: {  	v12 =	vpop (erf)  }
0x459: {  	[tilespmem:v53+s16+$0x0] =	vst.idx.msk $0xffff, v12  }
0x45a: {  	v14 =	vld.idx.msk [tilespmem:v58+s16+$0x0], $0xffff;
	_ =	sdelay $0x4  }
0x45b: {  	v14 =	vmul.f32 v12, v14;
	_ =	sdelay $0x1  }
0x45c: {  	[tilespmem:v58+s16+$0x0] =	vst.idx.msk $0xffff, v14  }
0x45d: {  	v14 =	vld.idx.msk [tilespmem:v59+s16+$0x0], $0xffff;
	_ =	sdelay $0x4  }
0x45e: {  	v14 =	vmul.f32 v12, v14;
	_ =	sdelay $0x1  }
0x45f: {  	[tilespmem:v59+s16+$0x0] =	vst.idx.msk $0xffff, v14  }
0x460: {  	v14 =	vld.idx.msk [tilespmem:v60+s16+$0x0], $0xffff;
	_ =	sdelay $0x4  }
0x461: {  	v14 =	vmul.f32 v12, v14;
	_ =	sdelay $0x1  }
0x462: {  	[tilespmem:v60+s16+$0x0] =	vst.idx.msk $0xffff, v14  }
0x463: {  	v14 =	vld.idx.msk [tilespmem:v61+s16+$0x0], $0xffff;
	_ =	sdelay $0x4  }
0x464: {  	v14 =	vmul.f32 v14, v12;
	_ =	sdelay $0x1  }
0x465: {  	[tilespmem:v61+s16+$0x0] =	vst.idx.msk $0xffff, v14  }
0x466: {  	v14 =	vld.idx.msk [tilespmem:v62+s16+$0x0], $0xffff;
	_ =	sdelay $0x4  }
0x467: {  	v14 =	vmul.f32 v14, v12;
	_ =	sdelay $0x1  }
0x468: {  	[tilespmem:v62+s16+$0x0] =	vst.idx.msk $0xffff, v14  }
0x469: {  	v14 =	vld.idx.msk [tilespmem:v11+s16+$0x0], $0xffff;
	_ =	sdelay $0x4  }
0x46a: {  	v14 =	vmul.f32 v14, v12;
	_ =	sdelay $0x1  }
0x46b: {  	[tilespmem:v11+s16+$0x0] =	vst.idx.msk $0xffff, v14  }
0x46c: {  	v11 =	vld.idx.msk [tilespmem:v10+s16+$0x0], $0xffff;
	_ =	sdelay $0x4  }
0x46d: {  	v11 =	vmul.f32 v11, v12;
	_ =	sdelay $0x1  }
0x46e: {  	[tilespmem:v10+s16+$0x0] =	vst.idx.msk $0xffff, v11  }
0x46f: {  	v10 =	vld.idx.msk [tilespmem:v9+s16+$0x0], $0xffff;
	_ =	sdelay $0x4  }
0x470: {  	v10 =	vmul.f32 v10, v12;
	_ =	sdelay $0x1  }
0x471: {  	[tilespmem:v9+s16+$0x0] =	vst.idx.msk $0xffff, v10  }
0x472: {  	v9 =	vld.idx.msk [tilespmem:v8+s16+$0x0], $0xffff;
	_ =	sdelay $0x4  }
0x473: {  	v9 =	vmul.f32 v9, v12;
	_ =	sdelay $0x1  }
0x474: {  	[tilespmem:v8+s16+$0x0] =	vst.idx.msk $0xffff, v9  }
0x475: {  	v8 =	vld.idx.msk [tilespmem:v7+s16+$0x0], $0xffff  }
0x476: {  	v63 =	vld [tilespmem:$0x1FD60]  }
0x477: {  	v25 =	vld [tilespmem:$0x1FD70]  }
0x478: {  	v26 =	vld [tilespmem:$0x1FD80]  }
0x479: {  	v27 =	vld [tilespmem:$0x1FD90]  }
0x47a: {  	v28 =	vld [tilespmem:$0x1FDA0];
	v8 =	vmul.f32 v8, v12  }
0x47b: {  	v29 =	vld [tilespmem:$0x1FDB0]  }
0x47c: {  	v30 =	vld [tilespmem:$0x1FDC0];
	[tilespmem:v7+s16+$0x0] =	vst.idx.msk $0xffff, v8  }
0x47d: {  	v7 =	vld.idx.msk [tilespmem:v6+s16+$0x0], $0xffff  }
0x47e: {  	v31 =	vld [tilespmem:$0x1FDD0]  }
0x47f: {  	v32 =	vld [tilespmem:$0x1FDE0]  }
0x480: {  	v33 =	vld [tilespmem:$0x1FDF0]  }
0x481: {  	v34 =	vld [tilespmem:$0x1FE00]  }
0x482: {  	v35 =	vld [tilespmem:$0x1FE10];
	v7 =	vmul.f32 v7, v12  }
0x483: {  	v37 =	vld [tilespmem:$0x1FE30]  }
0x484: {  	v38 =	vld [tilespmem:$0x1FE40];
	[tilespmem:v6+s16+$0x0] =	vst.idx.msk $0xffff, v7  }
0x485: {  	v6 =	vld.idx.msk [tilespmem:v5+s16+$0x0], $0xffff  }
0x486: {  	v39 =	vld [tilespmem:$0x1FE50]  }
0x487: {  	v40 =	vld [tilespmem:$0x1FE60]  }
0x488: {  	v36 =	vld [tilespmem:$0x1FE20]  }
0x489: {  	v41 =	vld [tilespmem:$0x1FE70]  }
0x48a: {  	v42 =	vld [tilespmem:$0x1FE80];
	v6 =	vmul.f32 v6, v12  }
0x48b: {  	v43 =	vld [tilespmem:$0x1FE90]  }
0x48c: {  	v44 =	vld [tilespmem:$0x1FEA0];
	[tilespmem:v5+s16+$0x0] =	vst.idx.msk $0xffff, v6  }
0x48d: {  	v5 =	vld.idx.msk [tilespmem:v4+s16+$0x0], $0xffff  }
0x48e: {  	v45 =	vld [tilespmem:$0x1FEB0]  }
0x48f: {  	v46 =	vld [tilespmem:$0x1FEC0]  }
0x490: {  	v47 =	vld [tilespmem:$0x1FED0]  }
0x491: {  	v48 =	vld [tilespmem:$0x1FEE0]  }
0x492: {  	v49 =	vld [tilespmem:$0x1FEF0];
	v5 =	vmul.f32 v5, v12  }
0x493: {  	v50 =	vld [tilespmem:$0x1FF00]  }
0x494: {  	v51 =	vld [tilespmem:$0x1FF10];
	[tilespmem:v4+s16+$0x0] =	vst.idx.msk $0xffff, v5  }
0x495: {  	v4 =	vld.idx.msk [tilespmem:v3+s16+$0x0], $0xffff  }
0x496: {  	v52 =	vld [tilespmem:$0x1FF20]  }
0x497: {  	v54 =	vld [tilespmem:$0x1FF40]  }
0x498: {  	v55 =	vld [tilespmem:$0x1FF50]  }
0x499: {  	v56 =	vld [tilespmem:$0x1FF60]  }
0x49a: {  	v57 =	vld [tilespmem:$0x1FF70];
	v4 =	vmul.f32 v4, v12  }
0x49b: {  	v53 =	vld [tilespmem:$0x1FF30]  }
0x49c: {  	v58 =	vld [tilespmem:$0x1FF80];
	[tilespmem:v3+s16+$0x0] =	vst.idx.msk $0xffff, v4  }
0x49d: {  	v3 =	vld.idx.msk [tilespmem:v15+s16+$0x0], $0xffff  }
0x49e: {  	v59 =	vld [tilespmem:$0x1FF90]  }
0x49f: {  	v60 =	vld [tilespmem:$0x1FFA0]  }
0x4a0: {  	v61 =	vld [tilespmem:$0x1FFB0]  }
0x4a1: {  	v62 =	vld [tilespmem:$0x1FFC0]  }
0x4a2: {  	v14 =	vld [tilespmem:$0x1FFD0];
	v3 =	vmul.f32 v3, v12  }
0x4a3: {  	v11 =	vld [tilespmem:$0x1FD40]  }
0x4a4: {  	v10 =	vld [tilespmem:$0x1FD30];
	[tilespmem:v15+s16+$0x0] =	vst.idx.msk $0xffff, v3  }
0x4a5: {  	v2 =	vld.idx.msk [tilespmem:v1+s16+$0x0], $0xffff  }
0x4a6: {  	v9 =	vld [tilespmem:$0x1FD20]  }
0x4a7: {  	v8 =	vld [tilespmem:$0x1FD10]  }
0x4a8: {  	v7 =	vld [tilespmem:$0x1FD00]  }
0x4a9: {  	v6 =	vld [tilespmem:$0x1FCF0]  }
0x4aa: {  	s21 =	sadd.s32 $0x400, s21;
	v5 =	vld [tilespmem:$0x1FCE0];
	v2 =	vmul.f32 v2, v12  }
0x4ab: {  	p0 =	sne.s32 s21, $0x5000;
	v4 =	vld [tilespmem:$0x1FCD0]  }
.Ltmp0:
0x4ac: {  	s31 =	sadd.s32 $0x800, s20;
	v15 =	vld [tilespmem:$0x1FFE0];
	[tilespmem:v1+s16+$0x0] =	vst.idx.msk $0xffff, v2;
	(pc) =	sbr.rel @p0 .LBB2_2-.Ltmp0, $4  }
0x4ad: {  	v3 =	vld [tilespmem:$0x1FCC0];
	[hbm4b:s31+s3] =	stream.linear.scatter [tilespmem:s16], [sflag:$0x3], $0x4000, $0x38  }
0x4ae: {  	v12 =	vld [tilespmem:$0x1FD50];
	_ =	swait.ge [sflag:s10], $0x4000  }
0x4af: {  	[sflag:s10] =	ssyncset.done $0x0  }
0x4b0: {  	s20 =	sadd.s32 $0x1000, s20;
	[sflag:s10] =	ssyncadd.s32 $0xFFFFC000  }
0x4b1: {  	s19 =	sadd.s32 $0x1, s19  }
0x4b2: {  	p0 =	sne.s32 s19, s8  }
.Ltmp1:
0x4b3: {  	_ = 	snop;
	(pc) =	sbr.rel @p0 .LBB2_1-.Ltmp1, $1  }
0x4b4: {  	_ =	sdelay $0x3  }
0x4b5: {  	_ =	sfence.sel $0x180000  }
0x4b6: {  	[bflag:$0x0] =	sbarrier.arrive $0xFFFF  }
0x4b7: {  	p0 =	sne.s32 s2, $0x0;
	_ =	strace $0x9000004D  }
0x4b8: {  	s0 =	sadd.s32 @!p0 $0x100000, s0;
	[bflag:$0x2] =	sbarrier.arrive $0xFFFF  }
0x4b9: {  	[sflag:s0] =	ssyncadd.tile.s32 @!p0 $0x1;
	_ =	shalt  }
.Lfunc_end2:
_tile_overlayer_lowered:
.L_overlay_start_2:
0x4ba: {  	(tag) =	ssettag $0x2  }
0x4bb: {  	s0 =	rddreg [dreg:$0x0];
	s2 =	stileid.u32  }
0x4bc: {  	s1 =	rddreg [dreg:$0x1];
	p0 =	sne.s32 s2, $0x0  }
0x4bd: {  	s3 =	rddreg [dreg:$0x2];
	[bflag:$0x3] =	sbarrier.arrive $0xFFFF;
	s2 =	simm.s32 @!p0 $0x1C03  }
0x4be: {  	[timem:s3], [sflag:s2] =	dma.local @!p0 [hbm:s0], s1  }
0x4bf: {  	s0 =	simm.s32 @!p0 $0x3  }
0x4c0: {  	_ =	swait.ge @!p0 [sflag:s0], s1  }
0x4c1: {  	s1 =	ssub.s32 @!p0 $0x0, s1;
	[sflag:s0] =	ssyncset.done @!p0 $0x0  }
0x4c2: {  	[sflag:s0] =	ssyncadd.s32 @!p0 s1  }
0x4c3: {  	[bflag:$0x3] =	sbarrier.arrive $0xFFFF  }
0x4c4: {  	_ =	shalt  }

// kernel: kernel.19.cloned.1.call-start
scs
__scs_entry_jumppad:
0x0: {  	(pc) =	sbr.rel $0x88, $3  }
0x1: {  	(tag) =	ssettag $0x0;
	lr =	simm.s32 $0x1  }
0x2: {  	[smem:$0x3F90] =	sst lr;
	_ =	strace $0xD0000000  }
0x3: {  	_ = 	snop  }
0x4: {  	_ = 	snop  }
0x5: {  	_ = 	snop  }
0x6: {  	_ = 	snop  }
0x7: {  	_ = 	snop  }
__scs_overlays_trampoline_lowered:
0x8: {  	[smem:$0x3F9F] =	sst s0  }
0x9: {  	[smem:$0x3FA0] =	sst s1  }
0xa: {  	[smem:$0x3FA1] =	sst s2  }
0xb: {  	[smem:$0x3FA2] =	sst s3  }
0xc: {  	[smem:$0x3FA3] =	sst s4  }
0xd: {  	[smem:$0x3FA4] =	sst s5  }
0xe: {  	[smem:$0x3FA5] =	sst s6  }
0xf: {  	[smem:$0x3FA6] =	sst s7  }
0x10: {  	[smem:$0x3FA7] =	sst s8  }
0x11: {  	[smem:$0x3FA8] =	sst s9;
	s0 =	simm.s32 @!p0 $0x0  }
0x12: {  	s1 =	sld [smem:$0x3F8E];
	s0 =	simm.s32 @p0 $0x1  }
0x13: {  	[smem:$0x3FA9] =	sst s0;
	s0 =	simm.s32 @!p1 $0x0  }
0x14: {  	s2 =	sld [smem:$0x3F8D];
	s0 =	simm.s32 @p1 $0x1  }
0x15: {  	[smem:$0x3FAA] =	sst s0;
	s0 =	simm.s32 @!p2 $0x0  }
0x16: {  	s3 =	sld [smem:$0x3FDB];
	s0 =	simm.s32 @p2 $0x1  }
0x17: {  	s4 =	simm.s32 $0x1BF5;
	[smem:$0x3FAC] =	sst s0  }
0x18: {  	s0 =	sld [smem:$0x3F8F];
	_ =	swait.ge [sflag:s4], $0x0  }
0x19: {  	s7 =	sld [smem:$0x3F90]  }
0x1a: {  	s8 =	sadd.s32 $0xFFFFE003, lr  }
0x1b: {  	s9 =	sadd.s32 $0xFFFFFEF7, lr;
	s5 =	simm.s32 $0xFFFFFFFF;
	p2 =	slt.u32 s8, $0xFFFFF086  }
0x1c: {  	p1 =	slt.u32 s9, $0xF7A;
	s5 =	simm.s32 @!p2 $0x0  }
0x1d: {  	s5 =	simm.s32 @p1 $0x1;
	p0 =	seq.s32 s7, s2  }
0x1e: {  	s7 =	smul.u32 @!p0 $0xF7A, s2;
	p2 =	seq.s32 @!p0 s5, $0x0  }
0x1f: {  	s9 =	smul.u32 $0xF7A, s1;
	s8 =	simm.s32 @!p0 $0x1BF5;
	p2 =	por !p2, p0  }
0x20: {  	[sflag:s8] =	ssyncset.s32 @!p0 $0xFFFFF086;
	s6 =	sadd.s32 @!p0 s3, s7;
	s7 =	simm.s32 @!p0 $0x108  }
0x21: {  	s3 =	sadd.s32 s3, s9;
	s6 =	sadd.s32 @!p0 $0x88, s6;
	s7 =	simm.s32 @p2 $0x1082  }
0x22: {  	[simem:s7], [sflag:s8] =	dma.local @!p0 [hbm:s6], $0xF7A  }
0x23: {  	s9 =	sor.u32 $0xD0000000, s2;
	s6 =	simm.s32 $0x108;
	_ =	swait.ge @!p0 [sflag:s8], $0x0  }
0x24: {  	s3 =	sadd.s32 $0x88, s3;
	s6 =	simm.s32 @!p1 $0x1082;
	[sflag:s4] =	ssyncset.s32 $0xFFFFF086  }
0x25: {  	[simem:s6], [sflag:s4] =	dma.local [hbm:s3], $0xF7A  }
0x26: {  	[smem:$0x3F90] =	sst s1;
	(tag) =	ssettag s2;
	_ =	strace s9  }
0x27: {  	s1 =	sld [smem:$0x3FA0]  }
0x28: {  	s2 =	sld [smem:$0x3FA1]  }
0x29: {  	s4 =	sld [smem:$0x3FA3]  }
0x2a: {  	p0 =	seq.s32 s5, $0x0;
	s5 =	sld [smem:$0x3FA4]  }
0x2b: {  	s6 =	sld [smem:$0x3FA5]  }
0x2c: {  	s7 =	sld [smem:$0x3FA6]  }
0x2d: {  	s3 =	simm.s32 $0x108;
	s8 =	sld [smem:$0x3FA7]  }
0x2e: {  	s3 =	simm.s32 @!p0 $0x1082;
	s9 =	sld [smem:$0x3FA8]  }
0x2f: {  	lr =	sadd.s32 s0, s3;
	s0 =	sld [smem:$0x3F9F]  }
0x30: {  	s3 =	sld [smem:$0x3FA2]  }
0x31: {  	[smem:$0x3FAB] =	sst s10  }
0x32: {  	s10 =	sld [smem:$0x3FA9];
	_ =	sdelay $0x3  }
0x33: {  	p0 =	seq.s32 s10, $0x1;
	s10 =	sld [smem:$0x3FAB];
	_ =	sdelay $0x3  }
0x34: {  	[smem:$0x3FAB] =	sst s10  }
0x35: {  	s10 =	sld [smem:$0x3FAA];
	_ =	sdelay $0x3  }
0x36: {  	p1 =	seq.s32 s10, $0x1;
	s10 =	sld [smem:$0x3FAB];
	_ =	sdelay $0x3  }
0x37: {  	[smem:$0x3FAB] =	sst s10  }
0x38: {  	s10 =	sld [smem:$0x3FAC]  }
0x39: {  	_ = 	snop;
	(pc) =	sbr.ind lr, $3  }
0x3a: {  	_ = 	snop  }
0x3b: {  	_ = 	snop  }
0x3c: {  	p2 =	seq.s32 s10, $0x1;
	s10 =	sld [smem:$0x3FAB]  }
0x3d: {  	_ =	shalt  }
0x3e: {  	_ =	shalt  }
0x3f: {  	_ =	shalt  }
0x40: {  	_ =	shalt  }
0x41: {  	_ =	shalt  }
0x42: {  	_ =	shalt  }
0x43: {  	_ =	shalt  }
0x44: {  	_ =	shalt  }
0x45: {  	_ =	shalt  }
0x46: {  	_ =	shalt  }
0x47: {  	_ =	shalt  }
0x48: {  	_ =	shalt  }
0x49: {  	_ =	shalt  }
0x4a: {  	_ =	shalt  }
0x4b: {  	_ =	shalt  }
0x4c: {  	_ =	shalt  }
0x4d: {  	_ =	shalt  }
0x4e: {  	_ =	shalt  }
0x4f: {  	_ =	shalt  }
0x50: {  	_ =	shalt  }
0x51: {  	_ =	shalt  }
0x52: {  	_ =	shalt  }
0x53: {  	_ =	shalt  }
0x54: {  	_ =	shalt  }
0x55: {  	_ =	shalt  }
0x56: {  	_ =	shalt  }
0x57: {  	_ =	shalt  }
0x58: {  	_ =	shalt  }
0x59: {  	_ =	shalt  }
0x5a: {  	_ =	shalt  }
0x5b: {  	_ =	shalt  }
0x5c: {  	_ =	shalt  }
0x5d: {  	_ =	shalt  }
0x5e: {  	_ =	shalt  }
0x5f: {  	_ =	shalt  }
0x60: {  	_ =	shalt  }
0x61: {  	_ =	shalt  }
0x62: {  	_ =	shalt  }
0x63: {  	_ =	shalt  }
0x64: {  	_ =	shalt  }
0x65: {  	_ =	shalt  }
0x66: {  	_ =	shalt  }
0x67: {  	_ =	shalt  }
0x68: {  	_ =	shalt  }
0x69: {  	_ =	shalt  }
0x6a: {  	_ =	shalt  }
0x6b: {  	_ =	shalt  }
0x6c: {  	_ =	shalt  }
0x6d: {  	_ =	shalt  }
0x6e: {  	_ =	shalt  }
0x6f: {  	_ =	shalt  }
0x70: {  	_ =	shalt  }
0x71: {  	_ =	shalt  }
0x72: {  	_ =	shalt  }
0x73: {  	_ =	shalt  }
0x74: {  	_ =	shalt  }
0x75: {  	_ =	shalt  }
0x76: {  	_ =	shalt  }
0x77: {  	_ =	shalt  }
0x78: {  	_ =	shalt  }
0x79: {  	_ =	shalt  }
0x7a: {  	_ =	shalt  }
0x7b: {  	_ =	shalt  }
0x7c: {  	_ =	shalt  }
0x7d: {  	_ =	shalt  }
0x7e: {  	_ =	shalt  }
0x7f: {  	_ =	shalt  }
0x80: {  	_ =	shalt  }
0x81: {  	_ =	shalt  }
0x82: {  	_ =	shalt  }
0x83: {  	_ =	shalt  }
0x84: {  	_ =	shalt  }
0x85: {  	_ =	shalt  }
0x86: {  	_ =	shalt  }
0x87: {  	_ =	shalt  }
.Lfunc_end0:
.L_simem_size_0:
called_computation.3_lowered:
.L_overlay_start_0:
0x88: {  	s2 =	sld [smem:$0x3FD9]  }
0x89: {  	s3 =	sld [smem:$0x3FFE];
	_ =	sdelay $0x1  }
0x8a: {  	s1 =	srdreg.scid  }
0x8b: {  	s0 =	sand.u32 $0x1, s1  }
0x8c: {  	s16 =	sshll.u32 s0, $0xA;
	s2 =	sadd.s32 s3, s2  }
0x8d: {  	s2 =	sadd.s32 s2, s16  }
0x8e: {  	[smem:$0x3FB7] =	sst s2  }
0x8f: {  	_ = 	snop  }
0x90: {  	(tm) =	ssettm $0x1  }
0x91: {  	s17 =	sld [smem:$0x3FFB];
	_ =	sdelay $0x3  }
0x92: {  	_ =	strace s17  }
0x93: {  	s2 =	sld [smem:$0x3FFC];
	_ =	sdelay $0x3  }
0x94: {  	_ =	strace s2  }
0x95: {  	s2 =	sld [smem:$0x3FFD];
	_ =	sdelay $0x3  }
0x96: {  	_ =	strace s2  }
0x97: {  	_ =	strace $0x8FFFFFFF  }
0x98: {  	s18 =	sld [smem:$0x3FDB];
	_ =	sdelay $0x1  }
0x99: {  	s19 =	simm.s32 $_scs_section_size  }
0x9a: {  	s4 =	simm.s32 $_size__tile_overlayer_lowered;
	s5 =	simm.s32 $_tile_overlayer_lowered  }
0x9b: {  	s22 =	simm.s32 $0x1BFF;
	s21 =	sshll.u32 s5, $0x1;
	s2 =	sadd.s32 s19, s18  }
0x9c: {  	s6 =	simm.s32 $0x0;
	s20 =	sshll.u32 s4, $0x1;
	s4 =	sadd.s32 s21, s2  }
0x9d: {  	[timem:s6], [sflag:s22] =	dma.local [hbm:s4], s20  }
0x9e: {  	_ =	swait.ge [sflag:s22], s20  }
0x9f: {  	s3 =	ssub.s32 $0x0, s20;
	[sflag:s22] =	ssyncset.done $0x0  }
0xa0: {  	[sflag:s22] =	ssyncadd.s32 s3;
	_ =	sdelay $0x1  }
0xa1: {  	s23 =	simm.s32 $0x1B8B  }
0xa2: {  	_ =	swait.ge [sflag:s23], $0x1  }
0xa3: {  	[sflag:s23] =	ssyncset.done $0x0  }
0xa4: {  	s25 =	simm.s32 $0x1B8E;
	s24 =	sld [smem:$0x3FFE];
	[sflag:s23] =	ssyncadd.s32 $0xFFFFFFFF  }
0xa5: {  	s26 =	simm.s32 $execute0_lowered;
	[smem:$0x3FD2] =	sst s25  }
0xa6: {  	s4 =	sshll.u32 s26, $0x1;
	_ =	strace $0x8000004F;
	[dreg:$0x1] =	wrdreg $0xFFFFFFFF  }
0xa7: {  	s28 =	simm.s32 $_size_execute0_lowered;
	s2 =	sadd.s32 s2, s4;
	[dreg:$0x0] =	wrdreg $0x0  }
0xa8: {  	s4 =	sshll.u32 s28, $0x1;
	[dreg:$0x2] =	wrdreg s2  }
0xa9: {  	[dreg:$0x3] =	wrdreg s4  }
0xaa: {  	[dreg:$0x4] =	wrdreg $0xC0  }
0xab: {  	_ =	task [dreg:s6], $0x5FFFF  }
0xac: {  	[dreg:$0x1] =	wrdreg $0xFFFFFFFF  }
0xad: {  	[dreg:$0x0] =	wrdreg $0x60  }
0xae: {  	[dreg:$0x2] =	wrdreg s24  }
0xaf: {  	[dreg:$0x3] =	wrdreg $0x91000  }
0xb0: {  	[dreg:$0x4] =	wrdreg $0x9  }
0xb1: {  	_ =	task.clear_ibuf [dreg:s6], $0x5FFFF;
	_ =	strace $0x9000004F  }
0xb2: {  	s29 =	simm.s32 $0x9;
	_ =	strace $0x80000051  }
0xb3: {  	_ =	swait.ge [sflag:s29], $0x1  }
0xb4: {  	[sflag:s29] =	ssyncadd.s32 $0xFFFFFFFF  }
0xb5: {  	_ =	strace $0x90000051  }
0xb6: {  	_ =	sfence  }
0xb7: {  	s30 =	sld [smem:$0x0];
	_ =	sdelay $0x2  }
0xb8: {  	s31 =	sshll.u32 s1, $0xD;
	s1 =	sshrl.u32 s1, $0x2  }
0xb9: {  	s3 =	sand.u32 $0x4000, s31;
	s1 =	sadd.s32 s1, s30  }
0xba: {  	s0 =	sor.u32 s3, s0;
	s1 =	sshll.u32 s1, $0x11  }
0xbb: {  	s0 =	sor.u32 s1, s0  }
0xbc: {  	s0 =	sadd.s32 $0x8F2B, s0  }
0xbd: {  	[sflag:s0] =	ssyncadd.remote.s32 $0x1  }
0xbe: {  	_ =	sfence.sel $0xFFFF  }
0xbf: {  	[dreg:$0x0] =	wrdreg $0xFFFFFFFF;
	(pc) =	sbr.abs _section_cstart, $3  }
0xc0: {  	[dreg:$0x1] =	wrdreg $0xFFFFFFFF  }
0xc1: {  	_ =	task.clear_ibuf [dreg:s6], $0x2FFFF;
	_ =	strace $0x9FFFFFFF  }
0xc2: {  	(tm) =	ssettm $0x7FFFFFFF  }
0xc3: {  	_ =	shalt  }
tec
execute0_lowered:
.L_overlay_start_1:
0x0: {  	(tag) =	ssettag $0x1  }
0x1: {  	s0 =	rddreg [dreg:$0x0];
	s14 =	stileid.u32  }
0x2: {  	s1 =	rddreg [dreg:$0x1];
	s5 =	smul.u32 $0x30000, s14  }
0x3: {  	s3 =	simm.s32 $0x0;
	s2 =	srdreg.scid;
	s8 =	smul.u32 $0x2800, s14  }
0x4: {  	[smem:$0x7FF] =	sst s3;
	s10 =	smul.u32 $0x5000, s14  }
0x5: {  	s2 =	sand.u32 $0x1, s2;
	s6 =	sadd.s32 $0x9D000, s0;
	s12 =	smul.u32 $0x28000, s14  }
0x6: {  	s4 =	sadd.s32 $0x4200, s0;
	s0 =	sadd.s32 $0x31D000, s0;
	s22 =	smul.u32 $0xC000, s14  }
0x7: {  	_ =	strace $0x80000050;
	s7 =	ssub.s32 $0x2, s2;
	s20 =	sshll.u32 s2, $0x7  }
0x8: {  	s2 =	smul.u32 $0xC0000, s2;
	s9 =	sshrl.u32 s7, $0x1;
	s5 =	sshrl.u32 s5, $0x2  }
0x9: {  	s10 =	sor.u32 s20, s10;
	s8 =	sadd.s32 $0x2780, s8;
	s12 =	sadd.s32 s6, s12  }
0xa: {  	s26 =	sor.u32 $0x2000, s22;
	s18 =	sadd.s32 $0x6000, s22;
	s7 =	ssub.s32 s7, s9  }
0xb: {  	s11 =	sshrl.u32 s10, $0x3;
	s13 =	sshll.u32 s8, $0x1;
	s5 =	sadd.s32 s5, s1  }
0xc: {  	s8 =	sshll.u32 s8, $0x4;
	s25 =	sadd.s32 s2, s22;
	s19 =	sadd.s32 s2, s18  }
0xd: {  	s11 =	sadd.s32 s4, s11;
	s9 =	sor.u32 s20, s13;
	s7 =	smax.u32 s7, $0x1  }
0xe: {  	s23 =	sadd.s32 $0x1000, s5;
	s24 =	sadd.s32 $0x2000, s5;
	s6 =	sadd.s32 s6, s8  }
0xf: {  	s13 =	sadd.s32 $0x4000, s22;
	s8 =	sadd.s32 s26, s1;
	[dreg:$0x3] =	wrdreg s11  }
0x10: {  	s20 =	sadd.s32 $0x8000, s22;
	s28 =	sadd.s32 $0x4000, s5;
	[dreg:$0x4] =	wrdreg s7  }
0x11: {  	s29 =	sadd.s32 $0x5000, s5;
	s30 =	sadd.s32 $0x6000, s5;
	[dreg:$0x6] =	wrdreg s23  }
0x12: {  	s31 =	sadd.s32 $0x7000, s5;
	s9 =	sshrl.u32 s9, $0x3;
	[dreg:$0x7] =	wrdreg s24  }
0x13: {  	[dreg:$0x8] =	wrdreg s6;
	s6 =	sshrl.u32 s25, $0x3;
	s11 =	sadd.s32 s2, s26  }
0x14: {  	s15 =	sadd.s32 s2, s13;
	[dreg:$0xa] =	wrdreg s8;
	s17 =	sadd.s32 s13, s1  }
0x15: {  	s7 =	sadd.s32 $0xA000, s22;
	s8 =	sshrl.u32 s19, $0x3;
	s23 =	sor.u32 $0x100, s10  }
0x16: {  	s24 =	sadd.s32 s18, s1;
	s25 =	sadd.s32 s20, s1;
	s13 =	simm.s32 $0x4100  }
0x17: {  	s21 =	sadd.s32 s4, s9;
	s6 =	sadd.s32 s0, s6;
	[dreg:$0xc] =	wrdreg s17  }
0x18: {  	s14 =	sshrl.u32 s11, $0x3;
	s16 =	sshrl.u32 s15, $0x3;
	[dreg:$0x11] =	wrdreg s24  }
0x19: {  	s8 =	sadd.s32 s0, s8;
	[dreg:$0x12] =	wrdreg s25;
	s26 =	sadd.s32 s7, s1  }
0x1a: {  	s24 =	sor.u32 $0x200, s10;
	s9 =	sadd.s32 $0x1000, s12;
	[dreg:$0x5] =	wrdreg s21  }
0x1b: {  	s10 =	simm.s32 $0x8100;
	s11 =	simm.s32 $0x3;
	[dreg:$0x9] =	wrdreg s6  }
0x1c: {  	s15 =	simm.s32 $0x2;
	s6 =	sadd.s32 s0, s14;
	[dreg:$0xe] =	wrdreg s8  }
0x1d: {  	s21 =	sadd.s32 s2, s20;
	s2 =	sadd.s32 s2, s7;
	[dreg:$0x13] =	wrdreg s26  }
0x1e: {  	s26 =	sadd.s32 $0x3000, s5;
	s7 =	simm.s32 $0x80;
	s14 =	simm.s32 $0x1  }
0x1f: {  	[dreg:$0xb] =	wrdreg s6;
	s6 =	sadd.s32 s0, s16;
	s22 =	sshrl.u32 s21, $0x3  }
0x20: {  	s2 =	sshrl.u32 s2, $0x3;
	[dreg:$0xd] =	wrdreg s6;
	s8 =	sadd.s32 s0, s22  }
0x21: {  	s16 =	simm.s32 $0x0;
	s0 =	sadd.s32 s0, s2;
	[dreg:$0xf] =	wrdreg s8  }
0x22: {  	s2 =	sadd.s32 $0x9000, s5;
	s6 =	sadd.s32 $0xA000, s5;
	[dreg:$0x10] =	wrdreg s0  }
0x23: {  	s0 =	sshrl.u32 s23, $0x3;
	s8 =	sadd.s32 $0xB000, s5;
	s23 =	smov.u32 s12  }
0x24: {  	v0 =	vimm.f32 $0.0e+00;
	s12 =	simm.s32 $0x100;
	s25 =	sadd.s32 s0, s4;
	s0 =	sadd.s32 $0x8000, s5  }
.LBB2_1:
0x25: {  	s17 =	simm.s32 $0x0;
	s18 =	simm.s32 $0x200  }
.LBB2_2:
0x26: {  	p0 =	sne.s32 s18, $0x3E00;
	[tilespmem:s17+$0x8170] =	vst v0  }
0x27: {  	[tilespmem:s17+$0x8100] =	vst v0  }
0x28: {  	[tilespmem:s17+$0x8110] =	vst v0  }
.Ltmp0:
0x29: {  	[tilespmem:s17+$0x8120] =	vst v0;
	(pc) =	sbr.rel @p0 .LBB2_2-.Ltmp0, $4  }
0x2a: {  	[tilespmem:s17+$0x8130] =	vst v0  }
0x2b: {  	[tilespmem:s17+$0x8140] =	vst v0  }
0x2c: {  	[tilespmem:s17+$0x8150] =	vst v0  }
0x2d: {  	[tilespmem:s17+$0x8160] =	vst v0;
	s17 =	sshra.s32 s18, $0x2;
	s18 =	sadd.s32 $0x200, s18  }
0x2e: {  	[tilespmem:s17+$0x8170] =	vst v0  }
0x2f: {  	[tilespmem:s17+$0x8100] =	vst v0  }
0x30: {  	[tilespmem:s17+$0x8110] =	vst v0  }
0x31: {  	[tilespmem:s17+$0x8120] =	vst v0  }
0x32: {  	[tilespmem:s17+$0x8130] =	vst v0  }
0x33: {  	[tilespmem:s17+$0x8140] =	vst v0  }
0x34: {  	[tilespmem:s17+$0x8150] =	vst v0  }
0x35: {  	[tilespmem:s17+$0x8160] =	vst v0  }
0x36: {  	[spmem:s5] =	stream.linear.scatter [tilespmem:s10], [sflag:$0x3], $0x1000, $0x38;
	[tilespmem:$0x15100] =	vst v63  }
0x37: {  	_ =	swait.ge [sflag:s11], $0x1000  }
0x38: {  	[sflag:s11] =	ssyncset.done $0x0  }
0x39: {  	s22 =	rddreg [dreg:$0x6];
	[sflag:s11] =	ssyncadd.s32 $0xFFFFF000  }
0x3a: {  	[spmem:s22] =	stream.linear.scatter [tilespmem:s10], [sflag:$0x3], $0x1000, $0x38;
	[tilespmem:$0x15100] =	vst v63  }
0x3b: {  	_ =	swait.ge [sflag:s11], $0x1000  }
0x3c: {  	[sflag:s11] =	ssyncset.done $0x0  }
0x3d: {  	s18 =	rddreg [dreg:$0x7];
	[sflag:s11] =	ssyncadd.s32 $0xFFFFF000  }
0x3e: {  	[spmem:s18] =	stream.linear.scatter [tilespmem:s10], [sflag:$0x3], $0x1000, $0x38;
	[tilespmem:$0x15100] =	vst v63  }
0x3f: {  	_ =	swait.ge [sflag:s11], $0x1000  }
0x40: {  	[sflag:s11] =	ssyncset.done $0x0  }
0x41: {  	[sflag:s11] =	ssyncadd.s32 $0xFFFFF000  }
0x42: {  	[spmem:s26] =	stream.linear.scatter [tilespmem:s10], [sflag:$0x3], $0x1000, $0x38;
	[tilespmem:$0x15100] =	vst v63  }
0x43: {  	_ =	swait.ge [sflag:s11], $0x1000  }
0x44: {  	[sflag:s11] =	ssyncset.done $0x0  }
0x45: {  	[sflag:s11] =	ssyncadd.s32 $0xFFFFF000  }
0x46: {  	[spmem:s28] =	stream.linear.scatter [tilespmem:s10], [sflag:$0x3], $0x1000, $0x38;
	[tilespmem:$0x15100] =	vst v63  }
0x47: {  	_ =	swait.ge [sflag:s11], $0x1000  }
0x48: {  	[sflag:s11] =	ssyncset.done $0x0  }
0x49: {  	[sflag:s11] =	ssyncadd.s32 $0xFFFFF000  }
0x4a: {  	[spmem:s29] =	stream.linear.scatter [tilespmem:s10], [sflag:$0x3], $0x1000, $0x38;
	[tilespmem:$0x15100] =	vst v63  }
0x4b: {  	_ =	swait.ge [sflag:s11], $0x1000  }
0x4c: {  	[sflag:s11] =	ssyncset.done $0x0  }
0x4d: {  	[sflag:s11] =	ssyncadd.s32 $0xFFFFF000  }
0x4e: {  	[spmem:s30] =	stream.linear.scatter [tilespmem:s10], [sflag:$0x3], $0x1000, $0x38;
	[tilespmem:$0x15100] =	vst v63  }
0x4f: {  	_ =	swait.ge [sflag:s11], $0x1000  }
0x50: {  	[sflag:s11] =	ssyncset.done $0x0  }
0x51: {  	[sflag:s11] =	ssyncadd.s32 $0xFFFFF000  }
0x52: {  	[spmem:s31] =	stream.linear.scatter [tilespmem:s10], [sflag:$0x3], $0x1000, $0x38;
	[tilespmem:$0x15100] =	vst v63  }
0x53: {  	_ =	swait.ge [sflag:s11], $0x1000  }
0x54: {  	[sflag:s11] =	ssyncset.done $0x0  }
0x55: {  	[sflag:s11] =	ssyncadd.s32 $0xFFFFF000  }
0x56: {  	[spmem:s0] =	stream.linear.scatter [tilespmem:s10], [sflag:$0x3], $0x1000, $0x38;
	[tilespmem:$0x15100] =	vst v63  }
0x57: {  	_ =	swait.ge [sflag:s11], $0x1000  }
0x58: {  	[sflag:s11] =	ssyncset.done $0x0  }
0x59: {  	[sflag:s11] =	ssyncadd.s32 $0xFFFFF000  }
0x5a: {  	[spmem:s2] =	stream.linear.scatter [tilespmem:s10], [sflag:$0x3], $0x1000, $0x38;
	[tilespmem:$0x15100] =	vst v63  }
0x5b: {  	_ =	swait.ge [sflag:s11], $0x1000  }
0x5c: {  	[sflag:s11] =	ssyncset.done $0x0  }
0x5d: {  	[sflag:s11] =	ssyncadd.s32 $0xFFFFF000  }
0x5e: {  	[spmem:s6] =	stream.linear.scatter [tilespmem:s10], [sflag:$0x3], $0x1000, $0x38;
	[tilespmem:$0x15100] =	vst v63  }
0x5f: {  	_ =	swait.ge [sflag:s11], $0x1000  }
0x60: {  	[sflag:s11] =	ssyncset.done $0x0  }
0x61: {  	[sflag:s11] =	ssyncadd.s32 $0xFFFFF000  }
0x62: {  	[spmem:s8] =	stream.linear.scatter [tilespmem:s10], [sflag:$0x3], $0x1000, $0x38;
	[tilespmem:$0x15100] =	vst v63  }
0x63: {  	_ =	swait.ge [sflag:s11], $0x1000  }
0x64: {  	[sflag:s11] =	ssyncset.done $0x0  }
0x65: {  	[sflag:s11] =	ssyncadd.s32 $0xFFFFF000  }
0x66: {  	[bflag:$0x0] =	sbarrier.arrive $0xFFFF  }
0x67: {  	s19 =	simm.s32 $0x0;
	s18 =	rddreg [dreg:$0x3]  }
0x68: {  	[tilespmem:s19], [sflag:$0x1] =	stream.linear.gather [hbm4b:s18+s19], $0x80, $0x38;
	[tilespmem:$0x15100] =	vst v63  }
0x69: {  	_ = 	snop  }
0x6a: {  	[tilespmem:s12], [sflag:$0x1] =	stream.linear.gather [hbm4b:s23+s19], $0x4000, $0x38;
	[tilespmem:$0x15100] =	vst v63  }
0x6b: {  	s20 =	sadd.s32 $0x0, s25  }
0x6c: {  	[tilespmem:s7], [sflag:$0x2] =	stream.linear.gather [hbm4b:s20+s3], $0x80, $0x38;
	[tilespmem:$0x15100] =	vst v63  }
0x6d: {  	s21 =	sadd.s32 $0xFFFFF800, s9  }
0x6e: {  	[tilespmem:s13], [sflag:$0x2] =	stream.linear.gather [hbm4b:s21+s3], $0x4000, $0x38;
	[tilespmem:$0x15100] =	vst v63  }
0x6f: {  	_ =	swait.ge [sflag:s14], $0x80  }
0x70: {  	[sflag:s14] =	ssyncset.done $0x0  }
0x71: {  	[sflag:s14] =	ssyncadd.s32 $0xFFFFFF80  }
0x72: {  	_ =	swait.ge [sflag:s14], $0x4000  }
0x73: {  	[sflag:s14] =	ssyncset.done $0x0  }
0x74: {  	[sflag:s14] =	ssyncadd.s32 $0xFFFFC000  }
0x75: {  	[spmem:s1] =	stream.indirect.scatter.add.f32 [tilespmem:s12], [sflag:$0x3], $0x80, s3, s7, $0xb8;
	[tilespmem:$0x15100] =	vst v63  }
0x76: {  	_ =	swait.ge [sflag:s11], $0x4000  }
0x77: {  	s22 =	sshrl.u32 s24, $0x3;
	[sflag:s11] =	ssyncset.done $0x0  }
0x78: {  	s17 =	sadd.s32 s4, s22;
	[sflag:s11] =	ssyncadd.s32 $0xFFFFC000  }
0x79: {  	[tilespmem:s3], [sflag:$0x1] =	stream.linear.gather [hbm4b:s17+s3], $0x80, $0x38;
	[tilespmem:$0x15100] =	vst v63  }
0x7a: {  	_ = 	snop  }
0x7b: {  	[tilespmem:s12], [sflag:$0x1] =	stream.linear.gather [hbm4b:s9+s3], $0x4000, $0x38;
	[tilespmem:$0x15100] =	vst v63  }
0x7c: {  	_ =	swait.ge [sflag:s15], $0x80  }
0x7d: {  	[sflag:s15] =	ssyncset.done $0x0  }
0x7e: {  	[sflag:s15] =	ssyncadd.s32 $0xFFFFFF80  }
0x7f: {  	_ =	swait.ge [sflag:s15], $0x4000  }
0x80: {  	[sflag:s15] =	ssyncset.done $0x0  }
0x81: {  	[sflag:s15] =	ssyncadd.s32 $0xFFFFC000  }
0x82: {  	[spmem:s1] =	stream.indirect.scatter.add.f32 [tilespmem:s13], [sflag:$0x3], $0x80, s7, s7, $0xb8;
	[tilespmem:$0x15100] =	vst v63  }
0x83: {  	s18 =	sadd.s32 $0x200, s24;
	s19 =	simm.s32 $0x40;
	_ =	swait.ge [sflag:s11], $0x4000  }
0x84: {  	s20 =	simm.s32 $0x80;
	s17 =	sadd.s32 $0x1000, s9;
	[sflag:s11] =	ssyncset.done $0x0  }
.LBB2_4:
0x85: {  	s21 =	sadd.s32 s19, s25  }
0x86: {  	[sflag:s11] =	ssyncadd.s32 $0xFFFFC000;
	s19 =	smov.u32 s20;
	s22 =	sadd.s32 $0x40, s20  }
0x87: {  	[tilespmem:s7], [sflag:$0x2] =	stream.linear.gather [hbm4b:s21+s3], $0x80, $0x38;
	[tilespmem:$0x15100] =	vst v63  }
0x88: {  	p0 =	sne.s32 s20, $0x980;
	s20 =	sadd.s32 $0xFFFFF800, s17  }
0x89: {  	[tilespmem:s13], [sflag:$0x2] =	stream.linear.gather [hbm4b:s20+s3], $0x4000, $0x38;
	[tilespmem:$0x15100] =	vst v63  }
0x8a: {  	_ =	swait.ge [sflag:s14], $0x80  }
0x8b: {  	[sflag:s14] =	ssyncset.done $0x0  }
0x8c: {  	[sflag:s14] =	ssyncadd.s32 $0xFFFFFF80  }
0x8d: {  	_ =	swait.ge [sflag:s14], $0x4000  }
0x8e: {  	[sflag:s14] =	ssyncset.done $0x0  }
0x8f: {  	[sflag:s14] =	ssyncadd.s32 $0xFFFFC000  }
0x90: {  	[spmem:s1] =	stream.indirect.scatter.add.f32 [tilespmem:s12], [sflag:$0x3], $0x80, s3, s7, $0xb8;
	[tilespmem:$0x15100] =	vst v63  }
0x91: {  	_ =	swait.ge [sflag:s11], $0x4000  }
0x92: {  	s20 =	sshrl.u32 s18, $0x3;
	[sflag:s11] =	ssyncset.done $0x0  }
0x93: {  	s20 =	sadd.s32 s4, s20;
	[sflag:s11] =	ssyncadd.s32 $0xFFFFC000  }
0x94: {  	[tilespmem:s3], [sflag:$0x1] =	stream.linear.gather [hbm4b:s20+s3], $0x80, $0x38;
	[tilespmem:$0x15100] =	vst v63  }
0x95: {  	_ = 	snop  }
0x96: {  	[tilespmem:s12], [sflag:$0x1] =	stream.linear.gather [hbm4b:s17+s3], $0x4000, $0x38;
	[tilespmem:$0x15100] =	vst v63  }
0x97: {  	_ =	swait.ge [sflag:s15], $0x80  }
0x98: {  	[sflag:s15] =	ssyncset.done $0x0  }
0x99: {  	[sflag:s15] =	ssyncadd.s32 $0xFFFFFF80  }
0x9a: {  	_ =	swait.ge [sflag:s15], $0x4000  }
.Ltmp1:
0x9b: {  	[sflag:s15] =	ssyncset.done $0x0;
	(pc) =	sbr.rel @p0 .LBB2_4-.Ltmp1, $4  }
0x9c: {  	[sflag:s15] =	ssyncadd.s32 $0xFFFFC000  }
0x9d: {  	[spmem:s1] =	stream.indirect.scatter.add.f32 [tilespmem:s13], [sflag:$0x3], $0x80, s7, s7, $0xb8;
	[tilespmem:$0x15100] =	vst v63  }
0x9e: {  	s18 =	sadd.s32 $0x200, s18;
	_ =	swait.ge [sflag:s11], $0x4000  }
0x9f: {  	s20 =	smov.u32 s22;
	s17 =	sadd.s32 $0x1000, s17;
	[sflag:s11] =	ssyncset.done $0x0  }
0xa0: {  	s19 =	sadd.s32 s19, s25;
	[sflag:s11] =	ssyncadd.s32 $0xFFFFC000  }
0xa1: {  	[tilespmem:s7], [sflag:$0x2] =	stream.linear.gather [hbm4b:s19+s3], $0x80, $0x38;
	[tilespmem:$0x15100] =	vst v63  }
0xa2: {  	s22 =	sadd.s32 $0xFFFFF800, s17  }
0xa3: {  	[tilespmem:s13], [sflag:$0x2] =	stream.linear.gather [hbm4b:s22+s3], $0x4000, $0x38;
	[tilespmem:$0x15100] =	vst v63  }
0xa4: {  	_ =	swait.ge [sflag:s14], $0x80  }
0xa5: {  	[sflag:s14] =	ssyncset.done $0x0  }
0xa6: {  	[sflag:s14] =	ssyncadd.s32 $0xFFFFFF80  }
0xa7: {  	_ =	swait.ge [sflag:s14], $0x4000  }
0xa8: {  	[sflag:s14] =	ssyncset.done $0x0  }
0xa9: {  	[sflag:s14] =	ssyncadd.s32 $0xFFFFC000  }
0xaa: {  	[spmem:s1] =	stream.indirect.scatter.add.f32 [tilespmem:s12], [sflag:$0x3], $0x80, s3, s7, $0xb8;
	[tilespmem:$0x15100] =	vst v63  }
0xab: {  	_ =	swait.ge [sflag:s11], $0x4000  }
0xac: {  	s18 =	sshrl.u32 s18, $0x3;
	[sflag:s11] =	ssyncset.done $0x0  }
0xad: {  	s18 =	sadd.s32 s4, s18;
	[sflag:s11] =	ssyncadd.s32 $0xFFFFC000  }
0xae: {  	[tilespmem:s3], [sflag:$0x1] =	stream.linear.gather [hbm4b:s18+s3], $0x80, $0x38;
	[tilespmem:$0x15100] =	vst v63  }
0xaf: {  	_ = 	snop  }
0xb0: {  	[tilespmem:s12], [sflag:$0x1] =	stream.linear.gather [hbm4b:s17+s3], $0x4000, $0x38;
	[tilespmem:$0x15100] =	vst v63  }
0xb1: {  	_ =	swait.ge [sflag:s15], $0x80  }
0xb2: {  	[sflag:s15] =	ssyncset.done $0x0  }
0xb3: {  	[sflag:s15] =	ssyncadd.s32 $0xFFFFFF80  }
0xb4: {  	_ =	swait.ge [sflag:s15], $0x4000  }
0xb5: {  	[sflag:s15] =	ssyncset.done $0x0  }
0xb6: {  	[sflag:s15] =	ssyncadd.s32 $0xFFFFC000  }
0xb7: {  	[spmem:s1] =	stream.indirect.scatter.add.f32 [tilespmem:s13], [sflag:$0x3], $0x80, s7, s7, $0xb8;
	[tilespmem:$0x15100] =	vst v63  }
0xb8: {  	_ =	swait.ge [sflag:s11], $0x4000  }
0xb9: {  	[sflag:s11] =	ssyncset.done $0x0  }
0xba: {  	s19 =	rddreg [dreg:$0x5];
	[sflag:s11] =	ssyncadd.s32 $0xFFFFC000  }
0xbb: {  	[tilespmem:s7], [sflag:$0x2] =	stream.linear.gather [hbm4b:s19+s3], $0x80, $0x38;
	[tilespmem:$0x15100] =	vst v63  }
0xbc: {  	s20 =	rddreg [dreg:$0x8]  }
0xbd: {  	[tilespmem:s13], [sflag:$0x2] =	stream.linear.gather [hbm4b:s20+s3], $0x4000, $0x38;
	[tilespmem:$0x15100] =	vst v63  }
0xbe: {  	_ =	swait.ge [sflag:s14], $0x80  }
0xbf: {  	[sflag:s14] =	ssyncset.done $0x0  }
0xc0: {  	[sflag:s14] =	ssyncadd.s32 $0xFFFFFF80  }
0xc1: {  	_ =	swait.ge [sflag:s14], $0x4000  }
0xc2: {  	[sflag:s14] =	ssyncset.done $0x0  }
0xc3: {  	[sflag:s14] =	ssyncadd.s32 $0xFFFFC000  }
0xc4: {  	[spmem:s1] =	stream.indirect.scatter.add.f32 [tilespmem:s12], [sflag:$0x3], $0x80, s3, s7, $0xb8;
	[tilespmem:$0x15100] =	vst v63  }
0xc5: {  	_ =	swait.ge [sflag:s11], $0x4000  }
0xc6: {  	[sflag:s11] =	ssyncset.done $0x0  }
0xc7: {  	[sflag:s11] =	ssyncadd.s32 $0xFFFFC000  }
0xc8: {  	_ =	swait.ge [sflag:s15], $0x80  }
0xc9: {  	[sflag:s15] =	ssyncset.done $0x0  }
0xca: {  	[sflag:s15] =	ssyncadd.s32 $0xFFFFFF80  }
0xcb: {  	_ =	swait.ge [sflag:s15], $0x4000  }
0xcc: {  	[sflag:s15] =	ssyncset.done $0x0  }
0xcd: {  	[sflag:s15] =	ssyncadd.s32 $0xFFFFC000  }
0xce: {  	[spmem:s1] =	stream.indirect.scatter.add.f32 [tilespmem:s13], [sflag:$0x3], $0x80, s7, s7, $0xb8;
	[tilespmem:$0x15100] =	vst v63  }
0xcf: {  	_ =	swait.ge [sflag:s11], $0x4000  }
0xd0: {  	[sflag:s11] =	ssyncset.done $0x0  }
0xd1: {  	[sflag:s11] =	ssyncadd.s32 $0xFFFFC000  }
0xd2: {  	[bflag:$0x0] =	sbarrier.arrive $0xFFFF  }
0xd3: {  	[tilespmem:s12], [sflag:$0x3] =	stream.linear.gather [spmem:s5], $0x2000, $0x38;
	[tilespmem:$0x15100] =	vst v63  }
0xd4: {  	_ =	swait.ge [sflag:s11], $0x2000  }
0xd5: {  	[sflag:s11] =	ssyncset.done $0x0  }
0xd6: {  	s21 =	rddreg [dreg:$0x9];
	[sflag:s11] =	ssyncadd.s32 $0xFFFFE000  }
0xd7: {  	[hbm4b:s21+s3] =	stream.linear.scatter [tilespmem:s12], [sflag:$0x3], $0x2000, $0x38;
	[tilespmem:$0x15100] =	vst v63  }
0xd8: {  	_ =	swait.ge [sflag:s11], $0x2000  }
0xd9: {  	[sflag:s11] =	ssyncset.done $0x0  }
0xda: {  	s22 =	rddreg [dreg:$0xa];
	[sflag:s11] =	ssyncadd.s32 $0xFFFFE000  }
0xdb: {  	[tilespmem:s12], [sflag:$0x3] =	stream.linear.gather [spmem:s22], $0x2000, $0x38;
	[tilespmem:$0x15100] =	vst v63  }
0xdc: {  	_ =	swait.ge [sflag:s11], $0x2000  }
0xdd: {  	[sflag:s11] =	ssyncset.done $0x0  }
0xde: {  	s18 =	rddreg [dreg:$0xb];
	[sflag:s11] =	ssyncadd.s32 $0xFFFFE000  }
0xdf: {  	[hbm4b:s18+s3] =	stream.linear.scatter [tilespmem:s12], [sflag:$0x3], $0x2000, $0x38;
	[tilespmem:$0x15100] =	vst v63  }
0xe0: {  	_ =	swait.ge [sflag:s11], $0x2000  }
0xe1: {  	[sflag:s11] =	ssyncset.done $0x0  }
0xe2: {  	s19 =	rddreg [dreg:$0xc];
	[sflag:s11] =	ssyncadd.s32 $0xFFFFE000  }
0xe3: {  	[tilespmem:s12], [sflag:$0x3] =	stream.linear.gather [spmem:s19], $0x2000, $0x38;
	[tilespmem:$0x15100] =	vst v63  }
0xe4: {  	_ =	swait.ge [sflag:s11], $0x2000  }
0xe5: {  	[sflag:s11] =	ssyncset.done $0x0  }
0xe6: {  	s20 =	rddreg [dreg:$0xd];
	[sflag:s11] =	ssyncadd.s32 $0xFFFFE000  }
0xe7: {  	[hbm4b:s20+s3] =	stream.linear.scatter [tilespmem:s12], [sflag:$0x3], $0x2000, $0x38;
	[tilespmem:$0x15100] =	vst v63  }
0xe8: {  	_ =	swait.ge [sflag:s11], $0x2000  }
0xe9: {  	[sflag:s11] =	ssyncset.done $0x0  }
0xea: {  	s21 =	rddreg [dreg:$0x11];
	[sflag:s11] =	ssyncadd.s32 $0xFFFFE000  }
0xeb: {  	[tilespmem:s12], [sflag:$0x3] =	stream.linear.gather [spmem:s21], $0x2000, $0x38;
	[tilespmem:$0x15100] =	vst v63  }
0xec: {  	_ =	swait.ge [sflag:s11], $0x2000  }
0xed: {  	[sflag:s11] =	ssyncset.done $0x0  }
0xee: {  	s22 =	rddreg [dreg:$0xe];
	[sflag:s11] =	ssyncadd.s32 $0xFFFFE000  }
0xef: {  	[hbm4b:s22+s3] =	stream.linear.scatter [tilespmem:s12], [sflag:$0x3], $0x2000, $0x38;
	[tilespmem:$0x15100] =	vst v63  }
0xf0: {  	_ =	swait.ge [sflag:s11], $0x2000  }
0xf1: {  	[sflag:s11] =	ssyncset.done $0x0  }
0xf2: {  	s18 =	rddreg [dreg:$0x12];
	[sflag:s11] =	ssyncadd.s32 $0xFFFFE000  }
0xf3: {  	[tilespmem:s12], [sflag:$0x3] =	stream.linear.gather [spmem:s18], $0x2000, $0x38;
	[tilespmem:$0x15100] =	vst v63  }
0xf4: {  	_ =	swait.ge [sflag:s11], $0x2000  }
0xf5: {  	[sflag:s11] =	ssyncset.done $0x0  }
0xf6: {  	s19 =	rddreg [dreg:$0xf];
	[sflag:s11] =	ssyncadd.s32 $0xFFFFE000  }
0xf7: {  	[hbm4b:s19+s3] =	stream.linear.scatter [tilespmem:s12], [sflag:$0x3], $0x2000, $0x38;
	[tilespmem:$0x15100] =	vst v63  }
0xf8: {  	_ =	swait.ge [sflag:s11], $0x2000  }
0xf9: {  	[sflag:s11] =	ssyncset.done $0x0  }
0xfa: {  	s20 =	rddreg [dreg:$0x13];
	[sflag:s11] =	ssyncadd.s32 $0xFFFFE000  }
0xfb: {  	[tilespmem:s12], [sflag:$0x3] =	stream.linear.gather [spmem:s20], $0x2000, $0x38;
	[tilespmem:$0x15100] =	vst v63  }
0xfc: {  	_ =	swait.ge [sflag:s11], $0x2000  }
0xfd: {  	[sflag:s11] =	ssyncset.done $0x0  }
0xfe: {  	s21 =	rddreg [dreg:$0x10];
	[sflag:s11] =	ssyncadd.s32 $0xFFFFE000  }
0xff: {  	[hbm4b:s21+s3] =	stream.linear.scatter [tilespmem:s12], [sflag:$0x3], $0x2000, $0x38;
	[tilespmem:$0x15100] =	vst v63  }
0x100: {  	_ =	swait.ge [sflag:s11], $0x2000  }
0x101: {  	s16 =	sadd.s32 $0x1, s16;
	s22 =	rddreg [dreg:$0x4]  }
0x102: {  	p0 =	sne.s32 s16, s22  }
.Ltmp2:
0x103: {  	_ = 	snop;
	(pc) =	sbr.rel @p0 .LBB2_1-.Ltmp2, $3  }
0x104: {  	_ =	sdelay $0x1  }
0x105: {  	[sflag:s11] =	ssyncset.done $0x0  }
0x106: {  	[sflag:s11] =	ssyncadd.s32 $0xFFFFE000  }
0x107: {  	_ =	sfence.sel $0x180000  }
0x108: {  	[bflag:$0x0] =	sbarrier.arrive $0xFFFF  }
0x109: {  	_ =	strace $0x90000050  }
0x10a: {  	s0 =	stileid.u32;
	[bflag:$0x2] =	sbarrier.arrive $0xFFFF  }
0x10b: {  	p0 =	sne.s32 s0, $0x0;
	s0 =	rddreg [dreg:$0x2]  }
0x10c: {  	s0 =	sadd.s32 @!p0 $0x100000, s0  }
0x10d: {  	[sflag:s0] =	ssyncadd.tile.s32 @!p0 $0x1;
	_ =	shalt  }
.Lfunc_end2:
_tile_overlayer_lowered:
.L_overlay_start_2:
0x10e: {  	(tag) =	ssettag $0x2  }
0x10f: {  	s0 =	rddreg [dreg:$0x0];
	s2 =	stileid.u32  }
0x110: {  	s1 =	rddreg [dreg:$0x1];
	p0 =	sne.s32 s2, $0x0  }
0x111: {  	s3 =	rddreg [dreg:$0x2];
	[bflag:$0x3] =	sbarrier.arrive $0xFFFF;
	s2 =	simm.s32 @!p0 $0x1C03  }
0x112: {  	[timem:s3], [sflag:s2] =	dma.local @!p0 [hbm:s0], s1  }
0x113: {  	s0 =	simm.s32 @!p0 $0x3  }
0x114: {  	_ =	swait.ge @!p0 [sflag:s0], s1  }
0x115: {  	s1 =	ssub.s32 @!p0 $0x0, s1;
	[sflag:s0] =	ssyncset.done @!p0 $0x0  }
0x116: {  	[sflag:s0] =	ssyncadd.s32 @!p0 s1  }
0x117: {  	[bflag:$0x3] =	sbarrier.arrive $0xFFFF  }
0x118: {  	_ =	shalt  }

</sc_bundles>
